<compile_context>
chip_gen: v7x
topology: tpu7x:2x2x1
jax: 0.10.2.dev20260603
libtpu: 0.0.44.dev20260713+nightly
codegen_flags: <defaults>
</compile_context>

<pallas_src>
import functools
import math

import jax
import jax.numpy as jnp
from jax import lax
from jax.experimental import pallas as pl
from jax.experimental.pallas import tpu as pltpu
from jax.experimental.pallas import tpu_sc as plsc

NI = 10000
NU = 10000
DD = 256
HH = 128
EE = 320000
ROWS = 10240
DUMMY = NI
NSUB = 16
SLAB = ROWS // NSUB
CH = 64
G = 32
NB = 4
C0 = 320
C1 = 160
BNC = 1.0 / math.sqrt(1.0 + 1e-5)
R = 400



def _zero_fill(buf):
    zeros = jnp.zeros((16,), jnp.float32)

    def row(r, carry):
        def col(k, c2):
            buf[r, pl.ds(k * 16, 16)] = zeros
            return c2
        return lax.fori_loop(0, HH // 16, col, carry)

    lax.fori_loop(0, CH, row, 0)


def _agg_run(tab, src_slab, dst_slab, sidx, didx, bufs, acc,
             gsems, ssems, ngroups):

    def group(g, carry):
        pltpu.sync_copy(src_slab.at[pl.ds(g * G, G)], sidx)
        pltpu.sync_copy(dst_slab.at[pl.ds(g * G, G)], didx)
        for j in range(NB):
            pltpu.async_copy(tab.at[sidx.at[j]], bufs[j], gsems[j])

        def wave(w, c2):
            for j in range(NB):
                c = w * NB + j
                pltpu.make_async_copy(tab.at[sidx.at[c]],
                                      bufs[j], gsems[j]).wait()
                pltpu.async_copy(bufs[j], acc.at[didx.at[c]], ssems[j],
                                 add=True)

                @pl.when(w < G // NB - 1)
                def _(c=c, j=j):
                    pltpu.make_async_copy(bufs[j], acc.at[didx.at[c]],
                                          ssems[j]).wait()
                    pltpu.async_copy(tab.at[sidx.at[c + NB]],
                                     bufs[j], gsems[j])

            return c2

        lax.fori_loop(0, G // NB, wave, carry)
        for j in range(NB):
            pltpu.make_async_copy(bufs[j], acc.at[didx.at[G - NB + j]],
                                  ssems[j]).wait()
        return carry

    lax.fori_loop(0, ngroups, group, 0)


def _acc_zero(buf, acc, sid):
    _zero_fill(buf)
    for j in range(SLAB // CH):
        pltpu.sync_copy(buf, acc.at[pl.ds(sid * SLAB + j * CH, CH)])


def _writeback(acc, out, sid):
    pltpu.sync_copy(acc.at[pl.ds(sid * SLAB, SLAB)],
                    out.at[pl.ds(sid * SLAB, SLAB)])


_SC_MESH = plsc.VectorSubcoreMesh(core_axis_name="c", subcore_axis_name="s")

_AGG_SCRATCH = (
    [pltpu.VMEM((G, CH), jnp.int32)] * 2
    + [pltpu.VMEM((CH, HH), jnp.float32)] * NB
    + [pltpu.VMEM_SHARED((ROWS, HH), jnp.float32)]
    + [pltpu.SemaphoreType.DMA] * (2 * NB)
)


@functools.partial(
    pl.kernel,
    mesh=_SC_MESH,
    out_type=[jax.ShapeDtypeStruct((ROWS, HH), jnp.float32)] * 4,
    scratch_types=_AGG_SCRATCH,
)
def _agg_layer0(xu_lo, xu_hi, xi_lo, xi_hi, ub_src, ub_dst, iu_src, iu_dst,
                oi_lo, oi_hi, ou_lo, ou_hi,
                sidx, didx, b0, b1, b2, b3, acc,
                g0, g1, g2, g3, s0, s1, s2, s3):
    cid = lax.axis_index("c")
    sid = lax.axis_index("s")
    bufs, gsems, ssems = [b0, b1, b2, b3], [g0, g1, g2, g3], [s0, s1, s2, s3]

    def one_pass(tab_lo, tab_hi, src, dst, out_lo, out_hi):
        _acc_zero(b0, acc, sid)
        plsc.subcore_barrier()

        @pl.when(cid == 0)
        def _():
            _agg_run(tab_lo, src.at[sid], dst.at[sid], sidx, didx,
                     bufs, acc, gsems, ssems, C0 // G)

        @pl.when(cid != 0)
        def _():
            _agg_run(tab_hi, src.at[sid], dst.at[sid], sidx, didx,
                     bufs, acc, gsems, ssems, C0 // G)

        plsc.subcore_barrier()

        @pl.when(cid == 0)
        def _():
            _writeback(acc, out_lo, sid)

        @pl.when(cid != 0)
        def _():
            _writeback(acc, out_hi, sid)

        plsc.subcore_barrier()

    one_pass(xu_lo, xu_hi, ub_src, ub_dst, oi_lo, oi_hi)
    one_pass(xi_lo, xi_hi, iu_src, iu_dst, ou_lo, ou_hi)


@functools.partial(
    pl.kernel,
    mesh=_SC_MESH,
    out_type=[jax.ShapeDtypeStruct((ROWS, HH), jnp.float32)] * 2,
    scratch_types=_AGG_SCRATCH,
)
def _agg_layer1(tab, src4, dst4, out_a, out_b, sidx, didx,
                b0, b1, b2, b3, acc, g0, g1, g2, g3, s0, s1, s2, s3):
    cid = lax.axis_index("c")
    sid = lax.axis_index("s")
    _acc_zero(b0, acc, sid)
    plsc.subcore_barrier()

    _agg_run(tab, src4.at[cid, sid], dst4.at[cid, sid], sidx, didx,
             [b0, b1, b2, b3], acc, [g0, g1, g2, g3], [s0, s1, s2, s3],
             C1 // G)

    plsc.subcore_barrier()

    @pl.when(cid == 0)
    def _():
        _writeback(acc, out_a, sid)

    @pl.when(cid != 0)
    def _():
        _writeback(acc, out_b, sid)


def _pad_idx(idx, total):
    pad = jnp.arange(total - EE, dtype=jnp.int32) % NI
    return jnp.concatenate([idx.astype(jnp.int32), pad])


def _pad_dst(idx, total):
    pad = jnp.arange(total - EE, dtype=jnp.int32) % (ROWS - NI) + DUMMY
    return jnp.concatenate([idx.astype(jnp.int32), pad])



def _stage_a_body(xi_ref, y_ref, emb_ref, xi0_ref):
    y = y_ref[...]
    e0 = emb_ref[0:1, :]
    e1 = emb_ref[1:2, :]
    sel0 = jnp.where(y == 0, 1.0, 0.0)
    sel1 = jnp.where(y == 1, 1.0, 0.0)
    xi0_ref[...] = xi_ref[...] + sel0 * e0 + sel1 * e1


def _stage_b_body(ai_lo_ref, ai_hi_ref, au_lo_ref, au_hi_ref, xi0_ref, xu_ref,
                  wrel_i_lo_ref, wrel_i_hi_ref, wrel_u_lo_ref, wrel_u_hi_ref,
                  wro_ub_ref, wro_iu_ref,
                  brel_i_ref, brel_u_ref, g0i_ref, b0i_ref, g0u_ref, b0u_ref,
                  xi1_ref, xu1_ref):
    dot = functools.partial(jnp.dot, preferred_element_type=jnp.float32)
    ni = (dot(ai_lo_ref[...], wrel_i_lo_ref[...])
          + dot(ai_hi_ref[...], wrel_i_hi_ref[...])
          + brel_i_ref[...] + dot(xi0_ref[...], wro_ub_ref[...]))
    xi1_ref[...] = jnp.maximum(g0i_ref[...] * (ni * BNC) + b0i_ref[...], 0.0)
    nu = (dot(au_lo_ref[...], wrel_u_lo_ref[...])
          + dot(au_hi_ref[...], wrel_u_hi_ref[...])
          + brel_u_ref[...] + dot(xu_ref[...], wro_iu_ref[...]))
    xu1_ref[...] = jnp.maximum(g0u_ref[...] * (nu * BNC) + b0u_ref[...], 0.0)


def _stage_c_body(a0_ref, a1_ref, xi1_ref, xi0_ref, wrel1_ref, wro1_ref,
                  brel1_ref, g1_ref, b1_ref, l1a_ref, l1b_ref, l1c_ref,
                  l1bias_ref, gl_ref, bl_ref, l2_ref, l2b_ref, out_ref):
    dot = functools.partial(jnp.dot, preferred_element_type=jnp.float32)
    agg = a0_ref[...] + a1_ref[...]
    ni = (dot(agg, wrel1_ref[...]) + brel1_ref[...]
          + dot(xi1_ref[...], wro1_ref[...]))
    xi2 = jnp.maximum(g1_ref[...] * (ni * BNC) + b1_ref[...], 0.0)
    h = (dot(xi0_ref[...], l1a_ref[...]) + dot(xi1_ref[...], l1b_ref[...])
         + dot(xi2, l1c_ref[...]) + l1bias_ref[...])
    h = jnp.maximum(gl_ref[...] * (h * BNC) + bl_ref[...], 0.0)
    out_ref[...] = dot(h, l2_ref[...]) + l2b_ref[...]


def _row_spec(d):
    return pl.BlockSpec((R, d), lambda i: (i, 0))


def _full_spec(a, b):
    return pl.BlockSpec((a, b), lambda i: (0, 0))



def kernel(x_item, x_user, edge_index_ub, edge_index_iu, y_emb, emb,
           W_rel0_ub, b_rel0_ub, W_root0_ub, W_rel0_iu, b_rel0_iu, W_root0_iu,
           bn0_item_g, bn0_item_b, bn0_user_g, bn0_user_b,
           W_rel1_ub, b_rel1_ub, W_root1_ub, W_rel1_iu, b_rel1_iu, W_root1_iu,
           bn1_item_g, bn1_item_b, bn1_user_g, bn1_user_b,
           lin1_W, lin1_b, bnl_g, bnl_b, lin2_W, lin2_b):
    f32 = jnp.float32
    row = lambda v: v.reshape(1, -1).astype(f32)

    xi0 = pl.pallas_call(
        _stage_a_body,
        grid=(NI // R,),
        in_specs=[_row_spec(DD), _row_spec(1), _full_spec(3, DD)],
        out_specs=[_row_spec(DD)],
        out_shape=[jax.ShapeDtypeStruct((NI, DD), f32)],
    )(x_item, y_emb.reshape(NI, 1).astype(jnp.int32), emb.astype(f32))[0]

    tot0 = NSUB * C0 * CH
    ub_src = _pad_idx(edge_index_ub[0], tot0).reshape(NSUB, C0, CH)
    ub_dst = _pad_dst(edge_index_ub[1], tot0).reshape(NSUB, C0, CH)
    iu_src = _pad_idx(edge_index_iu[0], tot0).reshape(NSUB, C0, CH)
    iu_dst = _pad_dst(edge_index_iu[1], tot0).reshape(NSUB, C0, CH)
    ai_lo, ai_hi, au_lo, au_hi = _agg_layer0(
        x_user[:, :HH], x_user[:, HH:], xi0[:, :HH], xi0[:, HH:],
        ub_src, ub_dst, iu_src, iu_dst)

    xi1, xu1 = pl.pallas_call(
        _stage_b_body,
        grid=(NI // R,),
        in_specs=[_row_spec(HH), _row_spec(HH), _row_spec(HH), _row_spec(HH),
                  _row_spec(DD), _row_spec(DD),
                  _full_spec(HH, HH), _full_spec(HH, HH),
                  _full_spec(HH, HH), _full_spec(HH, HH),
                  _full_spec(DD, HH), _full_spec(DD, HH),
                  _full_spec(1, HH), _full_spec(1, HH), _full_spec(1, HH),
                  _full_spec(1, HH), _full_spec(1, HH), _full_spec(1, HH)],
        out_specs=[_row_spec(HH), _row_spec(HH)],
        out_shape=[jax.ShapeDtypeStruct((NI, HH), f32),
                   jax.ShapeDtypeStruct((NU, HH), f32)],
    )(ai_lo, ai_hi, au_lo, au_hi, xi0, x_user,
      W_rel0_ub[:HH], W_rel0_ub[HH:], W_rel0_iu[:HH], W_rel0_iu[HH:],
      W_root0_ub, W_root0_iu,
      row(b_rel0_ub), row(b_rel0_iu), row(bn0_item_g), row(bn0_item_b),
      row(bn0_user_g), row(bn0_user_b))

    tot1 = 2 * NSUB * C1 * CH
    src4 = _pad_idx(edge_index_ub[0], tot1).reshape(2, NSUB, C1, CH)
    dst4 = _pad_dst(edge_index_ub[1], tot1).reshape(2, NSUB, C1, CH)
    agg1a, agg1b = _agg_layer1(xu1, src4, dst4)

    l2p = jnp.pad(lin2_W, ((0, 0), (0, 6)))
    l2bp = jnp.pad(lin2_b, (0, 6))
    out8 = pl.pallas_call(
        _stage_c_body,
        grid=(NI // R,),
        in_specs=[_row_spec(HH), _row_spec(HH), _row_spec(HH), _row_spec(DD),
                  _full_spec(HH, HH), _full_spec(HH, HH), _full_spec(1, HH),
                  _full_spec(1, HH), _full_spec(1, HH),
                  _full_spec(DD, HH), _full_spec(HH, HH), _full_spec(HH, HH),
                  _full_spec(1, HH), _full_spec(1, HH), _full_spec(1, HH),
                  _full_spec(HH, 8), _full_spec(1, 8)],
        out_specs=[_row_spec(8)],
        out_shape=[jax.ShapeDtypeStruct((NI, 8), f32)],
    )(agg1a, agg1b, xi1, xi0, W_rel1_ub, W_root1_ub, row(b_rel1_ub),
      row(bn1_item_g), row(bn1_item_b),
      lin1_W[:DD], lin1_W[DD:DD + HH], lin1_W[DD + HH:], row(lin1_b),
      row(bnl_g), row(bnl_b), l2p, row(l2bp))[0]

    return out8[:, :2]

# --- scband reference (transcript-rebuilt; emitter-appended) ---
"""Pipeline reference for scband-hetero-gnn-10720238371046 (READ-ONLY COPY).

The authoritative reference and input builder live on the scoring server;
editing this copy changes nothing except your own understanding.
"""

import jax, jax.numpy as jnp
import numpy as np

N_ITEM = 10000
N_USER = 10000
D = 256
H = 128
E = 320000
EPS = 1e-5


def setup_inputs(seed: int = 0) -> dict:
    key = jax.random.key(seed)
    ks = jax.random.split(key, 24)
    s = 0.05
    inp = {}
    inp["x_item"] = jax.random.normal(ks[0], (N_ITEM, D), dtype=jnp.float32)
    inp["x_user"] = jax.random.normal(ks[1], (N_USER, D), dtype=jnp.float32)
    inp["edge_index_ub"] = jax.random.randint(ks[2], (2, E), 0, N_ITEM)
    inp["edge_index_iu"] = jax.random.randint(ks[3], (2, E), 0, N_USER)
    inp["y_emb"] = jax.random.randint(ks[4], (N_ITEM,), 0, 3)
    inp["emb"] = jax.random.normal(ks[5], (3, D), dtype=jnp.float32) * s
    # layer 0 GraphConv weights (lazy in_channels resolves to D=256)
    inp["W_rel0_ub"] = jax.random.normal(ks[6], (D, H), dtype=jnp.float32) * s
    inp["b_rel0_ub"] = jnp.zeros((H,), jnp.float32)
    inp["W_root0_ub"] = jax.random.normal(ks[7], (D, H), dtype=jnp.float32) * s
    inp["W_rel0_iu"] = jax.random.normal(ks[8], (D, H), dtype=jnp.float32) * s
    inp["b_rel0_iu"] = jnp.zeros((H,), jnp.float32)
    inp["W_root0_iu"] = jax.random.normal(ks[9], (D, H), dtype=jnp.float32) * s
    inp["bn0_item_g"] = jnp.ones((H,), jnp.float32)
    inp["bn0_item_b"] = jnp.zeros((H,), jnp.float32)
    inp["bn0_user_g"] = jnp.ones((H,), jnp.float32)
    inp["bn0_user_b"] = jnp.zeros((H,), jnp.float32)
    # layer 1 GraphConv weights (in_channels = H)
    inp["W_rel1_ub"] = jax.random.normal(ks[10], (H, H), dtype=jnp.float32) * s
    inp["b_rel1_ub"] = jnp.zeros((H,), jnp.float32)
    inp["W_root1_ub"] = jax.random.normal(ks[11], (H, H), dtype=jnp.float32) * s
    inp["W_rel1_iu"] = jax.random.normal(ks[12], (H, H), dtype=jnp.float32) * s
    inp["b_rel1_iu"] = jnp.zeros((H,), jnp.float32)
    inp["W_root1_iu"] = jax.random.normal(ks[13], (H, H), dtype=jnp.float32) * s
    inp["bn1_item_g"] = jnp.ones((H,), jnp.float32)
    inp["bn1_item_b"] = jnp.zeros((H,), jnp.float32)
    inp["bn1_user_g"] = jnp.ones((H,), jnp.float32)
    inp["bn1_user_b"] = jnp.zeros((H,), jnp.float32)
    # final MLP head: JK cat dims = D + 2*H = 512
    inp["lin1_W"] = jax.random.normal(ks[14], (D + 2 * H, 128), dtype=jnp.float32) * s
    inp["lin1_b"] = jnp.zeros((128,), jnp.float32)
    inp["bnl_g"] = jnp.ones((128,), jnp.float32)
    inp["bnl_b"] = jnp.zeros((128,), jnp.float32)
    inp["lin2_W"] = jax.random.normal(ks[15], (128, 2), dtype=jnp.float32) * s
    inp["lin2_b"] = jnp.zeros((2,), jnp.float32)
    return inp


def _graph_conv(x_src, x_dst, ei, W_rel, b_rel, W_root, n_dst):
    # PyG GraphConv, aggr='add': out = lin_rel(sum_j x_src[src_j]) + lin_root(x_dst)
    msgs = jnp.take(x_src, ei[0], axis=0)
    agg = jax.ops.segment_sum(msgs, ei[1], num_segments=n_dst)
    return agg @ W_rel + b_rel + x_dst @ W_root


def _bn_eval(x, g, b):
    # eval-mode BatchNorm1d with fresh buffers (running_mean=0, running_var=1)
    return g * (x * (1.0 / np.sqrt(1.0 + EPS))) + b


def reference(x_item, x_user, edge_index_ub, edge_index_iu, y_emb, emb,
              W_rel0_ub, b_rel0_ub, W_root0_ub, W_rel0_iu, b_rel0_iu, W_root0_iu,
              bn0_item_g, bn0_item_b, bn0_user_g, bn0_user_b,
              W_rel1_ub, b_rel1_ub, W_root1_ub, W_rel1_iu, b_rel1_iu, W_root1_iu,
              bn1_item_g, bn1_item_b, bn1_user_g, bn1_user_b,
              lin1_W, lin1_b, bnl_g, bnl_b, lin2_W, lin2_b):
    # eval mode: dropout = identity, no noise, returns x only
    mask = (y_emb != 2).astype(jnp.float32)[:, None]
    xi = x_item + jnp.take(emb, y_emb, axis=0) * mask
    xu = x_user
    xs = [xi]
    # layer 0 (HeteroConv: one relation per dst type -> trivial sum aggregation)
    ni = _graph_conv(xu, xi, edge_index_ub, W_rel0_ub, b_rel0_ub, W_root0_ub, N_ITEM)
    nu = _graph_conv(xi, xu, edge_index_iu, W_rel0_iu, b_rel0_iu, W_root0_iu, N_USER)
    xi = jax.nn.relu(_bn_eval(ni, bn0_item_g, bn0_item_b))
    xu = jax.nn.relu(_bn_eval(nu, bn0_user_g, bn0_user_b))
    xs.append(xi)
    # layer 1
    ni = _graph_conv(xu, xi, edge_index_ub, W_rel1_ub, b_rel1_ub, W_root1_ub, N_ITEM)
    nu = _graph_conv(xi, xu, edge_index_iu, W_rel1_iu, b_rel1_iu, W_root1_iu, N_USER)
    xi = jax.nn.relu(_bn_eval(ni, bn1_item_g, bn1_item_b))
    xu = jax.nn.relu(_bn_eval(nu, bn1_user_g, bn1_user_b))
    xs.append(xi)
    # JumpingKnowledge('cat') on labeled_class='item' states, then MLP head
    x = jnp.concatenate(xs, axis=-1)
    h = x @ lin1_W + lin1_b
    h = jax.nn.relu(_bn_eval(h, bnl_g, bnl_b))
    out = h @ lin2_W + lin2_b
    return out

if __name__ == "__main__":
    import jax
    _d = setup_inputs()
    print(jax.jit(kernel)(*tuple(_d.values())))

</pallas_src>

<mosaic_0001>
#map = affine_map<(d0, d1) -> (0, 0)>
#map1 = affine_map<(d0, d1) -> (0, 0, 0)>
module attributes {stable_mosaic.version = 14 : i64} {
  func.func @_agg_layer0(%arg0: i32, %arg1: i32, %arg2: memref<10000x128xf32, #tpu.memory_space<hbm>>, %arg3: memref<10000x128xf32, #tpu.memory_space<hbm>>, %arg4: memref<10000x128xf32, #tpu.memory_space<hbm>>, %arg5: memref<10000x128xf32, #tpu.memory_space<hbm>>, %arg6: memref<16x320x64xi32, #tpu.memory_space<hbm>>, %arg7: memref<16x320x64xi32, #tpu.memory_space<hbm>>, %arg8: memref<16x320x64xi32, #tpu.memory_space<hbm>>, %arg9: memref<16x320x64xi32, #tpu.memory_space<hbm>>, %arg10: memref<10240x128xf32, #tpu.memory_space<hbm>>, %arg11: memref<10240x128xf32, #tpu.memory_space<hbm>>, %arg12: memref<10240x128xf32, #tpu.memory_space<hbm>>, %arg13: memref<10240x128xf32, #tpu.memory_space<hbm>>, %arg14: memref<32x64xi32, #tpu.memory_space<vmem>>, %arg15: memref<32x64xi32, #tpu.memory_space<vmem>>, %arg16: memref<64x128xf32, #tpu.memory_space<vmem>>, %arg17: memref<64x128xf32, #tpu.memory_space<vmem>>, %arg18: memref<64x128xf32, #tpu.memory_space<vmem>>, %arg19: memref<64x128xf32, #tpu.memory_space<vmem>>, %arg20: memref<10240x128xf32, #tpu.memory_space<vmem_shared>>, %arg21: memref<!tpu.dma_semaphore, #tpu.memory_space<semaphore_mem>>, %arg22: memref<!tpu.dma_semaphore, #tpu.memory_space<semaphore_mem>>, %arg23: memref<!tpu.dma_semaphore, #tpu.memory_space<semaphore_mem>>, %arg24: memref<!tpu.dma_semaphore, #tpu.memory_space<semaphore_mem>>, %arg25: memref<!tpu.dma_semaphore, #tpu.memory_space<semaphore_mem>>, %arg26: memref<!tpu.dma_semaphore, #tpu.memory_space<semaphore_mem>>, %arg27: memref<!tpu.dma_semaphore, #tpu.memory_space<semaphore_mem>>, %arg28: memref<!tpu.dma_semaphore, #tpu.memory_space<semaphore_mem>>) attributes {dimension_semantics = [#tpu.dimension_semantics<core_parallel>, #tpu.dimension_semantics<subcore_parallel>], iteration_bounds = array<i64: 2, 16>, scalar_prefetch = 0 : i64, scratch_operands = 15 : i64, tpu.core_type = #tpu.core_type<sc_vector_subcore>, window_params = [{transform_indices = #map}, {transform_indices = #map}, {transform_indices = #map}, {transform_indices = #map}, {transform_indices = #map1}, {transform_indices = #map1}, {transform_indices = #map1}, {transform_indices = #map1}, {transform_indices = #map}, {transform_indices = #map}, {transform_indices = #map}, {transform_indices = #map}]} {
    %broadcast_in_dim3A = arith.constant 0.000000e+00 : f32
    %broadcast_in_dim3A_0 = vector.broadcast %broadcast_in_dim3A : f32 to vector<16xf32>
    %scan3A = arith.constant 0 : i32
    %scan3A_1 = arith.constant 0 : i32
    %scan3A_2 = arith.constant 64 : i32
    %scan3A_3 = arith.addi %scan3A_1, %scan3A_2 : i32
    %scan3A_4 = arith.constant 1 : i32
    scf.for %scan3A_133 = %scan3A_1 to %scan3A_3 step %scan3A_4  : i32 {
      %scan3A_134 = arith.constant 0 : i32
      %scan3A_135 = arith.constant 8 : i32
      %scan3A_136 = arith.addi %scan3A_134, %scan3A_135 : i32
      %scan3A_137 = arith.constant 1 : i32
      scf.for %scan3A_139 = %scan3A_134 to %scan3A_136 step %scan3A_137  : i32 {
        %mul3A_140 = arith.constant 16 : i32
        %mul3A_141 = arith.muli %scan3A_139, %mul3A_140 : i32
        %swap3A = arith.index_cast %scan3A_133 : i32 to index
        %swap3A_142 = arith.index_cast %mul3A_141 : i32 to index
        %swap3A_143 = tpu.vector_load %arg16[%swap3A, %swap3A_142] {strides = array<i32>} : memref<64x128xf32, #tpu.memory_space<vmem>>, vector<1x16xf32>,
        %swap3A_144 = vector.shape_cast %swap3A_143 : vector<1x16xf32> to vector<16xf32>
        %swap3A_145 = vector.shape_cast %broadcast_in_dim3A_0 : vector<16xf32> to vector<1x16xf32>
        tpu.vector_store %arg16[%swap3A, %swap3A_142], %swap3A_145 {strides = array<i32>} : memref<64x128xf32, #tpu.memory_space<vmem>>, vector<1x16xf32>,
      }
      %scan3A_138 = arith.constant 8 : i32
    }
    %scan3A_5 = arith.constant 64 : i32
    %mul3A = arith.constant 640 : i32
    %mul3A_6 = arith.muli %arg1, %mul3A : i32
    %add3A = arith.constant 0 : i32
    %add3A_7 = arith.addi %mul3A_6, %add3A : i32
    "tpu.region"() ({
      %run_scoped3A = tpu.sem_alloc : memref<!tpu.dma_semaphore, #tpu.memory_space<semaphore_mem>>
      %dma_start3A = arith.constant 0 : i32
      %dma_start3A_133 = tpu.memref_slice %arg20[%add3A_7, %dma_start3A] : memref<10240x128xf32, #tpu.memory_space<vmem_shared>> -> memref<64x128xf32, #tpu.memory_space<vmem_shared>>
      %dma_start3A_134 = arith.constant 0 : i32
      %dma_start3A_135 = tpu.memref_slice %arg20[%add3A_7, %dma_start3A_134] : memref<10240x128xf32, #tpu.memory_space<vmem_shared>> -> memref<64x128xf32, #tpu.memory_space<vmem_shared>>
      tpu.enqueue_dma source(%arg16 : memref<64x128xf32, #tpu.memory_space<vmem>>) target(%dma_start3A_135 : memref<64x128xf32, #tpu.memory_space<vmem_shared>>) target_semaphore(%run_scoped3A : memref<!tpu.dma_semaphore, #tpu.memory_space<semaphore_mem>>)
      %dma_wait3A = arith.constant 0 : i32
      %dma_wait3A_136 = tpu.memref_slice %arg20[%add3A_7, %dma_wait3A] : memref<10240x128xf32, #tpu.memory_space<vmem_shared>> -> memref<64x128xf32, #tpu.memory_space<vmem_shared>>
      %dma_wait3A_137 = arith.constant 0 : i32
      %dma_wait3A_138 = tpu.memref_slice %arg20[%add3A_7, %dma_wait3A_137] : memref<10240x128xf32, #tpu.memory_space<vmem_shared>> -> memref<64x128xf32, #tpu.memory_space<vmem_shared>>
      tpu.wait_dma2 semaphore(%run_scoped3A : memref<!tpu.dma_semaphore, #tpu.memory_space<semaphore_mem>>) src(%arg16 : memref<64x128xf32, #tpu.memory_space<vmem>>) dst(%dma_wait3A_138 : memref<64x128xf32, #tpu.memory_space<vmem_shared>>)
      tpu.yield
    }) : () -> ()
    %mul3A_8 = arith.constant 640 : i32
    %mul3A_9 = arith.muli %arg1, %mul3A_8 : i32
    %add3A_10 = arith.constant 64 : i32
    %add3A_11 = arith.addi %mul3A_9, %add3A_10 : i32
    "tpu.region"() ({
      %run_scoped3A = tpu.sem_alloc : memref<!tpu.dma_semaphore, #tpu.memory_space<semaphore_mem>>
      %dma_start3A = arith.constant 0 : i32
      %dma_start3A_133 = tpu.memref_slice %arg20[%add3A_11, %dma_start3A] : memref<10240x128xf32, #tpu.memory_space<vmem_shared>> -> memref<64x128xf32, #tpu.memory_space<vmem_shared>>
      %dma_start3A_134 = arith.constant 0 : i32
      %dma_start3A_135 = tpu.memref_slice %arg20[%add3A_11, %dma_start3A_134] : memref<10240x128xf32, #tpu.memory_space<vmem_shared>> -> memref<64x128xf32, #tpu.memory_space<vmem_shared>>
      tpu.enqueue_dma source(%arg16 : memref<64x128xf32, #tpu.memory_space<vmem>>) target(%dma_start3A_135 : memref<64x128xf32, #tpu.memory_space<vmem_shared>>) target_semaphore(%run_scoped3A : memref<!tpu.dma_semaphore, #tpu.memory_space<semaphore_mem>>)
      %dma_wait3A = arith.constant 0 : i32
      %dma_wait3A_136 = tpu.memref_slice %arg20[%add3A_11, %dma_wait3A] : memref<10240x128xf32, #tpu.memory_space<vmem_shared>> -> memref<64x128xf32, #tpu.memory_space<vmem_shared>>
      %dma_wait3A_137 = arith.constant 0 : i32
      %dma_wait3A_138 = tpu.memref_slice %arg20[%add3A_11, %dma_wait3A_137] : memref<10240x128xf32, #tpu.memory_space<vmem_shared>> -> memref<64x128xf32, #tpu.memory_space<vmem_shared>>
      tpu.wait_dma2 semaphore(%run_scoped3A : memref<!tpu.dma_semaphore, #tpu.memory_space<semaphore_mem>>) src(%arg16 : memref<64x128xf32, #tpu.memory_space<vmem>>) dst(%dma_wait3A_138 : memref<64x128xf32, #tpu.memory_space<vmem_shared>>)
      tpu.yield
    }) : () -> ()
    %mul3A_12 = arith.constant 640 : i32
    %mul3A_13 = arith.muli %arg1, %mul3A_12 : i32
    %add3A_14 = arith.constant 128 : i32
    %add3A_15 = arith.addi %mul3A_13, %add3A_14 : i32
    "tpu.region"() ({
      %run_scoped3A = tpu.sem_alloc : memref<!tpu.dma_semaphore, #tpu.memory_space<semaphore_mem>>
      %dma_start3A = arith.constant 0 : i32
      %dma_start3A_133 = tpu.memref_slice %arg20[%add3A_15, %dma_start3A] : memref<10240x128xf32, #tpu.memory_space<vmem_shared>> -> memref<64x128xf32, #tpu.memory_space<vmem_shared>>
      %dma_start3A_134 = arith.constant 0 : i32
      %dma_start3A_135 = tpu.memref_slice %arg20[%add3A_15, %dma_start3A_134] : memref<10240x128xf32, #tpu.memory_space<vmem_shared>> -> memref<64x128xf32, #tpu.memory_space<vmem_shared>>
      tpu.enqueue_dma source(%arg16 : memref<64x128xf32, #tpu.memory_space<vmem>>) target(%dma_start3A_135 : memref<64x128xf32, #tpu.memory_space<vmem_shared>>) target_semaphore(%run_scoped3A : memref<!tpu.dma_semaphore, #tpu.memory_space<semaphore_mem>>)
      %dma_wait3A = arith.constant 0 : i32
      %dma_wait3A_136 = tpu.memref_slice %arg20[%add3A_15, %dma_wait3A] : memref<10240x128xf32, #tpu.memory_space<vmem_shared>> -> memref<64x128xf32, #tpu.memory_space<vmem_shared>>
      %dma_wait3A_137 = arith.constant 0 : i32
      %dma_wait3A_138 = tpu.memref_slice %arg20[%add3A_15, %dma_wait3A_137] : memref<10240x128xf32, #tpu.memory_space<vmem_shared>> -> memref<64x128xf32, #tpu.memory_space<vmem_shared>>
      tpu.wait_dma2 semaphore(%run_scoped3A : memref<!tpu.dma_semaphore, #tpu.memory_space<semaphore_mem>>) src(%arg16 : memref<64x128xf32, #tpu.memory_space<vmem>>) dst(%dma_wait3A_138 : memref<64x128xf32, #tpu.memory_space<vmem_shared>>)
      tpu.yield
    }) : () -> ()
    %mul3A_16 = arith.constant 640 : i32
    %mul3A_17 = arith.muli %arg1, %mul3A_16 : i32
    %add3A_18 = arith.constant 192 : i32
    %add3A_19 = arith.addi %mul3A_17, %add3A_18 : i32
    "tpu.region"() ({
      %run_scoped3A = tpu.sem_alloc : memref<!tpu.dma_semaphore, #tpu.memory_space<semaphore_mem>>
      %dma_start3A = arith.constant 0 : i32
      %dma_start3A_133 = tpu.memref_slice %arg20[%add3A_19, %dma_start3A] : memref<10240x128xf32, #tpu.memory_space<vmem_shared>> -> memref<64x128xf32, #tpu.memory_space<vmem_shared>>
      %dma_start3A_134 = arith.constant 0 : i32
      %dma_start3A_135 = tpu.memref_slice %arg20[%add3A_19, %dma_start3A_134] : memref<10240x128xf32, #tpu.memory_space<vmem_shared>> -> memref<64x128xf32, #tpu.memory_space<vmem_shared>>
      tpu.enqueue_dma source(%arg16 : memref<64x128xf32, #tpu.memory_space<vmem>>) target(%dma_start3A_135 : memref<64x128xf32, #tpu.memory_space<vmem_shared>>) target_semaphore(%run_scoped3A : memref<!tpu.dma_semaphore, #tpu.memory_space<semaphore_mem>>)
      %dma_wait3A = arith.constant 0 : i32
      %dma_wait3A_136 = tpu.memref_slice %arg20[%add3A_19, %dma_wait3A] : memref<10240x128xf32, #tpu.memory_space<vmem_shared>> -> memref<64x128xf32, #tpu.memory_space<vmem_shared>>
      %dma_wait3A_137 = arith.constant 0 : i32
      %dma_wait3A_138 = tpu.memref_slice %arg20[%add3A_19, %dma_wait3A_137] : memref<10240x128xf32, #tpu.memory_space<vmem_shared>> -> memref<64x128xf32, #tpu.memory_space<vmem_shared>>
      tpu.wait_dma2 semaphore(%run_scoped3A : memref<!tpu.dma_semaphore, #tpu.memory_space<semaphore_mem>>) src(%arg16 : memref<64x128xf32, #tpu.memory_space<vmem>>) dst(%dma_wait3A_138 : memref<64x128xf32, #tpu.memory_space<vmem_shared>>)
      tpu.yield
    }) : () -> ()
    %mul3A_20 = arith.constant 640 : i32
    %mul3A_21 = arith.muli %arg1, %mul3A_20 : i32
    %add3A_22 = arith.constant 256 : i32
    %add3A_23 = arith.addi %mul3A_21, %add3A_22 : i32
    "tpu.region"() ({
      %run_scoped3A = tpu.sem_alloc : memref<!tpu.dma_semaphore, #tpu.memory_space<semaphore_mem>>
      %dma_start3A = arith.constant 0 : i32
      %dma_start3A_133 = tpu.memref_slice %arg20[%add3A_23, %dma_start3A] : memref<10240x128xf32, #tpu.memory_space<vmem_shared>> -> memref<64x128xf32, #tpu.memory_space<vmem_shared>>
      %dma_start3A_134 = arith.constant 0 : i32
      %dma_start3A_135 = tpu.memref_slice %arg20[%add3A_23, %dma_start3A_134] : memref<10240x128xf32, #tpu.memory_space<vmem_shared>> -> memref<64x128xf32, #tpu.memory_space<vmem_shared>>
      tpu.enqueue_dma source(%arg16 : memref<64x128xf32, #tpu.memory_space<vmem>>) target(%dma_start3A_135 : memref<64x128xf32, #tpu.memory_space<vmem_shared>>) target_semaphore(%run_scoped3A : memref<!tpu.dma_semaphore, #tpu.memory_space<semaphore_mem>>)
      %dma_wait3A = arith.constant 0 : i32
      %dma_wait3A_136 = tpu.memref_slice %arg20[%add3A_23, %dma_wait3A] : memref<10240x128xf32, #tpu.memory_space<vmem_shared>> -> memref<64x128xf32, #tpu.memory_space<vmem_shared>>
      %dma_wait3A_137 = arith.constant 0 : i32
      %dma_wait3A_138 = tpu.memref_slice %arg20[%add3A_23, %dma_wait3A_137] : memref<10240x128xf32, #tpu.memory_space<vmem_shared>> -> memref<64x128xf32, #tpu.memory_space<vmem_shared>>
      tpu.wait_dma2 semaphore(%run_scoped3A : memref<!tpu.dma_semaphore, #tpu.memory_space<semaphore_mem>>) src(%arg16 : memref<64x128xf32, #tpu.memory_space<vmem>>) dst(%dma_wait3A_138 : memref<64x128xf32, #tpu.memory_space<vmem_shared>>)
      tpu.yield
    }) : () -> ()
    %mul3A_24 = arith.constant 640 : i32
    %mul3A_25 = arith.muli %arg1, %mul3A_24 : i32
    %add3A_26 = arith.constant 320 : i32
    %add3A_27 = arith.addi %mul3A_25, %add3A_26 : i32
    "tpu.region"() ({
      %run_scoped3A = tpu.sem_alloc : memref<!tpu.dma_semaphore, #tpu.memory_space<semaphore_mem>>
      %dma_start3A = arith.constant 0 : i32
      %dma_start3A_133 = tpu.memref_slice %arg20[%add3A_27, %dma_start3A] : memref<10240x128xf32, #tpu.memory_space<vmem_shared>> -> memref<64x128xf32, #tpu.memory_space<vmem_shared>>
      %dma_start3A_134 = arith.constant 0 : i32
      %dma_start3A_135 = tpu.memref_slice %arg20[%add3A_27, %dma_start3A_134] : memref<10240x128xf32, #tpu.memory_space<vmem_shared>> -> memref<64x128xf32, #tpu.memory_space<vmem_shared>>
      tpu.enqueue_dma source(%arg16 : memref<64x128xf32, #tpu.memory_space<vmem>>) target(%dma_start3A_135 : memref<64x128xf32, #tpu.memory_space<vmem_shared>>) target_semaphore(%run_scoped3A : memref<!tpu.dma_semaphore, #tpu.memory_space<semaphore_mem>>)
      %dma_wait3A = arith.constant 0 : i32
      %dma_wait3A_136 = tpu.memref_slice %arg20[%add3A_27, %dma_wait3A] : memref<10240x128xf32, #tpu.memory_space<vmem_shared>> -> memref<64x128xf32, #tpu.memory_space<vmem_shared>>
      %dma_wait3A_137 = arith.constant 0 : i32
      %dma_wait3A_138 = tpu.memref_slice %arg20[%add3A_27, %dma_wait3A_137] : memref<10240x128xf32, #tpu.memory_space<vmem_shared>> -> memref<64x128xf32, #tpu.memory_space<vmem_shared>>
      tpu.wait_dma2 semaphore(%run_scoped3A : memref<!tpu.dma_semaphore, #tpu.memory_space<semaphore_mem>>) src(%arg16 : memref<64x128xf32, #tpu.memory_space<vmem>>) dst(%dma_wait3A_138 : memref<64x128xf32, #tpu.memory_space<vmem_shared>>)
      tpu.yield
    }) : () -> ()
    %mul3A_28 = arith.constant 640 : i32
    %mul3A_29 = arith.muli %arg1, %mul3A_28 : i32
    %add3A_30 = arith.constant 384 : i32
    %add3A_31 = arith.addi %mul3A_29, %add3A_30 : i32
    "tpu.region"() ({
      %run_scoped3A = tpu.sem_alloc : memref<!tpu.dma_semaphore, #tpu.memory_space<semaphore_mem>>
      %dma_start3A = arith.constant 0 : i32
      %dma_start3A_133 = tpu.memref_slice %arg20[%add3A_31, %dma_start3A] : memref<10240x128xf32, #tpu.memory_space<vmem_shared>> -> memref<64x128xf32, #tpu.memory_space<vmem_shared>>
      %dma_start3A_134 = arith.constant 0 : i32
      %dma_start3A_135 = tpu.memref_slice %arg20[%add3A_31, %dma_start3A_134] : memref<10240x128xf32, #tpu.memory_space<vmem_shared>> -> memref<64x128xf32, #tpu.memory_space<vmem_shared>>
      tpu.enqueue_dma source(%arg16 : memref<64x128xf32, #tpu.memory_space<vmem>>) target(%dma_start3A_135 : memref<64x128xf32, #tpu.memory_space<vmem_shared>>) target_semaphore(%run_scoped3A : memref<!tpu.dma_semaphore, #tpu.memory_space<semaphore_mem>>)
      %dma_wait3A = arith.constant 0 : i32
      %dma_wait3A_136 = tpu.memref_slice %arg20[%add3A_31, %dma_wait3A] : memref<10240x128xf32, #tpu.memory_space<vmem_shared>> -> memref<64x128xf32, #tpu.memory_space<vmem_shared>>
      %dma_wait3A_137 = arith.constant 0 : i32
      %dma_wait3A_138 = tpu.memref_slice %arg20[%add3A_31, %dma_wait3A_137] : memref<10240x128xf32, #tpu.memory_space<vmem_shared>> -> memref<64x128xf32, #tpu.memory_space<vmem_shared>>
      tpu.wait_dma2 semaphore(%run_scoped3A : memref<!tpu.dma_semaphore, #tpu.memory_space<semaphore_mem>>) src(%arg16 : memref<64x128xf32, #tpu.memory_space<vmem>>) dst(%dma_wait3A_138 : memref<64x128xf32, #tpu.memory_space<vmem_shared>>)
      tpu.yield
    }) : () -> ()
    %mul3A_32 = arith.constant 640 : i32
    %mul3A_33 = arith.muli %arg1, %mul3A_32 : i32
    %add3A_34 = arith.constant 448 : i32
    %add3A_35 = arith.addi %mul3A_33, %add3A_34 : i32
    "tpu.region"() ({
      %run_scoped3A = tpu.sem_alloc : memref<!tpu.dma_semaphore, #tpu.memory_space<semaphore_mem>>
      %dma_start3A = arith.constant 0 : i32
      %dma_start3A_133 = tpu.memref_slice %arg20[%add3A_35, %dma_start3A] : memref<10240x128xf32, #tpu.memory_space<vmem_shared>> -> memref<64x128xf32, #tpu.memory_space<vmem_shared>>
      %dma_start3A_134 = arith.constant 0 : i32
      %dma_start3A_135 = tpu.memref_slice %arg20[%add3A_35, %dma_start3A_134] : memref<10240x128xf32, #tpu.memory_space<vmem_shared>> -> memref<64x128xf32, #tpu.memory_space<vmem_shared>>
      tpu.enqueue_dma source(%arg16 : memref<64x128xf32, #tpu.memory_space<vmem>>) target(%dma_start3A_135 : memref<64x128xf32, #tpu.memory_space<vmem_shared>>) target_semaphore(%run_scoped3A : memref<!tpu.dma_semaphore, #tpu.memory_space<semaphore_mem>>)
      %dma_wait3A = arith.constant 0 : i32
      %dma_wait3A_136 = tpu.memref_slice %arg20[%add3A_35, %dma_wait3A] : memref<10240x128xf32, #tpu.memory_space<vmem_shared>> -> memref<64x128xf32, #tpu.memory_space<vmem_shared>>
      %dma_wait3A_137 = arith.constant 0 : i32
      %dma_wait3A_138 = tpu.memref_slice %arg20[%add3A_35, %dma_wait3A_137] : memref<10240x128xf32, #tpu.memory_space<vmem_shared>> -> memref<64x128xf32, #tpu.memory_space<vmem_shared>>
      tpu.wait_dma2 semaphore(%run_scoped3A : memref<!tpu.dma_semaphore, #tpu.memory_space<semaphore_mem>>) src(%arg16 : memref<64x128xf32, #tpu.memory_space<vmem>>) dst(%dma_wait3A_138 : memref<64x128xf32, #tpu.memory_space<vmem_shared>>)
      tpu.yield
    }) : () -> ()
    %mul3A_36 = arith.constant 640 : i32
    %mul3A_37 = arith.muli %arg1, %mul3A_36 : i32
    %add3A_38 = arith.constant 512 : i32
    %add3A_39 = arith.addi %mul3A_37, %add3A_38 : i32
    "tpu.region"() ({
      %run_scoped3A = tpu.sem_alloc : memref<!tpu.dma_semaphore, #tpu.memory_space<semaphore_mem>>
      %dma_start3A = arith.constant 0 : i32
      %dma_start3A_133 = tpu.memref_slice %arg20[%add3A_39, %dma_start3A] : memref<10240x128xf32, #tpu.memory_space<vmem_shared>> -> memref<64x128xf32, #tpu.memory_space<vmem_shared>>
      %dma_start3A_134 = arith.constant 0 : i32
      %dma_start3A_135 = tpu.memref_slice %arg20[%add3A_39, %dma_start3A_134] : memref<10240x128xf32, #tpu.memory_space<vmem_shared>> -> memref<64x128xf32, #tpu.memory_space<vmem_shared>>
      tpu.enqueue_dma source(%arg16 : memref<64x128xf32, #tpu.memory_space<vmem>>) target(%dma_start3A_135 : memref<64x128xf32, #tpu.memory_space<vmem_shared>>) target_semaphore(%run_scoped3A : memref<!tpu.dma_semaphore, #tpu.memory_space<semaphore_mem>>)
      %dma_wait3A = arith.constant 0 : i32
      %dma_wait3A_136 = tpu.memref_slice %arg20[%add3A_39, %dma_wait3A] : memref<10240x128xf32, #tpu.memory_space<vmem_shared>> -> memref<64x128xf32, #tpu.memory_space<vmem_shared>>
      %dma_wait3A_137 = arith.constant 0 : i32
      %dma_wait3A_138 = tpu.memref_slice %arg20[%add3A_39, %dma_wait3A_137] : memref<10240x128xf32, #tpu.memory_space<vmem_shared>> -> memref<64x128xf32, #tpu.memory_space<vmem_shared>>
      tpu.wait_dma2 semaphore(%run_scoped3A : memref<!tpu.dma_semaphore, #tpu.memory_space<semaphore_mem>>) src(%arg16 : memref<64x128xf32, #tpu.memory_space<vmem>>) dst(%dma_wait3A_138 : memref<64x128xf32, #tpu.memory_space<vmem_shared>>)
      tpu.yield
    }) : () -> ()
    %mul3A_40 = arith.constant 640 : i32
    %mul3A_41 = arith.muli %arg1, %mul3A_40 : i32
    %add3A_42 = arith.constant 576 : i32
    %add3A_43 = arith.addi %mul3A_41, %add3A_42 : i32
    "tpu.region"() ({
      %run_scoped3A = tpu.sem_alloc : memref<!tpu.dma_semaphore, #tpu.memory_space<semaphore_mem>>
      %dma_start3A = arith.constant 0 : i32
      %dma_start3A_133 = tpu.memref_slice %arg20[%add3A_43, %dma_start3A] : memref<10240x128xf32, #tpu.memory_space<vmem_shared>> -> memref<64x128xf32, #tpu.memory_space<vmem_shared>>
      %dma_start3A_134 = arith.constant 0 : i32
      %dma_start3A_135 = tpu.memref_slice %arg20[%add3A_43, %dma_start3A_134] : memref<10240x128xf32, #tpu.memory_space<vmem_shared>> -> memref<64x128xf32, #tpu.memory_space<vmem_shared>>
      tpu.enqueue_dma source(%arg16 : memref<64x128xf32, #tpu.memory_space<vmem>>) target(%dma_start3A_135 : memref<64x128xf32, #tpu.memory_space<vmem_shared>>) target_semaphore(%run_scoped3A : memref<!tpu.dma_semaphore, #tpu.memory_space<semaphore_mem>>)
      %dma_wait3A = arith.constant 0 : i32
      %dma_wait3A_136 = tpu.memref_slice %arg20[%add3A_43, %dma_wait3A] : memref<10240x128xf32, #tpu.memory_space<vmem_shared>> -> memref<64x128xf32, #tpu.memory_space<vmem_shared>>
      %dma_wait3A_137 = arith.constant 0 : i32
      %dma_wait3A_138 = tpu.memref_slice %arg20[%add3A_43, %dma_wait3A_137] : memref<10240x128xf32, #tpu.memory_space<vmem_shared>> -> memref<64x128xf32, #tpu.memory_space<vmem_shared>>
      tpu.wait_dma2 semaphore(%run_scoped3A : memref<!tpu.dma_semaphore, #tpu.memory_space<semaphore_mem>>) src(%arg16 : memref<64x128xf32, #tpu.memory_space<vmem>>) dst(%dma_wait3A_138 : memref<64x128xf32, #tpu.memory_space<vmem_shared>>)
      tpu.yield
    }) : () -> ()
    %barrier3A = arith.constant 0 : index
    tpu.barrier barrier_id(%barrier3A)
    %eq3A = arith.constant 0 : i32
    %eq3A_44 = arith.cmpi eq, %arg0, %eq3A : i32
    %convert_element_type3A = arith.extui %eq3A_44 : i1 to i32
    %cond3A = arith.constant 0 : i32
    %cond3A_45 = arith.cmpi ne, %convert_element_type3A, %cond3A : i32
    scf.if %cond3A_45 {
      %scan3A_133 = arith.constant 0 : i32
      %scan3A_134 = arith.constant 0 : i32
      %scan3A_135 = arith.constant 10 : i32
      %scan3A_136 = arith.addi %scan3A_134, %scan3A_135 : i32
      %scan3A_137 = arith.constant 1 : i32
      scf.for %scan3A_139 = %scan3A_134 to %scan3A_136 step %scan3A_137  : i32 {
        %mul3A_140 = arith.constant 32 : i32
        %mul3A_141 = arith.muli %scan3A_139, %mul3A_140 : i32
        "tpu.region"() ({
          %run_scoped3A = tpu.sem_alloc : memref<!tpu.dma_semaphore, #tpu.memory_space<semaphore_mem>>
          %dma_start3A_203 = arith.constant 0 : i32
          %dma_start3A_204 = arith.constant 0 : i32
          %dma_start3A_205 = tpu.memref_slice %arg6[%arg1, %dma_start3A_203, %dma_start3A_204] : memref<16x320x64xi32, #tpu.memory_space<hbm>> -> memref<1x320x64xi32, #tpu.memory_space<hbm>>
          %dma_start3A_206 = tpu.memref_squeeze %dma_start3A_205 : memref<1x320x64xi32, #tpu.memory_space<hbm>> -> memref<320x64xi32, #tpu.memory_space<hbm>>
          %dma_start3A_207 = arith.constant 0 : i32
          %dma_start3A_208 = tpu.memref_slice %dma_start3A_206[%mul3A_141, %dma_start3A_207] : memref<320x64xi32, #tpu.memory_space<hbm>> -> memref<32x64xi32, #tpu.memory_space<hbm>>
          %dma_start3A_209 = arith.constant 0 : i32
          %dma_start3A_210 = arith.constant 0 : i32
          %dma_start3A_211 = tpu.memref_slice %arg6[%arg1, %dma_start3A_209, %dma_start3A_210] : memref<16x320x64xi32, #tpu.memory_space<hbm>> -> memref<1x320x64xi32, #tpu.memory_space<hbm>>
          %dma_start3A_212 = tpu.memref_squeeze %dma_start3A_211 : memref<1x320x64xi32, #tpu.memory_space<hbm>> -> memref<320x64xi32, #tpu.memory_space<hbm>>
          %dma_start3A_213 = arith.constant 0 : i32
          %dma_start3A_214 = tpu.memref_slice %dma_start3A_212[%mul3A_141, %dma_start3A_213] : memref<320x64xi32, #tpu.memory_space<hbm>> -> memref<32x64xi32, #tpu.memory_space<hbm>>
          tpu.enqueue_dma source(%dma_start3A_214 : memref<32x64xi32, #tpu.memory_space<hbm>>) target(%arg14 : memref<32x64xi32, #tpu.memory_space<vmem>>) target_semaphore(%run_scoped3A : memref<!tpu.dma_semaphore, #tpu.memory_space<semaphore_mem>>)
          %dma_wait3A_215 = arith.constant 0 : i32
          %dma_wait3A_216 = arith.constant 0 : i32
          %dma_wait3A_217 = tpu.memref_slice %arg6[%arg1, %dma_wait3A_215, %dma_wait3A_216] : memref<16x320x64xi32, #tpu.memory_space<hbm>> -> memref<1x320x64xi32, #tpu.memory_space<hbm>>
          %dma_wait3A_218 = tpu.memref_squeeze %dma_wait3A_217 : memref<1x320x64xi32, #tpu.memory_space<hbm>> -> memref<320x64xi32, #tpu.memory_space<hbm>>
          %dma_wait3A_219 = arith.constant 0 : i32
          %dma_wait3A_220 = tpu.memref_slice %dma_wait3A_218[%mul3A_141, %dma_wait3A_219] : memref<320x64xi32, #tpu.memory_space<hbm>> -> memref<32x64xi32, #tpu.memory_space<hbm>>
          %dma_wait3A_221 = arith.constant 0 : i32
          %dma_wait3A_222 = arith.constant 0 : i32
          %dma_wait3A_223 = tpu.memref_slice %arg6[%arg1, %dma_wait3A_221, %dma_wait3A_222] : memref<16x320x64xi32, #tpu.memory_space<hbm>> -> memref<1x320x64xi32, #tpu.memory_space<hbm>>
          %dma_wait3A_224 = tpu.memref_squeeze %dma_wait3A_223 : memref<1x320x64xi32, #tpu.memory_space<hbm>> -> memref<320x64xi32, #tpu.memory_space<hbm>>
          %dma_wait3A_225 = arith.constant 0 : i32
          %dma_wait3A_226 = tpu.memref_slice %dma_wait3A_224[%mul3A_141, %dma_wait3A_225] : memref<320x64xi32, #tpu.memory_space<hbm>> -> memref<32x64xi32, #tpu.memory_space<hbm>>
          tpu.wait_dma2 semaphore(%run_scoped3A : memref<!tpu.dma_semaphore, #tpu.memory_space<semaphore_mem>>) src(%dma_wait3A_226 : memref<32x64xi32, #tpu.memory_space<hbm>>) dst(%arg14 : memref<32x64xi32, #tpu.memory_space<vmem>>)
          tpu.yield
        }) : () -> ()
        %mul3A_142 = arith.constant 32 : i32
        %mul3A_143 = arith.muli %scan3A_139, %mul3A_142 : i32
        "tpu.region"() ({
          %run_scoped3A = tpu.sem_alloc : memref<!tpu.dma_semaphore, #tpu.memory_space<semaphore_mem>>
          %dma_start3A_203 = arith.constant 0 : i32
          %dma_start3A_204 = arith.constant 0 : i32
          %dma_start3A_205 = tpu.memref_slice %arg7[%arg1, %dma_start3A_203, %dma_start3A_204] : memref<16x320x64xi32, #tpu.memory_space<hbm>> -> memref<1x320x64xi32, #tpu.memory_space<hbm>>
          %dma_start3A_206 = tpu.memref_squeeze %dma_start3A_205 : memref<1x320x64xi32, #tpu.memory_space<hbm>> -> memref<320x64xi32, #tpu.memory_space<hbm>>
          %dma_start3A_207 = arith.constant 0 : i32
          %dma_start3A_208 = tpu.memref_slice %dma_start3A_206[%mul3A_143, %dma_start3A_207] : memref<320x64xi32, #tpu.memory_space<hbm>> -> memref<32x64xi32, #tpu.memory_space<hbm>>
          %dma_start3A_209 = arith.constant 0 : i32
          %dma_start3A_210 = arith.constant 0 : i32
          %dma_start3A_211 = tpu.memref_slice %arg7[%arg1, %dma_start3A_209, %dma_start3A_210] : memref<16x320x64xi32, #tpu.memory_space<hbm>> -> memref<1x320x64xi32, #tpu.memory_space<hbm>>
          %dma_start3A_212 = tpu.memref_squeeze %dma_start3A_211 : memref<1x320x64xi32, #tpu.memory_space<hbm>> -> memref<320x64xi32, #tpu.memory_space<hbm>>
          %dma_start3A_213 = arith.constant 0 : i32
          %dma_start3A_214 = tpu.memref_slice %dma_start3A_212[%mul3A_143, %dma_start3A_213] : memref<320x64xi32, #tpu.memory_space<hbm>> -> memref<32x64xi32, #tpu.memory_space<hbm>>
          tpu.enqueue_dma source(%dma_start3A_214 : memref<32x64xi32, #tpu.memory_space<hbm>>) target(%arg15 : memref<32x64xi32, #tpu.memory_space<vmem>>) target_semaphore(%run_scoped3A : memref<!tpu.dma_semaphore, #tpu.memory_space<semaphore_mem>>)
          %dma_wait3A_215 = arith.constant 0 : i32
          %dma_wait3A_216 = arith.constant 0 : i32
          %dma_wait3A_217 = tpu.memref_slice %arg7[%arg1, %dma_wait3A_215, %dma_wait3A_216] : memref<16x320x64xi32, #tpu.memory_space<hbm>> -> memref<1x320x64xi32, #tpu.memory_space<hbm>>
          %dma_wait3A_218 = tpu.memref_squeeze %dma_wait3A_217 : memref<1x320x64xi32, #tpu.memory_space<hbm>> -> memref<320x64xi32, #tpu.memory_space<hbm>>
          %dma_wait3A_219 = arith.constant 0 : i32
          %dma_wait3A_220 = tpu.memref_slice %dma_wait3A_218[%mul3A_143, %dma_wait3A_219] : memref<320x64xi32, #tpu.memory_space<hbm>> -> memref<32x64xi32, #tpu.memory_space<hbm>>
          %dma_wait3A_221 = arith.constant 0 : i32
          %dma_wait3A_222 = arith.constant 0 : i32
          %dma_wait3A_223 = tpu.memref_slice %arg7[%arg1, %dma_wait3A_221, %dma_wait3A_222] : memref<16x320x64xi32, #tpu.memory_space<hbm>> -> memref<1x320x64xi32, #tpu.memory_space<hbm>>
          %dma_wait3A_224 = tpu.memref_squeeze %dma_wait3A_223 : memref<1x320x64xi32, #tpu.memory_space<hbm>> -> memref<320x64xi32, #tpu.memory_space<hbm>>
          %dma_wait3A_225 = arith.constant 0 : i32
          %dma_wait3A_226 = tpu.memref_slice %dma_wait3A_224[%mul3A_143, %dma_wait3A_225] : memref<320x64xi32, #tpu.memory_space<hbm>> -> memref<32x64xi32, #tpu.memory_space<hbm>>
          tpu.wait_dma2 semaphore(%run_scoped3A : memref<!tpu.dma_semaphore, #tpu.memory_space<semaphore_mem>>) src(%dma_wait3A_226 : memref<32x64xi32, #tpu.memory_space<hbm>>) dst(%arg15 : memref<32x64xi32, #tpu.memory_space<vmem>>)
          tpu.yield
        }) : () -> ()
        %dma_start3A = arith.constant 0 : i32
        %dma_start3A_144 = arith.constant 0 : i32
        %dma_start3A_145 = tpu.memref_slice %arg14[%dma_start3A, %dma_start3A_144] : memref<32x64xi32, #tpu.memory_space<vmem>> -> memref<1x64xi32, #tpu.memory_space<vmem>>
        %dma_start3A_146 = tpu.memref_squeeze %dma_start3A_145 : memref<1x64xi32, #tpu.memory_space<vmem>> -> memref<64xi32, #tpu.memory_space<vmem>>
        %dma_start3A_147 = arith.constant 0 : i32
        %dma_start3A_148 = arith.constant 0 : i32
        %dma_start3A_149 = tpu.memref_slice %arg2[%dma_start3A_147, %dma_start3A_148] : memref<10000x128xf32, #tpu.memory_space<hbm>> -> memref<10000x128xf32, #tpu.memory_space<hbm>>
        tpu.enqueue_indirect_dma source(%dma_start3A_149 : memref<10000x128xf32, #tpu.memory_space<hbm>>) target(%arg16 : memref<64x128xf32, #tpu.memory_space<vmem>>) offsets(%dma_start3A_146 : memref<64xi32, #tpu.memory_space<vmem>>) semaphore(%arg21 : memref<!tpu.dma_semaphore, #tpu.memory_space<semaphore_mem>>)
        %dma_start3A_150 = arith.constant 1 : i32
        %dma_start3A_151 = arith.constant 0 : i32
        %dma_start3A_152 = tpu.memref_slice %arg14[%dma_start3A_150, %dma_start3A_151] : memref<32x64xi32, #tpu.memory_space<vmem>> -> memref<1x64xi32, #tpu.memory_space<vmem>>
        %dma_start3A_153 = tpu.memref_squeeze %dma_start3A_152 : memref<1x64xi32, #tpu.memory_space<vmem>> -> memref<64xi32, #tpu.memory_space<vmem>>
        %dma_start3A_154 = arith.constant 0 : i32
        %dma_start3A_155 = arith.constant 0 : i32
        %dma_start3A_156 = tpu.memref_slice %arg2[%dma_start3A_154, %dma_start3A_155] : memref<10000x128xf32, #tpu.memory_space<hbm>> -> memref<10000x128xf32, #tpu.memory_space<hbm>>
        tpu.enqueue_indirect_dma source(%dma_start3A_156 : memref<10000x128xf32, #tpu.memory_space<hbm>>) target(%arg17 : memref<64x128xf32, #tpu.memory_space<vmem>>) offsets(%dma_start3A_153 : memref<64xi32, #tpu.memory_space<vmem>>) semaphore(%arg22 : memref<!tpu.dma_semaphore, #tpu.memory_space<semaphore_mem>>)
        %dma_start3A_157 = arith.constant 2 : i32
        %dma_start3A_158 = arith.constant 0 : i32
        %dma_start3A_159 = tpu.memref_slice %arg14[%dma_start3A_157, %dma_start3A_158] : memref<32x64xi32, #tpu.memory_space<vmem>> -> memref<1x64xi32, #tpu.memory_space<vmem>>
        %dma_start3A_160 = tpu.memref_squeeze %dma_start3A_159 : memref<1x64xi32, #tpu.memory_space<vmem>> -> memref<64xi32, #tpu.memory_space<vmem>>
        %dma_start3A_161 = arith.constant 0 : i32
        %dma_start3A_162 = arith.constant 0 : i32
        %dma_start3A_163 = tpu.memref_slice %arg2[%dma_start3A_161, %dma_start3A_162] : memref<10000x128xf32, #tpu.memory_space<hbm>> -> memref<10000x128xf32, #tpu.memory_space<hbm>>
        tpu.enqueue_indirect_dma source(%dma_start3A_163 : memref<10000x128xf32, #tpu.memory_space<hbm>>) target(%arg18 : memref<64x128xf32, #tpu.memory_space<vmem>>) offsets(%dma_start3A_160 : memref<64xi32, #tpu.memory_space<vmem>>) semaphore(%arg23 : memref<!tpu.dma_semaphore, #tpu.memory_space<semaphore_mem>>)
        %dma_start3A_164 = arith.constant 3 : i32
        %dma_start3A_165 = arith.constant 0 : i32
        %dma_start3A_166 = tpu.memref_slice %arg14[%dma_start3A_164, %dma_start3A_165] : memref<32x64xi32, #tpu.memory_space<vmem>> -> memref<1x64xi32, #tpu.memory_space<vmem>>
        %dma_start3A_167 = tpu.memref_squeeze %dma_start3A_166 : memref<1x64xi32, #tpu.memory_space<vmem>> -> memref<64xi32, #tpu.memory_space<vmem>>
        %dma_start3A_168 = arith.constant 0 : i32
        %dma_start3A_169 = arith.constant 0 : i32
        %dma_start3A_170 = tpu.memref_slice %arg2[%dma_start3A_168, %dma_start3A_169] : memref<10000x128xf32, #tpu.memory_space<hbm>> -> memref<10000x128xf32, #tpu.memory_space<hbm>>
        tpu.enqueue_indirect_dma source(%dma_start3A_170 : memref<10000x128xf32, #tpu.memory_space<hbm>>) target(%arg19 : memref<64x128xf32, #tpu.memory_space<vmem>>) offsets(%dma_start3A_167 : memref<64xi32, #tpu.memory_space<vmem>>) semaphore(%arg24 : memref<!tpu.dma_semaphore, #tpu.memory_space<semaphore_mem>>)
        %scan3A_171 = arith.constant 0 : i32
        %scan3A_172 = arith.constant 8 : i32
        %scan3A_173 = arith.addi %scan3A_171, %scan3A_172 : i32
        %scan3A_174 = arith.constant 1 : i32
        scf.for %scan3A_203 = %scan3A_171 to %scan3A_173 step %scan3A_174  : i32 {
          %mul3A_204 = arith.constant 4 : i32
          %mul3A_205 = arith.muli %scan3A_203, %mul3A_204 : i32
          %add3A_206 = arith.constant 0 : i32
          %add3A_207 = arith.addi %mul3A_205, %add3A_206 : i32
          %dma_wait3A_208 = arith.constant 0 : i32
          %dma_wait3A_209 = tpu.memref_slice %arg14[%add3A_207, %dma_wait3A_208] : memref<32x64xi32, #tpu.memory_space<vmem>> -> memref<1x64xi32, #tpu.memory_space<vmem>>
          %dma_wait3A_210 = tpu.memref_squeeze %dma_wait3A_209 : memref<1x64xi32, #tpu.memory_space<vmem>> -> memref<64xi32, #tpu.memory_space<vmem>>
          %dma_wait3A_211 = arith.constant 0 : i32
          %dma_wait3A_212 = arith.constant 0 : i32
          %dma_wait3A_213 = tpu.memref_slice %arg2[%dma_wait3A_211, %dma_wait3A_212] : memref<10000x128xf32, #tpu.memory_space<hbm>> -> memref<10000x128xf32, #tpu.memory_space<hbm>>
          tpu.wait_indirect_dma semaphore(%arg21 : memref<!tpu.dma_semaphore, #tpu.memory_space<semaphore_mem>>) src(%dma_wait3A_213 : memref<10000x128xf32, #tpu.memory_space<hbm>>) dst(%arg16 : memref<64x128xf32, #tpu.memory_space<vmem>>)
          %dma_start3A_214 = arith.constant 0 : i32
          %dma_start3A_215 = tpu.memref_slice %arg15[%add3A_207, %dma_start3A_214] : memref<32x64xi32, #tpu.memory_space<vmem>> -> memref<1x64xi32, #tpu.memory_space<vmem>>
          %dma_start3A_216 = tpu.memref_squeeze %dma_start3A_215 : memref<1x64xi32, #tpu.memory_space<vmem>> -> memref<64xi32, #tpu.memory_space<vmem>>
          %dma_start3A_217 = arith.constant 0 : i32
          %dma_start3A_218 = arith.constant 0 : i32
          %dma_start3A_219 = tpu.memref_slice %arg20[%dma_start3A_217, %dma_start3A_218] : memref<10240x128xf32, #tpu.memory_space<vmem_shared>> -> memref<10240x128xf32, #tpu.memory_space<vmem_shared>>
          tpu.enqueue_indirect_dma source(%arg16 : memref<64x128xf32, #tpu.memory_space<vmem>>) target(%dma_start3A_219 : memref<10240x128xf32, #tpu.memory_space<vmem_shared>>) offsets(%dma_start3A_216 : memref<64xi32, #tpu.memory_space<vmem>>) semaphore(%arg25 : memref<!tpu.dma_semaphore, #tpu.memory_space<semaphore_mem>>) {add = true}
          %lt3A = arith.constant 7 : i32
          %lt3A_220 = arith.cmpi slt, %scan3A_203, %lt3A : i32
          %convert_element_type3A_221 = arith.extui %lt3A_220 : i1 to i32
          %cond3A_222 = arith.constant 0 : i32
          %cond3A_223 = arith.cmpi ne, %convert_element_type3A_221, %cond3A_222 : i32
          scf.if %cond3A_223 {
            %dma_wait3A_287 = arith.constant 0 : i32
            %dma_wait3A_288 = tpu.memref_slice %arg15[%add3A_207, %dma_wait3A_287] : memref<32x64xi32, #tpu.memory_space<vmem>> -> memref<1x64xi32, #tpu.memory_space<vmem>>
            %dma_wait3A_289 = tpu.memref_squeeze %dma_wait3A_288 : memref<1x64xi32, #tpu.memory_space<vmem>> -> memref<64xi32, #tpu.memory_space<vmem>>
            %dma_wait3A_290 = arith.constant 0 : i32
            %dma_wait3A_291 = arith.constant 0 : i32
            %dma_wait3A_292 = tpu.memref_slice %arg20[%dma_wait3A_290, %dma_wait3A_291] : memref<10240x128xf32, #tpu.memory_space<vmem_shared>> -> memref<10240x128xf32, #tpu.memory_space<vmem_shared>>
            tpu.wait_indirect_dma semaphore(%arg25 : memref<!tpu.dma_semaphore, #tpu.memory_space<semaphore_mem>>) src(%arg16 : memref<64x128xf32, #tpu.memory_space<vmem>>) dst(%dma_wait3A_292 : memref<10240x128xf32, #tpu.memory_space<vmem_shared>>)
            %add3A_293 = arith.constant 4 : i32
            %add3A_294 = arith.addi %add3A_207, %add3A_293 : i32
            %dma_start3A_295 = arith.constant 0 : i32
            %dma_start3A_296 = tpu.memref_slice %arg14[%add3A_294, %dma_start3A_295] : memref<32x64xi32, #tpu.memory_space<vmem>> -> memref<1x64xi32, #tpu.memory_space<vmem>>
            %dma_start3A_297 = tpu.memref_squeeze %dma_start3A_296 : memref<1x64xi32, #tpu.memory_space<vmem>> -> memref<64xi32, #tpu.memory_space<vmem>>
            %dma_start3A_298 = arith.constant 0 : i32
            %dma_start3A_299 = arith.constant 0 : i32
            %dma_start3A_300 = tpu.memref_slice %arg2[%dma_start3A_298, %dma_start3A_299] : memref<10000x128xf32, #tpu.memory_space<hbm>> -> memref<10000x128xf32, #tpu.memory_space<hbm>>
            tpu.enqueue_indirect_dma source(%dma_start3A_300 : memref<10000x128xf32, #tpu.memory_space<hbm>>) target(%arg16 : memref<64x128xf32, #tpu.memory_space<vmem>>) offsets(%dma_start3A_297 : memref<64xi32, #tpu.memory_space<vmem>>) semaphore(%arg21 : memref<!tpu.dma_semaphore, #tpu.memory_space<semaphore_mem>>)
          } else {
          }
          %mul3A_224 = arith.constant 4 : i32
          %mul3A_225 = arith.muli %scan3A_203, %mul3A_224 : i32
          %add3A_226 = arith.constant 1 : i32
          %add3A_227 = arith.addi %mul3A_225, %add3A_226 : i32
          %dma_wait3A_228 = arith.constant 0 : i32
          %dma_wait3A_229 = tpu.memref_slice %arg14[%add3A_227, %dma_wait3A_228] : memref<32x64xi32, #tpu.memory_space<vmem>> -> memref<1x64xi32, #tpu.memory_space<vmem>>
          %dma_wait3A_230 = tpu.memref_squeeze %dma_wait3A_229 : memref<1x64xi32, #tpu.memory_space<vmem>> -> memref<64xi32, #tpu.memory_space<vmem>>
          %dma_wait3A_231 = arith.constant 0 : i32
          %dma_wait3A_232 = arith.constant 0 : i32
          %dma_wait3A_233 = tpu.memref_slice %arg2[%dma_wait3A_231, %dma_wait3A_232] : memref<10000x128xf32, #tpu.memory_space<hbm>> -> memref<10000x128xf32, #tpu.memory_space<hbm>>
          tpu.wait_indirect_dma semaphore(%arg22 : memref<!tpu.dma_semaphore, #tpu.memory_space<semaphore_mem>>) src(%dma_wait3A_233 : memref<10000x128xf32, #tpu.memory_space<hbm>>) dst(%arg17 : memref<64x128xf32, #tpu.memory_space<vmem>>)
          %dma_start3A_234 = arith.constant 0 : i32
          %dma_start3A_235 = tpu.memref_slice %arg15[%add3A_227, %dma_start3A_234] : memref<32x64xi32, #tpu.memory_space<vmem>> -> memref<1x64xi32, #tpu.memory_space<vmem>>
          %dma_start3A_236 = tpu.memref_squeeze %dma_start3A_235 : memref<1x64xi32, #tpu.memory_space<vmem>> -> memref<64xi32, #tpu.memory_space<vmem>>
          %dma_start3A_237 = arith.constant 0 : i32
          %dma_start3A_238 = arith.constant 0 : i32
          %dma_start3A_239 = tpu.memref_slice %arg20[%dma_start3A_237, %dma_start3A_238] : memref<10240x128xf32, #tpu.memory_space<vmem_shared>> -> memref<10240x128xf32, #tpu.memory_space<vmem_shared>>
          tpu.enqueue_indirect_dma source(%arg17 : memref<64x128xf32, #tpu.memory_space<vmem>>) target(%dma_start3A_239 : memref<10240x128xf32, #tpu.memory_space<vmem_shared>>) offsets(%dma_start3A_236 : memref<64xi32, #tpu.memory_space<vmem>>) semaphore(%arg26 : memref<!tpu.dma_semaphore, #tpu.memory_space<semaphore_mem>>) {add = true}
          %lt3A_240 = arith.constant 7 : i32
          %lt3A_241 = arith.cmpi slt, %scan3A_203, %lt3A_240 : i32
          %convert_element_type3A_242 = arith.extui %lt3A_241 : i1 to i32
          %cond3A_243 = arith.constant 0 : i32
          %cond3A_244 = arith.cmpi ne, %convert_element_type3A_242, %cond3A_243 : i32
          scf.if %cond3A_244 {
            %dma_wait3A_287 = arith.constant 0 : i32
            %dma_wait3A_288 = tpu.memref_slice %arg15[%add3A_227, %dma_wait3A_287] : memref<32x64xi32, #tpu.memory_space<vmem>> -> memref<1x64xi32, #tpu.memory_space<vmem>>
            %dma_wait3A_289 = tpu.memref_squeeze %dma_wait3A_288 : memref<1x64xi32, #tpu.memory_space<vmem>> -> memref<64xi32, #tpu.memory_space<vmem>>
            %dma_wait3A_290 = arith.constant 0 : i32
            %dma_wait3A_291 = arith.constant 0 : i32
            %dma_wait3A_292 = tpu.memref_slice %arg20[%dma_wait3A_290, %dma_wait3A_291] : memref<10240x128xf32, #tpu.memory_space<vmem_shared>> -> memref<10240x128xf32, #tpu.memory_space<vmem_shared>>
            tpu.wait_indirect_dma semaphore(%arg26 : memref<!tpu.dma_semaphore, #tpu.memory_space<semaphore_mem>>) src(%arg17 : memref<64x128xf32, #tpu.memory_space<vmem>>) dst(%dma_wait3A_292 : memref<10240x128xf32, #tpu.memory_space<vmem_shared>>)
            %add3A_293 = arith.constant 4 : i32
            %add3A_294 = arith.addi %add3A_227, %add3A_293 : i32
            %dma_start3A_295 = arith.constant 0 : i32
            %dma_start3A_296 = tpu.memref_slice %arg14[%add3A_294, %dma_start3A_295] : memref<32x64xi32, #tpu.memory_space<vmem>> -> memref<1x64xi32, #tpu.memory_space<vmem>>
            %dma_start3A_297 = tpu.memref_squeeze %dma_start3A_296 : memref<1x64xi32, #tpu.memory_space<vmem>> -> memref<64xi32, #tpu.memory_space<vmem>>
            %dma_start3A_298 = arith.constant 0 : i32
            %dma_start3A_299 = arith.constant 0 : i32
            %dma_start3A_300 = tpu.memref_slice %arg2[%dma_start3A_298, %dma_start3A_299] : memref<10000x128xf32, #tpu.memory_space<hbm>> -> memref<10000x128xf32, #tpu.memory_space<hbm>>
            tpu.enqueue_indirect_dma source(%dma_start3A_300 : memref<10000x128xf32, #tpu.memory_space<hbm>>) target(%arg17 : memref<64x128xf32, #tpu.memory_space<vmem>>) offsets(%dma_start3A_297 : memref<64xi32, #tpu.memory_space<vmem>>) semaphore(%arg22 : memref<!tpu.dma_semaphore, #tpu.memory_space<semaphore_mem>>)
          } else {
          }
          %mul3A_245 = arith.constant 4 : i32
          %mul3A_246 = arith.muli %scan3A_203, %mul3A_245 : i32
          %add3A_247 = arith.constant 2 : i32
          %add3A_248 = arith.addi %mul3A_246, %add3A_247 : i32
          %dma_wait3A_249 = arith.constant 0 : i32
          %dma_wait3A_250 = tpu.memref_slice %arg14[%add3A_248, %dma_wait3A_249] : memref<32x64xi32, #tpu.memory_space<vmem>> -> memref<1x64xi32, #tpu.memory_space<vmem>>
          %dma_wait3A_251 = tpu.memref_squeeze %dma_wait3A_250 : memref<1x64xi32, #tpu.memory_space<vmem>> -> memref<64xi32, #tpu.memory_space<vmem>>
          %dma_wait3A_252 = arith.constant 0 : i32
          %dma_wait3A_253 = arith.constant 0 : i32
          %dma_wait3A_254 = tpu.memref_slice %arg2[%dma_wait3A_252, %dma_wait3A_253] : memref<10000x128xf32, #tpu.memory_space<hbm>> -> memref<10000x128xf32, #tpu.memory_space<hbm>>
          tpu.wait_indirect_dma semaphore(%arg23 : memref<!tpu.dma_semaphore, #tpu.memory_space<semaphore_mem>>) src(%dma_wait3A_254 : memref<10000x128xf32, #tpu.memory_space<hbm>>) dst(%arg18 : memref<64x128xf32, #tpu.memory_space<vmem>>)
          %dma_start3A_255 = arith.constant 0 : i32
          %dma_start3A_256 = tpu.memref_slice %arg15[%add3A_248, %dma_start3A_255] : memref<32x64xi32, #tpu.memory_space<vmem>> -> memref<1x64xi32, #tpu.memory_space<vmem>>
          %dma_start3A_257 = tpu.memref_squeeze %dma_start3A_256 : memref<1x64xi32, #tpu.memory_space<vmem>> -> memref<64xi32, #tpu.memory_space<vmem>>
          %dma_start3A_258 = arith.constant 0 : i32
          %dma_start3A_259 = arith.constant 0 : i32
          %dma_start3A_260 = tpu.memref_slice %arg20[%dma_start3A_258, %dma_start3A_259] : memref<10240x128xf32, #tpu.memory_space<vmem_shared>> -> memref<10240x128xf32, #tpu.memory_space<vmem_shared>>
          tpu.enqueue_indirect_dma source(%arg18 : memref<64x128xf32, #tpu.memory_space<vmem>>) target(%dma_start3A_260 : memref<10240x128xf32, #tpu.memory_space<vmem_shared>>) offsets(%dma_start3A_257 : memref<64xi32, #tpu.memory_space<vmem>>) semaphore(%arg27 : memref<!tpu.dma_semaphore, #tpu.memory_space<semaphore_mem>>) {add = true}
          %lt3A_261 = arith.constant 7 : i32
          %lt3A_262 = arith.cmpi slt, %scan3A_203, %lt3A_261 : i32
          %convert_element_type3A_263 = arith.extui %lt3A_262 : i1 to i32
          %cond3A_264 = arith.constant 0 : i32
          %cond3A_265 = arith.cmpi ne, %convert_element_type3A_263, %cond3A_264 : i32
          scf.if %cond3A_265 {
            %dma_wait3A_287 = arith.constant 0 : i32
            %dma_wait3A_288 = tpu.memref_slice %arg15[%add3A_248, %dma_wait3A_287] : memref<32x64xi32, #tpu.memory_space<vmem>> -> memref<1x64xi32, #tpu.memory_space<vmem>>
            %dma_wait3A_289 = tpu.memref_squeeze %dma_wait3A_288 : memref<1x64xi32, #tpu.memory_space<vmem>> -> memref<64xi32, #tpu.memory_space<vmem>>
            %dma_wait3A_290 = arith.constant 0 : i32
            %dma_wait3A_291 = arith.constant 0 : i32
            %dma_wait3A_292 = tpu.memref_slice %arg20[%dma_wait3A_290, %dma_wait3A_291] : memref<10240x128xf32, #tpu.memory_space<vmem_shared>> -> memref<10240x128xf32, #tpu.memory_space<vmem_shared>>
            tpu.wait_indirect_dma semaphore(%arg27 : memref<!tpu.dma_semaphore, #tpu.memory_space<semaphore_mem>>) src(%arg18 : memref<64x128xf32, #tpu.memory_space<vmem>>) dst(%dma_wait3A_292 : memref<10240x128xf32, #tpu.memory_space<vmem_shared>>)
            %add3A_293 = arith.constant 4 : i32
            %add3A_294 = arith.addi %add3A_248, %add3A_293 : i32
            %dma_start3A_295 = arith.constant 0 : i32
            %dma_start3A_296 = tpu.memref_slice %arg14[%add3A_294, %dma_start3A_295] : memref<32x64xi32, #tpu.memory_space<vmem>> -> memref<1x64xi32, #tpu.memory_space<vmem>>
            %dma_start3A_297 = tpu.memref_squeeze %dma_start3A_296 : memref<1x64xi32, #tpu.memory_space<vmem>> -> memref<64xi32, #tpu.memory_space<vmem>>
            %dma_start3A_298 = arith.constant 0 : i32
            %dma_start3A_299 = arith.constant 0 : i32
            %dma_start3A_300 = tpu.memref_slice %arg2[%dma_start3A_298, %dma_start3A_299] : memref<10000x128xf32, #tpu.memory_space<hbm>> -> memref<10000x128xf32, #tpu.memory_space<hbm>>
            tpu.enqueue_indirect_dma source(%dma_start3A_300 : memref<10000x128xf32, #tpu.memory_space<hbm>>) target(%arg18 : memref<64x128xf32, #tpu.memory_space<vmem>>) offsets(%dma_start3A_297 : memref<64xi32, #tpu.memory_space<vmem>>) semaphore(%arg23 : memref<!tpu.dma_semaphore, #tpu.memory_space<semaphore_mem>>)
          } else {
          }
          %mul3A_266 = arith.constant 4 : i32
          %mul3A_267 = arith.muli %scan3A_203, %mul3A_266 : i32
          %add3A_268 = arith.constant 3 : i32
          %add3A_269 = arith.addi %mul3A_267, %add3A_268 : i32
          %dma_wait3A_270 = arith.constant 0 : i32
          %dma_wait3A_271 = tpu.memref_slice %arg14[%add3A_269, %dma_wait3A_270] : memref<32x64xi32, #tpu.memory_space<vmem>> -> memref<1x64xi32, #tpu.memory_space<vmem>>
          %dma_wait3A_272 = tpu.memref_squeeze %dma_wait3A_271 : memref<1x64xi32, #tpu.memory_space<vmem>> -> memref<64xi32, #tpu.memory_space<vmem>>
          %dma_wait3A_273 = arith.constant 0 : i32
          %dma_wait3A_274 = arith.constant 0 : i32
          %dma_wait3A_275 = tpu.memref_slice %arg2[%dma_wait3A_273, %dma_wait3A_274] : memref<10000x128xf32, #tpu.memory_space<hbm>> -> memref<10000x128xf32, #tpu.memory_space<hbm>>
          tpu.wait_indirect_dma semaphore(%arg24 : memref<!tpu.dma_semaphore, #tpu.memory_space<semaphore_mem>>) src(%dma_wait3A_275 : memref<10000x128xf32, #tpu.memory_space<hbm>>) dst(%arg19 : memref<64x128xf32, #tpu.memory_space<vmem>>)
          %dma_start3A_276 = arith.constant 0 : i32
          %dma_start3A_277 = tpu.memref_slice %arg15[%add3A_269, %dma_start3A_276] : memref<32x64xi32, #tpu.memory_space<vmem>> -> memref<1x64xi32, #tpu.memory_space<vmem>>
          %dma_start3A_278 = tpu.memref_squeeze %dma_start3A_277 : memref<1x64xi32, #tpu.memory_space<vmem>> -> memref<64xi32, #tpu.memory_space<vmem>>
          %dma_start3A_279 = arith.constant 0 : i32
          %dma_start3A_280 = arith.constant 0 : i32
          %dma_start3A_281 = tpu.memref_slice %arg20[%dma_start3A_279, %dma_start3A_280] : memref<10240x128xf32, #tpu.memory_space<vmem_shared>> -> memref<10240x128xf32, #tpu.memory_space<vmem_shared>>
          tpu.enqueue_indirect_dma source(%arg19 : memref<64x128xf32, #tpu.memory_space<vmem>>) target(%dma_start3A_281 : memref<10240x128xf32, #tpu.memory_space<vmem_shared>>) offsets(%dma_start3A_278 : memref<64xi32, #tpu.memory_space<vmem>>) semaphore(%arg28 : memref<!tpu.dma_semaphore, #tpu.memory_space<semaphore_mem>>) {add = true}
          %lt3A_282 = arith.constant 7 : i32
          %lt3A_283 = arith.cmpi slt, %scan3A_203, %lt3A_282 : i32
          %convert_element_type3A_284 = arith.extui %lt3A_283 : i1 to i32
          %cond3A_285 = arith.constant 0 : i32
          %cond3A_286 = arith.cmpi ne, %convert_element_type3A_284, %cond3A_285 : i32
          scf.if %cond3A_286 {
            %dma_wait3A_287 = arith.constant 0 : i32
            %dma_wait3A_288 = tpu.memref_slice %arg15[%add3A_269, %dma_wait3A_287] : memref<32x64xi32, #tpu.memory_space<vmem>> -> memref<1x64xi32, #tpu.memory_space<vmem>>
            %dma_wait3A_289 = tpu.memref_squeeze %dma_wait3A_288 : memref<1x64xi32, #tpu.memory_space<vmem>> -> memref<64xi32, #tpu.memory_space<vmem>>
            %dma_wait3A_290 = arith.constant 0 : i32
            %dma_wait3A_291 = arith.constant 0 : i32
            %dma_wait3A_292 = tpu.memref_slice %arg20[%dma_wait3A_290, %dma_wait3A_291] : memref<10240x128xf32, #tpu.memory_space<vmem_shared>> -> memref<10240x128xf32, #tpu.memory_space<vmem_shared>>
            tpu.wait_indirect_dma semaphore(%arg28 : memref<!tpu.dma_semaphore, #tpu.memory_space<semaphore_mem>>) src(%arg19 : memref<64x128xf32, #tpu.memory_space<vmem>>) dst(%dma_wait3A_292 : memref<10240x128xf32, #tpu.memory_space<vmem_shared>>)
            %add3A_293 = arith.constant 4 : i32
            %add3A_294 = arith.addi %add3A_269, %add3A_293 : i32
            %dma_start3A_295 = arith.constant 0 : i32
            %dma_start3A_296 = tpu.memref_slice %arg14[%add3A_294, %dma_start3A_295] : memref<32x64xi32, #tpu.memory_space<vmem>> -> memref<1x64xi32, #tpu.memory_space<vmem>>
            %dma_start3A_297 = tpu.memref_squeeze %dma_start3A_296 : memref<1x64xi32, #tpu.memory_space<vmem>> -> memref<64xi32, #tpu.memory_space<vmem>>
            %dma_start3A_298 = arith.constant 0 : i32
            %dma_start3A_299 = arith.constant 0 : i32
            %dma_start3A_300 = tpu.memref_slice %arg2[%dma_start3A_298, %dma_start3A_299] : memref<10000x128xf32, #tpu.memory_space<hbm>> -> memref<10000x128xf32, #tpu.memory_space<hbm>>
            tpu.enqueue_indirect_dma source(%dma_start3A_300 : memref<10000x128xf32, #tpu.memory_space<hbm>>) target(%arg19 : memref<64x128xf32, #tpu.memory_space<vmem>>) offsets(%dma_start3A_297 : memref<64xi32, #tpu.memory_space<vmem>>) semaphore(%arg24 : memref<!tpu.dma_semaphore, #tpu.memory_space<semaphore_mem>>)
          } else {
          }
        }
        %scan3A_175 = arith.constant 8 : i32
        %dma_wait3A = arith.constant 28 : i32
        %dma_wait3A_176 = arith.constant 0 : i32
        %dma_wait3A_177 = tpu.memref_slice %arg15[%dma_wait3A, %dma_wait3A_176] : memref<32x64xi32, #tpu.memory_space<vmem>> -> memref<1x64xi32, #tpu.memory_space<vmem>>
        %dma_wait3A_178 = tpu.memref_squeeze %dma_wait3A_177 : memref<1x64xi32, #tpu.memory_space<vmem>> -> memref<64xi32, #tpu.memory_space<vmem>>
        %dma_wait3A_179 = arith.constant 0 : i32
        %dma_wait3A_180 = arith.constant 0 : i32
        %dma_wait3A_181 = tpu.memref_slice %arg20[%dma_wait3A_179, %dma_wait3A_180] : memref<10240x128xf32, #tpu.memory_space<vmem_shared>> -> memref<10240x128xf32, #tpu.memory_space<vmem_shared>>
        tpu.wait_indirect_dma semaphore(%arg25 : memref<!tpu.dma_semaphore, #tpu.memory_space<semaphore_mem>>) src(%arg16 : memref<64x128xf32, #tpu.memory_space<vmem>>) dst(%dma_wait3A_181 : memref<10240x128xf32, #tpu.memory_space<vmem_shared>>)
        %dma_wait3A_182 = arith.constant 29 : i32
        %dma_wait3A_183 = arith.constant 0 : i32
        %dma_wait3A_184 = tpu.memref_slice %arg15[%dma_wait3A_182, %dma_wait3A_183] : memref<32x64xi32, #tpu.memory_space<vmem>> -> memref<1x64xi32, #tpu.memory_space<vmem>>
        %dma_wait3A_185 = tpu.memref_squeeze %dma_wait3A_184 : memref<1x64xi32, #tpu.memory_space<vmem>> -> memref<64xi32, #tpu.memory_space<vmem>>
        %dma_wait3A_186 = arith.constant 0 : i32
        %dma_wait3A_187 = arith.constant 0 : i32
        %dma_wait3A_188 = tpu.memref_slice %arg20[%dma_wait3A_186, %dma_wait3A_187] : memref<10240x128xf32, #tpu.memory_space<vmem_shared>> -> memref<10240x128xf32, #tpu.memory_space<vmem_shared>>
        tpu.wait_indirect_dma semaphore(%arg26 : memref<!tpu.dma_semaphore, #tpu.memory_space<semaphore_mem>>) src(%arg17 : memref<64x128xf32, #tpu.memory_space<vmem>>) dst(%dma_wait3A_188 : memref<10240x128xf32, #tpu.memory_space<vmem_shared>>)
        %dma_wait3A_189 = arith.constant 30 : i32
        %dma_wait3A_190 = arith.constant 0 : i32
        %dma_wait3A_191 = tpu.memref_slice %arg15[%dma_wait3A_189, %dma_wait3A_190] : memref<32x64xi32, #tpu.memory_space<vmem>> -> memref<1x64xi32, #tpu.memory_space<vmem>>
        %dma_wait3A_192 = tpu.memref_squeeze %dma_wait3A_191 : memref<1x64xi32, #tpu.memory_space<vmem>> -> memref<64xi32, #tpu.memory_space<vmem>>
        %dma_wait3A_193 = arith.constant 0 : i32
        %dma_wait3A_194 = arith.constant 0 : i32
        %dma_wait3A_195 = tpu.memref_slice %arg20[%dma_wait3A_193, %dma_wait3A_194] : memref<10240x128xf32, #tpu.memory_space<vmem_shared>> -> memref<10240x128xf32, #tpu.memory_space<vmem_shared>>
        tpu.wait_indirect_dma semaphore(%arg27 : memref<!tpu.dma_semaphore, #tpu.memory_space<semaphore_mem>>) src(%arg18 : memref<64x128xf32, #tpu.memory_space<vmem>>) dst(%dma_wait3A_195 : memref<10240x128xf32, #tpu.memory_space<vmem_shared>>)
        %dma_wait3A_196 = arith.constant 31 : i32
        %dma_wait3A_197 = arith.constant 0 : i32
        %dma_wait3A_198 = tpu.memref_slice %arg15[%dma_wait3A_196, %dma_wait3A_197] : memref<32x64xi32, #tpu.memory_space<vmem>> -> memref<1x64xi32, #tpu.memory_space<vmem>>
        %dma_wait3A_199 = tpu.memref_squeeze %dma_wait3A_198 : memref<1x64xi32, #tpu.memory_space<vmem>> -> memref<64xi32, #tpu.memory_space<vmem>>
        %dma_wait3A_200 = arith.constant 0 : i32
        %dma_wait3A_201 = arith.constant 0 : i32
        %dma_wait3A_202 = tpu.memref_slice %arg20[%dma_wait3A_200, %dma_wait3A_201] : memref<10240x128xf32, #tpu.memory_space<vmem_shared>> -> memref<10240x128xf32, #tpu.memory_space<vmem_shared>>
        tpu.wait_indirect_dma semaphore(%arg28 : memref<!tpu.dma_semaphore, #tpu.memory_space<semaphore_mem>>) src(%arg19 : memref<64x128xf32, #tpu.memory_space<vmem>>) dst(%dma_wait3A_202 : memref<10240x128xf32, #tpu.memory_space<vmem_shared>>)
      }
      %scan3A_138 = arith.constant 10 : i32
    } else {
    }
    %ne3A = arith.constant 0 : i32
    %ne3A_46 = arith.cmpi ne, %arg0, %ne3A : i32
    %convert_element_type3A_47 = arith.extui %ne3A_46 : i1 to i32
    %cond3A_48 = arith.constant 0 : i32
    %cond3A_49 = arith.cmpi ne, %convert_element_type3A_47, %cond3A_48 : i32
    scf.if %cond3A_49 {
      %scan3A_133 = arith.constant 0 : i32
      %scan3A_134 = arith.constant 0 : i32
      %scan3A_135 = arith.constant 10 : i32
      %scan3A_136 = arith.addi %scan3A_134, %scan3A_135 : i32
      %scan3A_137 = arith.constant 1 : i32
      scf.for %scan3A_139 = %scan3A_134 to %scan3A_136 step %scan3A_137  : i32 {
        %mul3A_140 = arith.constant 32 : i32
        %mul3A_141 = arith.muli %scan3A_139, %mul3A_140 : i32
        "tpu.region"() ({
          %run_scoped3A = tpu.sem_alloc : memref<!tpu.dma_semaphore, #tpu.memory_space<semaphore_mem>>
          %dma_start3A_203 = arith.constant 0 : i32
          %dma_start3A_204 = arith.constant 0 : i32
          %dma_start3A_205 = tpu.memref_slice %arg6[%arg1, %dma_start3A_203, %dma_start3A_204] : memref<16x320x64xi32, #tpu.memory_space<hbm>> -> memref<1x320x64xi32, #tpu.memory_space<hbm>>
          %dma_start3A_206 = tpu.memref_squeeze %dma_start3A_205 : memref<1x320x64xi32, #tpu.memory_space<hbm>> -> memref<320x64xi32, #tpu.memory_space<hbm>>
          %dma_start3A_207 = arith.constant 0 : i32
          %dma_start3A_208 = tpu.memref_slice %dma_start3A_206[%mul3A_141, %dma_start3A_207] : memref<320x64xi32, #tpu.memory_space<hbm>> -> memref<32x64xi32, #tpu.memory_space<hbm>>
          %dma_start3A_209 = arith.constant 0 : i32
          %dma_start3A_210 = arith.constant 0 : i32
          %dma_start3A_211 = tpu.memref_slice %arg6[%arg1, %dma_start3A_209, %dma_start3A_210] : memref<16x320x64xi32, #tpu.memory_space<hbm>> -> memref<1x320x64xi32, #tpu.memory_space<hbm>>
          %dma_start3A_212 = tpu.memref_squeeze %dma_start3A_211 : memref<1x320x64xi32, #tpu.memory_space<hbm>> -> memref<320x64xi32, #tpu.memory_space<hbm>>
          %dma_start3A_213 = arith.constant 0 : i32
          %dma_start3A_214 = tpu.memref_slice %dma_start3A_212[%mul3A_141, %dma_start3A_213] : memref<320x64xi32, #tpu.memory_space<hbm>> -> memref<32x64xi32, #tpu.memory_space<hbm>>
          tpu.enqueue_dma source(%dma_start3A_214 : memref<32x64xi32, #tpu.memory_space<hbm>>) target(%arg14 : memref<32x64xi32, #tpu.memory_space<vmem>>) target_semaphore(%run_scoped3A : memref<!tpu.dma_semaphore, #tpu.memory_space<semaphore_mem>>)
          %dma_wait3A_215 = arith.constant 0 : i32
          %dma_wait3A_216 = arith.constant 0 : i32
          %dma_wait3A_217 = tpu.memref_slice %arg6[%arg1, %dma_wait3A_215, %dma_wait3A_216] : memref<16x320x64xi32, #tpu.memory_space<hbm>> -> memref<1x320x64xi32, #tpu.memory_space<hbm>>
          %dma_wait3A_218 = tpu.memref_squeeze %dma_wait3A_217 : memref<1x320x64xi32, #tpu.memory_space<hbm>> -> memref<320x64xi32, #tpu.memory_space<hbm>>
          %dma_wait3A_219 = arith.constant 0 : i32
          %dma_wait3A_220 = tpu.memref_slice %dma_wait3A_218[%mul3A_141, %dma_wait3A_219] : memref<320x64xi32, #tpu.memory_space<hbm>> -> memref<32x64xi32, #tpu.memory_space<hbm>>
          %dma_wait3A_221 = arith.constant 0 : i32
          %dma_wait3A_222 = arith.constant 0 : i32
          %dma_wait3A_223 = tpu.memref_slice %arg6[%arg1, %dma_wait3A_221, %dma_wait3A_222] : memref<16x320x64xi32, #tpu.memory_space<hbm>> -> memref<1x320x64xi32, #tpu.memory_space<hbm>>
          %dma_wait3A_224 = tpu.memref_squeeze %dma_wait3A_223 : memref<1x320x64xi32, #tpu.memory_space<hbm>> -> memref<320x64xi32, #tpu.memory_space<hbm>>
          %dma_wait3A_225 = arith.constant 0 : i32
          %dma_wait3A_226 = tpu.memref_slice %dma_wait3A_224[%mul3A_141, %dma_wait3A_225] : memref<320x64xi32, #tpu.memory_space<hbm>> -> memref<32x64xi32, #tpu.memory_space<hbm>>
          tpu.wait_dma2 semaphore(%run_scoped3A : memref<!tpu.dma_semaphore, #tpu.memory_space<semaphore_mem>>) src(%dma_wait3A_226 : memref<32x64xi32, #tpu.memory_space<hbm>>) dst(%arg14 : memref<32x64xi32, #tpu.memory_space<vmem>>)
          tpu.yield
        }) : () -> ()
        %mul3A_142 = arith.constant 32 : i32
        %mul3A_143 = arith.muli %scan3A_139, %mul3A_142 : i32
        "tpu.region"() ({
          %run_scoped3A = tpu.sem_alloc : memref<!tpu.dma_semaphore, #tpu.memory_space<semaphore_mem>>
          %dma_start3A_203 = arith.constant 0 : i32
          %dma_start3A_204 = arith.constant 0 : i32
          %dma_start3A_205 = tpu.memref_slice %arg7[%arg1, %dma_start3A_203, %dma_start3A_204] : memref<16x320x64xi32, #tpu.memory_space<hbm>> -> memref<1x320x64xi32, #tpu.memory_space<hbm>>
          %dma_start3A_206 = tpu.memref_squeeze %dma_start3A_205 : memref<1x320x64xi32, #tpu.memory_space<hbm>> -> memref<320x64xi32, #tpu.memory_space<hbm>>
          %dma_start3A_207 = arith.constant 0 : i32
          %dma_start3A_208 = tpu.memref_slice %dma_start3A_206[%mul3A_143, %dma_start3A_207] : memref<320x64xi32, #tpu.memory_space<hbm>> -> memref<32x64xi32, #tpu.memory_space<hbm>>
          %dma_start3A_209 = arith.constant 0 : i32
          %dma_start3A_210 = arith.constant 0 : i32
          %dma_start3A_211 = tpu.memref_slice %arg7[%arg1, %dma_start3A_209, %dma_start3A_210] : memref<16x320x64xi32, #tpu.memory_space<hbm>> -> memref<1x320x64xi32, #tpu.memory_space<hbm>>
          %dma_start3A_212 = tpu.memref_squeeze %dma_start3A_211 : memref<1x320x64xi32, #tpu.memory_space<hbm>> -> memref<320x64xi32, #tpu.memory_space<hbm>>
          %dma_start3A_213 = arith.constant 0 : i32
          %dma_start3A_214 = tpu.memref_slice %dma_start3A_212[%mul3A_143, %dma_start3A_213] : memref<320x64xi32, #tpu.memory_space<hbm>> -> memref<32x64xi32, #tpu.memory_space<hbm>>
          tpu.enqueue_dma source(%dma_start3A_214 : memref<32x64xi32, #tpu.memory_space<hbm>>) target(%arg15 : memref<32x64xi32, #tpu.memory_space<vmem>>) target_semaphore(%run_scoped3A : memref<!tpu.dma_semaphore, #tpu.memory_space<semaphore_mem>>)
          %dma_wait3A_215 = arith.constant 0 : i32
          %dma_wait3A_216 = arith.constant 0 : i32
          %dma_wait3A_217 = tpu.memref_slice %arg7[%arg1, %dma_wait3A_215, %dma_wait3A_216] : memref<16x320x64xi32, #tpu.memory_space<hbm>> -> memref<1x320x64xi32, #tpu.memory_space<hbm>>
          %dma_wait3A_218 = tpu.memref_squeeze %dma_wait3A_217 : memref<1x320x64xi32, #tpu.memory_space<hbm>> -> memref<320x64xi32, #tpu.memory_space<hbm>>
          %dma_wait3A_219 = arith.constant 0 : i32
          %dma_wait3A_220 = tpu.memref_slice %dma_wait3A_218[%mul3A_143, %dma_wait3A_219] : memref<320x64xi32, #tpu.memory_space<hbm>> -> memref<32x64xi32, #tpu.memory_space<hbm>>
          %dma_wait3A_221 = arith.constant 0 : i32
          %dma_wait3A_222 = arith.constant 0 : i32
          %dma_wait3A_223 = tpu.memref_slice %arg7[%arg1, %dma_wait3A_221, %dma_wait3A_222] : memref<16x320x64xi32, #tpu.memory_space<hbm>> -> memref<1x320x64xi32, #tpu.memory_space<hbm>>
          %dma_wait3A_224 = tpu.memref_squeeze %dma_wait3A_223 : memref<1x320x64xi32, #tpu.memory_space<hbm>> -> memref<320x64xi32, #tpu.memory_space<hbm>>
          %dma_wait3A_225 = arith.constant 0 : i32
          %dma_wait3A_226 = tpu.memref_slice %dma_wait3A_224[%mul3A_143, %dma_wait3A_225] : memref<320x64xi32, #tpu.memory_space<hbm>> -> memref<32x64xi32, #tpu.memory_space<hbm>>
          tpu.wait_dma2 semaphore(%run_scoped3A : memref<!tpu.dma_semaphore, #tpu.memory_space<semaphore_mem>>) src(%dma_wait3A_226 : memref<32x64xi32, #tpu.memory_space<hbm>>) dst(%arg15 : memref<32x64xi32, #tpu.memory_space<vmem>>)
          tpu.yield
        }) : () -> ()
        %dma_start3A = arith.constant 0 : i32
        %dma_start3A_144 = arith.constant 0 : i32
        %dma_start3A_145 = tpu.memref_slice %arg14[%dma_start3A, %dma_start3A_144] : memref<32x64xi32, #tpu.memory_space<vmem>> -> memref<1x64xi32, #tpu.memory_space<vmem>>
        %dma_start3A_146 = tpu.memref_squeeze %dma_start3A_145 : memref<1x64xi32, #tpu.memory_space<vmem>> -> memref<64xi32, #tpu.memory_space<vmem>>
        %dma_start3A_147 = arith.constant 0 : i32
        %dma_start3A_148 = arith.constant 0 : i32
        %dma_start3A_149 = tpu.memref_slice %arg3[%dma_start3A_147, %dma_start3A_148] : memref<10000x128xf32, #tpu.memory_space<hbm>> -> memref<10000x128xf32, #tpu.memory_space<hbm>>
        tpu.enqueue_indirect_dma source(%dma_start3A_149 : memref<10000x128xf32, #tpu.memory_space<hbm>>) target(%arg16 : memref<64x128xf32, #tpu.memory_space<vmem>>) offsets(%dma_start3A_146 : memref<64xi32, #tpu.memory_space<vmem>>) semaphore(%arg21 : memref<!tpu.dma_semaphore, #tpu.memory_space<semaphore_mem>>)
        %dma_start3A_150 = arith.constant 1 : i32
        %dma_start3A_151 = arith.constant 0 : i32
        %dma_start3A_152 = tpu.memref_slice %arg14[%dma_start3A_150, %dma_start3A_151] : memref<32x64xi32, #tpu.memory_space<vmem>> -> memref<1x64xi32, #tpu.memory_space<vmem>>
        %dma_start3A_153 = tpu.memref_squeeze %dma_start3A_152 : memref<1x64xi32, #tpu.memory_space<vmem>> -> memref<64xi32, #tpu.memory_space<vmem>>
        %dma_start3A_154 = arith.constant 0 : i32
        %dma_start3A_155 = arith.constant 0 : i32
        %dma_start3A_156 = tpu.memref_slice %arg3[%dma_start3A_154, %dma_start3A_155] : memref<10000x128xf32, #tpu.memory_space<hbm>> -> memref<10000x128xf32, #tpu.memory_space<hbm>>
        tpu.enqueue_indirect_dma source(%dma_start3A_156 : memref<10000x128xf32, #tpu.memory_space<hbm>>) target(%arg17 : memref<64x128xf32, #tpu.memory_space<vmem>>) offsets(%dma_start3A_153 : memref<64xi32, #tpu.memory_space<vmem>>) semaphore(%arg22 : memref<!tpu.dma_semaphore, #tpu.memory_space<semaphore_mem>>)
        %dma_start3A_157 = arith.constant 2 : i32
        %dma_start3A_158 = arith.constant 0 : i32
        %dma_start3A_159 = tpu.memref_slice %arg14[%dma_start3A_157, %dma_start3A_158] : memref<32x64xi32, #tpu.memory_space<vmem>> -> memref<1x64xi32, #tpu.memory_space<vmem>>
        %dma_start3A_160 = tpu.memref_squeeze %dma_start3A_159 : memref<1x64xi32, #tpu.memory_space<vmem>> -> memref<64xi32, #tpu.memory_space<vmem>>
        %dma_start3A_161 = arith.constant 0 : i32
        %dma_start3A_162 = arith.constant 0 : i32
        %dma_start3A_163 = tpu.memref_slice %arg3[%dma_start3A_161, %dma_start3A_162] : memref<10000x128xf32, #tpu.memory_space<hbm>> -> memref<10000x128xf32, #tpu.memory_space<hbm>>
        tpu.enqueue_indirect_dma source(%dma_start3A_163 : memref<10000x128xf32, #tpu.memory_space<hbm>>) target(%arg18 : memref<64x128xf32, #tpu.memory_space<vmem>>) offsets(%dma_start3A_160 : memref<64xi32, #tpu.memory_space<vmem>>) semaphore(%arg23 : memref<!tpu.dma_semaphore, #tpu.memory_space<semaphore_mem>>)
        %dma_start3A_164 = arith.constant 3 : i32
        %dma_start3A_165 = arith.constant 0 : i32
        %dma_start3A_166 = tpu.memref_slice %arg14[%dma_start3A_164, %dma_start3A_165] : memref<32x64xi32, #tpu.memory_space<vmem>> -> memref<1x64xi32, #tpu.memory_space<vmem>>
        %dma_start3A_167 = tpu.memref_squeeze %dma_start3A_166 : memref<1x64xi32, #tpu.memory_space<vmem>> -> memref<64xi32, #tpu.memory_space<vmem>>
        %dma_start3A_168 = arith.constant 0 : i32
        %dma_start3A_169 = arith.constant 0 : i32
        %dma_start3A_170 = tpu.memref_slice %arg3[%dma_start3A_168, %dma_start3A_169] : memref<10000x128xf32, #tpu.memory_space<hbm>> -> memref<10000x128xf32, #tpu.memory_space<hbm>>
        tpu.enqueue_indirect_dma source(%dma_start3A_170 : memref<10000x128xf32, #tpu.memory_space<hbm>>) target(%arg19 : memref<64x128xf32, #tpu.memory_space<vmem>>) offsets(%dma_start3A_167 : memref<64xi32, #tpu.memory_space<vmem>>) semaphore(%arg24 : memref<!tpu.dma_semaphore, #tpu.memory_space<semaphore_mem>>)
        %scan3A_171 = arith.constant 0 : i32
        %scan3A_172 = arith.constant 8 : i32
        %scan3A_173 = arith.addi %scan3A_171, %scan3A_172 : i32
        %scan3A_174 = arith.constant 1 : i32
        scf.for %scan3A_203 = %scan3A_171 to %scan3A_173 step %scan3A_174  : i32 {
          %mul3A_204 = arith.constant 4 : i32
          %mul3A_205 = arith.muli %scan3A_203, %mul3A_204 : i32
          %add3A_206 = arith.constant 0 : i32
          %add3A_207 = arith.addi %mul3A_205, %add3A_206 : i32
          %dma_wait3A_208 = arith.constant 0 : i32
          %dma_wait3A_209 = tpu.memref_slice %arg14[%add3A_207, %dma_wait3A_208] : memref<32x64xi32, #tpu.memory_space<vmem>> -> memref<1x64xi32, #tpu.memory_space<vmem>>
          %dma_wait3A_210 = tpu.memref_squeeze %dma_wait3A_209 : memref<1x64xi32, #tpu.memory_space<vmem>> -> memref<64xi32, #tpu.memory_space<vmem>>
          %dma_wait3A_211 = arith.constant 0 : i32
          %dma_wait3A_212 = arith.constant 0 : i32
          %dma_wait3A_213 = tpu.memref_slice %arg3[%dma_wait3A_211, %dma_wait3A_212] : memref<10000x128xf32, #tpu.memory_space<hbm>> -> memref<10000x128xf32, #tpu.memory_space<hbm>>
          tpu.wait_indirect_dma semaphore(%arg21 : memref<!tpu.dma_semaphore, #tpu.memory_space<semaphore_mem>>) src(%dma_wait3A_213 : memref<10000x128xf32, #tpu.memory_space<hbm>>) dst(%arg16 : memref<64x128xf32, #tpu.memory_space<vmem>>)
          %dma_start3A_214 = arith.constant 0 : i32
          %dma_start3A_215 = tpu.memref_slice %arg15[%add3A_207, %dma_start3A_214] : memref<32x64xi32, #tpu.memory_space<vmem>> -> memref<1x64xi32, #tpu.memory_space<vmem>>
          %dma_start3A_216 = tpu.memref_squeeze %dma_start3A_215 : memref<1x64xi32, #tpu.memory_space<vmem>> -> memref<64xi32, #tpu.memory_space<vmem>>
          %dma_start3A_217 = arith.constant 0 : i32
          %dma_start3A_218 = arith.constant 0 : i32
          %dma_start3A_219 = tpu.memref_slice %arg20[%dma_start3A_217, %dma_start3A_218] : memref<10240x128xf32, #tpu.memory_space<vmem_shared>> -> memref<10240x128xf32, #tpu.memory_space<vmem_shared>>
          tpu.enqueue_indirect_dma source(%arg16 : memref<64x128xf32, #tpu.memory_space<vmem>>) target(%dma_start3A_219 : memref<10240x128xf32, #tpu.memory_space<vmem_shared>>) offsets(%dma_start3A_216 : memref<64xi32, #tpu.memory_space<vmem>>) semaphore(%arg25 : memref<!tpu.dma_semaphore, #tpu.memory_space<semaphore_mem>>) {add = true}
          %lt3A = arith.constant 7 : i32
          %lt3A_220 = arith.cmpi slt, %scan3A_203, %lt3A : i32
          %convert_element_type3A_221 = arith.extui %lt3A_220 : i1 to i32
          %cond3A_222 = arith.constant 0 : i32
          %cond3A_223 = arith.cmpi ne, %convert_element_type3A_221, %cond3A_222 : i32
          scf.if %cond3A_223 {
            %dma_wait3A_287 = arith.constant 0 : i32
            %dma_wait3A_288 = tpu.memref_slice %arg15[%add3A_207, %dma_wait3A_287] : memref<32x64xi32, #tpu.memory_space<vmem>> -> memref<1x64xi32, #tpu.memory_space<vmem>>
            %dma_wait3A_289 = tpu.memref_squeeze %dma_wait3A_288 : memref<1x64xi32, #tpu.memory_space<vmem>> -> memref<64xi32, #tpu.memory_space<vmem>>
            %dma_wait3A_290 = arith.constant 0 : i32
            %dma_wait3A_291 = arith.constant 0 : i32
            %dma_wait3A_292 = tpu.memref_slice %arg20[%dma_wait3A_290, %dma_wait3A_291] : memref<10240x128xf32, #tpu.memory_space<vmem_shared>> -> memref<10240x128xf32, #tpu.memory_space<vmem_shared>>
            tpu.wait_indirect_dma semaphore(%arg25 : memref<!tpu.dma_semaphore, #tpu.memory_space<semaphore_mem>>) src(%arg16 : memref<64x128xf32, #tpu.memory_space<vmem>>) dst(%dma_wait3A_292 : memref<10240x128xf32, #tpu.memory_space<vmem_shared>>)
            %add3A_293 = arith.constant 4 : i32
            %add3A_294 = arith.addi %add3A_207, %add3A_293 : i32
            %dma_start3A_295 = arith.constant 0 : i32
            %dma_start3A_296 = tpu.memref_slice %arg14[%add3A_294, %dma_start3A_295] : memref<32x64xi32, #tpu.memory_space<vmem>> -> memref<1x64xi32, #tpu.memory_space<vmem>>
            %dma_start3A_297 = tpu.memref_squeeze %dma_start3A_296 : memref<1x64xi32, #tpu.memory_space<vmem>> -> memref<64xi32, #tpu.memory_space<vmem>>
            %dma_start3A_298 = arith.constant 0 : i32
            %dma_start3A_299 = arith.constant 0 : i32
            %dma_start3A_300 = tpu.memref_slice %arg3[%dma_start3A_298, %dma_start3A_299] : memref<10000x128xf32, #tpu.memory_space<hbm>> -> memref<10000x128xf32, #tpu.memory_space<hbm>>
            tpu.enqueue_indirect_dma source(%dma_start3A_300 : memref<10000x128xf32, #tpu.memory_space<hbm>>) target(%arg16 : memref<64x128xf32, #tpu.memory_space<vmem>>) offsets(%dma_start3A_297 : memref<64xi32, #tpu.memory_space<vmem>>) semaphore(%arg21 : memref<!tpu.dma_semaphore, #tpu.memory_space<semaphore_mem>>)
          } else {
          }
          %mul3A_224 = arith.constant 4 : i32
          %mul3A_225 = arith.muli %scan3A_203, %mul3A_224 : i32
          %add3A_226 = arith.constant 1 : i32
          %add3A_227 = arith.addi %mul3A_225, %add3A_226 : i32
          %dma_wait3A_228 = arith.constant 0 : i32
          %dma_wait3A_229 = tpu.memref_slice %arg14[%add3A_227, %dma_wait3A_228] : memref<32x64xi32, #tpu.memory_space<vmem>> -> memref<1x64xi32, #tpu.memory_space<vmem>>
          %dma_wait3A_230 = tpu.memref_squeeze %dma_wait3A_229 : memref<1x64xi32, #tpu.memory_space<vmem>> -> memref<64xi32, #tpu.memory_space<vmem>>
          %dma_wait3A_231 = arith.constant 0 : i32
          %dma_wait3A_232 = arith.constant 0 : i32
          %dma_wait3A_233 = tpu.memref_slice %arg3[%dma_wait3A_231, %dma_wait3A_232] : memref<10000x128xf32, #tpu.memory_space<hbm>> -> memref<10000x128xf32, #tpu.memory_space<hbm>>
          tpu.wait_indirect_dma semaphore(%arg22 : memref<!tpu.dma_semaphore, #tpu.memory_space<semaphore_mem>>) src(%dma_wait3A_233 : memref<10000x128xf32, #tpu.memory_space<hbm>>) dst(%arg17 : memref<64x128xf32, #tpu.memory_space<vmem>>)
          %dma_start3A_234 = arith.constant 0 : i32
          %dma_start3A_235 = tpu.memref_slice %arg15[%add3A_227, %dma_start3A_234] : memref<32x64xi32, #tpu.memory_space<vmem>> -> memref<1x64xi32, #tpu.memory_space<vmem>>
          %dma_start3A_236 = tpu.memref_squeeze %dma_start3A_235 : memref<1x64xi32, #tpu.memory_space<vmem>> -> memref<64xi32, #tpu.memory_space<vmem>>
          %dma_start3A_237 = arith.constant 0 : i32
          %dma_start3A_238 = arith.constant 0 : i32
          %dma_start3A_239 = tpu.memref_slice %arg20[%dma_start3A_237, %dma_start3A_238] : memref<10240x128xf32, #tpu.memory_space<vmem_shared>> -> memref<10240x128xf32, #tpu.memory_space<vmem_shared>>
          tpu.enqueue_indirect_dma source(%arg17 : memref<64x128xf32, #tpu.memory_space<vmem>>) target(%dma_start3A_239 : memref<10240x128xf32, #tpu.memory_space<vmem_shared>>) offsets(%dma_start3A_236 : memref<64xi32, #tpu.memory_space<vmem>>) semaphore(%arg26 : memref<!tpu.dma_semaphore, #tpu.memory_space<semaphore_mem>>) {add = true}
          %lt3A_240 = arith.constant 7 : i32
          %lt3A_241 = arith.cmpi slt, %scan3A_203, %lt3A_240 : i32
          %convert_element_type3A_242 = arith.extui %lt3A_241 : i1 to i32
          %cond3A_243 = arith.constant 0 : i32
          %cond3A_244 = arith.cmpi ne, %convert_element_type3A_242, %cond3A_243 : i32
          scf.if %cond3A_244 {
            %dma_wait3A_287 = arith.constant 0 : i32
            %dma_wait3A_288 = tpu.memref_slice %arg15[%add3A_227, %dma_wait3A_287] : memref<32x64xi32, #tpu.memory_space<vmem>> -> memref<1x64xi32, #tpu.memory_space<vmem>>
            %dma_wait3A_289 = tpu.memref_squeeze %dma_wait3A_288 : memref<1x64xi32, #tpu.memory_space<vmem>> -> memref<64xi32, #tpu.memory_space<vmem>>
            %dma_wait3A_290 = arith.constant 0 : i32
            %dma_wait3A_291 = arith.constant 0 : i32
            %dma_wait3A_292 = tpu.memref_slice %arg20[%dma_wait3A_290, %dma_wait3A_291] : memref<10240x128xf32, #tpu.memory_space<vmem_shared>> -> memref<10240x128xf32, #tpu.memory_space<vmem_shared>>
            tpu.wait_indirect_dma semaphore(%arg26 : memref<!tpu.dma_semaphore, #tpu.memory_space<semaphore_mem>>) src(%arg17 : memref<64x128xf32, #tpu.memory_space<vmem>>) dst(%dma_wait3A_292 : memref<10240x128xf32, #tpu.memory_space<vmem_shared>>)
            %add3A_293 = arith.constant 4 : i32
            %add3A_294 = arith.addi %add3A_227, %add3A_293 : i32
            %dma_start3A_295 = arith.constant 0 : i32
            %dma_start3A_296 = tpu.memref_slice %arg14[%add3A_294, %dma_start3A_295] : memref<32x64xi32, #tpu.memory_space<vmem>> -> memref<1x64xi32, #tpu.memory_space<vmem>>
            %dma_start3A_297 = tpu.memref_squeeze %dma_start3A_296 : memref<1x64xi32, #tpu.memory_space<vmem>> -> memref<64xi32, #tpu.memory_space<vmem>>
            %dma_start3A_298 = arith.constant 0 : i32
            %dma_start3A_299 = arith.constant 0 : i32
            %dma_start3A_300 = tpu.memref_slice %arg3[%dma_start3A_298, %dma_start3A_299] : memref<10000x128xf32, #tpu.memory_space<hbm>> -> memref<10000x128xf32, #tpu.memory_space<hbm>>
            tpu.enqueue_indirect_dma source(%dma_start3A_300 : memref<10000x128xf32, #tpu.memory_space<hbm>>) target(%arg17 : memref<64x128xf32, #tpu.memory_space<vmem>>) offsets(%dma_start3A_297 : memref<64xi32, #tpu.memory_space<vmem>>) semaphore(%arg22 : memref<!tpu.dma_semaphore, #tpu.memory_space<semaphore_mem>>)
          } else {
          }
          %mul3A_245 = arith.constant 4 : i32
          %mul3A_246 = arith.muli %scan3A_203, %mul3A_245 : i32
          %add3A_247 = arith.constant 2 : i32
          %add3A_248 = arith.addi %mul3A_246, %add3A_247 : i32
          %dma_wait3A_249 = arith.constant 0 : i32
          %dma_wait3A_250 = tpu.memref_slice %arg14[%add3A_248, %dma_wait3A_249] : memref<32x64xi32, #tpu.memory_space<vmem>> -> memref<1x64xi32, #tpu.memory_space<vmem>>
          %dma_wait3A_251 = tpu.memref_squeeze %dma_wait3A_250 : memref<1x64xi32, #tpu.memory_space<vmem>> -> memref<64xi32, #tpu.memory_space<vmem>>
          %dma_wait3A_252 = arith.constant 0 : i32
          %dma_wait3A_253 = arith.constant 0 : i32
          %dma_wait3A_254 = tpu.memref_slice %arg3[%dma_wait3A_252, %dma_wait3A_253] : memref<10000x128xf32, #tpu.memory_space<hbm>> -> memref<10000x128xf32, #tpu.memory_space<hbm>>
          tpu.wait_indirect_dma semaphore(%arg23 : memref<!tpu.dma_semaphore, #tpu.memory_space<semaphore_mem>>) src(%dma_wait3A_254 : memref<10000x128xf32, #tpu.memory_space<hbm>>) dst(%arg18 : memref<64x128xf32, #tpu.memory_space<vmem>>)
          %dma_start3A_255 = arith.constant 0 : i32
          %dma_start3A_256 = tpu.memref_slice %arg15[%add3A_248, %dma_start3A_255] : memref<32x64xi32, #tpu.memory_space<vmem>> -> memref<1x64xi32, #tpu.memory_space<vmem>>
          %dma_start3A_257 = tpu.memref_squeeze %dma_start3A_256 : memref<1x64xi32, #tpu.memory_space<vmem>> -> memref<64xi32, #tpu.memory_space<vmem>>
          %dma_start3A_258 = arith.constant 0 : i32
          %dma_start3A_259 = arith.constant 0 : i32
          %dma_start3A_260 = tpu.memref_slice %arg20[%dma_start3A_258, %dma_start3A_259] : memref<10240x128xf32, #tpu.memory_space<vmem_shared>> -> memref<10240x128xf32, #tpu.memory_space<vmem_shared>>
          tpu.enqueue_indirect_dma source(%arg18 : memref<64x128xf32, #tpu.memory_space<vmem>>) target(%dma_start3A_260 : memref<10240x128xf32, #tpu.memory_space<vmem_shared>>) offsets(%dma_start3A_257 : memref<64xi32, #tpu.memory_space<vmem>>) semaphore(%arg27 : memref<!tpu.dma_semaphore, #tpu.memory_space<semaphore_mem>>) {add = true}
          %lt3A_261 = arith.constant 7 : i32
          %lt3A_262 = arith.cmpi slt, %scan3A_203, %lt3A_261 : i32
          %convert_element_type3A_263 = arith.extui %lt3A_262 : i1 to i32
          %cond3A_264 = arith.constant 0 : i32
          %cond3A_265 = arith.cmpi ne, %convert_element_type3A_263, %cond3A_264 : i32
          scf.if %cond3A_265 {
            %dma_wait3A_287 = arith.constant 0 : i32
            %dma_wait3A_288 = tpu.memref_slice %arg15[%add3A_248, %dma_wait3A_287] : memref<32x64xi32, #tpu.memory_space<vmem>> -> memref<1x64xi32, #tpu.memory_space<vmem>>
            %dma_wait3A_289 = tpu.memref_squeeze %dma_wait3A_288 : memref<1x64xi32, #tpu.memory_space<vmem>> -> memref<64xi32, #tpu.memory_space<vmem>>
            %dma_wait3A_290 = arith.constant 0 : i32
            %dma_wait3A_291 = arith.constant 0 : i32
            %dma_wait3A_292 = tpu.memref_slice %arg20[%dma_wait3A_290, %dma_wait3A_291] : memref<10240x128xf32, #tpu.memory_space<vmem_shared>> -> memref<10240x128xf32, #tpu.memory_space<vmem_shared>>
            tpu.wait_indirect_dma semaphore(%arg27 : memref<!tpu.dma_semaphore, #tpu.memory_space<semaphore_mem>>) src(%arg18 : memref<64x128xf32, #tpu.memory_space<vmem>>) dst(%dma_wait3A_292 : memref<10240x128xf32, #tpu.memory_space<vmem_shared>>)
            %add3A_293 = arith.constant 4 : i32
            %add3A_294 = arith.addi %add3A_248, %add3A_293 : i32
            %dma_start3A_295 = arith.constant 0 : i32
            %dma_start3A_296 = tpu.memref_slice %arg14[%add3A_294, %dma_start3A_295] : memref<32x64xi32, #tpu.memory_space<vmem>> -> memref<1x64xi32, #tpu.memory_space<vmem>>
            %dma_start3A_297 = tpu.memref_squeeze %dma_start3A_296 : memref<1x64xi32, #tpu.memory_space<vmem>> -> memref<64xi32, #tpu.memory_space<vmem>>
            %dma_start3A_298 = arith.constant 0 : i32
            %dma_start3A_299 = arith.constant 0 : i32
            %dma_start3A_300 = tpu.memref_slice %arg3[%dma_start3A_298, %dma_start3A_299] : memref<10000x128xf32, #tpu.memory_space<hbm>> -> memref<10000x128xf32, #tpu.memory_space<hbm>>
            tpu.enqueue_indirect_dma source(%dma_start3A_300 : memref<10000x128xf32, #tpu.memory_space<hbm>>) target(%arg18 : memref<64x128xf32, #tpu.memory_space<vmem>>) offsets(%dma_start3A_297 : memref<64xi32, #tpu.memory_space<vmem>>) semaphore(%arg23 : memref<!tpu.dma_semaphore, #tpu.memory_space<semaphore_mem>>)
          } else {
          }
          %mul3A_266 = arith.constant 4 : i32
          %mul3A_267 = arith.muli %scan3A_203, %mul3A_266 : i32
          %add3A_268 = arith.constant 3 : i32
          %add3A_269 = arith.addi %mul3A_267, %add3A_268 : i32
          %dma_wait3A_270 = arith.constant 0 : i32
          %dma_wait3A_271 = tpu.memref_slice %arg14[%add3A_269, %dma_wait3A_270] : memref<32x64xi32, #tpu.memory_space<vmem>> -> memref<1x64xi32, #tpu.memory_space<vmem>>
          %dma_wait3A_272 = tpu.memref_squeeze %dma_wait3A_271 : memref<1x64xi32, #tpu.memory_space<vmem>> -> memref<64xi32, #tpu.memory_space<vmem>>
          %dma_wait3A_273 = arith.constant 0 : i32
          %dma_wait3A_274 = arith.constant 0 : i32
          %dma_wait3A_275 = tpu.memref_slice %arg3[%dma_wait3A_273, %dma_wait3A_274] : memref<10000x128xf32, #tpu.memory_space<hbm>> -> memref<10000x128xf32, #tpu.memory_space<hbm>>
          tpu.wait_indirect_dma semaphore(%arg24 : memref<!tpu.dma_semaphore, #tpu.memory_space<semaphore_mem>>) src(%dma_wait3A_275 : memref<10000x128xf32, #tpu.memory_space<hbm>>) dst(%arg19 : memref<64x128xf32, #tpu.memory_space<vmem>>)
          %dma_start3A_276 = arith.constant 0 : i32
          %dma_start3A_277 = tpu.memref_slice %arg15[%add3A_269, %dma_start3A_276] : memref<32x64xi32, #tpu.memory_space<vmem>> -> memref<1x64xi32, #tpu.memory_space<vmem>>
          %dma_start3A_278 = tpu.memref_squeeze %dma_start3A_277 : memref<1x64xi32, #tpu.memory_space<vmem>> -> memref<64xi32, #tpu.memory_space<vmem>>
          %dma_start3A_279 = arith.constant 0 : i32
          %dma_start3A_280 = arith.constant 0 : i32
          %dma_start3A_281 = tpu.memref_slice %arg20[%dma_start3A_279, %dma_start3A_280] : memref<10240x128xf32, #tpu.memory_space<vmem_shared>> -> memref<10240x128xf32, #tpu.memory_space<vmem_shared>>
          tpu.enqueue_indirect_dma source(%arg19 : memref<64x128xf32, #tpu.memory_space<vmem>>) target(%dma_start3A_281 : memref<10240x128xf32, #tpu.memory_space<vmem_shared>>) offsets(%dma_start3A_278 : memref<64xi32, #tpu.memory_space<vmem>>) semaphore(%arg28 : memref<!tpu.dma_semaphore, #tpu.memory_space<semaphore_mem>>) {add = true}
          %lt3A_282 = arith.constant 7 : i32
          %lt3A_283 = arith.cmpi slt, %scan3A_203, %lt3A_282 : i32
          %convert_element_type3A_284 = arith.extui %lt3A_283 : i1 to i32
          %cond3A_285 = arith.constant 0 : i32
          %cond3A_286 = arith.cmpi ne, %convert_element_type3A_284, %cond3A_285 : i32
          scf.if %cond3A_286 {
            %dma_wait3A_287 = arith.constant 0 : i32
            %dma_wait3A_288 = tpu.memref_slice %arg15[%add3A_269, %dma_wait3A_287] : memref<32x64xi32, #tpu.memory_space<vmem>> -> memref<1x64xi32, #tpu.memory_space<vmem>>
            %dma_wait3A_289 = tpu.memref_squeeze %dma_wait3A_288 : memref<1x64xi32, #tpu.memory_space<vmem>> -> memref<64xi32, #tpu.memory_space<vmem>>
            %dma_wait3A_290 = arith.constant 0 : i32
            %dma_wait3A_291 = arith.constant 0 : i32
            %dma_wait3A_292 = tpu.memref_slice %arg20[%dma_wait3A_290, %dma_wait3A_291] : memref<10240x128xf32, #tpu.memory_space<vmem_shared>> -> memref<10240x128xf32, #tpu.memory_space<vmem_shared>>
            tpu.wait_indirect_dma semaphore(%arg28 : memref<!tpu.dma_semaphore, #tpu.memory_space<semaphore_mem>>) src(%arg19 : memref<64x128xf32, #tpu.memory_space<vmem>>) dst(%dma_wait3A_292 : memref<10240x128xf32, #tpu.memory_space<vmem_shared>>)
            %add3A_293 = arith.constant 4 : i32
            %add3A_294 = arith.addi %add3A_269, %add3A_293 : i32
            %dma_start3A_295 = arith.constant 0 : i32
            %dma_start3A_296 = tpu.memref_slice %arg14[%add3A_294, %dma_start3A_295] : memref<32x64xi32, #tpu.memory_space<vmem>> -> memref<1x64xi32, #tpu.memory_space<vmem>>
            %dma_start3A_297 = tpu.memref_squeeze %dma_start3A_296 : memref<1x64xi32, #tpu.memory_space<vmem>> -> memref<64xi32, #tpu.memory_space<vmem>>
            %dma_start3A_298 = arith.constant 0 : i32
            %dma_start3A_299 = arith.constant 0 : i32
            %dma_start3A_300 = tpu.memref_slice %arg3[%dma_start3A_298, %dma_start3A_299] : memref<10000x128xf32, #tpu.memory_space<hbm>> -> memref<10000x128xf32, #tpu.memory_space<hbm>>
            tpu.enqueue_indirect_dma source(%dma_start3A_300 : memref<10000x128xf32, #tpu.memory_space<hbm>>) target(%arg19 : memref<64x128xf32, #tpu.memory_space<vmem>>) offsets(%dma_start3A_297 : memref<64xi32, #tpu.memory_space<vmem>>) semaphore(%arg24 : memref<!tpu.dma_semaphore, #tpu.memory_space<semaphore_mem>>)
          } else {
          }
        }
        %scan3A_175 = arith.constant 8 : i32
        %dma_wait3A = arith.constant 28 : i32
        %dma_wait3A_176 = arith.constant 0 : i32
        %dma_wait3A_177 = tpu.memref_slice %arg15[%dma_wait3A, %dma_wait3A_176] : memref<32x64xi32, #tpu.memory_space<vmem>> -> memref<1x64xi32, #tpu.memory_space<vmem>>
        %dma_wait3A_178 = tpu.memref_squeeze %dma_wait3A_177 : memref<1x64xi32, #tpu.memory_space<vmem>> -> memref<64xi32, #tpu.memory_space<vmem>>
        %dma_wait3A_179 = arith.constant 0 : i32
        %dma_wait3A_180 = arith.constant 0 : i32
        %dma_wait3A_181 = tpu.memref_slice %arg20[%dma_wait3A_179, %dma_wait3A_180] : memref<10240x128xf32, #tpu.memory_space<vmem_shared>> -> memref<10240x128xf32, #tpu.memory_space<vmem_shared>>
        tpu.wait_indirect_dma semaphore(%arg25 : memref<!tpu.dma_semaphore, #tpu.memory_space<semaphore_mem>>) src(%arg16 : memref<64x128xf32, #tpu.memory_space<vmem>>) dst(%dma_wait3A_181 : memref<10240x128xf32, #tpu.memory_space<vmem_shared>>)
        %dma_wait3A_182 = arith.constant 29 : i32
        %dma_wait3A_183 = arith.constant 0 : i32
        %dma_wait3A_184 = tpu.memref_slice %arg15[%dma_wait3A_182, %dma_wait3A_183] : memref<32x64xi32, #tpu.memory_space<vmem>> -> memref<1x64xi32, #tpu.memory_space<vmem>>
        %dma_wait3A_185 = tpu.memref_squeeze %dma_wait3A_184 : memref<1x64xi32, #tpu.memory_space<vmem>> -> memref<64xi32, #tpu.memory_space<vmem>>
        %dma_wait3A_186 = arith.constant 0 : i32
        %dma_wait3A_187 = arith.constant 0 : i32
        %dma_wait3A_188 = tpu.memref_slice %arg20[%dma_wait3A_186, %dma_wait3A_187] : memref<10240x128xf32, #tpu.memory_space<vmem_shared>> -> memref<10240x128xf32, #tpu.memory_space<vmem_shared>>
        tpu.wait_indirect_dma semaphore(%arg26 : memref<!tpu.dma_semaphore, #tpu.memory_space<semaphore_mem>>) src(%arg17 : memref<64x128xf32, #tpu.memory_space<vmem>>) dst(%dma_wait3A_188 : memref<10240x128xf32, #tpu.memory_space<vmem_shared>>)
        %dma_wait3A_189 = arith.constant 30 : i32
        %dma_wait3A_190 = arith.constant 0 : i32
        %dma_wait3A_191 = tpu.memref_slice %arg15[%dma_wait3A_189, %dma_wait3A_190] : memref<32x64xi32, #tpu.memory_space<vmem>> -> memref<1x64xi32, #tpu.memory_space<vmem>>
        %dma_wait3A_192 = tpu.memref_squeeze %dma_wait3A_191 : memref<1x64xi32, #tpu.memory_space<vmem>> -> memref<64xi32, #tpu.memory_space<vmem>>
        %dma_wait3A_193 = arith.constant 0 : i32
        %dma_wait3A_194 = arith.constant 0 : i32
        %dma_wait3A_195 = tpu.memref_slice %arg20[%dma_wait3A_193, %dma_wait3A_194] : memref<10240x128xf32, #tpu.memory_space<vmem_shared>> -> memref<10240x128xf32, #tpu.memory_space<vmem_shared>>
        tpu.wait_indirect_dma semaphore(%arg27 : memref<!tpu.dma_semaphore, #tpu.memory_space<semaphore_mem>>) src(%arg18 : memref<64x128xf32, #tpu.memory_space<vmem>>) dst(%dma_wait3A_195 : memref<10240x128xf32, #tpu.memory_space<vmem_shared>>)
        %dma_wait3A_196 = arith.constant 31 : i32
        %dma_wait3A_197 = arith.constant 0 : i32
        %dma_wait3A_198 = tpu.memref_slice %arg15[%dma_wait3A_196, %dma_wait3A_197] : memref<32x64xi32, #tpu.memory_space<vmem>> -> memref<1x64xi32, #tpu.memory_space<vmem>>
        %dma_wait3A_199 = tpu.memref_squeeze %dma_wait3A_198 : memref<1x64xi32, #tpu.memory_space<vmem>> -> memref<64xi32, #tpu.memory_space<vmem>>
        %dma_wait3A_200 = arith.constant 0 : i32
        %dma_wait3A_201 = arith.constant 0 : i32
        %dma_wait3A_202 = tpu.memref_slice %arg20[%dma_wait3A_200, %dma_wait3A_201] : memref<10240x128xf32, #tpu.memory_space<vmem_shared>> -> memref<10240x128xf32, #tpu.memory_space<vmem_shared>>
        tpu.wait_indirect_dma semaphore(%arg28 : memref<!tpu.dma_semaphore, #tpu.memory_space<semaphore_mem>>) src(%arg19 : memref<64x128xf32, #tpu.memory_space<vmem>>) dst(%dma_wait3A_202 : memref<10240x128xf32, #tpu.memory_space<vmem_shared>>)
      }
      %scan3A_138 = arith.constant 10 : i32
    } else {
    }
    %barrier3A_50 = arith.constant 0 : index
    tpu.barrier barrier_id(%barrier3A_50)
    %eq3A_51 = arith.constant 0 : i32
    %eq3A_52 = arith.cmpi eq, %arg0, %eq3A_51 : i32
    %convert_element_type3A_53 = arith.extui %eq3A_52 : i1 to i32
    %cond3A_54 = arith.constant 0 : i32
    %cond3A_55 = arith.cmpi ne, %convert_element_type3A_53, %cond3A_54 : i32
    scf.if %cond3A_55 {
      %mul3A_133 = arith.constant 640 : i32
      %mul3A_134 = arith.muli %arg1, %mul3A_133 : i32
      %mul3A_135 = arith.constant 640 : i32
      %mul3A_136 = arith.muli %arg1, %mul3A_135 : i32
      "tpu.region"() ({
        %run_scoped3A = tpu.sem_alloc : memref<!tpu.dma_semaphore, #tpu.memory_space<semaphore_mem>>
        %dma_start3A = arith.constant 0 : i32
        %dma_start3A_137 = tpu.memref_slice %arg10[%mul3A_136, %dma_start3A] : memref<10240x128xf32, #tpu.memory_space<hbm>> -> memref<640x128xf32, #tpu.memory_space<hbm>>
        %dma_start3A_138 = arith.constant 0 : i32
        %dma_start3A_139 = tpu.memref_slice %arg20[%mul3A_134, %dma_start3A_138] : memref<10240x128xf32, #tpu.memory_space<vmem_shared>> -> memref<640x128xf32, #tpu.memory_space<vmem_shared>>
        tpu.enqueue_dma source(%dma_start3A_139 : memref<640x128xf32, #tpu.memory_space<vmem_shared>>) target(%dma_start3A_137 : memref<640x128xf32, #tpu.memory_space<hbm>>) target_semaphore(%run_scoped3A : memref<!tpu.dma_semaphore, #tpu.memory_space<semaphore_mem>>)
        %dma_wait3A = arith.constant 0 : i32
        %dma_wait3A_140 = tpu.memref_slice %arg10[%mul3A_136, %dma_wait3A] : memref<10240x128xf32, #tpu.memory_space<hbm>> -> memref<640x128xf32, #tpu.memory_space<hbm>>
        %dma_wait3A_141 = arith.constant 0 : i32
        %dma_wait3A_142 = tpu.memref_slice %arg20[%mul3A_134, %dma_wait3A_141] : memref<10240x128xf32, #tpu.memory_space<vmem_shared>> -> memref<640x128xf32, #tpu.memory_space<vmem_shared>>
        tpu.wait_dma2 semaphore(%run_scoped3A : memref<!tpu.dma_semaphore, #tpu.memory_space<semaphore_mem>>) src(%dma_wait3A_142 : memref<640x128xf32, #tpu.memory_space<vmem_shared>>) dst(%dma_wait3A_140 : memref<640x128xf32, #tpu.memory_space<hbm>>)
        tpu.yield
      }) : () -> ()
    } else {
    }
    %ne3A_56 = arith.constant 0 : i32
    %ne3A_57 = arith.cmpi ne, %arg0, %ne3A_56 : i32
    %convert_element_type3A_58 = arith.extui %ne3A_57 : i1 to i32
    %cond3A_59 = arith.constant 0 : i32
    %cond3A_60 = arith.cmpi ne, %convert_element_type3A_58, %cond3A_59 : i32
    scf.if %cond3A_60 {
      %mul3A_133 = arith.constant 640 : i32
      %mul3A_134 = arith.muli %arg1, %mul3A_133 : i32
      %mul3A_135 = arith.constant 640 : i32
      %mul3A_136 = arith.muli %arg1, %mul3A_135 : i32
      "tpu.region"() ({
        %run_scoped3A = tpu.sem_alloc : memref<!tpu.dma_semaphore, #tpu.memory_space<semaphore_mem>>
        %dma_start3A = arith.constant 0 : i32
        %dma_start3A_137 = tpu.memref_slice %arg11[%mul3A_136, %dma_start3A] : memref<10240x128xf32, #tpu.memory_space<hbm>> -> memref<640x128xf32, #tpu.memory_space<hbm>>
        %dma_start3A_138 = arith.constant 0 : i32
        %dma_start3A_139 = tpu.memref_slice %arg20[%mul3A_134, %dma_start3A_138] : memref<10240x128xf32, #tpu.memory_space<vmem_shared>> -> memref<640x128xf32, #tpu.memory_space<vmem_shared>>
        tpu.enqueue_dma source(%dma_start3A_139 : memref<640x128xf32, #tpu.memory_space<vmem_shared>>) target(%dma_start3A_137 : memref<640x128xf32, #tpu.memory_space<hbm>>) target_semaphore(%run_scoped3A : memref<!tpu.dma_semaphore, #tpu.memory_space<semaphore_mem>>)
        %dma_wait3A = arith.constant 0 : i32
        %dma_wait3A_140 = tpu.memref_slice %arg11[%mul3A_136, %dma_wait3A] : memref<10240x128xf32, #tpu.memory_space<hbm>> -> memref<640x128xf32, #tpu.memory_space<hbm>>
        %dma_wait3A_141 = arith.constant 0 : i32
        %dma_wait3A_142 = tpu.memref_slice %arg20[%mul3A_134, %dma_wait3A_141] : memref<10240x128xf32, #tpu.memory_space<vmem_shared>> -> memref<640x128xf32, #tpu.memory_space<vmem_shared>>
        tpu.wait_dma2 semaphore(%run_scoped3A : memref<!tpu.dma_semaphore, #tpu.memory_space<semaphore_mem>>) src(%dma_wait3A_142 : memref<640x128xf32, #tpu.memory_space<vmem_shared>>) dst(%dma_wait3A_140 : memref<640x128xf32, #tpu.memory_space<hbm>>)
        tpu.yield
      }) : () -> ()
    } else {
    }
    %barrier3A_61 = arith.constant 0 : index
    tpu.barrier barrier_id(%barrier3A_61)
    %broadcast_in_dim3A_62 = arith.constant 0.000000e+00 : f32
    %broadcast_in_dim3A_63 = vector.broadcast %broadcast_in_dim3A_62 : f32 to vector<16xf32>
    %scan3A_64 = arith.constant 0 : i32
    %scan3A_65 = arith.constant 0 : i32
    %scan3A_66 = arith.constant 64 : i32
    %scan3A_67 = arith.addi %scan3A_65, %scan3A_66 : i32
    %scan3A_68 = arith.constant 1 : i32
    scf.for %scan3A_133 = %scan3A_65 to %scan3A_67 step %scan3A_68  : i32 {
      %scan3A_134 = arith.constant 0 : i32
      %scan3A_135 = arith.constant 8 : i32
      %scan3A_136 = arith.addi %scan3A_134, %scan3A_135 : i32
      %scan3A_137 = arith.constant 1 : i32
      scf.for %scan3A_139 = %scan3A_134 to %scan3A_136 step %scan3A_137  : i32 {
        %mul3A_140 = arith.constant 16 : i32
        %mul3A_141 = arith.muli %scan3A_139, %mul3A_140 : i32
        %swap3A = arith.index_cast %scan3A_133 : i32 to index
        %swap3A_142 = arith.index_cast %mul3A_141 : i32 to index
        %swap3A_143 = tpu.vector_load %arg16[%swap3A, %swap3A_142] {strides = array<i32>} : memref<64x128xf32, #tpu.memory_space<vmem>>, vector<1x16xf32>,
        %swap3A_144 = vector.shape_cast %swap3A_143 : vector<1x16xf32> to vector<16xf32>
        %swap3A_145 = vector.shape_cast %broadcast_in_dim3A_63 : vector<16xf32> to vector<1x16xf32>
        tpu.vector_store %arg16[%swap3A, %swap3A_142], %swap3A_145 {strides = array<i32>} : memref<64x128xf32, #tpu.memory_space<vmem>>, vector<1x16xf32>,
      }
      %scan3A_138 = arith.constant 8 : i32
    }
    %scan3A_69 = arith.constant 64 : i32
    %mul3A_70 = arith.constant 640 : i32
    %mul3A_71 = arith.muli %arg1, %mul3A_70 : i32
    %add3A_72 = arith.constant 0 : i32
    %add3A_73 = arith.addi %mul3A_71, %add3A_72 : i32
    "tpu.region"() ({
      %run_scoped3A = tpu.sem_alloc : memref<!tpu.dma_semaphore, #tpu.memory_space<semaphore_mem>>
      %dma_start3A = arith.constant 0 : i32
      %dma_start3A_133 = tpu.memref_slice %arg20[%add3A_73, %dma_start3A] : memref<10240x128xf32, #tpu.memory_space<vmem_shared>> -> memref<64x128xf32, #tpu.memory_space<vmem_shared>>
      %dma_start3A_134 = arith.constant 0 : i32
      %dma_start3A_135 = tpu.memref_slice %arg20[%add3A_73, %dma_start3A_134] : memref<10240x128xf32, #tpu.memory_space<vmem_shared>> -> memref<64x128xf32, #tpu.memory_space<vmem_shared>>
      tpu.enqueue_dma source(%arg16 : memref<64x128xf32, #tpu.memory_space<vmem>>) target(%dma_start3A_135 : memref<64x128xf32, #tpu.memory_space<vmem_shared>>) target_semaphore(%run_scoped3A : memref<!tpu.dma_semaphore, #tpu.memory_space<semaphore_mem>>)
      %dma_wait3A = arith.constant 0 : i32
      %dma_wait3A_136 = tpu.memref_slice %arg20[%add3A_73, %dma_wait3A] : memref<10240x128xf32, #tpu.memory_space<vmem_shared>> -> memref<64x128xf32, #tpu.memory_space<vmem_shared>>
      %dma_wait3A_137 = arith.constant 0 : i32
      %dma_wait3A_138 = tpu.memref_slice %arg20[%add3A_73, %dma_wait3A_137] : memref<10240x128xf32, #tpu.memory_space<vmem_shared>> -> memref<64x128xf32, #tpu.memory_space<vmem_shared>>
      tpu.wait_dma2 semaphore(%run_scoped3A : memref<!tpu.dma_semaphore, #tpu.memory_space<semaphore_mem>>) src(%arg16 : memref<64x128xf32, #tpu.memory_space<vmem>>) dst(%dma_wait3A_138 : memref<64x128xf32, #tpu.memory_space<vmem_shared>>)
      tpu.yield
    }) : () -> ()
    %mul3A_74 = arith.constant 640 : i32
    %mul3A_75 = arith.muli %arg1, %mul3A_74 : i32
    %add3A_76 = arith.constant 64 : i32
    %add3A_77 = arith.addi %mul3A_75, %add3A_76 : i32
    "tpu.region"() ({
      %run_scoped3A = tpu.sem_alloc : memref<!tpu.dma_semaphore, #tpu.memory_space<semaphore_mem>>
      %dma_start3A = arith.constant 0 : i32
      %dma_start3A_133 = tpu.memref_slice %arg20[%add3A_77, %dma_start3A] : memref<10240x128xf32, #tpu.memory_space<vmem_shared>> -> memref<64x128xf32, #tpu.memory_space<vmem_shared>>
      %dma_start3A_134 = arith.constant 0 : i32
      %dma_start3A_135 = tpu.memref_slice %arg20[%add3A_77, %dma_start3A_134] : memref<10240x128xf32, #tpu.memory_space<vmem_shared>> -> memref<64x128xf32, #tpu.memory_space<vmem_shared>>
      tpu.enqueue_dma source(%arg16 : memref<64x128xf32, #tpu.memory_space<vmem>>) target(%dma_start3A_135 : memref<64x128xf32, #tpu.memory_space<vmem_shared>>) target_semaphore(%run_scoped3A : memref<!tpu.dma_semaphore, #tpu.memory_space<semaphore_mem>>)
      %dma_wait3A = arith.constant 0 : i32
      %dma_wait3A_136 = tpu.memref_slice %arg20[%add3A_77, %dma_wait3A] : memref<10240x128xf32, #tpu.memory_space<vmem_shared>> -> memref<64x128xf32, #tpu.memory_space<vmem_shared>>
      %dma_wait3A_137 = arith.constant 0 : i32
      %dma_wait3A_138 = tpu.memref_slice %arg20[%add3A_77, %dma_wait3A_137] : memref<10240x128xf32, #tpu.memory_space<vmem_shared>> -> memref<64x128xf32, #tpu.memory_space<vmem_shared>>
      tpu.wait_dma2 semaphore(%run_scoped3A : memref<!tpu.dma_semaphore, #tpu.memory_space<semaphore_mem>>) src(%arg16 : memref<64x128xf32, #tpu.memory_space<vmem>>) dst(%dma_wait3A_138 : memref<64x128xf32, #tpu.memory_space<vmem_shared>>)
      tpu.yield
    }) : () -> ()
    %mul3A_78 = arith.constant 640 : i32
    %mul3A_79 = arith.muli %arg1, %mul3A_78 : i32
    %add3A_80 = arith.constant 128 : i32
    %add3A_81 = arith.addi %mul3A_79, %add3A_80 : i32
    "tpu.region"() ({
      %run_scoped3A = tpu.sem_alloc : memref<!tpu.dma_semaphore, #tpu.memory_space<semaphore_mem>>
      %dma_start3A = arith.constant 0 : i32
      %dma_start3A_133 = tpu.memref_slice %arg20[%add3A_81, %dma_start3A] : memref<10240x128xf32, #tpu.memory_space<vmem_shared>> -> memref<64x128xf32, #tpu.memory_space<vmem_shared>>
      %dma_start3A_134 = arith.constant 0 : i32
      %dma_start3A_135 = tpu.memref_slice %arg20[%add3A_81, %dma_start3A_134] : memref<10240x128xf32, #tpu.memory_space<vmem_shared>> -> memref<64x128xf32, #tpu.memory_space<vmem_shared>>
      tpu.enqueue_dma source(%arg16 : memref<64x128xf32, #tpu.memory_space<vmem>>) target(%dma_start3A_135 : memref<64x128xf32, #tpu.memory_space<vmem_shared>>) target_semaphore(%run_scoped3A : memref<!tpu.dma_semaphore, #tpu.memory_space<semaphore_mem>>)
      %dma_wait3A = arith.constant 0 : i32
      %dma_wait3A_136 = tpu.memref_slice %arg20[%add3A_81, %dma_wait3A] : memref<10240x128xf32, #tpu.memory_space<vmem_shared>> -> memref<64x128xf32, #tpu.memory_space<vmem_shared>>
      %dma_wait3A_137 = arith.constant 0 : i32
      %dma_wait3A_138 = tpu.memref_slice %arg20[%add3A_81, %dma_wait3A_137] : memref<10240x128xf32, #tpu.memory_space<vmem_shared>> -> memref<64x128xf32, #tpu.memory_space<vmem_shared>>
      tpu.wait_dma2 semaphore(%run_scoped3A : memref<!tpu.dma_semaphore, #tpu.memory_space<semaphore_mem>>) src(%arg16 : memref<64x128xf32, #tpu.memory_space<vmem>>) dst(%dma_wait3A_138 : memref<64x128xf32, #tpu.memory_space<vmem_shared>>)
      tpu.yield
    }) : () -> ()
    %mul3A_82 = arith.constant 640 : i32
    %mul3A_83 = arith.muli %arg1, %mul3A_82 : i32
    %add3A_84 = arith.constant 192 : i32
    %add3A_85 = arith.addi %mul3A_83, %add3A_84 : i32
    "tpu.region"() ({
      %run_scoped3A = tpu.sem_alloc : memref<!tpu.dma_semaphore, #tpu.memory_space<semaphore_mem>>
      %dma_start3A = arith.constant 0 : i32
      %dma_start3A_133 = tpu.memref_slice %arg20[%add3A_85, %dma_start3A] : memref<10240x128xf32, #tpu.memory_space<vmem_shared>> -> memref<64x128xf32, #tpu.memory_space<vmem_shared>>
      %dma_start3A_134 = arith.constant 0 : i32
      %dma_start3A_135 = tpu.memref_slice %arg20[%add3A_85, %dma_start3A_134] : memref<10240x128xf32, #tpu.memory_space<vmem_shared>> -> memref<64x128xf32, #tpu.memory_space<vmem_shared>>
      tpu.enqueue_dma source(%arg16 : memref<64x128xf32, #tpu.memory_space<vmem>>) target(%dma_start3A_135 : memref<64x128xf32, #tpu.memory_space<vmem_shared>>) target_semaphore(%run_scoped3A : memref<!tpu.dma_semaphore, #tpu.memory_space<semaphore_mem>>)
      %dma_wait3A = arith.constant 0 : i32
      %dma_wait3A_136 = tpu.memref_slice %arg20[%add3A_85, %dma_wait3A] : memref<10240x128xf32, #tpu.memory_space<vmem_shared>> -> memref<64x128xf32, #tpu.memory_space<vmem_shared>>
      %dma_wait3A_137 = arith.constant 0 : i32
      %dma_wait3A_138 = tpu.memref_slice %arg20[%add3A_85, %dma_wait3A_137] : memref<10240x128xf32, #tpu.memory_space<vmem_shared>> -> memref<64x128xf32, #tpu.memory_space<vmem_shared>>
      tpu.wait_dma2 semaphore(%run_scoped3A : memref<!tpu.dma_semaphore, #tpu.memory_space<semaphore_mem>>) src(%arg16 : memref<64x128xf32, #tpu.memory_space<vmem>>) dst(%dma_wait3A_138 : memref<64x128xf32, #tpu.memory_space<vmem_shared>>)
      tpu.yield
    }) : () -> ()
    %mul3A_86 = arith.constant 640 : i32
    %mul3A_87 = arith.muli %arg1, %mul3A_86 : i32
    %add3A_88 = arith.constant 256 : i32
    %add3A_89 = arith.addi %mul3A_87, %add3A_88 : i32
    "tpu.region"() ({
      %run_scoped3A = tpu.sem_alloc : memref<!tpu.dma_semaphore, #tpu.memory_space<semaphore_mem>>
      %dma_start3A = arith.constant 0 : i32
      %dma_start3A_133 = tpu.memref_slice %arg20[%add3A_89, %dma_start3A] : memref<10240x128xf32, #tpu.memory_space<vmem_shared>> -> memref<64x128xf32, #tpu.memory_space<vmem_shared>>
      %dma_start3A_134 = arith.constant 0 : i32
      %dma_start3A_135 = tpu.memref_slice %arg20[%add3A_89, %dma_start3A_134] : memref<10240x128xf32, #tpu.memory_space<vmem_shared>> -> memref<64x128xf32, #tpu.memory_space<vmem_shared>>
      tpu.enqueue_dma source(%arg16 : memref<64x128xf32, #tpu.memory_space<vmem>>) target(%dma_start3A_135 : memref<64x128xf32, #tpu.memory_space<vmem_shared>>) target_semaphore(%run_scoped3A : memref<!tpu.dma_semaphore, #tpu.memory_space<semaphore_mem>>)
      %dma_wait3A = arith.constant 0 : i32
      %dma_wait3A_136 = tpu.memref_slice %arg20[%add3A_89, %dma_wait3A] : memref<10240x128xf32, #tpu.memory_space<vmem_shared>> -> memref<64x128xf32, #tpu.memory_space<vmem_shared>>
      %dma_wait3A_137 = arith.constant 0 : i32
      %dma_wait3A_138 = tpu.memref_slice %arg20[%add3A_89, %dma_wait3A_137] : memref<10240x128xf32, #tpu.memory_space<vmem_shared>> -> memref<64x128xf32, #tpu.memory_space<vmem_shared>>
      tpu.wait_dma2 semaphore(%run_scoped3A : memref<!tpu.dma_semaphore, #tpu.memory_space<semaphore_mem>>) src(%arg16 : memref<64x128xf32, #tpu.memory_space<vmem>>) dst(%dma_wait3A_138 : memref<64x128xf32, #tpu.memory_space<vmem_shared>>)
      tpu.yield
    }) : () -> ()
    %mul3A_90 = arith.constant 640 : i32
    %mul3A_91 = arith.muli %arg1, %mul3A_90 : i32
    %add3A_92 = arith.constant 320 : i32
    %add3A_93 = arith.addi %mul3A_91, %add3A_92 : i32
    "tpu.region"() ({
      %run_scoped3A = tpu.sem_alloc : memref<!tpu.dma_semaphore, #tpu.memory_space<semaphore_mem>>
      %dma_start3A = arith.constant 0 : i32
      %dma_start3A_133 = tpu.memref_slice %arg20[%add3A_93, %dma_start3A] : memref<10240x128xf32, #tpu.memory_space<vmem_shared>> -> memref<64x128xf32, #tpu.memory_space<vmem_shared>>
      %dma_start3A_134 = arith.constant 0 : i32
      %dma_start3A_135 = tpu.memref_slice %arg20[%add3A_93, %dma_start3A_134] : memref<10240x128xf32, #tpu.memory_space<vmem_shared>> -> memref<64x128xf32, #tpu.memory_space<vmem_shared>>
      tpu.enqueue_dma source(%arg16 : memref<64x128xf32, #tpu.memory_space<vmem>>) target(%dma_start3A_135 : memref<64x128xf32, #tpu.memory_space<vmem_shared>>) target_semaphore(%run_scoped3A : memref<!tpu.dma_semaphore, #tpu.memory_space<semaphore_mem>>)
      %dma_wait3A = arith.constant 0 : i32
      %dma_wait3A_136 = tpu.memref_slice %arg20[%add3A_93, %dma_wait3A] : memref<10240x128xf32, #tpu.memory_space<vmem_shared>> -> memref<64x128xf32, #tpu.memory_space<vmem_shared>>
      %dma_wait3A_137 = arith.constant 0 : i32
      %dma_wait3A_138 = tpu.memref_slice %arg20[%add3A_93, %dma_wait3A_137] : memref<10240x128xf32, #tpu.memory_space<vmem_shared>> -> memref<64x128xf32, #tpu.memory_space<vmem_shared>>
      tpu.wait_dma2 semaphore(%run_scoped3A : memref<!tpu.dma_semaphore, #tpu.memory_space<semaphore_mem>>) src(%arg16 : memref<64x128xf32, #tpu.memory_space<vmem>>) dst(%dma_wait3A_138 : memref<64x128xf32, #tpu.memory_space<vmem_shared>>)
      tpu.yield
    }) : () -> ()
    %mul3A_94 = arith.constant 640 : i32
    %mul3A_95 = arith.muli %arg1, %mul3A_94 : i32
    %add3A_96 = arith.constant 384 : i32
    %add3A_97 = arith.addi %mul3A_95, %add3A_96 : i32
    "tpu.region"() ({
      %run_scoped3A = tpu.sem_alloc : memref<!tpu.dma_semaphore, #tpu.memory_space<semaphore_mem>>
      %dma_start3A = arith.constant 0 : i32
      %dma_start3A_133 = tpu.memref_slice %arg20[%add3A_97, %dma_start3A] : memref<10240x128xf32, #tpu.memory_space<vmem_shared>> -> memref<64x128xf32, #tpu.memory_space<vmem_shared>>
      %dma_start3A_134 = arith.constant 0 : i32
      %dma_start3A_135 = tpu.memref_slice %arg20[%add3A_97, %dma_start3A_134] : memref<10240x128xf32, #tpu.memory_space<vmem_shared>> -> memref<64x128xf32, #tpu.memory_space<vmem_shared>>
      tpu.enqueue_dma source(%arg16 : memref<64x128xf32, #tpu.memory_space<vmem>>) target(%dma_start3A_135 : memref<64x128xf32, #tpu.memory_space<vmem_shared>>) target_semaphore(%run_scoped3A : memref<!tpu.dma_semaphore, #tpu.memory_space<semaphore_mem>>)
      %dma_wait3A = arith.constant 0 : i32
      %dma_wait3A_136 = tpu.memref_slice %arg20[%add3A_97, %dma_wait3A] : memref<10240x128xf32, #tpu.memory_space<vmem_shared>> -> memref<64x128xf32, #tpu.memory_space<vmem_shared>>
      %dma_wait3A_137 = arith.constant 0 : i32
      %dma_wait3A_138 = tpu.memref_slice %arg20[%add3A_97, %dma_wait3A_137] : memref<10240x128xf32, #tpu.memory_space<vmem_shared>> -> memref<64x128xf32, #tpu.memory_space<vmem_shared>>
      tpu.wait_dma2 semaphore(%run_scoped3A : memref<!tpu.dma_semaphore, #tpu.memory_space<semaphore_mem>>) src(%arg16 : memref<64x128xf32, #tpu.memory_space<vmem>>) dst(%dma_wait3A_138 : memref<64x128xf32, #tpu.memory_space<vmem_shared>>)
      tpu.yield
    }) : () -> ()
    %mul3A_98 = arith.constant 640 : i32
    %mul3A_99 = arith.muli %arg1, %mul3A_98 : i32
    %add3A_100 = arith.constant 448 : i32
    %add3A_101 = arith.addi %mul3A_99, %add3A_100 : i32
    "tpu.region"() ({
      %run_scoped3A = tpu.sem_alloc : memref<!tpu.dma_semaphore, #tpu.memory_space<semaphore_mem>>
      %dma_start3A = arith.constant 0 : i32
      %dma_start3A_133 = tpu.memref_slice %arg20[%add3A_101, %dma_start3A] : memref<10240x128xf32, #tpu.memory_space<vmem_shared>> -> memref<64x128xf32, #tpu.memory_space<vmem_shared>>
      %dma_start3A_134 = arith.constant 0 : i32
      %dma_start3A_135 = tpu.memref_slice %arg20[%add3A_101, %dma_start3A_134] : memref<10240x128xf32, #tpu.memory_space<vmem_shared>> -> memref<64x128xf32, #tpu.memory_space<vmem_shared>>
      tpu.enqueue_dma source(%arg16 : memref<64x128xf32, #tpu.memory_space<vmem>>) target(%dma_start3A_135 : memref<64x128xf32, #tpu.memory_space<vmem_shared>>) target_semaphore(%run_scoped3A : memref<!tpu.dma_semaphore, #tpu.memory_space<semaphore_mem>>)
      %dma_wait3A = arith.constant 0 : i32
      %dma_wait3A_136 = tpu.memref_slice %arg20[%add3A_101, %dma_wait3A] : memref<10240x128xf32, #tpu.memory_space<vmem_shared>> -> memref<64x128xf32, #tpu.memory_space<vmem_shared>>
      %dma_wait3A_137 = arith.constant 0 : i32
      %dma_wait3A_138 = tpu.memref_slice %arg20[%add3A_101, %dma_wait3A_137] : memref<10240x128xf32, #tpu.memory_space<vmem_shared>> -> memref<64x128xf32, #tpu.memory_space<vmem_shared>>
      tpu.wait_dma2 semaphore(%run_scoped3A : memref<!tpu.dma_semaphore, #tpu.memory_space<semaphore_mem>>) src(%arg16 : memref<64x128xf32, #tpu.memory_space<vmem>>) dst(%dma_wait3A_138 : memref<64x128xf32, #tpu.memory_space<vmem_shared>>)
      tpu.yield
    }) : () -> ()
    %mul3A_102 = arith.constant 640 : i32
    %mul3A_103 = arith.muli %arg1, %mul3A_102 : i32
    %add3A_104 = arith.constant 512 : i32
    %add3A_105 = arith.addi %mul3A_103, %add3A_104 : i32
    "tpu.region"() ({
      %run_scoped3A = tpu.sem_alloc : memref<!tpu.dma_semaphore, #tpu.memory_space<semaphore_mem>>
      %dma_start3A = arith.constant 0 : i32
      %dma_start3A_133 = tpu.memref_slice %arg20[%add3A_105, %dma_start3A] : memref<10240x128xf32, #tpu.memory_space<vmem_shared>> -> memref<64x128xf32, #tpu.memory_space<vmem_shared>>
      %dma_start3A_134 = arith.constant 0 : i32
      %dma_start3A_135 = tpu.memref_slice %arg20[%add3A_105, %dma_start3A_134] : memref<10240x128xf32, #tpu.memory_space<vmem_shared>> -> memref<64x128xf32, #tpu.memory_space<vmem_shared>>
      tpu.enqueue_dma source(%arg16 : memref<64x128xf32, #tpu.memory_space<vmem>>) target(%dma_start3A_135 : memref<64x128xf32, #tpu.memory_space<vmem_shared>>) target_semaphore(%run_scoped3A : memref<!tpu.dma_semaphore, #tpu.memory_space<semaphore_mem>>)
      %dma_wait3A = arith.constant 0 : i32
      %dma_wait3A_136 = tpu.memref_slice %arg20[%add3A_105, %dma_wait3A] : memref<10240x128xf32, #tpu.memory_space<vmem_shared>> -> memref<64x128xf32, #tpu.memory_space<vmem_shared>>
      %dma_wait3A_137 = arith.constant 0 : i32
      %dma_wait3A_138 = tpu.memref_slice %arg20[%add3A_105, %dma_wait3A_137] : memref<10240x128xf32, #tpu.memory_space<vmem_shared>> -> memref<64x128xf32, #tpu.memory_space<vmem_shared>>
      tpu.wait_dma2 semaphore(%run_scoped3A : memref<!tpu.dma_semaphore, #tpu.memory_space<semaphore_mem>>) src(%arg16 : memref<64x128xf32, #tpu.memory_space<vmem>>) dst(%dma_wait3A_138 : memref<64x128xf32, #tpu.memory_space<vmem_shared>>)
      tpu.yield
    }) : () -> ()
    %mul3A_106 = arith.constant 640 : i32
    %mul3A_107 = arith.muli %arg1, %mul3A_106 : i32
    %add3A_108 = arith.constant 576 : i32
    %add3A_109 = arith.addi %mul3A_107, %add3A_108 : i32
    "tpu.region"() ({
      %run_scoped3A = tpu.sem_alloc : memref<!tpu.dma_semaphore, #tpu.memory_space<semaphore_mem>>
      %dma_start3A = arith.constant 0 : i32
      %dma_start3A_133 = tpu.memref_slice %arg20[%add3A_109, %dma_start3A] : memref<10240x128xf32, #tpu.memory_space<vmem_shared>> -> memref<64x128xf32, #tpu.memory_space<vmem_shared>>
      %dma_start3A_134 = arith.constant 0 : i32
      %dma_start3A_135 = tpu.memref_slice %arg20[%add3A_109, %dma_start3A_134] : memref<10240x128xf32, #tpu.memory_space<vmem_shared>> -> memref<64x128xf32, #tpu.memory_space<vmem_shared>>
      tpu.enqueue_dma source(%arg16 : memref<64x128xf32, #tpu.memory_space<vmem>>) target(%dma_start3A_135 : memref<64x128xf32, #tpu.memory_space<vmem_shared>>) target_semaphore(%run_scoped3A : memref<!tpu.dma_semaphore, #tpu.memory_space<semaphore_mem>>)
      %dma_wait3A = arith.constant 0 : i32
      %dma_wait3A_136 = tpu.memref_slice %arg20[%add3A_109, %dma_wait3A] : memref<10240x128xf32, #tpu.memory_space<vmem_shared>> -> memref<64x128xf32, #tpu.memory_space<vmem_shared>>
      %dma_wait3A_137 = arith.constant 0 : i32
      %dma_wait3A_138 = tpu.memref_slice %arg20[%add3A_109, %dma_wait3A_137] : memref<10240x128xf32, #tpu.memory_space<vmem_shared>> -> memref<64x128xf32, #tpu.memory_space<vmem_shared>>
      tpu.wait_dma2 semaphore(%run_scoped3A : memref<!tpu.dma_semaphore, #tpu.memory_space<semaphore_mem>>) src(%arg16 : memref<64x128xf32, #tpu.memory_space<vmem>>) dst(%dma_wait3A_138 : memref<64x128xf32, #tpu.memory_space<vmem_shared>>)
      tpu.yield
    }) : () -> ()
    %barrier3A_110 = arith.constant 0 : index
    tpu.barrier barrier_id(%barrier3A_110)
    %eq3A_111 = arith.constant 0 : i32
    %eq3A_112 = arith.cmpi eq, %arg0, %eq3A_111 : i32
    %convert_element_type3A_113 = arith.extui %eq3A_112 : i1 to i32
    %cond3A_114 = arith.constant 0 : i32
    %cond3A_115 = arith.cmpi ne, %convert_element_type3A_113, %cond3A_114 : i32
    scf.if %cond3A_115 {
      %scan3A_133 = arith.constant 0 : i32
      %scan3A_134 = arith.constant 0 : i32
      %scan3A_135 = arith.constant 10 : i32
      %scan3A_136 = arith.addi %scan3A_134, %scan3A_135 : i32
      %scan3A_137 = arith.constant 1 : i32
      scf.for %scan3A_139 = %scan3A_134 to %scan3A_136 step %scan3A_137  : i32 {
        %mul3A_140 = arith.constant 32 : i32
        %mul3A_141 = arith.muli %scan3A_139, %mul3A_140 : i32
        "tpu.region"() ({
          %run_scoped3A = tpu.sem_alloc : memref<!tpu.dma_semaphore, #tpu.memory_space<semaphore_mem>>
          %dma_start3A_203 = arith.constant 0 : i32
          %dma_start3A_204 = arith.constant 0 : i32
          %dma_start3A_205 = tpu.memref_slice %arg8[%arg1, %dma_start3A_203, %dma_start3A_204] : memref<16x320x64xi32, #tpu.memory_space<hbm>> -> memref<1x320x64xi32, #tpu.memory_space<hbm>>
          %dma_start3A_206 = tpu.memref_squeeze %dma_start3A_205 : memref<1x320x64xi32, #tpu.memory_space<hbm>> -> memref<320x64xi32, #tpu.memory_space<hbm>>
          %dma_start3A_207 = arith.constant 0 : i32
          %dma_start3A_208 = tpu.memref_slice %dma_start3A_206[%mul3A_141, %dma_start3A_207] : memref<320x64xi32, #tpu.memory_space<hbm>> -> memref<32x64xi32, #tpu.memory_space<hbm>>
          %dma_start3A_209 = arith.constant 0 : i32
          %dma_start3A_210 = arith.constant 0 : i32
          %dma_start3A_211 = tpu.memref_slice %arg8[%arg1, %dma_start3A_209, %dma_start3A_210] : memref<16x320x64xi32, #tpu.memory_space<hbm>> -> memref<1x320x64xi32, #tpu.memory_space<hbm>>
          %dma_start3A_212 = tpu.memref_squeeze %dma_start3A_211 : memref<1x320x64xi32, #tpu.memory_space<hbm>> -> memref<320x64xi32, #tpu.memory_space<hbm>>
          %dma_start3A_213 = arith.constant 0 : i32
          %dma_start3A_214 = tpu.memref_slice %dma_start3A_212[%mul3A_141, %dma_start3A_213] : memref<320x64xi32, #tpu.memory_space<hbm>> -> memref<32x64xi32, #tpu.memory_space<hbm>>
          tpu.enqueue_dma source(%dma_start3A_214 : memref<32x64xi32, #tpu.memory_space<hbm>>) target(%arg14 : memref<32x64xi32, #tpu.memory_space<vmem>>) target_semaphore(%run_scoped3A : memref<!tpu.dma_semaphore, #tpu.memory_space<semaphore_mem>>)
          %dma_wait3A_215 = arith.constant 0 : i32
          %dma_wait3A_216 = arith.constant 0 : i32
          %dma_wait3A_217 = tpu.memref_slice %arg8[%arg1, %dma_wait3A_215, %dma_wait3A_216] : memref<16x320x64xi32, #tpu.memory_space<hbm>> -> memref<1x320x64xi32, #tpu.memory_space<hbm>>
          %dma_wait3A_218 = tpu.memref_squeeze %dma_wait3A_217 : memref<1x320x64xi32, #tpu.memory_space<hbm>> -> memref<320x64xi32, #tpu.memory_space<hbm>>
          %dma_wait3A_219 = arith.constant 0 : i32
          %dma_wait3A_220 = tpu.memref_slice %dma_wait3A_218[%mul3A_141, %dma_wait3A_219] : memref<320x64xi32, #tpu.memory_space<hbm>> -> memref<32x64xi32, #tpu.memory_space<hbm>>
          %dma_wait3A_221 = arith.constant 0 : i32
          %dma_wait3A_222 = arith.constant 0 : i32
          %dma_wait3A_223 = tpu.memref_slice %arg8[%arg1, %dma_wait3A_221, %dma_wait3A_222] : memref<16x320x64xi32, #tpu.memory_space<hbm>> -> memref<1x320x64xi32, #tpu.memory_space<hbm>>
          %dma_wait3A_224 = tpu.memref_squeeze %dma_wait3A_223 : memref<1x320x64xi32, #tpu.memory_space<hbm>> -> memref<320x64xi32, #tpu.memory_space<hbm>>
          %dma_wait3A_225 = arith.constant 0 : i32
          %dma_wait3A_226 = tpu.memref_slice %dma_wait3A_224[%mul3A_141, %dma_wait3A_225] : memref<320x64xi32, #tpu.memory_space<hbm>> -> memref<32x64xi32, #tpu.memory_space<hbm>>
          tpu.wait_dma2 semaphore(%run_scoped3A : memref<!tpu.dma_semaphore, #tpu.memory_space<semaphore_mem>>) src(%dma_wait3A_226 : memref<32x64xi32, #tpu.memory_space<hbm>>) dst(%arg14 : memref<32x64xi32, #tpu.memory_space<vmem>>)
          tpu.yield
        }) : () -> ()
        %mul3A_142 = arith.constant 32 : i32
        %mul3A_143 = arith.muli %scan3A_139, %mul3A_142 : i32
        "tpu.region"() ({
          %run_scoped3A = tpu.sem_alloc : memref<!tpu.dma_semaphore, #tpu.memory_space<semaphore_mem>>
          %dma_start3A_203 = arith.constant 0 : i32
          %dma_start3A_204 = arith.constant 0 : i32
          %dma_start3A_205 = tpu.memref_slice %arg9[%arg1, %dma_start3A_203, %dma_start3A_204] : memref<16x320x64xi32, #tpu.memory_space<hbm>> -> memref<1x320x64xi32, #tpu.memory_space<hbm>>
          %dma_start3A_206 = tpu.memref_squeeze %dma_start3A_205 : memref<1x320x64xi32, #tpu.memory_space<hbm>> -> memref<320x64xi32, #tpu.memory_space<hbm>>
          %dma_start3A_207 = arith.constant 0 : i32
          %dma_start3A_208 = tpu.memref_slice %dma_start3A_206[%mul3A_143, %dma_start3A_207] : memref<320x64xi32, #tpu.memory_space<hbm>> -> memref<32x64xi32, #tpu.memory_space<hbm>>
          %dma_start3A_209 = arith.constant 0 : i32
          %dma_start3A_210 = arith.constant 0 : i32
          %dma_start3A_211 = tpu.memref_slice %arg9[%arg1, %dma_start3A_209, %dma_start3A_210] : memref<16x320x64xi32, #tpu.memory_space<hbm>> -> memref<1x320x64xi32, #tpu.memory_space<hbm>>
          %dma_start3A_212 = tpu.memref_squeeze %dma_start3A_211 : memref<1x320x64xi32, #tpu.memory_space<hbm>> -> memref<320x64xi32, #tpu.memory_space<hbm>>
          %dma_start3A_213 = arith.constant 0 : i32
          %dma_start3A_214 = tpu.memref_slice %dma_start3A_212[%mul3A_143, %dma_start3A_213] : memref<320x64xi32, #tpu.memory_space<hbm>> -> memref<32x64xi32, #tpu.memory_space<hbm>>
          tpu.enqueue_dma source(%dma_start3A_214 : memref<32x64xi32, #tpu.memory_space<hbm>>) target(%arg15 : memref<32x64xi32, #tpu.memory_space<vmem>>) target_semaphore(%run_scoped3A : memref<!tpu.dma_semaphore, #tpu.memory_space<semaphore_mem>>)
          %dma_wait3A_215 = arith.constant 0 : i32
          %dma_wait3A_216 = arith.constant 0 : i32
          %dma_wait3A_217 = tpu.memref_slice %arg9[%arg1, %dma_wait3A_215, %dma_wait3A_216] : memref<16x320x64xi32, #tpu.memory_space<hbm>> -> memref<1x320x64xi32, #tpu.memory_space<hbm>>
          %dma_wait3A_218 = tpu.memref_squeeze %dma_wait3A_217 : memref<1x320x64xi32, #tpu.memory_space<hbm>> -> memref<320x64xi32, #tpu.memory_space<hbm>>
          %dma_wait3A_219 = arith.constant 0 : i32
          %dma_wait3A_220 = tpu.memref_slice %dma_wait3A_218[%mul3A_143, %dma_wait3A_219] : memref<320x64xi32, #tpu.memory_space<hbm>> -> memref<32x64xi32, #tpu.memory_space<hbm>>
          %dma_wait3A_221 = arith.constant 0 : i32
          %dma_wait3A_222 = arith.constant 0 : i32
          %dma_wait3A_223 = tpu.memref_slice %arg9[%arg1, %dma_wait3A_221, %dma_wait3A_222] : memref<16x320x64xi32, #tpu.memory_space<hbm>> -> memref<1x320x64xi32, #tpu.memory_space<hbm>>
          %dma_wait3A_224 = tpu.memref_squeeze %dma_wait3A_223 : memref<1x320x64xi32, #tpu.memory_space<hbm>> -> memref<320x64xi32, #tpu.memory_space<hbm>>
          %dma_wait3A_225 = arith.constant 0 : i32
          %dma_wait3A_226 = tpu.memref_slice %dma_wait3A_224[%mul3A_143, %dma_wait3A_225] : memref<320x64xi32, #tpu.memory_space<hbm>> -> memref<32x64xi32, #tpu.memory_space<hbm>>
          tpu.wait_dma2 semaphore(%run_scoped3A : memref<!tpu.dma_semaphore, #tpu.memory_space<semaphore_mem>>) src(%dma_wait3A_226 : memref<32x64xi32, #tpu.memory_space<hbm>>) dst(%arg15 : memref<32x64xi32, #tpu.memory_space<vmem>>)
          tpu.yield
        }) : () -> ()
        %dma_start3A = arith.constant 0 : i32
        %dma_start3A_144 = arith.constant 0 : i32
        %dma_start3A_145 = tpu.memref_slice %arg14[%dma_start3A, %dma_start3A_144] : memref<32x64xi32, #tpu.memory_space<vmem>> -> memref<1x64xi32, #tpu.memory_space<vmem>>
        %dma_start3A_146 = tpu.memref_squeeze %dma_start3A_145 : memref<1x64xi32, #tpu.memory_space<vmem>> -> memref<64xi32, #tpu.memory_space<vmem>>
        %dma_start3A_147 = arith.constant 0 : i32
        %dma_start3A_148 = arith.constant 0 : i32
        %dma_start3A_149 = tpu.memref_slice %arg4[%dma_start3A_147, %dma_start3A_148] : memref<10000x128xf32, #tpu.memory_space<hbm>> -> memref<10000x128xf32, #tpu.memory_space<hbm>>
        tpu.enqueue_indirect_dma source(%dma_start3A_149 : memref<10000x128xf32, #tpu.memory_space<hbm>>) target(%arg16 : memref<64x128xf32, #tpu.memory_space<vmem>>) offsets(%dma_start3A_146 : memref<64xi32, #tpu.memory_space<vmem>>) semaphore(%arg21 : memref<!tpu.dma_semaphore, #tpu.memory_space<semaphore_mem>>)
        %dma_start3A_150 = arith.constant 1 : i32
        %dma_start3A_151 = arith.constant 0 : i32
        %dma_start3A_152 = tpu.memref_slice %arg14[%dma_start3A_150, %dma_start3A_151] : memref<32x64xi32, #tpu.memory_space<vmem>> -> memref<1x64xi32, #tpu.memory_space<vmem>>
        %dma_start3A_153 = tpu.memref_squeeze %dma_start3A_152 : memref<1x64xi32, #tpu.memory_space<vmem>> -> memref<64xi32, #tpu.memory_space<vmem>>
        %dma_start3A_154 = arith.constant 0 : i32
        %dma_start3A_155 = arith.constant 0 : i32
        %dma_start3A_156 = tpu.memref_slice %arg4[%dma_start3A_154, %dma_start3A_155] : memref<10000x128xf32, #tpu.memory_space<hbm>> -> memref<10000x128xf32, #tpu.memory_space<hbm>>
        tpu.enqueue_indirect_dma source(%dma_start3A_156 : memref<10000x128xf32, #tpu.memory_space<hbm>>) target(%arg17 : memref<64x128xf32, #tpu.memory_space<vmem>>) offsets(%dma_start3A_153 : memref<64xi32, #tpu.memory_space<vmem>>) semaphore(%arg22 : memref<!tpu.dma_semaphore, #tpu.memory_space<semaphore_mem>>)
        %dma_start3A_157 = arith.constant 2 : i32
        %dma_start3A_158 = arith.constant 0 : i32
        %dma_start3A_159 = tpu.memref_slice %arg14[%dma_start3A_157, %dma_start3A_158] : memref<32x64xi32, #tpu.memory_space<vmem>> -> memref<1x64xi32, #tpu.memory_space<vmem>>
        %dma_start3A_160 = tpu.memref_squeeze %dma_start3A_159 : memref<1x64xi32, #tpu.memory_space<vmem>> -> memref<64xi32, #tpu.memory_space<vmem>>
        %dma_start3A_161 = arith.constant 0 : i32
        %dma_start3A_162 = arith.constant 0 : i32
        %dma_start3A_163 = tpu.memref_slice %arg4[%dma_start3A_161, %dma_start3A_162] : memref<10000x128xf32, #tpu.memory_space<hbm>> -> memref<10000x128xf32, #tpu.memory_space<hbm>>
        tpu.enqueue_indirect_dma source(%dma_start3A_163 : memref<10000x128xf32, #tpu.memory_space<hbm>>) target(%arg18 : memref<64x128xf32, #tpu.memory_space<vmem>>) offsets(%dma_start3A_160 : memref<64xi32, #tpu.memory_space<vmem>>) semaphore(%arg23 : memref<!tpu.dma_semaphore, #tpu.memory_space<semaphore_mem>>)
        %dma_start3A_164 = arith.constant 3 : i32
        %dma_start3A_165 = arith.constant 0 : i32
        %dma_start3A_166 = tpu.memref_slice %arg14[%dma_start3A_164, %dma_start3A_165] : memref<32x64xi32, #tpu.memory_space<vmem>> -> memref<1x64xi32, #tpu.memory_space<vmem>>
        %dma_start3A_167 = tpu.memref_squeeze %dma_start3A_166 : memref<1x64xi32, #tpu.memory_space<vmem>> -> memref<64xi32, #tpu.memory_space<vmem>>
        %dma_start3A_168 = arith.constant 0 : i32
        %dma_start3A_169 = arith.constant 0 : i32
        %dma_start3A_170 = tpu.memref_slice %arg4[%dma_start3A_168, %dma_start3A_169] : memref<10000x128xf32, #tpu.memory_space<hbm>> -> memref<10000x128xf32, #tpu.memory_space<hbm>>
        tpu.enqueue_indirect_dma source(%dma_start3A_170 : memref<10000x128xf32, #tpu.memory_space<hbm>>) target(%arg19 : memref<64x128xf32, #tpu.memory_space<vmem>>) offsets(%dma_start3A_167 : memref<64xi32, #tpu.memory_space<vmem>>) semaphore(%arg24 : memref<!tpu.dma_semaphore, #tpu.memory_space<semaphore_mem>>)
        %scan3A_171 = arith.constant 0 : i32
        %scan3A_172 = arith.constant 8 : i32
        %scan3A_173 = arith.addi %scan3A_171, %scan3A_172 : i32
        %scan3A_174 = arith.constant 1 : i32
        scf.for %scan3A_203 = %scan3A_171 to %scan3A_173 step %scan3A_174  : i32 {
          %mul3A_204 = arith.constant 4 : i32
          %mul3A_205 = arith.muli %scan3A_203, %mul3A_204 : i32
          %add3A_206 = arith.constant 0 : i32
          %add3A_207 = arith.addi %mul3A_205, %add3A_206 : i32
          %dma_wait3A_208 = arith.constant 0 : i32
          %dma_wait3A_209 = tpu.memref_slice %arg14[%add3A_207, %dma_wait3A_208] : memref<32x64xi32, #tpu.memory_space<vmem>> -> memref<1x64xi32, #tpu.memory_space<vmem>>
          %dma_wait3A_210 = tpu.memref_squeeze %dma_wait3A_209 : memref<1x64xi32, #tpu.memory_space<vmem>> -> memref<64xi32, #tpu.memory_space<vmem>>
          %dma_wait3A_211 = arith.constant 0 : i32
          %dma_wait3A_212 = arith.constant 0 : i32
          %dma_wait3A_213 = tpu.memref_slice %arg4[%dma_wait3A_211, %dma_wait3A_212] : memref<10000x128xf32, #tpu.memory_space<hbm>> -> memref<10000x128xf32, #tpu.memory_space<hbm>>
          tpu.wait_indirect_dma semaphore(%arg21 : memref<!tpu.dma_semaphore, #tpu.memory_space<semaphore_mem>>) src(%dma_wait3A_213 : memref<10000x128xf32, #tpu.memory_space<hbm>>) dst(%arg16 : memref<64x128xf32, #tpu.memory_space<vmem>>)
          %dma_start3A_214 = arith.constant 0 : i32
          %dma_start3A_215 = tpu.memref_slice %arg15[%add3A_207, %dma_start3A_214] : memref<32x64xi32, #tpu.memory_space<vmem>> -> memref<1x64xi32, #tpu.memory_space<vmem>>
          %dma_start3A_216 = tpu.memref_squeeze %dma_start3A_215 : memref<1x64xi32, #tpu.memory_space<vmem>> -> memref<64xi32, #tpu.memory_space<vmem>>
          %dma_start3A_217 = arith.constant 0 : i32
          %dma_start3A_218 = arith.constant 0 : i32
          %dma_start3A_219 = tpu.memref_slice %arg20[%dma_start3A_217, %dma_start3A_218] : memref<10240x128xf32, #tpu.memory_space<vmem_shared>> -> memref<10240x128xf32, #tpu.memory_space<vmem_shared>>
          tpu.enqueue_indirect_dma source(%arg16 : memref<64x128xf32, #tpu.memory_space<vmem>>) target(%dma_start3A_219 : memref<10240x128xf32, #tpu.memory_space<vmem_shared>>) offsets(%dma_start3A_216 : memref<64xi32, #tpu.memory_space<vmem>>) semaphore(%arg25 : memref<!tpu.dma_semaphore, #tpu.memory_space<semaphore_mem>>) {add = true}
          %lt3A = arith.constant 7 : i32
          %lt3A_220 = arith.cmpi slt, %scan3A_203, %lt3A : i32
          %convert_element_type3A_221 = arith.extui %lt3A_220 : i1 to i32
          %cond3A_222 = arith.constant 0 : i32
          %cond3A_223 = arith.cmpi ne, %convert_element_type3A_221, %cond3A_222 : i32
          scf.if %cond3A_223 {
            %dma_wait3A_287 = arith.constant 0 : i32
            %dma_wait3A_288 = tpu.memref_slice %arg15[%add3A_207, %dma_wait3A_287] : memref<32x64xi32, #tpu.memory_space<vmem>> -> memref<1x64xi32, #tpu.memory_space<vmem>>
            %dma_wait3A_289 = tpu.memref_squeeze %dma_wait3A_288 : memref<1x64xi32, #tpu.memory_space<vmem>> -> memref<64xi32, #tpu.memory_space<vmem>>
            %dma_wait3A_290 = arith.constant 0 : i32
            %dma_wait3A_291 = arith.constant 0 : i32
            %dma_wait3A_292 = tpu.memref_slice %arg20[%dma_wait3A_290, %dma_wait3A_291] : memref<10240x128xf32, #tpu.memory_space<vmem_shared>> -> memref<10240x128xf32, #tpu.memory_space<vmem_shared>>
            tpu.wait_indirect_dma semaphore(%arg25 : memref<!tpu.dma_semaphore, #tpu.memory_space<semaphore_mem>>) src(%arg16 : memref<64x128xf32, #tpu.memory_space<vmem>>) dst(%dma_wait3A_292 : memref<10240x128xf32, #tpu.memory_space<vmem_shared>>)
            %add3A_293 = arith.constant 4 : i32
            %add3A_294 = arith.addi %add3A_207, %add3A_293 : i32
            %dma_start3A_295 = arith.constant 0 : i32
            %dma_start3A_296 = tpu.memref_slice %arg14[%add3A_294, %dma_start3A_295] : memref<32x64xi32, #tpu.memory_space<vmem>> -> memref<1x64xi32, #tpu.memory_space<vmem>>
            %dma_start3A_297 = tpu.memref_squeeze %dma_start3A_296 : memref<1x64xi32, #tpu.memory_space<vmem>> -> memref<64xi32, #tpu.memory_space<vmem>>
            %dma_start3A_298 = arith.constant 0 : i32
            %dma_start3A_299 = arith.constant 0 : i32
            %dma_start3A_300 = tpu.memref_slice %arg4[%dma_start3A_298, %dma_start3A_299] : memref<10000x128xf32, #tpu.memory_space<hbm>> -> memref<10000x128xf32, #tpu.memory_space<hbm>>
            tpu.enqueue_indirect_dma source(%dma_start3A_300 : memref<10000x128xf32, #tpu.memory_space<hbm>>) target(%arg16 : memref<64x128xf32, #tpu.memory_space<vmem>>) offsets(%dma_start3A_297 : memref<64xi32, #tpu.memory_space<vmem>>) semaphore(%arg21 : memref<!tpu.dma_semaphore, #tpu.memory_space<semaphore_mem>>)
          } else {
          }
          %mul3A_224 = arith.constant 4 : i32
          %mul3A_225 = arith.muli %scan3A_203, %mul3A_224 : i32
          %add3A_226 = arith.constant 1 : i32
          %add3A_227 = arith.addi %mul3A_225, %add3A_226 : i32
          %dma_wait3A_228 = arith.constant 0 : i32
          %dma_wait3A_229 = tpu.memref_slice %arg14[%add3A_227, %dma_wait3A_228] : memref<32x64xi32, #tpu.memory_space<vmem>> -> memref<1x64xi32, #tpu.memory_space<vmem>>
          %dma_wait3A_230 = tpu.memref_squeeze %dma_wait3A_229 : memref<1x64xi32, #tpu.memory_space<vmem>> -> memref<64xi32, #tpu.memory_space<vmem>>
          %dma_wait3A_231 = arith.constant 0 : i32
          %dma_wait3A_232 = arith.constant 0 : i32
          %dma_wait3A_233 = tpu.memref_slice %arg4[%dma_wait3A_231, %dma_wait3A_232] : memref<10000x128xf32, #tpu.memory_space<hbm>> -> memref<10000x128xf32, #tpu.memory_space<hbm>>
          tpu.wait_indirect_dma semaphore(%arg22 : memref<!tpu.dma_semaphore, #tpu.memory_space<semaphore_mem>>) src(%dma_wait3A_233 : memref<10000x128xf32, #tpu.memory_space<hbm>>) dst(%arg17 : memref<64x128xf32, #tpu.memory_space<vmem>>)
          %dma_start3A_234 = arith.constant 0 : i32
          %dma_start3A_235 = tpu.memref_slice %arg15[%add3A_227, %dma_start3A_234] : memref<32x64xi32, #tpu.memory_space<vmem>> -> memref<1x64xi32, #tpu.memory_space<vmem>>
          %dma_start3A_236 = tpu.memref_squeeze %dma_start3A_235 : memref<1x64xi32, #tpu.memory_space<vmem>> -> memref<64xi32, #tpu.memory_space<vmem>>
          %dma_start3A_237 = arith.constant 0 : i32
          %dma_start3A_238 = arith.constant 0 : i32
          %dma_start3A_239 = tpu.memref_slice %arg20[%dma_start3A_237, %dma_start3A_238] : memref<10240x128xf32, #tpu.memory_space<vmem_shared>> -> memref<10240x128xf32, #tpu.memory_space<vmem_shared>>
          tpu.enqueue_indirect_dma source(%arg17 : memref<64x128xf32, #tpu.memory_space<vmem>>) target(%dma_start3A_239 : memref<10240x128xf32, #tpu.memory_space<vmem_shared>>) offsets(%dma_start3A_236 : memref<64xi32, #tpu.memory_space<vmem>>) semaphore(%arg26 : memref<!tpu.dma_semaphore, #tpu.memory_space<semaphore_mem>>) {add = true}
          %lt3A_240 = arith.constant 7 : i32
          %lt3A_241 = arith.cmpi slt, %scan3A_203, %lt3A_240 : i32
          %convert_element_type3A_242 = arith.extui %lt3A_241 : i1 to i32
          %cond3A_243 = arith.constant 0 : i32
          %cond3A_244 = arith.cmpi ne, %convert_element_type3A_242, %cond3A_243 : i32
          scf.if %cond3A_244 {
            %dma_wait3A_287 = arith.constant 0 : i32
            %dma_wait3A_288 = tpu.memref_slice %arg15[%add3A_227, %dma_wait3A_287] : memref<32x64xi32, #tpu.memory_space<vmem>> -> memref<1x64xi32, #tpu.memory_space<vmem>>
            %dma_wait3A_289 = tpu.memref_squeeze %dma_wait3A_288 : memref<1x64xi32, #tpu.memory_space<vmem>> -> memref<64xi32, #tpu.memory_space<vmem>>
            %dma_wait3A_290 = arith.constant 0 : i32
            %dma_wait3A_291 = arith.constant 0 : i32
            %dma_wait3A_292 = tpu.memref_slice %arg20[%dma_wait3A_290, %dma_wait3A_291] : memref<10240x128xf32, #tpu.memory_space<vmem_shared>> -> memref<10240x128xf32, #tpu.memory_space<vmem_shared>>
            tpu.wait_indirect_dma semaphore(%arg26 : memref<!tpu.dma_semaphore, #tpu.memory_space<semaphore_mem>>) src(%arg17 : memref<64x128xf32, #tpu.memory_space<vmem>>) dst(%dma_wait3A_292 : memref<10240x128xf32, #tpu.memory_space<vmem_shared>>)
            %add3A_293 = arith.constant 4 : i32
            %add3A_294 = arith.addi %add3A_227, %add3A_293 : i32
            %dma_start3A_295 = arith.constant 0 : i32
            %dma_start3A_296 = tpu.memref_slice %arg14[%add3A_294, %dma_start3A_295] : memref<32x64xi32, #tpu.memory_space<vmem>> -> memref<1x64xi32, #tpu.memory_space<vmem>>
            %dma_start3A_297 = tpu.memref_squeeze %dma_start3A_296 : memref<1x64xi32, #tpu.memory_space<vmem>> -> memref<64xi32, #tpu.memory_space<vmem>>
            %dma_start3A_298 = arith.constant 0 : i32
            %dma_start3A_299 = arith.constant 0 : i32
            %dma_start3A_300 = tpu.memref_slice %arg4[%dma_start3A_298, %dma_start3A_299] : memref<10000x128xf32, #tpu.memory_space<hbm>> -> memref<10000x128xf32, #tpu.memory_space<hbm>>
            tpu.enqueue_indirect_dma source(%dma_start3A_300 : memref<10000x128xf32, #tpu.memory_space<hbm>>) target(%arg17 : memref<64x128xf32, #tpu.memory_space<vmem>>) offsets(%dma_start3A_297 : memref<64xi32, #tpu.memory_space<vmem>>) semaphore(%arg22 : memref<!tpu.dma_semaphore, #tpu.memory_space<semaphore_mem>>)
          } else {
          }
          %mul3A_245 = arith.constant 4 : i32
          %mul3A_246 = arith.muli %scan3A_203, %mul3A_245 : i32
          %add3A_247 = arith.constant 2 : i32
          %add3A_248 = arith.addi %mul3A_246, %add3A_247 : i32
          %dma_wait3A_249 = arith.constant 0 : i32
          %dma_wait3A_250 = tpu.memref_slice %arg14[%add3A_248, %dma_wait3A_249] : memref<32x64xi32, #tpu.memory_space<vmem>> -> memref<1x64xi32, #tpu.memory_space<vmem>>
          %dma_wait3A_251 = tpu.memref_squeeze %dma_wait3A_250 : memref<1x64xi32, #tpu.memory_space<vmem>> -> memref<64xi32, #tpu.memory_space<vmem>>
          %dma_wait3A_252 = arith.constant 0 : i32
          %dma_wait3A_253 = arith.constant 0 : i32
          %dma_wait3A_254 = tpu.memref_slice %arg4[%dma_wait3A_252, %dma_wait3A_253] : memref<10000x128xf32, #tpu.memory_space<hbm>> -> memref<10000x128xf32, #tpu.memory_space<hbm>>
          tpu.wait_indirect_dma semaphore(%arg23 : memref<!tpu.dma_semaphore, #tpu.memory_space<semaphore_mem>>) src(%dma_wait3A_254 : memref<10000x128xf32, #tpu.memory_space<hbm>>) dst(%arg18 : memref<64x128xf32, #tpu.memory_space<vmem>>)
          %dma_start3A_255 = arith.constant 0 : i32
          %dma_start3A_256 = tpu.memref_slice %arg15[%add3A_248, %dma_start3A_255] : memref<32x64xi32, #tpu.memory_space<vmem>> -> memref<1x64xi32, #tpu.memory_space<vmem>>
          %dma_start3A_257 = tpu.memref_squeeze %dma_start3A_256 : memref<1x64xi32, #tpu.memory_space<vmem>> -> memref<64xi32, #tpu.memory_space<vmem>>
          %dma_start3A_258 = arith.constant 0 : i32
          %dma_start3A_259 = arith.constant 0 : i32
          %dma_start3A_260 = tpu.memref_slice %arg20[%dma_start3A_258, %dma_start3A_259] : memref<10240x128xf32, #tpu.memory_space<vmem_shared>> -> memref<10240x128xf32, #tpu.memory_space<vmem_shared>>
          tpu.enqueue_indirect_dma source(%arg18 : memref<64x128xf32, #tpu.memory_space<vmem>>) target(%dma_start3A_260 : memref<10240x128xf32, #tpu.memory_space<vmem_shared>>) offsets(%dma_start3A_257 : memref<64xi32, #tpu.memory_space<vmem>>) semaphore(%arg27 : memref<!tpu.dma_semaphore, #tpu.memory_space<semaphore_mem>>) {add = true}
          %lt3A_261 = arith.constant 7 : i32
          %lt3A_262 = arith.cmpi slt, %scan3A_203, %lt3A_261 : i32
          %convert_element_type3A_263 = arith.extui %lt3A_262 : i1 to i32
          %cond3A_264 = arith.constant 0 : i32
          %cond3A_265 = arith.cmpi ne, %convert_element_type3A_263, %cond3A_264 : i32
          scf.if %cond3A_265 {
            %dma_wait3A_287 = arith.constant 0 : i32
            %dma_wait3A_288 = tpu.memref_slice %arg15[%add3A_248, %dma_wait3A_287] : memref<32x64xi32, #tpu.memory_space<vmem>> -> memref<1x64xi32, #tpu.memory_space<vmem>>
            %dma_wait3A_289 = tpu.memref_squeeze %dma_wait3A_288 : memref<1x64xi32, #tpu.memory_space<vmem>> -> memref<64xi32, #tpu.memory_space<vmem>>
            %dma_wait3A_290 = arith.constant 0 : i32
            %dma_wait3A_291 = arith.constant 0 : i32
            %dma_wait3A_292 = tpu.memref_slice %arg20[%dma_wait3A_290, %dma_wait3A_291] : memref<10240x128xf32, #tpu.memory_space<vmem_shared>> -> memref<10240x128xf32, #tpu.memory_space<vmem_shared>>
            tpu.wait_indirect_dma semaphore(%arg27 : memref<!tpu.dma_semaphore, #tpu.memory_space<semaphore_mem>>) src(%arg18 : memref<64x128xf32, #tpu.memory_space<vmem>>) dst(%dma_wait3A_292 : memref<10240x128xf32, #tpu.memory_space<vmem_shared>>)
            %add3A_293 = arith.constant 4 : i32
            %add3A_294 = arith.addi %add3A_248, %add3A_293 : i32
            %dma_start3A_295 = arith.constant 0 : i32
            %dma_start3A_296 = tpu.memref_slice %arg14[%add3A_294, %dma_start3A_295] : memref<32x64xi32, #tpu.memory_space<vmem>> -> memref<1x64xi32, #tpu.memory_space<vmem>>
            %dma_start3A_297 = tpu.memref_squeeze %dma_start3A_296 : memref<1x64xi32, #tpu.memory_space<vmem>> -> memref<64xi32, #tpu.memory_space<vmem>>
            %dma_start3A_298 = arith.constant 0 : i32
            %dma_start3A_299 = arith.constant 0 : i32
            %dma_start3A_300 = tpu.memref_slice %arg4[%dma_start3A_298, %dma_start3A_299] : memref<10000x128xf32, #tpu.memory_space<hbm>> -> memref<10000x128xf32, #tpu.memory_space<hbm>>
            tpu.enqueue_indirect_dma source(%dma_start3A_300 : memref<10000x128xf32, #tpu.memory_space<hbm>>) target(%arg18 : memref<64x128xf32, #tpu.memory_space<vmem>>) offsets(%dma_start3A_297 : memref<64xi32, #tpu.memory_space<vmem>>) semaphore(%arg23 : memref<!tpu.dma_semaphore, #tpu.memory_space<semaphore_mem>>)
          } else {
          }
          %mul3A_266 = arith.constant 4 : i32
          %mul3A_267 = arith.muli %scan3A_203, %mul3A_266 : i32
          %add3A_268 = arith.constant 3 : i32
          %add3A_269 = arith.addi %mul3A_267, %add3A_268 : i32
          %dma_wait3A_270 = arith.constant 0 : i32
          %dma_wait3A_271 = tpu.memref_slice %arg14[%add3A_269, %dma_wait3A_270] : memref<32x64xi32, #tpu.memory_space<vmem>> -> memref<1x64xi32, #tpu.memory_space<vmem>>
          %dma_wait3A_272 = tpu.memref_squeeze %dma_wait3A_271 : memref<1x64xi32, #tpu.memory_space<vmem>> -> memref<64xi32, #tpu.memory_space<vmem>>
          %dma_wait3A_273 = arith.constant 0 : i32
          %dma_wait3A_274 = arith.constant 0 : i32
          %dma_wait3A_275 = tpu.memref_slice %arg4[%dma_wait3A_273, %dma_wait3A_274] : memref<10000x128xf32, #tpu.memory_space<hbm>> -> memref<10000x128xf32, #tpu.memory_space<hbm>>
          tpu.wait_indirect_dma semaphore(%arg24 : memref<!tpu.dma_semaphore, #tpu.memory_space<semaphore_mem>>) src(%dma_wait3A_275 : memref<10000x128xf32, #tpu.memory_space<hbm>>) dst(%arg19 : memref<64x128xf32, #tpu.memory_space<vmem>>)
          %dma_start3A_276 = arith.constant 0 : i32
          %dma_start3A_277 = tpu.memref_slice %arg15[%add3A_269, %dma_start3A_276] : memref<32x64xi32, #tpu.memory_space<vmem>> -> memref<1x64xi32, #tpu.memory_space<vmem>>
          %dma_start3A_278 = tpu.memref_squeeze %dma_start3A_277 : memref<1x64xi32, #tpu.memory_space<vmem>> -> memref<64xi32, #tpu.memory_space<vmem>>
          %dma_start3A_279 = arith.constant 0 : i32
          %dma_start3A_280 = arith.constant 0 : i32
          %dma_start3A_281 = tpu.memref_slice %arg20[%dma_start3A_279, %dma_start3A_280] : memref<10240x128xf32, #tpu.memory_space<vmem_shared>> -> memref<10240x128xf32, #tpu.memory_space<vmem_shared>>
          tpu.enqueue_indirect_dma source(%arg19 : memref<64x128xf32, #tpu.memory_space<vmem>>) target(%dma_start3A_281 : memref<10240x128xf32, #tpu.memory_space<vmem_shared>>) offsets(%dma_start3A_278 : memref<64xi32, #tpu.memory_space<vmem>>) semaphore(%arg28 : memref<!tpu.dma_semaphore, #tpu.memory_space<semaphore_mem>>) {add = true}
          %lt3A_282 = arith.constant 7 : i32
          %lt3A_283 = arith.cmpi slt, %scan3A_203, %lt3A_282 : i32
          %convert_element_type3A_284 = arith.extui %lt3A_283 : i1 to i32
          %cond3A_285 = arith.constant 0 : i32
          %cond3A_286 = arith.cmpi ne, %convert_element_type3A_284, %cond3A_285 : i32
          scf.if %cond3A_286 {
            %dma_wait3A_287 = arith.constant 0 : i32
            %dma_wait3A_288 = tpu.memref_slice %arg15[%add3A_269, %dma_wait3A_287] : memref<32x64xi32, #tpu.memory_space<vmem>> -> memref<1x64xi32, #tpu.memory_space<vmem>>
            %dma_wait3A_289 = tpu.memref_squeeze %dma_wait3A_288 : memref<1x64xi32, #tpu.memory_space<vmem>> -> memref<64xi32, #tpu.memory_space<vmem>>
            %dma_wait3A_290 = arith.constant 0 : i32
            %dma_wait3A_291 = arith.constant 0 : i32
            %dma_wait3A_292 = tpu.memref_slice %arg20[%dma_wait3A_290, %dma_wait3A_291] : memref<10240x128xf32, #tpu.memory_space<vmem_shared>> -> memref<10240x128xf32, #tpu.memory_space<vmem_shared>>
            tpu.wait_indirect_dma semaphore(%arg28 : memref<!tpu.dma_semaphore, #tpu.memory_space<semaphore_mem>>) src(%arg19 : memref<64x128xf32, #tpu.memory_space<vmem>>) dst(%dma_wait3A_292 : memref<10240x128xf32, #tpu.memory_space<vmem_shared>>)
            %add3A_293 = arith.constant 4 : i32
            %add3A_294 = arith.addi %add3A_269, %add3A_293 : i32
            %dma_start3A_295 = arith.constant 0 : i32
            %dma_start3A_296 = tpu.memref_slice %arg14[%add3A_294, %dma_start3A_295] : memref<32x64xi32, #tpu.memory_space<vmem>> -> memref<1x64xi32, #tpu.memory_space<vmem>>
            %dma_start3A_297 = tpu.memref_squeeze %dma_start3A_296 : memref<1x64xi32, #tpu.memory_space<vmem>> -> memref<64xi32, #tpu.memory_space<vmem>>
            %dma_start3A_298 = arith.constant 0 : i32
            %dma_start3A_299 = arith.constant 0 : i32
            %dma_start3A_300 = tpu.memref_slice %arg4[%dma_start3A_298, %dma_start3A_299] : memref<10000x128xf32, #tpu.memory_space<hbm>> -> memref<10000x128xf32, #tpu.memory_space<hbm>>
            tpu.enqueue_indirect_dma source(%dma_start3A_300 : memref<10000x128xf32, #tpu.memory_space<hbm>>) target(%arg19 : memref<64x128xf32, #tpu.memory_space<vmem>>) offsets(%dma_start3A_297 : memref<64xi32, #tpu.memory_space<vmem>>) semaphore(%arg24 : memref<!tpu.dma_semaphore, #tpu.memory_space<semaphore_mem>>)
          } else {
          }
        }
        %scan3A_175 = arith.constant 8 : i32
        %dma_wait3A = arith.constant 28 : i32
        %dma_wait3A_176 = arith.constant 0 : i32
        %dma_wait3A_177 = tpu.memref_slice %arg15[%dma_wait3A, %dma_wait3A_176] : memref<32x64xi32, #tpu.memory_space<vmem>> -> memref<1x64xi32, #tpu.memory_space<vmem>>
        %dma_wait3A_178 = tpu.memref_squeeze %dma_wait3A_177 : memref<1x64xi32, #tpu.memory_space<vmem>> -> memref<64xi32, #tpu.memory_space<vmem>>
        %dma_wait3A_179 = arith.constant 0 : i32
        %dma_wait3A_180 = arith.constant 0 : i32
        %dma_wait3A_181 = tpu.memref_slice %arg20[%dma_wait3A_179, %dma_wait3A_180] : memref<10240x128xf32, #tpu.memory_space<vmem_shared>> -> memref<10240x128xf32, #tpu.memory_space<vmem_shared>>
        tpu.wait_indirect_dma semaphore(%arg25 : memref<!tpu.dma_semaphore, #tpu.memory_space<semaphore_mem>>) src(%arg16 : memref<64x128xf32, #tpu.memory_space<vmem>>) dst(%dma_wait3A_181 : memref<10240x128xf32, #tpu.memory_space<vmem_shared>>)
        %dma_wait3A_182 = arith.constant 29 : i32
        %dma_wait3A_183 = arith.constant 0 : i32
        %dma_wait3A_184 = tpu.memref_slice %arg15[%dma_wait3A_182, %dma_wait3A_183] : memref<32x64xi32, #tpu.memory_space<vmem>> -> memref<1x64xi32, #tpu.memory_space<vmem>>
        %dma_wait3A_185 = tpu.memref_squeeze %dma_wait3A_184 : memref<1x64xi32, #tpu.memory_space<vmem>> -> memref<64xi32, #tpu.memory_space<vmem>>
        %dma_wait3A_186 = arith.constant 0 : i32
        %dma_wait3A_187 = arith.constant 0 : i32
        %dma_wait3A_188 = tpu.memref_slice %arg20[%dma_wait3A_186, %dma_wait3A_187] : memref<10240x128xf32, #tpu.memory_space<vmem_shared>> -> memref<10240x128xf32, #tpu.memory_space<vmem_shared>>
        tpu.wait_indirect_dma semaphore(%arg26 : memref<!tpu.dma_semaphore, #tpu.memory_space<semaphore_mem>>) src(%arg17 : memref<64x128xf32, #tpu.memory_space<vmem>>) dst(%dma_wait3A_188 : memref<10240x128xf32, #tpu.memory_space<vmem_shared>>)
        %dma_wait3A_189 = arith.constant 30 : i32
        %dma_wait3A_190 = arith.constant 0 : i32
        %dma_wait3A_191 = tpu.memref_slice %arg15[%dma_wait3A_189, %dma_wait3A_190] : memref<32x64xi32, #tpu.memory_space<vmem>> -> memref<1x64xi32, #tpu.memory_space<vmem>>
        %dma_wait3A_192 = tpu.memref_squeeze %dma_wait3A_191 : memref<1x64xi32, #tpu.memory_space<vmem>> -> memref<64xi32, #tpu.memory_space<vmem>>
        %dma_wait3A_193 = arith.constant 0 : i32
        %dma_wait3A_194 = arith.constant 0 : i32
        %dma_wait3A_195 = tpu.memref_slice %arg20[%dma_wait3A_193, %dma_wait3A_194] : memref<10240x128xf32, #tpu.memory_space<vmem_shared>> -> memref<10240x128xf32, #tpu.memory_space<vmem_shared>>
        tpu.wait_indirect_dma semaphore(%arg27 : memref<!tpu.dma_semaphore, #tpu.memory_space<semaphore_mem>>) src(%arg18 : memref<64x128xf32, #tpu.memory_space<vmem>>) dst(%dma_wait3A_195 : memref<10240x128xf32, #tpu.memory_space<vmem_shared>>)
        %dma_wait3A_196 = arith.constant 31 : i32
        %dma_wait3A_197 = arith.constant 0 : i32
        %dma_wait3A_198 = tpu.memref_slice %arg15[%dma_wait3A_196, %dma_wait3A_197] : memref<32x64xi32, #tpu.memory_space<vmem>> -> memref<1x64xi32, #tpu.memory_space<vmem>>
        %dma_wait3A_199 = tpu.memref_squeeze %dma_wait3A_198 : memref<1x64xi32, #tpu.memory_space<vmem>> -> memref<64xi32, #tpu.memory_space<vmem>>
        %dma_wait3A_200 = arith.constant 0 : i32
        %dma_wait3A_201 = arith.constant 0 : i32
        %dma_wait3A_202 = tpu.memref_slice %arg20[%dma_wait3A_200, %dma_wait3A_201] : memref<10240x128xf32, #tpu.memory_space<vmem_shared>> -> memref<10240x128xf32, #tpu.memory_space<vmem_shared>>
        tpu.wait_indirect_dma semaphore(%arg28 : memref<!tpu.dma_semaphore, #tpu.memory_space<semaphore_mem>>) src(%arg19 : memref<64x128xf32, #tpu.memory_space<vmem>>) dst(%dma_wait3A_202 : memref<10240x128xf32, #tpu.memory_space<vmem_shared>>)
      }
      %scan3A_138 = arith.constant 10 : i32
    } else {
    }
    %ne3A_116 = arith.constant 0 : i32
    %ne3A_117 = arith.cmpi ne, %arg0, %ne3A_116 : i32
    %convert_element_type3A_118 = arith.extui %ne3A_117 : i1 to i32
    %cond3A_119 = arith.constant 0 : i32
    %cond3A_120 = arith.cmpi ne, %convert_element_type3A_118, %cond3A_119 : i32
    scf.if %cond3A_120 {
      %scan3A_133 = arith.constant 0 : i32
      %scan3A_134 = arith.constant 0 : i32
      %scan3A_135 = arith.constant 10 : i32
      %scan3A_136 = arith.addi %scan3A_134, %scan3A_135 : i32
      %scan3A_137 = arith.constant 1 : i32
      scf.for %scan3A_139 = %scan3A_134 to %scan3A_136 step %scan3A_137  : i32 {
        %mul3A_140 = arith.constant 32 : i32
        %mul3A_141 = arith.muli %scan3A_139, %mul3A_140 : i32
        "tpu.region"() ({
          %run_scoped3A = tpu.sem_alloc : memref<!tpu.dma_semaphore, #tpu.memory_space<semaphore_mem>>
          %dma_start3A_203 = arith.constant 0 : i32
          %dma_start3A_204 = arith.constant 0 : i32
          %dma_start3A_205 = tpu.memref_slice %arg8[%arg1, %dma_start3A_203, %dma_start3A_204] : memref<16x320x64xi32, #tpu.memory_space<hbm>> -> memref<1x320x64xi32, #tpu.memory_space<hbm>>
          %dma_start3A_206 = tpu.memref_squeeze %dma_start3A_205 : memref<1x320x64xi32, #tpu.memory_space<hbm>> -> memref<320x64xi32, #tpu.memory_space<hbm>>
          %dma_start3A_207 = arith.constant 0 : i32
          %dma_start3A_208 = tpu.memref_slice %dma_start3A_206[%mul3A_141, %dma_start3A_207] : memref<320x64xi32, #tpu.memory_space<hbm>> -> memref<32x64xi32, #tpu.memory_space<hbm>>
          %dma_start3A_209 = arith.constant 0 : i32
          %dma_start3A_210 = arith.constant 0 : i32
          %dma_start3A_211 = tpu.memref_slice %arg8[%arg1, %dma_start3A_209, %dma_start3A_210] : memref<16x320x64xi32, #tpu.memory_space<hbm>> -> memref<1x320x64xi32, #tpu.memory_space<hbm>>
          %dma_start3A_212 = tpu.memref_squeeze %dma_start3A_211 : memref<1x320x64xi32, #tpu.memory_space<hbm>> -> memref<320x64xi32, #tpu.memory_space<hbm>>
          %dma_start3A_213 = arith.constant 0 : i32
          %dma_start3A_214 = tpu.memref_slice %dma_start3A_212[%mul3A_141, %dma_start3A_213] : memref<320x64xi32, #tpu.memory_space<hbm>> -> memref<32x64xi32, #tpu.memory_space<hbm>>
          tpu.enqueue_dma source(%dma_start3A_214 : memref<32x64xi32, #tpu.memory_space<hbm>>) target(%arg14 : memref<32x64xi32, #tpu.memory_space<vmem>>) target_semaphore(%run_scoped3A : memref<!tpu.dma_semaphore, #tpu.memory_space<semaphore_mem>>)
          %dma_wait3A_215 = arith.constant 0 : i32
          %dma_wait3A_216 = arith.constant 0 : i32
          %dma_wait3A_217 = tpu.memref_slice %arg8[%arg1, %dma_wait3A_215, %dma_wait3A_216] : memref<16x320x64xi32, #tpu.memory_space<hbm>> -> memref<1x320x64xi32, #tpu.memory_space<hbm>>
          %dma_wait3A_218 = tpu.memref_squeeze %dma_wait3A_217 : memref<1x320x64xi32, #tpu.memory_space<hbm>> -> memref<320x64xi32, #tpu.memory_space<hbm>>
          %dma_wait3A_219 = arith.constant 0 : i32
          %dma_wait3A_220 = tpu.memref_slice %dma_wait3A_218[%mul3A_141, %dma_wait3A_219] : memref<320x64xi32, #tpu.memory_space<hbm>> -> memref<32x64xi32, #tpu.memory_space<hbm>>
          %dma_wait3A_221 = arith.constant 0 : i32
          %dma_wait3A_222 = arith.constant 0 : i32
          %dma_wait3A_223 = tpu.memref_slice %arg8[%arg1, %dma_wait3A_221, %dma_wait3A_222] : memref<16x320x64xi32, #tpu.memory_space<hbm>> -> memref<1x320x64xi32, #tpu.memory_space<hbm>>
          %dma_wait3A_224 = tpu.memref_squeeze %dma_wait3A_223 : memref<1x320x64xi32, #tpu.memory_space<hbm>> -> memref<320x64xi32, #tpu.memory_space<hbm>>
          %dma_wait3A_225 = arith.constant 0 : i32
          %dma_wait3A_226 = tpu.memref_slice %dma_wait3A_224[%mul3A_141, %dma_wait3A_225] : memref<320x64xi32, #tpu.memory_space<hbm>> -> memref<32x64xi32, #tpu.memory_space<hbm>>
          tpu.wait_dma2 semaphore(%run_scoped3A : memref<!tpu.dma_semaphore, #tpu.memory_space<semaphore_mem>>) src(%dma_wait3A_226 : memref<32x64xi32, #tpu.memory_space<hbm>>) dst(%arg14 : memref<32x64xi32, #tpu.memory_space<vmem>>)
          tpu.yield
        }) : () -> ()
        %mul3A_142 = arith.constant 32 : i32
        %mul3A_143 = arith.muli %scan3A_139, %mul3A_142 : i32
        "tpu.region"() ({
          %run_scoped3A = tpu.sem_alloc : memref<!tpu.dma_semaphore, #tpu.memory_space<semaphore_mem>>
          %dma_start3A_203 = arith.constant 0 : i32
          %dma_start3A_204 = arith.constant 0 : i32
          %dma_start3A_205 = tpu.memref_slice %arg9[%arg1, %dma_start3A_203, %dma_start3A_204] : memref<16x320x64xi32, #tpu.memory_space<hbm>> -> memref<1x320x64xi32, #tpu.memory_space<hbm>>
          %dma_start3A_206 = tpu.memref_squeeze %dma_start3A_205 : memref<1x320x64xi32, #tpu.memory_space<hbm>> -> memref<320x64xi32, #tpu.memory_space<hbm>>
          %dma_start3A_207 = arith.constant 0 : i32
          %dma_start3A_208 = tpu.memref_slice %dma_start3A_206[%mul3A_143, %dma_start3A_207] : memref<320x64xi32, #tpu.memory_space<hbm>> -> memref<32x64xi32, #tpu.memory_space<hbm>>
          %dma_start3A_209 = arith.constant 0 : i32
          %dma_start3A_210 = arith.constant 0 : i32
          %dma_start3A_211 = tpu.memref_slice %arg9[%arg1, %dma_start3A_209, %dma_start3A_210] : memref<16x320x64xi32, #tpu.memory_space<hbm>> -> memref<1x320x64xi32, #tpu.memory_space<hbm>>
          %dma_start3A_212 = tpu.memref_squeeze %dma_start3A_211 : memref<1x320x64xi32, #tpu.memory_space<hbm>> -> memref<320x64xi32, #tpu.memory_space<hbm>>
          %dma_start3A_213 = arith.constant 0 : i32
          %dma_start3A_214 = tpu.memref_slice %dma_start3A_212[%mul3A_143, %dma_start3A_213] : memref<320x64xi32, #tpu.memory_space<hbm>> -> memref<32x64xi32, #tpu.memory_space<hbm>>
          tpu.enqueue_dma source(%dma_start3A_214 : memref<32x64xi32, #tpu.memory_space<hbm>>) target(%arg15 : memref<32x64xi32, #tpu.memory_space<vmem>>) target_semaphore(%run_scoped3A : memref<!tpu.dma_semaphore, #tpu.memory_space<semaphore_mem>>)
          %dma_wait3A_215 = arith.constant 0 : i32
          %dma_wait3A_216 = arith.constant 0 : i32
          %dma_wait3A_217 = tpu.memref_slice %arg9[%arg1, %dma_wait3A_215, %dma_wait3A_216] : memref<16x320x64xi32, #tpu.memory_space<hbm>> -> memref<1x320x64xi32, #tpu.memory_space<hbm>>
          %dma_wait3A_218 = tpu.memref_squeeze %dma_wait3A_217 : memref<1x320x64xi32, #tpu.memory_space<hbm>> -> memref<320x64xi32, #tpu.memory_space<hbm>>
          %dma_wait3A_219 = arith.constant 0 : i32
          %dma_wait3A_220 = tpu.memref_slice %dma_wait3A_218[%mul3A_143, %dma_wait3A_219] : memref<320x64xi32, #tpu.memory_space<hbm>> -> memref<32x64xi32, #tpu.memory_space<hbm>>
          %dma_wait3A_221 = arith.constant 0 : i32
          %dma_wait3A_222 = arith.constant 0 : i32
          %dma_wait3A_223 = tpu.memref_slice %arg9[%arg1, %dma_wait3A_221, %dma_wait3A_222] : memref<16x320x64xi32, #tpu.memory_space<hbm>> -> memref<1x320x64xi32, #tpu.memory_space<hbm>>
          %dma_wait3A_224 = tpu.memref_squeeze %dma_wait3A_223 : memref<1x320x64xi32, #tpu.memory_space<hbm>> -> memref<320x64xi32, #tpu.memory_space<hbm>>
          %dma_wait3A_225 = arith.constant 0 : i32
          %dma_wait3A_226 = tpu.memref_slice %dma_wait3A_224[%mul3A_143, %dma_wait3A_225] : memref<320x64xi32, #tpu.memory_space<hbm>> -> memref<32x64xi32, #tpu.memory_space<hbm>>
          tpu.wait_dma2 semaphore(%run_scoped3A : memref<!tpu.dma_semaphore, #tpu.memory_space<semaphore_mem>>) src(%dma_wait3A_226 : memref<32x64xi32, #tpu.memory_space<hbm>>) dst(%arg15 : memref<32x64xi32, #tpu.memory_space<vmem>>)
          tpu.yield
        }) : () -> ()
        %dma_start3A = arith.constant 0 : i32
        %dma_start3A_144 = arith.constant 0 : i32
        %dma_start3A_145 = tpu.memref_slice %arg14[%dma_start3A, %dma_start3A_144] : memref<32x64xi32, #tpu.memory_space<vmem>> -> memref<1x64xi32, #tpu.memory_space<vmem>>
        %dma_start3A_146 = tpu.memref_squeeze %dma_start3A_145 : memref<1x64xi32, #tpu.memory_space<vmem>> -> memref<64xi32, #tpu.memory_space<vmem>>
        %dma_start3A_147 = arith.constant 0 : i32
        %dma_start3A_148 = arith.constant 0 : i32
        %dma_start3A_149 = tpu.memref_slice %arg5[%dma_start3A_147, %dma_start3A_148] : memref<10000x128xf32, #tpu.memory_space<hbm>> -> memref<10000x128xf32, #tpu.memory_space<hbm>>
        tpu.enqueue_indirect_dma source(%dma_start3A_149 : memref<10000x128xf32, #tpu.memory_space<hbm>>) target(%arg16 : memref<64x128xf32, #tpu.memory_space<vmem>>) offsets(%dma_start3A_146 : memref<64xi32, #tpu.memory_space<vmem>>) semaphore(%arg21 : memref<!tpu.dma_semaphore, #tpu.memory_space<semaphore_mem>>)
        %dma_start3A_150 = arith.constant 1 : i32
        %dma_start3A_151 = arith.constant 0 : i32
        %dma_start3A_152 = tpu.memref_slice %arg14[%dma_start3A_150, %dma_start3A_151] : memref<32x64xi32, #tpu.memory_space<vmem>> -> memref<1x64xi32, #tpu.memory_space<vmem>>
        %dma_start3A_153 = tpu.memref_squeeze %dma_start3A_152 : memref<1x64xi32, #tpu.memory_space<vmem>> -> memref<64xi32, #tpu.memory_space<vmem>>
        %dma_start3A_154 = arith.constant 0 : i32
        %dma_start3A_155 = arith.constant 0 : i32
        %dma_start3A_156 = tpu.memref_slice %arg5[%dma_start3A_154, %dma_start3A_155] : memref<10000x128xf32, #tpu.memory_space<hbm>> -> memref<10000x128xf32, #tpu.memory_space<hbm>>
        tpu.enqueue_indirect_dma source(%dma_start3A_156 : memref<10000x128xf32, #tpu.memory_space<hbm>>) target(%arg17 : memref<64x128xf32, #tpu.memory_space<vmem>>) offsets(%dma_start3A_153 : memref<64xi32, #tpu.memory_space<vmem>>) semaphore(%arg22 : memref<!tpu.dma_semaphore, #tpu.memory_space<semaphore_mem>>)
        %dma_start3A_157 = arith.constant 2 : i32
        %dma_start3A_158 = arith.constant 0 : i32
        %dma_start3A_159 = tpu.memref_slice %arg14[%dma_start3A_157, %dma_start3A_158] : memref<32x64xi32, #tpu.memory_space<vmem>> -> memref<1x64xi32, #tpu.memory_space<vmem>>
        %dma_start3A_160 = tpu.memref_squeeze %dma_start3A_159 : memref<1x64xi32, #tpu.memory_space<vmem>> -> memref<64xi32, #tpu.memory_space<vmem>>
        %dma_start3A_161 = arith.constant 0 : i32
        %dma_start3A_162 = arith.constant 0 : i32
        %dma_start3A_163 = tpu.memref_slice %arg5[%dma_start3A_161, %dma_start3A_162] : memref<10000x128xf32, #tpu.memory_space<hbm>> -> memref<10000x128xf32, #tpu.memory_space<hbm>>
        tpu.enqueue_indirect_dma source(%dma_start3A_163 : memref<10000x128xf32, #tpu.memory_space<hbm>>) target(%arg18 : memref<64x128xf32, #tpu.memory_space<vmem>>) offsets(%dma_start3A_160 : memref<64xi32, #tpu.memory_space<vmem>>) semaphore(%arg23 : memref<!tpu.dma_semaphore, #tpu.memory_space<semaphore_mem>>)
        %dma_start3A_164 = arith.constant 3 : i32
        %dma_start3A_165 = arith.constant 0 : i32
        %dma_start3A_166 = tpu.memref_slice %arg14[%dma_start3A_164, %dma_start3A_165] : memref<32x64xi32, #tpu.memory_space<vmem>> -> memref<1x64xi32, #tpu.memory_space<vmem>>
        %dma_start3A_167 = tpu.memref_squeeze %dma_start3A_166 : memref<1x64xi32, #tpu.memory_space<vmem>> -> memref<64xi32, #tpu.memory_space<vmem>>
        %dma_start3A_168 = arith.constant 0 : i32
        %dma_start3A_169 = arith.constant 0 : i32
        %dma_start3A_170 = tpu.memref_slice %arg5[%dma_start3A_168, %dma_start3A_169] : memref<10000x128xf32, #tpu.memory_space<hbm>> -> memref<10000x128xf32, #tpu.memory_space<hbm>>
        tpu.enqueue_indirect_dma source(%dma_start3A_170 : memref<10000x128xf32, #tpu.memory_space<hbm>>) target(%arg19 : memref<64x128xf32, #tpu.memory_space<vmem>>) offsets(%dma_start3A_167 : memref<64xi32, #tpu.memory_space<vmem>>) semaphore(%arg24 : memref<!tpu.dma_semaphore, #tpu.memory_space<semaphore_mem>>)
        %scan3A_171 = arith.constant 0 : i32
        %scan3A_172 = arith.constant 8 : i32
        %scan3A_173 = arith.addi %scan3A_171, %scan3A_172 : i32
        %scan3A_174 = arith.constant 1 : i32
        scf.for %scan3A_203 = %scan3A_171 to %scan3A_173 step %scan3A_174  : i32 {
          %mul3A_204 = arith.constant 4 : i32
          %mul3A_205 = arith.muli %scan3A_203, %mul3A_204 : i32
          %add3A_206 = arith.constant 0 : i32
          %add3A_207 = arith.addi %mul3A_205, %add3A_206 : i32
          %dma_wait3A_208 = arith.constant 0 : i32
          %dma_wait3A_209 = tpu.memref_slice %arg14[%add3A_207, %dma_wait3A_208] : memref<32x64xi32, #tpu.memory_space<vmem>> -> memref<1x64xi32, #tpu.memory_space<vmem>>
          %dma_wait3A_210 = tpu.memref_squeeze %dma_wait3A_209 : memref<1x64xi32, #tpu.memory_space<vmem>> -> memref<64xi32, #tpu.memory_space<vmem>>
          %dma_wait3A_211 = arith.constant 0 : i32
          %dma_wait3A_212 = arith.constant 0 : i32
          %dma_wait3A_213 = tpu.memref_slice %arg5[%dma_wait3A_211, %dma_wait3A_212] : memref<10000x128xf32, #tpu.memory_space<hbm>> -> memref<10000x128xf32, #tpu.memory_space<hbm>>
          tpu.wait_indirect_dma semaphore(%arg21 : memref<!tpu.dma_semaphore, #tpu.memory_space<semaphore_mem>>) src(%dma_wait3A_213 : memref<10000x128xf32, #tpu.memory_space<hbm>>) dst(%arg16 : memref<64x128xf32, #tpu.memory_space<vmem>>)
          %dma_start3A_214 = arith.constant 0 : i32
          %dma_start3A_215 = tpu.memref_slice %arg15[%add3A_207, %dma_start3A_214] : memref<32x64xi32, #tpu.memory_space<vmem>> -> memref<1x64xi32, #tpu.memory_space<vmem>>
          %dma_start3A_216 = tpu.memref_squeeze %dma_start3A_215 : memref<1x64xi32, #tpu.memory_space<vmem>> -> memref<64xi32, #tpu.memory_space<vmem>>
          %dma_start3A_217 = arith.constant 0 : i32
          %dma_start3A_218 = arith.constant 0 : i32
          %dma_start3A_219 = tpu.memref_slice %arg20[%dma_start3A_217, %dma_start3A_218] : memref<10240x128xf32, #tpu.memory_space<vmem_shared>> -> memref<10240x128xf32, #tpu.memory_space<vmem_shared>>
          tpu.enqueue_indirect_dma source(%arg16 : memref<64x128xf32, #tpu.memory_space<vmem>>) target(%dma_start3A_219 : memref<10240x128xf32, #tpu.memory_space<vmem_shared>>) offsets(%dma_start3A_216 : memref<64xi32, #tpu.memory_space<vmem>>) semaphore(%arg25 : memref<!tpu.dma_semaphore, #tpu.memory_space<semaphore_mem>>) {add = true}
          %lt3A = arith.constant 7 : i32
          %lt3A_220 = arith.cmpi slt, %scan3A_203, %lt3A : i32
          %convert_element_type3A_221 = arith.extui %lt3A_220 : i1 to i32
          %cond3A_222 = arith.constant 0 : i32
          %cond3A_223 = arith.cmpi ne, %convert_element_type3A_221, %cond3A_222 : i32
          scf.if %cond3A_223 {
            %dma_wait3A_287 = arith.constant 0 : i32
            %dma_wait3A_288 = tpu.memref_slice %arg15[%add3A_207, %dma_wait3A_287] : memref<32x64xi32, #tpu.memory_space<vmem>> -> memref<1x64xi32, #tpu.memory_space<vmem>>
            %dma_wait3A_289 = tpu.memref_squeeze %dma_wait3A_288 : memref<1x64xi32, #tpu.memory_space<vmem>> -> memref<64xi32, #tpu.memory_space<vmem>>
            %dma_wait3A_290 = arith.constant 0 : i32
            %dma_wait3A_291 = arith.constant 0 : i32
            %dma_wait3A_292 = tpu.memref_slice %arg20[%dma_wait3A_290, %dma_wait3A_291] : memref<10240x128xf32, #tpu.memory_space<vmem_shared>> -> memref<10240x128xf32, #tpu.memory_space<vmem_shared>>
            tpu.wait_indirect_dma semaphore(%arg25 : memref<!tpu.dma_semaphore, #tpu.memory_space<semaphore_mem>>) src(%arg16 : memref<64x128xf32, #tpu.memory_space<vmem>>) dst(%dma_wait3A_292 : memref<10240x128xf32, #tpu.memory_space<vmem_shared>>)
            %add3A_293 = arith.constant 4 : i32
            %add3A_294 = arith.addi %add3A_207, %add3A_293 : i32
            %dma_start3A_295 = arith.constant 0 : i32
            %dma_start3A_296 = tpu.memref_slice %arg14[%add3A_294, %dma_start3A_295] : memref<32x64xi32, #tpu.memory_space<vmem>> -> memref<1x64xi32, #tpu.memory_space<vmem>>
            %dma_start3A_297 = tpu.memref_squeeze %dma_start3A_296 : memref<1x64xi32, #tpu.memory_space<vmem>> -> memref<64xi32, #tpu.memory_space<vmem>>
            %dma_start3A_298 = arith.constant 0 : i32
            %dma_start3A_299 = arith.constant 0 : i32
            %dma_start3A_300 = tpu.memref_slice %arg5[%dma_start3A_298, %dma_start3A_299] : memref<10000x128xf32, #tpu.memory_space<hbm>> -> memref<10000x128xf32, #tpu.memory_space<hbm>>
            tpu.enqueue_indirect_dma source(%dma_start3A_300 : memref<10000x128xf32, #tpu.memory_space<hbm>>) target(%arg16 : memref<64x128xf32, #tpu.memory_space<vmem>>) offsets(%dma_start3A_297 : memref<64xi32, #tpu.memory_space<vmem>>) semaphore(%arg21 : memref<!tpu.dma_semaphore, #tpu.memory_space<semaphore_mem>>)
          } else {
          }
          %mul3A_224 = arith.constant 4 : i32
          %mul3A_225 = arith.muli %scan3A_203, %mul3A_224 : i32
          %add3A_226 = arith.constant 1 : i32
          %add3A_227 = arith.addi %mul3A_225, %add3A_226 : i32
          %dma_wait3A_228 = arith.constant 0 : i32
          %dma_wait3A_229 = tpu.memref_slice %arg14[%add3A_227, %dma_wait3A_228] : memref<32x64xi32, #tpu.memory_space<vmem>> -> memref<1x64xi32, #tpu.memory_space<vmem>>
          %dma_wait3A_230 = tpu.memref_squeeze %dma_wait3A_229 : memref<1x64xi32, #tpu.memory_space<vmem>> -> memref<64xi32, #tpu.memory_space<vmem>>
          %dma_wait3A_231 = arith.constant 0 : i32
          %dma_wait3A_232 = arith.constant 0 : i32
          %dma_wait3A_233 = tpu.memref_slice %arg5[%dma_wait3A_231, %dma_wait3A_232] : memref<10000x128xf32, #tpu.memory_space<hbm>> -> memref<10000x128xf32, #tpu.memory_space<hbm>>
          tpu.wait_indirect_dma semaphore(%arg22 : memref<!tpu.dma_semaphore, #tpu.memory_space<semaphore_mem>>) src(%dma_wait3A_233 : memref<10000x128xf32, #tpu.memory_space<hbm>>) dst(%arg17 : memref<64x128xf32, #tpu.memory_space<vmem>>)
          %dma_start3A_234 = arith.constant 0 : i32
          %dma_start3A_235 = tpu.memref_slice %arg15[%add3A_227, %dma_start3A_234] : memref<32x64xi32, #tpu.memory_space<vmem>> -> memref<1x64xi32, #tpu.memory_space<vmem>>
          %dma_start3A_236 = tpu.memref_squeeze %dma_start3A_235 : memref<1x64xi32, #tpu.memory_space<vmem>> -> memref<64xi32, #tpu.memory_space<vmem>>
          %dma_start3A_237 = arith.constant 0 : i32
          %dma_start3A_238 = arith.constant 0 : i32
          %dma_start3A_239 = tpu.memref_slice %arg20[%dma_start3A_237, %dma_start3A_238] : memref<10240x128xf32, #tpu.memory_space<vmem_shared>> -> memref<10240x128xf32, #tpu.memory_space<vmem_shared>>
          tpu.enqueue_indirect_dma source(%arg17 : memref<64x128xf32, #tpu.memory_space<vmem>>) target(%dma_start3A_239 : memref<10240x128xf32, #tpu.memory_space<vmem_shared>>) offsets(%dma_start3A_236 : memref<64xi32, #tpu.memory_space<vmem>>) semaphore(%arg26 : memref<!tpu.dma_semaphore, #tpu.memory_space<semaphore_mem>>) {add = true}
          %lt3A_240 = arith.constant 7 : i32
          %lt3A_241 = arith.cmpi slt, %scan3A_203, %lt3A_240 : i32
          %convert_element_type3A_242 = arith.extui %lt3A_241 : i1 to i32
          %cond3A_243 = arith.constant 0 : i32
          %cond3A_244 = arith.cmpi ne, %convert_element_type3A_242, %cond3A_243 : i32
          scf.if %cond3A_244 {
            %dma_wait3A_287 = arith.constant 0 : i32
            %dma_wait3A_288 = tpu.memref_slice %arg15[%add3A_227, %dma_wait3A_287] : memref<32x64xi32, #tpu.memory_space<vmem>> -> memref<1x64xi32, #tpu.memory_space<vmem>>
            %dma_wait3A_289 = tpu.memref_squeeze %dma_wait3A_288 : memref<1x64xi32, #tpu.memory_space<vmem>> -> memref<64xi32, #tpu.memory_space<vmem>>
            %dma_wait3A_290 = arith.constant 0 : i32
            %dma_wait3A_291 = arith.constant 0 : i32
            %dma_wait3A_292 = tpu.memref_slice %arg20[%dma_wait3A_290, %dma_wait3A_291] : memref<10240x128xf32, #tpu.memory_space<vmem_shared>> -> memref<10240x128xf32, #tpu.memory_space<vmem_shared>>
            tpu.wait_indirect_dma semaphore(%arg26 : memref<!tpu.dma_semaphore, #tpu.memory_space<semaphore_mem>>) src(%arg17 : memref<64x128xf32, #tpu.memory_space<vmem>>) dst(%dma_wait3A_292 : memref<10240x128xf32, #tpu.memory_space<vmem_shared>>)
            %add3A_293 = arith.constant 4 : i32
            %add3A_294 = arith.addi %add3A_227, %add3A_293 : i32
            %dma_start3A_295 = arith.constant 0 : i32
            %dma_start3A_296 = tpu.memref_slice %arg14[%add3A_294, %dma_start3A_295] : memref<32x64xi32, #tpu.memory_space<vmem>> -> memref<1x64xi32, #tpu.memory_space<vmem>>
            %dma_start3A_297 = tpu.memref_squeeze %dma_start3A_296 : memref<1x64xi32, #tpu.memory_space<vmem>> -> memref<64xi32, #tpu.memory_space<vmem>>
            %dma_start3A_298 = arith.constant 0 : i32
            %dma_start3A_299 = arith.constant 0 : i32
            %dma_start3A_300 = tpu.memref_slice %arg5[%dma_start3A_298, %dma_start3A_299] : memref<10000x128xf32, #tpu.memory_space<hbm>> -> memref<10000x128xf32, #tpu.memory_space<hbm>>
            tpu.enqueue_indirect_dma source(%dma_start3A_300 : memref<10000x128xf32, #tpu.memory_space<hbm>>) target(%arg17 : memref<64x128xf32, #tpu.memory_space<vmem>>) offsets(%dma_start3A_297 : memref<64xi32, #tpu.memory_space<vmem>>) semaphore(%arg22 : memref<!tpu.dma_semaphore, #tpu.memory_space<semaphore_mem>>)
          } else {
          }
          %mul3A_245 = arith.constant 4 : i32
          %mul3A_246 = arith.muli %scan3A_203, %mul3A_245 : i32
          %add3A_247 = arith.constant 2 : i32
          %add3A_248 = arith.addi %mul3A_246, %add3A_247 : i32
          %dma_wait3A_249 = arith.constant 0 : i32
          %dma_wait3A_250 = tpu.memref_slice %arg14[%add3A_248, %dma_wait3A_249] : memref<32x64xi32, #tpu.memory_space<vmem>> -> memref<1x64xi32, #tpu.memory_space<vmem>>
          %dma_wait3A_251 = tpu.memref_squeeze %dma_wait3A_250 : memref<1x64xi32, #tpu.memory_space<vmem>> -> memref<64xi32, #tpu.memory_space<vmem>>
          %dma_wait3A_252 = arith.constant 0 : i32
          %dma_wait3A_253 = arith.constant 0 : i32
          %dma_wait3A_254 = tpu.memref_slice %arg5[%dma_wait3A_252, %dma_wait3A_253] : memref<10000x128xf32, #tpu.memory_space<hbm>> -> memref<10000x128xf32, #tpu.memory_space<hbm>>
          tpu.wait_indirect_dma semaphore(%arg23 : memref<!tpu.dma_semaphore, #tpu.memory_space<semaphore_mem>>) src(%dma_wait3A_254 : memref<10000x128xf32, #tpu.memory_space<hbm>>) dst(%arg18 : memref<64x128xf32, #tpu.memory_space<vmem>>)
          %dma_start3A_255 = arith.constant 0 : i32
          %dma_start3A_256 = tpu.memref_slice %arg15[%add3A_248, %dma_start3A_255] : memref<32x64xi32, #tpu.memory_space<vmem>> -> memref<1x64xi32, #tpu.memory_space<vmem>>
          %dma_start3A_257 = tpu.memref_squeeze %dma_start3A_256 : memref<1x64xi32, #tpu.memory_space<vmem>> -> memref<64xi32, #tpu.memory_space<vmem>>
          %dma_start3A_258 = arith.constant 0 : i32
          %dma_start3A_259 = arith.constant 0 : i32
          %dma_start3A_260 = tpu.memref_slice %arg20[%dma_start3A_258, %dma_start3A_259] : memref<10240x128xf32, #tpu.memory_space<vmem_shared>> -> memref<10240x128xf32, #tpu.memory_space<vmem_shared>>
          tpu.enqueue_indirect_dma source(%arg18 : memref<64x128xf32, #tpu.memory_space<vmem>>) target(%dma_start3A_260 : memref<10240x128xf32, #tpu.memory_space<vmem_shared>>) offsets(%dma_start3A_257 : memref<64xi32, #tpu.memory_space<vmem>>) semaphore(%arg27 : memref<!tpu.dma_semaphore, #tpu.memory_space<semaphore_mem>>) {add = true}
          %lt3A_261 = arith.constant 7 : i32
          %lt3A_262 = arith.cmpi slt, %scan3A_203, %lt3A_261 : i32
          %convert_element_type3A_263 = arith.extui %lt3A_262 : i1 to i32
          %cond3A_264 = arith.constant 0 : i32
          %cond3A_265 = arith.cmpi ne, %convert_element_type3A_263, %cond3A_264 : i32
          scf.if %cond3A_265 {
            %dma_wait3A_287 = arith.constant 0 : i32
            %dma_wait3A_288 = tpu.memref_slice %arg15[%add3A_248, %dma_wait3A_287] : memref<32x64xi32, #tpu.memory_space<vmem>> -> memref<1x64xi32, #tpu.memory_space<vmem>>
            %dma_wait3A_289 = tpu.memref_squeeze %dma_wait3A_288 : memref<1x64xi32, #tpu.memory_space<vmem>> -> memref<64xi32, #tpu.memory_space<vmem>>
            %dma_wait3A_290 = arith.constant 0 : i32
            %dma_wait3A_291 = arith.constant 0 : i32
            %dma_wait3A_292 = tpu.memref_slice %arg20[%dma_wait3A_290, %dma_wait3A_291] : memref<10240x128xf32, #tpu.memory_space<vmem_shared>> -> memref<10240x128xf32, #tpu.memory_space<vmem_shared>>
            tpu.wait_indirect_dma semaphore(%arg27 : memref<!tpu.dma_semaphore, #tpu.memory_space<semaphore_mem>>) src(%arg18 : memref<64x128xf32, #tpu.memory_space<vmem>>) dst(%dma_wait3A_292 : memref<10240x128xf32, #tpu.memory_space<vmem_shared>>)
            %add3A_293 = arith.constant 4 : i32
            %add3A_294 = arith.addi %add3A_248, %add3A_293 : i32
            %dma_start3A_295 = arith.constant 0 : i32
            %dma_start3A_296 = tpu.memref_slice %arg14[%add3A_294, %dma_start3A_295] : memref<32x64xi32, #tpu.memory_space<vmem>> -> memref<1x64xi32, #tpu.memory_space<vmem>>
            %dma_start3A_297 = tpu.memref_squeeze %dma_start3A_296 : memref<1x64xi32, #tpu.memory_space<vmem>> -> memref<64xi32, #tpu.memory_space<vmem>>
            %dma_start3A_298 = arith.constant 0 : i32
            %dma_start3A_299 = arith.constant 0 : i32
            %dma_start3A_300 = tpu.memref_slice %arg5[%dma_start3A_298, %dma_start3A_299] : memref<10000x128xf32, #tpu.memory_space<hbm>> -> memref<10000x128xf32, #tpu.memory_space<hbm>>
            tpu.enqueue_indirect_dma source(%dma_start3A_300 : memref<10000x128xf32, #tpu.memory_space<hbm>>) target(%arg18 : memref<64x128xf32, #tpu.memory_space<vmem>>) offsets(%dma_start3A_297 : memref<64xi32, #tpu.memory_space<vmem>>) semaphore(%arg23 : memref<!tpu.dma_semaphore, #tpu.memory_space<semaphore_mem>>)
          } else {
          }
          %mul3A_266 = arith.constant 4 : i32
          %mul3A_267 = arith.muli %scan3A_203, %mul3A_266 : i32
          %add3A_268 = arith.constant 3 : i32
          %add3A_269 = arith.addi %mul3A_267, %add3A_268 : i32
          %dma_wait3A_270 = arith.constant 0 : i32
          %dma_wait3A_271 = tpu.memref_slice %arg14[%add3A_269, %dma_wait3A_270] : memref<32x64xi32, #tpu.memory_space<vmem>> -> memref<1x64xi32, #tpu.memory_space<vmem>>
          %dma_wait3A_272 = tpu.memref_squeeze %dma_wait3A_271 : memref<1x64xi32, #tpu.memory_space<vmem>> -> memref<64xi32, #tpu.memory_space<vmem>>
          %dma_wait3A_273 = arith.constant 0 : i32
          %dma_wait3A_274 = arith.constant 0 : i32
          %dma_wait3A_275 = tpu.memref_slice %arg5[%dma_wait3A_273, %dma_wait3A_274] : memref<10000x128xf32, #tpu.memory_space<hbm>> -> memref<10000x128xf32, #tpu.memory_space<hbm>>
          tpu.wait_indirect_dma semaphore(%arg24 : memref<!tpu.dma_semaphore, #tpu.memory_space<semaphore_mem>>) src(%dma_wait3A_275 : memref<10000x128xf32, #tpu.memory_space<hbm>>) dst(%arg19 : memref<64x128xf32, #tpu.memory_space<vmem>>)
          %dma_start3A_276 = arith.constant 0 : i32
          %dma_start3A_277 = tpu.memref_slice %arg15[%add3A_269, %dma_start3A_276] : memref<32x64xi32, #tpu.memory_space<vmem>> -> memref<1x64xi32, #tpu.memory_space<vmem>>
          %dma_start3A_278 = tpu.memref_squeeze %dma_start3A_277 : memref<1x64xi32, #tpu.memory_space<vmem>> -> memref<64xi32, #tpu.memory_space<vmem>>
          %dma_start3A_279 = arith.constant 0 : i32
          %dma_start3A_280 = arith.constant 0 : i32
          %dma_start3A_281 = tpu.memref_slice %arg20[%dma_start3A_279, %dma_start3A_280] : memref<10240x128xf32, #tpu.memory_space<vmem_shared>> -> memref<10240x128xf32, #tpu.memory_space<vmem_shared>>
          tpu.enqueue_indirect_dma source(%arg19 : memref<64x128xf32, #tpu.memory_space<vmem>>) target(%dma_start3A_281 : memref<10240x128xf32, #tpu.memory_space<vmem_shared>>) offsets(%dma_start3A_278 : memref<64xi32, #tpu.memory_space<vmem>>) semaphore(%arg28 : memref<!tpu.dma_semaphore, #tpu.memory_space<semaphore_mem>>) {add = true}
          %lt3A_282 = arith.constant 7 : i32
          %lt3A_283 = arith.cmpi slt, %scan3A_203, %lt3A_282 : i32
          %convert_element_type3A_284 = arith.extui %lt3A_283 : i1 to i32
          %cond3A_285 = arith.constant 0 : i32
          %cond3A_286 = arith.cmpi ne, %convert_element_type3A_284, %cond3A_285 : i32
          scf.if %cond3A_286 {
            %dma_wait3A_287 = arith.constant 0 : i32
            %dma_wait3A_288 = tpu.memref_slice %arg15[%add3A_269, %dma_wait3A_287] : memref<32x64xi32, #tpu.memory_space<vmem>> -> memref<1x64xi32, #tpu.memory_space<vmem>>
            %dma_wait3A_289 = tpu.memref_squeeze %dma_wait3A_288 : memref<1x64xi32, #tpu.memory_space<vmem>> -> memref<64xi32, #tpu.memory_space<vmem>>
            %dma_wait3A_290 = arith.constant 0 : i32
            %dma_wait3A_291 = arith.constant 0 : i32
            %dma_wait3A_292 = tpu.memref_slice %arg20[%dma_wait3A_290, %dma_wait3A_291] : memref<10240x128xf32, #tpu.memory_space<vmem_shared>> -> memref<10240x128xf32, #tpu.memory_space<vmem_shared>>
            tpu.wait_indirect_dma semaphore(%arg28 : memref<!tpu.dma_semaphore, #tpu.memory_space<semaphore_mem>>) src(%arg19 : memref<64x128xf32, #tpu.memory_space<vmem>>) dst(%dma_wait3A_292 : memref<10240x128xf32, #tpu.memory_space<vmem_shared>>)
            %add3A_293 = arith.constant 4 : i32
            %add3A_294 = arith.addi %add3A_269, %add3A_293 : i32
            %dma_start3A_295 = arith.constant 0 : i32
            %dma_start3A_296 = tpu.memref_slice %arg14[%add3A_294, %dma_start3A_295] : memref<32x64xi32, #tpu.memory_space<vmem>> -> memref<1x64xi32, #tpu.memory_space<vmem>>
            %dma_start3A_297 = tpu.memref_squeeze %dma_start3A_296 : memref<1x64xi32, #tpu.memory_space<vmem>> -> memref<64xi32, #tpu.memory_space<vmem>>
            %dma_start3A_298 = arith.constant 0 : i32
            %dma_start3A_299 = arith.constant 0 : i32
            %dma_start3A_300 = tpu.memref_slice %arg5[%dma_start3A_298, %dma_start3A_299] : memref<10000x128xf32, #tpu.memory_space<hbm>> -> memref<10000x128xf32, #tpu.memory_space<hbm>>
            tpu.enqueue_indirect_dma source(%dma_start3A_300 : memref<10000x128xf32, #tpu.memory_space<hbm>>) target(%arg19 : memref<64x128xf32, #tpu.memory_space<vmem>>) offsets(%dma_start3A_297 : memref<64xi32, #tpu.memory_space<vmem>>) semaphore(%arg24 : memref<!tpu.dma_semaphore, #tpu.memory_space<semaphore_mem>>)
          } else {
          }
        }
        %scan3A_175 = arith.constant 8 : i32
        %dma_wait3A = arith.constant 28 : i32
        %dma_wait3A_176 = arith.constant 0 : i32
        %dma_wait3A_177 = tpu.memref_slice %arg15[%dma_wait3A, %dma_wait3A_176] : memref<32x64xi32, #tpu.memory_space<vmem>> -> memref<1x64xi32, #tpu.memory_space<vmem>>
        %dma_wait3A_178 = tpu.memref_squeeze %dma_wait3A_177 : memref<1x64xi32, #tpu.memory_space<vmem>> -> memref<64xi32, #tpu.memory_space<vmem>>
        %dma_wait3A_179 = arith.constant 0 : i32
        %dma_wait3A_180 = arith.constant 0 : i32
        %dma_wait3A_181 = tpu.memref_slice %arg20[%dma_wait3A_179, %dma_wait3A_180] : memref<10240x128xf32, #tpu.memory_space<vmem_shared>> -> memref<10240x128xf32, #tpu.memory_space<vmem_shared>>
        tpu.wait_indirect_dma semaphore(%arg25 : memref<!tpu.dma_semaphore, #tpu.memory_space<semaphore_mem>>) src(%arg16 : memref<64x128xf32, #tpu.memory_space<vmem>>) dst(%dma_wait3A_181 : memref<10240x128xf32, #tpu.memory_space<vmem_shared>>)
        %dma_wait3A_182 = arith.constant 29 : i32
        %dma_wait3A_183 = arith.constant 0 : i32
        %dma_wait3A_184 = tpu.memref_slice %arg15[%dma_wait3A_182, %dma_wait3A_183] : memref<32x64xi32, #tpu.memory_space<vmem>> -> memref<1x64xi32, #tpu.memory_space<vmem>>
        %dma_wait3A_185 = tpu.memref_squeeze %dma_wait3A_184 : memref<1x64xi32, #tpu.memory_space<vmem>> -> memref<64xi32, #tpu.memory_space<vmem>>
        %dma_wait3A_186 = arith.constant 0 : i32
        %dma_wait3A_187 = arith.constant 0 : i32
        %dma_wait3A_188 = tpu.memref_slice %arg20[%dma_wait3A_186, %dma_wait3A_187] : memref<10240x128xf32, #tpu.memory_space<vmem_shared>> -> memref<10240x128xf32, #tpu.memory_space<vmem_shared>>
        tpu.wait_indirect_dma semaphore(%arg26 : memref<!tpu.dma_semaphore, #tpu.memory_space<semaphore_mem>>) src(%arg17 : memref<64x128xf32, #tpu.memory_space<vmem>>) dst(%dma_wait3A_188 : memref<10240x128xf32, #tpu.memory_space<vmem_shared>>)
        %dma_wait3A_189 = arith.constant 30 : i32
        %dma_wait3A_190 = arith.constant 0 : i32
        %dma_wait3A_191 = tpu.memref_slice %arg15[%dma_wait3A_189, %dma_wait3A_190] : memref<32x64xi32, #tpu.memory_space<vmem>> -> memref<1x64xi32, #tpu.memory_space<vmem>>
        %dma_wait3A_192 = tpu.memref_squeeze %dma_wait3A_191 : memref<1x64xi32, #tpu.memory_space<vmem>> -> memref<64xi32, #tpu.memory_space<vmem>>
        %dma_wait3A_193 = arith.constant 0 : i32
        %dma_wait3A_194 = arith.constant 0 : i32
        %dma_wait3A_195 = tpu.memref_slice %arg20[%dma_wait3A_193, %dma_wait3A_194] : memref<10240x128xf32, #tpu.memory_space<vmem_shared>> -> memref<10240x128xf32, #tpu.memory_space<vmem_shared>>
        tpu.wait_indirect_dma semaphore(%arg27 : memref<!tpu.dma_semaphore, #tpu.memory_space<semaphore_mem>>) src(%arg18 : memref<64x128xf32, #tpu.memory_space<vmem>>) dst(%dma_wait3A_195 : memref<10240x128xf32, #tpu.memory_space<vmem_shared>>)
        %dma_wait3A_196 = arith.constant 31 : i32
        %dma_wait3A_197 = arith.constant 0 : i32
        %dma_wait3A_198 = tpu.memref_slice %arg15[%dma_wait3A_196, %dma_wait3A_197] : memref<32x64xi32, #tpu.memory_space<vmem>> -> memref<1x64xi32, #tpu.memory_space<vmem>>
        %dma_wait3A_199 = tpu.memref_squeeze %dma_wait3A_198 : memref<1x64xi32, #tpu.memory_space<vmem>> -> memref<64xi32, #tpu.memory_space<vmem>>
        %dma_wait3A_200 = arith.constant 0 : i32
        %dma_wait3A_201 = arith.constant 0 : i32
        %dma_wait3A_202 = tpu.memref_slice %arg20[%dma_wait3A_200, %dma_wait3A_201] : memref<10240x128xf32, #tpu.memory_space<vmem_shared>> -> memref<10240x128xf32, #tpu.memory_space<vmem_shared>>
        tpu.wait_indirect_dma semaphore(%arg28 : memref<!tpu.dma_semaphore, #tpu.memory_space<semaphore_mem>>) src(%arg19 : memref<64x128xf32, #tpu.memory_space<vmem>>) dst(%dma_wait3A_202 : memref<10240x128xf32, #tpu.memory_space<vmem_shared>>)
      }
      %scan3A_138 = arith.constant 10 : i32
    } else {
    }
    %barrier3A_121 = arith.constant 0 : index
    tpu.barrier barrier_id(%barrier3A_121)
    %eq3A_122 = arith.constant 0 : i32
    %eq3A_123 = arith.cmpi eq, %arg0, %eq3A_122 : i32
    %convert_element_type3A_124 = arith.extui %eq3A_123 : i1 to i32
    %cond3A_125 = arith.constant 0 : i32
    %cond3A_126 = arith.cmpi ne, %convert_element_type3A_124, %cond3A_125 : i32
    scf.if %cond3A_126 {
      %mul3A_133 = arith.constant 640 : i32
      %mul3A_134 = arith.muli %arg1, %mul3A_133 : i32
      %mul3A_135 = arith.constant 640 : i32
      %mul3A_136 = arith.muli %arg1, %mul3A_135 : i32
      "tpu.region"() ({
        %run_scoped3A = tpu.sem_alloc : memref<!tpu.dma_semaphore, #tpu.memory_space<semaphore_mem>>
        %dma_start3A = arith.constant 0 : i32
        %dma_start3A_137 = tpu.memref_slice %arg12[%mul3A_136, %dma_start3A] : memref<10240x128xf32, #tpu.memory_space<hbm>> -> memref<640x128xf32, #tpu.memory_space<hbm>>
        %dma_start3A_138 = arith.constant 0 : i32
        %dma_start3A_139 = tpu.memref_slice %arg20[%mul3A_134, %dma_start3A_138] : memref<10240x128xf32, #tpu.memory_space<vmem_shared>> -> memref<640x128xf32, #tpu.memory_space<vmem_shared>>
        tpu.enqueue_dma source(%dma_start3A_139 : memref<640x128xf32, #tpu.memory_space<vmem_shared>>) target(%dma_start3A_137 : memref<640x128xf32, #tpu.memory_space<hbm>>) target_semaphore(%run_scoped3A : memref<!tpu.dma_semaphore, #tpu.memory_space<semaphore_mem>>)
        %dma_wait3A = arith.constant 0 : i32
        %dma_wait3A_140 = tpu.memref_slice %arg12[%mul3A_136, %dma_wait3A] : memref<10240x128xf32, #tpu.memory_space<hbm>> -> memref<640x128xf32, #tpu.memory_space<hbm>>
        %dma_wait3A_141 = arith.constant 0 : i32
        %dma_wait3A_142 = tpu.memref_slice %arg20[%mul3A_134, %dma_wait3A_141] : memref<10240x128xf32, #tpu.memory_space<vmem_shared>> -> memref<640x128xf32, #tpu.memory_space<vmem_shared>>
        tpu.wait_dma2 semaphore(%run_scoped3A : memref<!tpu.dma_semaphore, #tpu.memory_space<semaphore_mem>>) src(%dma_wait3A_142 : memref<640x128xf32, #tpu.memory_space<vmem_shared>>) dst(%dma_wait3A_140 : memref<640x128xf32, #tpu.memory_space<hbm>>)
        tpu.yield
      }) : () -> ()
    } else {
    }
    %ne3A_127 = arith.constant 0 : i32
    %ne3A_128 = arith.cmpi ne, %arg0, %ne3A_127 : i32
    %convert_element_type3A_129 = arith.extui %ne3A_128 : i1 to i32
    %cond3A_130 = arith.constant 0 : i32
    %cond3A_131 = arith.cmpi ne, %convert_element_type3A_129, %cond3A_130 : i32
    scf.if %cond3A_131 {
      %mul3A_133 = arith.constant 640 : i32
      %mul3A_134 = arith.muli %arg1, %mul3A_133 : i32
      %mul3A_135 = arith.constant 640 : i32
      %mul3A_136 = arith.muli %arg1, %mul3A_135 : i32
      "tpu.region"() ({
        %run_scoped3A = tpu.sem_alloc : memref<!tpu.dma_semaphore, #tpu.memory_space<semaphore_mem>>
        %dma_start3A = arith.constant 0 : i32
        %dma_start3A_137 = tpu.memref_slice %arg13[%mul3A_136, %dma_start3A] : memref<10240x128xf32, #tpu.memory_space<hbm>> -> memref<640x128xf32, #tpu.memory_space<hbm>>
        %dma_start3A_138 = arith.constant 0 : i32
        %dma_start3A_139 = tpu.memref_slice %arg20[%mul3A_134, %dma_start3A_138] : memref<10240x128xf32, #tpu.memory_space<vmem_shared>> -> memref<640x128xf32, #tpu.memory_space<vmem_shared>>
        tpu.enqueue_dma source(%dma_start3A_139 : memref<640x128xf32, #tpu.memory_space<vmem_shared>>) target(%dma_start3A_137 : memref<640x128xf32, #tpu.memory_space<hbm>>) target_semaphore(%run_scoped3A : memref<!tpu.dma_semaphore, #tpu.memory_space<semaphore_mem>>)
        %dma_wait3A = arith.constant 0 : i32
        %dma_wait3A_140 = tpu.memref_slice %arg13[%mul3A_136, %dma_wait3A] : memref<10240x128xf32, #tpu.memory_space<hbm>> -> memref<640x128xf32, #tpu.memory_space<hbm>>
        %dma_wait3A_141 = arith.constant 0 : i32
        %dma_wait3A_142 = tpu.memref_slice %arg20[%mul3A_134, %dma_wait3A_141] : memref<10240x128xf32, #tpu.memory_space<vmem_shared>> -> memref<640x128xf32, #tpu.memory_space<vmem_shared>>
        tpu.wait_dma2 semaphore(%run_scoped3A : memref<!tpu.dma_semaphore, #tpu.memory_space<semaphore_mem>>) src(%dma_wait3A_142 : memref<640x128xf32, #tpu.memory_space<vmem_shared>>) dst(%dma_wait3A_140 : memref<640x128xf32, #tpu.memory_space<hbm>>)
        tpu.yield
      }) : () -> ()
    } else {
    }
    %barrier3A_132 = arith.constant 0 : index
    tpu.barrier barrier_id(%barrier3A_132)
    return
  }
}

#map = affine_map<(d0, d1) -> (0, 0)>
#map1 = affine_map<(d0, d1) -> (0, 0, 0, 0)>
module attributes {stable_mosaic.version = 14 : i64} {
  func.func @_agg_layer1(%arg0: i32, %arg1: i32, %arg2: memref<10000x128xf32, #tpu.memory_space<hbm>>, %arg3: memref<2x16x160x64xi32, #tpu.memory_space<hbm>>, %arg4: memref<2x16x160x64xi32, #tpu.memory_space<hbm>>, %arg5: memref<10240x128xf32, #tpu.memory_space<hbm>>, %arg6: memref<10240x128xf32, #tpu.memory_space<hbm>>, %arg7: memref<32x64xi32, #tpu.memory_space<vmem>>, %arg8: memref<32x64xi32, #tpu.memory_space<vmem>>, %arg9: memref<64x128xf32, #tpu.memory_space<vmem>>, %arg10: memref<64x128xf32, #tpu.memory_space<vmem>>, %arg11: memref<64x128xf32, #tpu.memory_space<vmem>>, %arg12: memref<64x128xf32, #tpu.memory_space<vmem>>, %arg13: memref<10240x128xf32, #tpu.memory_space<vmem_shared>>, %arg14: memref<!tpu.dma_semaphore, #tpu.memory_space<semaphore_mem>>, %arg15: memref<!tpu.dma_semaphore, #tpu.memory_space<semaphore_mem>>, %arg16: memref<!tpu.dma_semaphore, #tpu.memory_space<semaphore_mem>>, %arg17: memref<!tpu.dma_semaphore, #tpu.memory_space<semaphore_mem>>, %arg18: memref<!tpu.dma_semaphore, #tpu.memory_space<semaphore_mem>>, %arg19: memref<!tpu.dma_semaphore, #tpu.memory_space<semaphore_mem>>, %arg20: memref<!tpu.dma_semaphore, #tpu.memory_space<semaphore_mem>>, %arg21: memref<!tpu.dma_semaphore, #tpu.memory_space<semaphore_mem>>) attributes {dimension_semantics = [#tpu.dimension_semantics<core_parallel>, #tpu.dimension_semantics<subcore_parallel>], iteration_bounds = array<i64: 2, 16>, scalar_prefetch = 0 : i64, scratch_operands = 15 : i64, tpu.core_type = #tpu.core_type<sc_vector_subcore>, window_params = [{transform_indices = #map}, {transform_indices = #map1}, {transform_indices = #map1}, {transform_indices = #map}, {transform_indices = #map}]} {
    %broadcast_in_dim3A = arith.constant 0.000000e+00 : f32
    %broadcast_in_dim3A_0 = vector.broadcast %broadcast_in_dim3A : f32 to vector<16xf32>
    %scan3A = arith.constant 0 : i32
    %scan3A_1 = arith.constant 0 : i32
    %scan3A_2 = arith.constant 64 : i32
    %scan3A_3 = arith.addi %scan3A_1, %scan3A_2 : i32
    %scan3A_4 = arith.constant 1 : i32
    scf.for %scan3A_57 = %scan3A_1 to %scan3A_3 step %scan3A_4  : i32 {
      %scan3A_58 = arith.constant 0 : i32
      %scan3A_59 = arith.constant 8 : i32
      %scan3A_60 = arith.addi %scan3A_58, %scan3A_59 : i32
      %scan3A_61 = arith.constant 1 : i32
      scf.for %scan3A_63 = %scan3A_58 to %scan3A_60 step %scan3A_61  : i32 {
        %mul3A_64 = arith.constant 16 : i32
        %mul3A_65 = arith.muli %scan3A_63, %mul3A_64 : i32
        %swap3A = arith.index_cast %scan3A_57 : i32 to index
        %swap3A_66 = arith.index_cast %mul3A_65 : i32 to index
        %swap3A_67 = tpu.vector_load %arg9[%swap3A, %swap3A_66] {strides = array<i32>} : memref<64x128xf32, #tpu.memory_space<vmem>>, vector<1x16xf32>,
        %swap3A_68 = vector.shape_cast %swap3A_67 : vector<1x16xf32> to vector<16xf32>
        %swap3A_69 = vector.shape_cast %broadcast_in_dim3A_0 : vector<16xf32> to vector<1x16xf32>
        tpu.vector_store %arg9[%swap3A, %swap3A_66], %swap3A_69 {strides = array<i32>} : memref<64x128xf32, #tpu.memory_space<vmem>>, vector<1x16xf32>,
      }
      %scan3A_62 = arith.constant 8 : i32
    }
    %scan3A_5 = arith.constant 64 : i32
    %mul3A = arith.constant 640 : i32
    %mul3A_6 = arith.muli %arg1, %mul3A : i32
    %add3A = arith.constant 0 : i32
    %add3A_7 = arith.addi %mul3A_6, %add3A : i32
    "tpu.region"() ({
      %run_scoped3A = tpu.sem_alloc : memref<!tpu.dma_semaphore, #tpu.memory_space<semaphore_mem>>
      %dma_start3A = arith.constant 0 : i32
      %dma_start3A_57 = tpu.memref_slice %arg13[%add3A_7, %dma_start3A] : memref<10240x128xf32, #tpu.memory_space<vmem_shared>> -> memref<64x128xf32, #tpu.memory_space<vmem_shared>>
      %dma_start3A_58 = arith.constant 0 : i32
      %dma_start3A_59 = tpu.memref_slice %arg13[%add3A_7, %dma_start3A_58] : memref<10240x128xf32, #tpu.memory_space<vmem_shared>> -> memref<64x128xf32, #tpu.memory_space<vmem_shared>>
      tpu.enqueue_dma source(%arg9 : memref<64x128xf32, #tpu.memory_space<vmem>>) target(%dma_start3A_59 : memref<64x128xf32, #tpu.memory_space<vmem_shared>>) target_semaphore(%run_scoped3A : memref<!tpu.dma_semaphore, #tpu.memory_space<semaphore_mem>>)
      %dma_wait3A = arith.constant 0 : i32
      %dma_wait3A_60 = tpu.memref_slice %arg13[%add3A_7, %dma_wait3A] : memref<10240x128xf32, #tpu.memory_space<vmem_shared>> -> memref<64x128xf32, #tpu.memory_space<vmem_shared>>
      %dma_wait3A_61 = arith.constant 0 : i32
      %dma_wait3A_62 = tpu.memref_slice %arg13[%add3A_7, %dma_wait3A_61] : memref<10240x128xf32, #tpu.memory_space<vmem_shared>> -> memref<64x128xf32, #tpu.memory_space<vmem_shared>>
      tpu.wait_dma2 semaphore(%run_scoped3A : memref<!tpu.dma_semaphore, #tpu.memory_space<semaphore_mem>>) src(%arg9 : memref<64x128xf32, #tpu.memory_space<vmem>>) dst(%dma_wait3A_62 : memref<64x128xf32, #tpu.memory_space<vmem_shared>>)
      tpu.yield
    }) : () -> ()
    %mul3A_8 = arith.constant 640 : i32
    %mul3A_9 = arith.muli %arg1, %mul3A_8 : i32
    %add3A_10 = arith.constant 64 : i32
    %add3A_11 = arith.addi %mul3A_9, %add3A_10 : i32
    "tpu.region"() ({
      %run_scoped3A = tpu.sem_alloc : memref<!tpu.dma_semaphore, #tpu.memory_space<semaphore_mem>>
      %dma_start3A = arith.constant 0 : i32
      %dma_start3A_57 = tpu.memref_slice %arg13[%add3A_11, %dma_start3A] : memref<10240x128xf32, #tpu.memory_space<vmem_shared>> -> memref<64x128xf32, #tpu.memory_space<vmem_shared>>
      %dma_start3A_58 = arith.constant 0 : i32
      %dma_start3A_59 = tpu.memref_slice %arg13[%add3A_11, %dma_start3A_58] : memref<10240x128xf32, #tpu.memory_space<vmem_shared>> -> memref<64x128xf32, #tpu.memory_space<vmem_shared>>
      tpu.enqueue_dma source(%arg9 : memref<64x128xf32, #tpu.memory_space<vmem>>) target(%dma_start3A_59 : memref<64x128xf32, #tpu.memory_space<vmem_shared>>) target_semaphore(%run_scoped3A : memref<!tpu.dma_semaphore, #tpu.memory_space<semaphore_mem>>)
      %dma_wait3A = arith.constant 0 : i32
      %dma_wait3A_60 = tpu.memref_slice %arg13[%add3A_11, %dma_wait3A] : memref<10240x128xf32, #tpu.memory_space<vmem_shared>> -> memref<64x128xf32, #tpu.memory_space<vmem_shared>>
      %dma_wait3A_61 = arith.constant 0 : i32
      %dma_wait3A_62 = tpu.memref_slice %arg13[%add3A_11, %dma_wait3A_61] : memref<10240x128xf32, #tpu.memory_space<vmem_shared>> -> memref<64x128xf32, #tpu.memory_space<vmem_shared>>
      tpu.wait_dma2 semaphore(%run_scoped3A : memref<!tpu.dma_semaphore, #tpu.memory_space<semaphore_mem>>) src(%arg9 : memref<64x128xf32, #tpu.memory_space<vmem>>) dst(%dma_wait3A_62 : memref<64x128xf32, #tpu.memory_space<vmem_shared>>)
      tpu.yield
    }) : () -> ()
    %mul3A_12 = arith.constant 640 : i32
    %mul3A_13 = arith.muli %arg1, %mul3A_12 : i32
    %add3A_14 = arith.constant 128 : i32
    %add3A_15 = arith.addi %mul3A_13, %add3A_14 : i32
    "tpu.region"() ({
      %run_scoped3A = tpu.sem_alloc : memref<!tpu.dma_semaphore, #tpu.memory_space<semaphore_mem>>
      %dma_start3A = arith.constant 0 : i32
      %dma_start3A_57 = tpu.memref_slice %arg13[%add3A_15, %dma_start3A] : memref<10240x128xf32, #tpu.memory_space<vmem_shared>> -> memref<64x128xf32, #tpu.memory_space<vmem_shared>>
      %dma_start3A_58 = arith.constant 0 : i32
      %dma_start3A_59 = tpu.memref_slice %arg13[%add3A_15, %dma_start3A_58] : memref<10240x128xf32, #tpu.memory_space<vmem_shared>> -> memref<64x128xf32, #tpu.memory_space<vmem_shared>>
      tpu.enqueue_dma source(%arg9 : memref<64x128xf32, #tpu.memory_space<vmem>>) target(%dma_start3A_59 : memref<64x128xf32, #tpu.memory_space<vmem_shared>>) target_semaphore(%run_scoped3A : memref<!tpu.dma_semaphore, #tpu.memory_space<semaphore_mem>>)
      %dma_wait3A = arith.constant 0 : i32
      %dma_wait3A_60 = tpu.memref_slice %arg13[%add3A_15, %dma_wait3A] : memref<10240x128xf32, #tpu.memory_space<vmem_shared>> -> memref<64x128xf32, #tpu.memory_space<vmem_shared>>
      %dma_wait3A_61 = arith.constant 0 : i32
      %dma_wait3A_62 = tpu.memref_slice %arg13[%add3A_15, %dma_wait3A_61] : memref<10240x128xf32, #tpu.memory_space<vmem_shared>> -> memref<64x128xf32, #tpu.memory_space<vmem_shared>>
      tpu.wait_dma2 semaphore(%run_scoped3A : memref<!tpu.dma_semaphore, #tpu.memory_space<semaphore_mem>>) src(%arg9 : memref<64x128xf32, #tpu.memory_space<vmem>>) dst(%dma_wait3A_62 : memref<64x128xf32, #tpu.memory_space<vmem_shared>>)
      tpu.yield
    }) : () -> ()
    %mul3A_16 = arith.constant 640 : i32
    %mul3A_17 = arith.muli %arg1, %mul3A_16 : i32
    %add3A_18 = arith.constant 192 : i32
    %add3A_19 = arith.addi %mul3A_17, %add3A_18 : i32
    "tpu.region"() ({
      %run_scoped3A = tpu.sem_alloc : memref<!tpu.dma_semaphore, #tpu.memory_space<semaphore_mem>>
      %dma_start3A = arith.constant 0 : i32
      %dma_start3A_57 = tpu.memref_slice %arg13[%add3A_19, %dma_start3A] : memref<10240x128xf32, #tpu.memory_space<vmem_shared>> -> memref<64x128xf32, #tpu.memory_space<vmem_shared>>
      %dma_start3A_58 = arith.constant 0 : i32
      %dma_start3A_59 = tpu.memref_slice %arg13[%add3A_19, %dma_start3A_58] : memref<10240x128xf32, #tpu.memory_space<vmem_shared>> -> memref<64x128xf32, #tpu.memory_space<vmem_shared>>
      tpu.enqueue_dma source(%arg9 : memref<64x128xf32, #tpu.memory_space<vmem>>) target(%dma_start3A_59 : memref<64x128xf32, #tpu.memory_space<vmem_shared>>) target_semaphore(%run_scoped3A : memref<!tpu.dma_semaphore, #tpu.memory_space<semaphore_mem>>)
      %dma_wait3A = arith.constant 0 : i32
      %dma_wait3A_60 = tpu.memref_slice %arg13[%add3A_19, %dma_wait3A] : memref<10240x128xf32, #tpu.memory_space<vmem_shared>> -> memref<64x128xf32, #tpu.memory_space<vmem_shared>>
      %dma_wait3A_61 = arith.constant 0 : i32
      %dma_wait3A_62 = tpu.memref_slice %arg13[%add3A_19, %dma_wait3A_61] : memref<10240x128xf32, #tpu.memory_space<vmem_shared>> -> memref<64x128xf32, #tpu.memory_space<vmem_shared>>
      tpu.wait_dma2 semaphore(%run_scoped3A : memref<!tpu.dma_semaphore, #tpu.memory_space<semaphore_mem>>) src(%arg9 : memref<64x128xf32, #tpu.memory_space<vmem>>) dst(%dma_wait3A_62 : memref<64x128xf32, #tpu.memory_space<vmem_shared>>)
      tpu.yield
    }) : () -> ()
    %mul3A_20 = arith.constant 640 : i32
    %mul3A_21 = arith.muli %arg1, %mul3A_20 : i32
    %add3A_22 = arith.constant 256 : i32
    %add3A_23 = arith.addi %mul3A_21, %add3A_22 : i32
    "tpu.region"() ({
      %run_scoped3A = tpu.sem_alloc : memref<!tpu.dma_semaphore, #tpu.memory_space<semaphore_mem>>
      %dma_start3A = arith.constant 0 : i32
      %dma_start3A_57 = tpu.memref_slice %arg13[%add3A_23, %dma_start3A] : memref<10240x128xf32, #tpu.memory_space<vmem_shared>> -> memref<64x128xf32, #tpu.memory_space<vmem_shared>>
      %dma_start3A_58 = arith.constant 0 : i32
      %dma_start3A_59 = tpu.memref_slice %arg13[%add3A_23, %dma_start3A_58] : memref<10240x128xf32, #tpu.memory_space<vmem_shared>> -> memref<64x128xf32, #tpu.memory_space<vmem_shared>>
      tpu.enqueue_dma source(%arg9 : memref<64x128xf32, #tpu.memory_space<vmem>>) target(%dma_start3A_59 : memref<64x128xf32, #tpu.memory_space<vmem_shared>>) target_semaphore(%run_scoped3A : memref<!tpu.dma_semaphore, #tpu.memory_space<semaphore_mem>>)
      %dma_wait3A = arith.constant 0 : i32
      %dma_wait3A_60 = tpu.memref_slice %arg13[%add3A_23, %dma_wait3A] : memref<10240x128xf32, #tpu.memory_space<vmem_shared>> -> memref<64x128xf32, #tpu.memory_space<vmem_shared>>
      %dma_wait3A_61 = arith.constant 0 : i32
      %dma_wait3A_62 = tpu.memref_slice %arg13[%add3A_23, %dma_wait3A_61] : memref<10240x128xf32, #tpu.memory_space<vmem_shared>> -> memref<64x128xf32, #tpu.memory_space<vmem_shared>>
      tpu.wait_dma2 semaphore(%run_scoped3A : memref<!tpu.dma_semaphore, #tpu.memory_space<semaphore_mem>>) src(%arg9 : memref<64x128xf32, #tpu.memory_space<vmem>>) dst(%dma_wait3A_62 : memref<64x128xf32, #tpu.memory_space<vmem_shared>>)
      tpu.yield
    }) : () -> ()
    %mul3A_24 = arith.constant 640 : i32
    %mul3A_25 = arith.muli %arg1, %mul3A_24 : i32
    %add3A_26 = arith.constant 320 : i32
    %add3A_27 = arith.addi %mul3A_25, %add3A_26 : i32
    "tpu.region"() ({
      %run_scoped3A = tpu.sem_alloc : memref<!tpu.dma_semaphore, #tpu.memory_space<semaphore_mem>>
      %dma_start3A = arith.constant 0 : i32
      %dma_start3A_57 = tpu.memref_slice %arg13[%add3A_27, %dma_start3A] : memref<10240x128xf32, #tpu.memory_space<vmem_shared>> -> memref<64x128xf32, #tpu.memory_space<vmem_shared>>
      %dma_start3A_58 = arith.constant 0 : i32
      %dma_start3A_59 = tpu.memref_slice %arg13[%add3A_27, %dma_start3A_58] : memref<10240x128xf32, #tpu.memory_space<vmem_shared>> -> memref<64x128xf32, #tpu.memory_space<vmem_shared>>
      tpu.enqueue_dma source(%arg9 : memref<64x128xf32, #tpu.memory_space<vmem>>) target(%dma_start3A_59 : memref<64x128xf32, #tpu.memory_space<vmem_shared>>) target_semaphore(%run_scoped3A : memref<!tpu.dma_semaphore, #tpu.memory_space<semaphore_mem>>)
      %dma_wait3A = arith.constant 0 : i32
      %dma_wait3A_60 = tpu.memref_slice %arg13[%add3A_27, %dma_wait3A] : memref<10240x128xf32, #tpu.memory_space<vmem_shared>> -> memref<64x128xf32, #tpu.memory_space<vmem_shared>>
      %dma_wait3A_61 = arith.constant 0 : i32
      %dma_wait3A_62 = tpu.memref_slice %arg13[%add3A_27, %dma_wait3A_61] : memref<10240x128xf32, #tpu.memory_space<vmem_shared>> -> memref<64x128xf32, #tpu.memory_space<vmem_shared>>
      tpu.wait_dma2 semaphore(%run_scoped3A : memref<!tpu.dma_semaphore, #tpu.memory_space<semaphore_mem>>) src(%arg9 : memref<64x128xf32, #tpu.memory_space<vmem>>) dst(%dma_wait3A_62 : memref<64x128xf32, #tpu.memory_space<vmem_shared>>)
      tpu.yield
    }) : () -> ()
    %mul3A_28 = arith.constant 640 : i32
    %mul3A_29 = arith.muli %arg1, %mul3A_28 : i32
    %add3A_30 = arith.constant 384 : i32
    %add3A_31 = arith.addi %mul3A_29, %add3A_30 : i32
    "tpu.region"() ({
      %run_scoped3A = tpu.sem_alloc : memref<!tpu.dma_semaphore, #tpu.memory_space<semaphore_mem>>
      %dma_start3A = arith.constant 0 : i32
      %dma_start3A_57 = tpu.memref_slice %arg13[%add3A_31, %dma_start3A] : memref<10240x128xf32, #tpu.memory_space<vmem_shared>> -> memref<64x128xf32, #tpu.memory_space<vmem_shared>>
      %dma_start3A_58 = arith.constant 0 : i32
      %dma_start3A_59 = tpu.memref_slice %arg13[%add3A_31, %dma_start3A_58] : memref<10240x128xf32, #tpu.memory_space<vmem_shared>> -> memref<64x128xf32, #tpu.memory_space<vmem_shared>>
      tpu.enqueue_dma source(%arg9 : memref<64x128xf32, #tpu.memory_space<vmem>>) target(%dma_start3A_59 : memref<64x128xf32, #tpu.memory_space<vmem_shared>>) target_semaphore(%run_scoped3A : memref<!tpu.dma_semaphore, #tpu.memory_space<semaphore_mem>>)
      %dma_wait3A = arith.constant 0 : i32
      %dma_wait3A_60 = tpu.memref_slice %arg13[%add3A_31, %dma_wait3A] : memref<10240x128xf32, #tpu.memory_space<vmem_shared>> -> memref<64x128xf32, #tpu.memory_space<vmem_shared>>
      %dma_wait3A_61 = arith.constant 0 : i32
      %dma_wait3A_62 = tpu.memref_slice %arg13[%add3A_31, %dma_wait3A_61] : memref<10240x128xf32, #tpu.memory_space<vmem_shared>> -> memref<64x128xf32, #tpu.memory_space<vmem_shared>>
      tpu.wait_dma2 semaphore(%run_scoped3A : memref<!tpu.dma_semaphore, #tpu.memory_space<semaphore_mem>>) src(%arg9 : memref<64x128xf32, #tpu.memory_space<vmem>>) dst(%dma_wait3A_62 : memref<64x128xf32, #tpu.memory_space<vmem_shared>>)
      tpu.yield
    }) : () -> ()
    %mul3A_32 = arith.constant 640 : i32
    %mul3A_33 = arith.muli %arg1, %mul3A_32 : i32
    %add3A_34 = arith.constant 448 : i32
    %add3A_35 = arith.addi %mul3A_33, %add3A_34 : i32
    "tpu.region"() ({
      %run_scoped3A = tpu.sem_alloc : memref<!tpu.dma_semaphore, #tpu.memory_space<semaphore_mem>>
      %dma_start3A = arith.constant 0 : i32
      %dma_start3A_57 = tpu.memref_slice %arg13[%add3A_35, %dma_start3A] : memref<10240x128xf32, #tpu.memory_space<vmem_shared>> -> memref<64x128xf32, #tpu.memory_space<vmem_shared>>
      %dma_start3A_58 = arith.constant 0 : i32
      %dma_start3A_59 = tpu.memref_slice %arg13[%add3A_35, %dma_start3A_58] : memref<10240x128xf32, #tpu.memory_space<vmem_shared>> -> memref<64x128xf32, #tpu.memory_space<vmem_shared>>
      tpu.enqueue_dma source(%arg9 : memref<64x128xf32, #tpu.memory_space<vmem>>) target(%dma_start3A_59 : memref<64x128xf32, #tpu.memory_space<vmem_shared>>) target_semaphore(%run_scoped3A : memref<!tpu.dma_semaphore, #tpu.memory_space<semaphore_mem>>)
      %dma_wait3A = arith.constant 0 : i32
      %dma_wait3A_60 = tpu.memref_slice %arg13[%add3A_35, %dma_wait3A] : memref<10240x128xf32, #tpu.memory_space<vmem_shared>> -> memref<64x128xf32, #tpu.memory_space<vmem_shared>>
      %dma_wait3A_61 = arith.constant 0 : i32
      %dma_wait3A_62 = tpu.memref_slice %arg13[%add3A_35, %dma_wait3A_61] : memref<10240x128xf32, #tpu.memory_space<vmem_shared>> -> memref<64x128xf32, #tpu.memory_space<vmem_shared>>
      tpu.wait_dma2 semaphore(%run_scoped3A : memref<!tpu.dma_semaphore, #tpu.memory_space<semaphore_mem>>) src(%arg9 : memref<64x128xf32, #tpu.memory_space<vmem>>) dst(%dma_wait3A_62 : memref<64x128xf32, #tpu.memory_space<vmem_shared>>)
      tpu.yield
    }) : () -> ()
    %mul3A_36 = arith.constant 640 : i32
    %mul3A_37 = arith.muli %arg1, %mul3A_36 : i32
    %add3A_38 = arith.constant 512 : i32
    %add3A_39 = arith.addi %mul3A_37, %add3A_38 : i32
    "tpu.region"() ({
      %run_scoped3A = tpu.sem_alloc : memref<!tpu.dma_semaphore, #tpu.memory_space<semaphore_mem>>
      %dma_start3A = arith.constant 0 : i32
      %dma_start3A_57 = tpu.memref_slice %arg13[%add3A_39, %dma_start3A] : memref<10240x128xf32, #tpu.memory_space<vmem_shared>> -> memref<64x128xf32, #tpu.memory_space<vmem_shared>>
      %dma_start3A_58 = arith.constant 0 : i32
      %dma_start3A_59 = tpu.memref_slice %arg13[%add3A_39, %dma_start3A_58] : memref<10240x128xf32, #tpu.memory_space<vmem_shared>> -> memref<64x128xf32, #tpu.memory_space<vmem_shared>>
      tpu.enqueue_dma source(%arg9 : memref<64x128xf32, #tpu.memory_space<vmem>>) target(%dma_start3A_59 : memref<64x128xf32, #tpu.memory_space<vmem_shared>>) target_semaphore(%run_scoped3A : memref<!tpu.dma_semaphore, #tpu.memory_space<semaphore_mem>>)
      %dma_wait3A = arith.constant 0 : i32
      %dma_wait3A_60 = tpu.memref_slice %arg13[%add3A_39, %dma_wait3A] : memref<10240x128xf32, #tpu.memory_space<vmem_shared>> -> memref<64x128xf32, #tpu.memory_space<vmem_shared>>
      %dma_wait3A_61 = arith.constant 0 : i32
      %dma_wait3A_62 = tpu.memref_slice %arg13[%add3A_39, %dma_wait3A_61] : memref<10240x128xf32, #tpu.memory_space<vmem_shared>> -> memref<64x128xf32, #tpu.memory_space<vmem_shared>>
      tpu.wait_dma2 semaphore(%run_scoped3A : memref<!tpu.dma_semaphore, #tpu.memory_space<semaphore_mem>>) src(%arg9 : memref<64x128xf32, #tpu.memory_space<vmem>>) dst(%dma_wait3A_62 : memref<64x128xf32, #tpu.memory_space<vmem_shared>>)
      tpu.yield
    }) : () -> ()
    %mul3A_40 = arith.constant 640 : i32
    %mul3A_41 = arith.muli %arg1, %mul3A_40 : i32
    %add3A_42 = arith.constant 576 : i32
    %add3A_43 = arith.addi %mul3A_41, %add3A_42 : i32
    "tpu.region"() ({
      %run_scoped3A = tpu.sem_alloc : memref<!tpu.dma_semaphore, #tpu.memory_space<semaphore_mem>>
      %dma_start3A = arith.constant 0 : i32
      %dma_start3A_57 = tpu.memref_slice %arg13[%add3A_43, %dma_start3A] : memref<10240x128xf32, #tpu.memory_space<vmem_shared>> -> memref<64x128xf32, #tpu.memory_space<vmem_shared>>
      %dma_start3A_58 = arith.constant 0 : i32
      %dma_start3A_59 = tpu.memref_slice %arg13[%add3A_43, %dma_start3A_58] : memref<10240x128xf32, #tpu.memory_space<vmem_shared>> -> memref<64x128xf32, #tpu.memory_space<vmem_shared>>
      tpu.enqueue_dma source(%arg9 : memref<64x128xf32, #tpu.memory_space<vmem>>) target(%dma_start3A_59 : memref<64x128xf32, #tpu.memory_space<vmem_shared>>) target_semaphore(%run_scoped3A : memref<!tpu.dma_semaphore, #tpu.memory_space<semaphore_mem>>)
      %dma_wait3A = arith.constant 0 : i32
      %dma_wait3A_60 = tpu.memref_slice %arg13[%add3A_43, %dma_wait3A] : memref<10240x128xf32, #tpu.memory_space<vmem_shared>> -> memref<64x128xf32, #tpu.memory_space<vmem_shared>>
      %dma_wait3A_61 = arith.constant 0 : i32
      %dma_wait3A_62 = tpu.memref_slice %arg13[%add3A_43, %dma_wait3A_61] : memref<10240x128xf32, #tpu.memory_space<vmem_shared>> -> memref<64x128xf32, #tpu.memory_space<vmem_shared>>
      tpu.wait_dma2 semaphore(%run_scoped3A : memref<!tpu.dma_semaphore, #tpu.memory_space<semaphore_mem>>) src(%arg9 : memref<64x128xf32, #tpu.memory_space<vmem>>) dst(%dma_wait3A_62 : memref<64x128xf32, #tpu.memory_space<vmem_shared>>)
      tpu.yield
    }) : () -> ()
    %barrier3A = arith.constant 0 : index
    tpu.barrier barrier_id(%barrier3A)
    %scan3A_44 = arith.constant 0 : i32
    %scan3A_45 = arith.constant 0 : i32
    %scan3A_46 = arith.constant 5 : i32
    %scan3A_47 = arith.addi %scan3A_45, %scan3A_46 : i32
    %scan3A_48 = arith.constant 1 : i32
    scf.for %scan3A_57 = %scan3A_45 to %scan3A_47 step %scan3A_48  : i32 {
      %mul3A_58 = arith.constant 32 : i32
      %mul3A_59 = arith.muli %scan3A_57, %mul3A_58 : i32
      "tpu.region"() ({
        %run_scoped3A = tpu.sem_alloc : memref<!tpu.dma_semaphore, #tpu.memory_space<semaphore_mem>>
        %dma_start3A_121 = arith.constant 0 : i32
        %dma_start3A_122 = arith.constant 0 : i32
        %dma_start3A_123 = tpu.memref_slice %arg3[%arg0, %arg1, %dma_start3A_121, %dma_start3A_122] : memref<2x16x160x64xi32, #tpu.memory_space<hbm>> -> memref<1x1x160x64xi32, #tpu.memory_space<hbm>>
        %dma_start3A_124 = tpu.memref_squeeze %dma_start3A_123 : memref<1x1x160x64xi32, #tpu.memory_space<hbm>> -> memref<160x64xi32, #tpu.memory_space<hbm>>
        %dma_start3A_125 = arith.constant 0 : i32
        %dma_start3A_126 = tpu.memref_slice %dma_start3A_124[%mul3A_59, %dma_start3A_125] : memref<160x64xi32, #tpu.memory_space<hbm>> -> memref<32x64xi32, #tpu.memory_space<hbm>>
        %dma_start3A_127 = arith.constant 0 : i32
        %dma_start3A_128 = arith.constant 0 : i32
        %dma_start3A_129 = tpu.memref_slice %arg3[%arg0, %arg1, %dma_start3A_127, %dma_start3A_128] : memref<2x16x160x64xi32, #tpu.memory_space<hbm>> -> memref<1x1x160x64xi32, #tpu.memory_space<hbm>>
        %dma_start3A_130 = tpu.memref_squeeze %dma_start3A_129 : memref<1x1x160x64xi32, #tpu.memory_space<hbm>> -> memref<160x64xi32, #tpu.memory_space<hbm>>
        %dma_start3A_131 = arith.constant 0 : i32
        %dma_start3A_132 = tpu.memref_slice %dma_start3A_130[%mul3A_59, %dma_start3A_131] : memref<160x64xi32, #tpu.memory_space<hbm>> -> memref<32x64xi32, #tpu.memory_space<hbm>>
        tpu.enqueue_dma source(%dma_start3A_132 : memref<32x64xi32, #tpu.memory_space<hbm>>) target(%arg7 : memref<32x64xi32, #tpu.memory_space<vmem>>) target_semaphore(%run_scoped3A : memref<!tpu.dma_semaphore, #tpu.memory_space<semaphore_mem>>)
        %dma_wait3A_133 = arith.constant 0 : i32
        %dma_wait3A_134 = arith.constant 0 : i32
        %dma_wait3A_135 = tpu.memref_slice %arg3[%arg0, %arg1, %dma_wait3A_133, %dma_wait3A_134] : memref<2x16x160x64xi32, #tpu.memory_space<hbm>> -> memref<1x1x160x64xi32, #tpu.memory_space<hbm>>
        %dma_wait3A_136 = tpu.memref_squeeze %dma_wait3A_135 : memref<1x1x160x64xi32, #tpu.memory_space<hbm>> -> memref<160x64xi32, #tpu.memory_space<hbm>>
        %dma_wait3A_137 = arith.constant 0 : i32
        %dma_wait3A_138 = tpu.memref_slice %dma_wait3A_136[%mul3A_59, %dma_wait3A_137] : memref<160x64xi32, #tpu.memory_space<hbm>> -> memref<32x64xi32, #tpu.memory_space<hbm>>
        %dma_wait3A_139 = arith.constant 0 : i32
        %dma_wait3A_140 = arith.constant 0 : i32
        %dma_wait3A_141 = tpu.memref_slice %arg3[%arg0, %arg1, %dma_wait3A_139, %dma_wait3A_140] : memref<2x16x160x64xi32, #tpu.memory_space<hbm>> -> memref<1x1x160x64xi32, #tpu.memory_space<hbm>>
        %dma_wait3A_142 = tpu.memref_squeeze %dma_wait3A_141 : memref<1x1x160x64xi32, #tpu.memory_space<hbm>> -> memref<160x64xi32, #tpu.memory_space<hbm>>
        %dma_wait3A_143 = arith.constant 0 : i32
        %dma_wait3A_144 = tpu.memref_slice %dma_wait3A_142[%mul3A_59, %dma_wait3A_143] : memref<160x64xi32, #tpu.memory_space<hbm>> -> memref<32x64xi32, #tpu.memory_space<hbm>>
        tpu.wait_dma2 semaphore(%run_scoped3A : memref<!tpu.dma_semaphore, #tpu.memory_space<semaphore_mem>>) src(%dma_wait3A_144 : memref<32x64xi32, #tpu.memory_space<hbm>>) dst(%arg7 : memref<32x64xi32, #tpu.memory_space<vmem>>)
        tpu.yield
      }) : () -> ()
      %mul3A_60 = arith.constant 32 : i32
      %mul3A_61 = arith.muli %scan3A_57, %mul3A_60 : i32
      "tpu.region"() ({
        %run_scoped3A = tpu.sem_alloc : memref<!tpu.dma_semaphore, #tpu.memory_space<semaphore_mem>>
        %dma_start3A_121 = arith.constant 0 : i32
        %dma_start3A_122 = arith.constant 0 : i32
        %dma_start3A_123 = tpu.memref_slice %arg4[%arg0, %arg1, %dma_start3A_121, %dma_start3A_122] : memref<2x16x160x64xi32, #tpu.memory_space<hbm>> -> memref<1x1x160x64xi32, #tpu.memory_space<hbm>>
        %dma_start3A_124 = tpu.memref_squeeze %dma_start3A_123 : memref<1x1x160x64xi32, #tpu.memory_space<hbm>> -> memref<160x64xi32, #tpu.memory_space<hbm>>
        %dma_start3A_125 = arith.constant 0 : i32
        %dma_start3A_126 = tpu.memref_slice %dma_start3A_124[%mul3A_61, %dma_start3A_125] : memref<160x64xi32, #tpu.memory_space<hbm>> -> memref<32x64xi32, #tpu.memory_space<hbm>>
        %dma_start3A_127 = arith.constant 0 : i32
        %dma_start3A_128 = arith.constant 0 : i32
        %dma_start3A_129 = tpu.memref_slice %arg4[%arg0, %arg1, %dma_start3A_127, %dma_start3A_128] : memref<2x16x160x64xi32, #tpu.memory_space<hbm>> -> memref<1x1x160x64xi32, #tpu.memory_space<hbm>>
        %dma_start3A_130 = tpu.memref_squeeze %dma_start3A_129 : memref<1x1x160x64xi32, #tpu.memory_space<hbm>> -> memref<160x64xi32, #tpu.memory_space<hbm>>
        %dma_start3A_131 = arith.constant 0 : i32
        %dma_start3A_132 = tpu.memref_slice %dma_start3A_130[%mul3A_61, %dma_start3A_131] : memref<160x64xi32, #tpu.memory_space<hbm>> -> memref<32x64xi32, #tpu.memory_space<hbm>>
        tpu.enqueue_dma source(%dma_start3A_132 : memref<32x64xi32, #tpu.memory_space<hbm>>) target(%arg8 : memref<32x64xi32, #tpu.memory_space<vmem>>) target_semaphore(%run_scoped3A : memref<!tpu.dma_semaphore, #tpu.memory_space<semaphore_mem>>)
        %dma_wait3A_133 = arith.constant 0 : i32
        %dma_wait3A_134 = arith.constant 0 : i32
        %dma_wait3A_135 = tpu.memref_slice %arg4[%arg0, %arg1, %dma_wait3A_133, %dma_wait3A_134] : memref<2x16x160x64xi32, #tpu.memory_space<hbm>> -> memref<1x1x160x64xi32, #tpu.memory_space<hbm>>
        %dma_wait3A_136 = tpu.memref_squeeze %dma_wait3A_135 : memref<1x1x160x64xi32, #tpu.memory_space<hbm>> -> memref<160x64xi32, #tpu.memory_space<hbm>>
        %dma_wait3A_137 = arith.constant 0 : i32
        %dma_wait3A_138 = tpu.memref_slice %dma_wait3A_136[%mul3A_61, %dma_wait3A_137] : memref<160x64xi32, #tpu.memory_space<hbm>> -> memref<32x64xi32, #tpu.memory_space<hbm>>
        %dma_wait3A_139 = arith.constant 0 : i32
        %dma_wait3A_140 = arith.constant 0 : i32
        %dma_wait3A_141 = tpu.memref_slice %arg4[%arg0, %arg1, %dma_wait3A_139, %dma_wait3A_140] : memref<2x16x160x64xi32, #tpu.memory_space<hbm>> -> memref<1x1x160x64xi32, #tpu.memory_space<hbm>>
        %dma_wait3A_142 = tpu.memref_squeeze %dma_wait3A_141 : memref<1x1x160x64xi32, #tpu.memory_space<hbm>> -> memref<160x64xi32, #tpu.memory_space<hbm>>
        %dma_wait3A_143 = arith.constant 0 : i32
        %dma_wait3A_144 = tpu.memref_slice %dma_wait3A_142[%mul3A_61, %dma_wait3A_143] : memref<160x64xi32, #tpu.memory_space<hbm>> -> memref<32x64xi32, #tpu.memory_space<hbm>>
        tpu.wait_dma2 semaphore(%run_scoped3A : memref<!tpu.dma_semaphore, #tpu.memory_space<semaphore_mem>>) src(%dma_wait3A_144 : memref<32x64xi32, #tpu.memory_space<hbm>>) dst(%arg8 : memref<32x64xi32, #tpu.memory_space<vmem>>)
        tpu.yield
      }) : () -> ()
      %dma_start3A = arith.constant 0 : i32
      %dma_start3A_62 = arith.constant 0 : i32
      %dma_start3A_63 = tpu.memref_slice %arg7[%dma_start3A, %dma_start3A_62] : memref<32x64xi32, #tpu.memory_space<vmem>> -> memref<1x64xi32, #tpu.memory_space<vmem>>
      %dma_start3A_64 = tpu.memref_squeeze %dma_start3A_63 : memref<1x64xi32, #tpu.memory_space<vmem>> -> memref<64xi32, #tpu.memory_space<vmem>>
      %dma_start3A_65 = arith.constant 0 : i32
      %dma_start3A_66 = arith.constant 0 : i32
      %dma_start3A_67 = tpu.memref_slice %arg2[%dma_start3A_65, %dma_start3A_66] : memref<10000x128xf32, #tpu.memory_space<hbm>> -> memref<10000x128xf32, #tpu.memory_space<hbm>>
      tpu.enqueue_indirect_dma source(%dma_start3A_67 : memref<10000x128xf32, #tpu.memory_space<hbm>>) target(%arg9 : memref<64x128xf32, #tpu.memory_space<vmem>>) offsets(%dma_start3A_64 : memref<64xi32, #tpu.memory_space<vmem>>) semaphore(%arg14 : memref<!tpu.dma_semaphore, #tpu.memory_space<semaphore_mem>>)
      %dma_start3A_68 = arith.constant 1 : i32
      %dma_start3A_69 = arith.constant 0 : i32
      %dma_start3A_70 = tpu.memref_slice %arg7[%dma_start3A_68, %dma_start3A_69] : memref<32x64xi32, #tpu.memory_space<vmem>> -> memref<1x64xi32, #tpu.memory_space<vmem>>
      %dma_start3A_71 = tpu.memref_squeeze %dma_start3A_70 : memref<1x64xi32, #tpu.memory_space<vmem>> -> memref<64xi32, #tpu.memory_space<vmem>>
      %dma_start3A_72 = arith.constant 0 : i32
      %dma_start3A_73 = arith.constant 0 : i32
      %dma_start3A_74 = tpu.memref_slice %arg2[%dma_start3A_72, %dma_start3A_73] : memref<10000x128xf32, #tpu.memory_space<hbm>> -> memref<10000x128xf32, #tpu.memory_space<hbm>>
      tpu.enqueue_indirect_dma source(%dma_start3A_74 : memref<10000x128xf32, #tpu.memory_space<hbm>>) target(%arg10 : memref<64x128xf32, #tpu.memory_space<vmem>>) offsets(%dma_start3A_71 : memref<64xi32, #tpu.memory_space<vmem>>) semaphore(%arg15 : memref<!tpu.dma_semaphore, #tpu.memory_space<semaphore_mem>>)
      %dma_start3A_75 = arith.constant 2 : i32
      %dma_start3A_76 = arith.constant 0 : i32
      %dma_start3A_77 = tpu.memref_slice %arg7[%dma_start3A_75, %dma_start3A_76] : memref<32x64xi32, #tpu.memory_space<vmem>> -> memref<1x64xi32, #tpu.memory_space<vmem>>
      %dma_start3A_78 = tpu.memref_squeeze %dma_start3A_77 : memref<1x64xi32, #tpu.memory_space<vmem>> -> memref<64xi32, #tpu.memory_space<vmem>>
      %dma_start3A_79 = arith.constant 0 : i32
      %dma_start3A_80 = arith.constant 0 : i32
      %dma_start3A_81 = tpu.memref_slice %arg2[%dma_start3A_79, %dma_start3A_80] : memref<10000x128xf32, #tpu.memory_space<hbm>> -> memref<10000x128xf32, #tpu.memory_space<hbm>>
      tpu.enqueue_indirect_dma source(%dma_start3A_81 : memref<10000x128xf32, #tpu.memory_space<hbm>>) target(%arg11 : memref<64x128xf32, #tpu.memory_space<vmem>>) offsets(%dma_start3A_78 : memref<64xi32, #tpu.memory_space<vmem>>) semaphore(%arg16 : memref<!tpu.dma_semaphore, #tpu.memory_space<semaphore_mem>>)
      %dma_start3A_82 = arith.constant 3 : i32
      %dma_start3A_83 = arith.constant 0 : i32
      %dma_start3A_84 = tpu.memref_slice %arg7[%dma_start3A_82, %dma_start3A_83] : memref<32x64xi32, #tpu.memory_space<vmem>> -> memref<1x64xi32, #tpu.memory_space<vmem>>
      %dma_start3A_85 = tpu.memref_squeeze %dma_start3A_84 : memref<1x64xi32, #tpu.memory_space<vmem>> -> memref<64xi32, #tpu.memory_space<vmem>>
      %dma_start3A_86 = arith.constant 0 : i32
      %dma_start3A_87 = arith.constant 0 : i32
      %dma_start3A_88 = tpu.memref_slice %arg2[%dma_start3A_86, %dma_start3A_87] : memref<10000x128xf32, #tpu.memory_space<hbm>> -> memref<10000x128xf32, #tpu.memory_space<hbm>>
      tpu.enqueue_indirect_dma source(%dma_start3A_88 : memref<10000x128xf32, #tpu.memory_space<hbm>>) target(%arg12 : memref<64x128xf32, #tpu.memory_space<vmem>>) offsets(%dma_start3A_85 : memref<64xi32, #tpu.memory_space<vmem>>) semaphore(%arg17 : memref<!tpu.dma_semaphore, #tpu.memory_space<semaphore_mem>>)
      %scan3A_89 = arith.constant 0 : i32
      %scan3A_90 = arith.constant 8 : i32
      %scan3A_91 = arith.addi %scan3A_89, %scan3A_90 : i32
      %scan3A_92 = arith.constant 1 : i32
      scf.for %scan3A_121 = %scan3A_89 to %scan3A_91 step %scan3A_92  : i32 {
        %mul3A_122 = arith.constant 4 : i32
        %mul3A_123 = arith.muli %scan3A_121, %mul3A_122 : i32
        %add3A_124 = arith.constant 0 : i32
        %add3A_125 = arith.addi %mul3A_123, %add3A_124 : i32
        %dma_wait3A_126 = arith.constant 0 : i32
        %dma_wait3A_127 = tpu.memref_slice %arg7[%add3A_125, %dma_wait3A_126] : memref<32x64xi32, #tpu.memory_space<vmem>> -> memref<1x64xi32, #tpu.memory_space<vmem>>
        %dma_wait3A_128 = tpu.memref_squeeze %dma_wait3A_127 : memref<1x64xi32, #tpu.memory_space<vmem>> -> memref<64xi32, #tpu.memory_space<vmem>>
        %dma_wait3A_129 = arith.constant 0 : i32
        %dma_wait3A_130 = arith.constant 0 : i32
        %dma_wait3A_131 = tpu.memref_slice %arg2[%dma_wait3A_129, %dma_wait3A_130] : memref<10000x128xf32, #tpu.memory_space<hbm>> -> memref<10000x128xf32, #tpu.memory_space<hbm>>
        tpu.wait_indirect_dma semaphore(%arg14 : memref<!tpu.dma_semaphore, #tpu.memory_space<semaphore_mem>>) src(%dma_wait3A_131 : memref<10000x128xf32, #tpu.memory_space<hbm>>) dst(%arg9 : memref<64x128xf32, #tpu.memory_space<vmem>>)
        %dma_start3A_132 = arith.constant 0 : i32
        %dma_start3A_133 = tpu.memref_slice %arg8[%add3A_125, %dma_start3A_132] : memref<32x64xi32, #tpu.memory_space<vmem>> -> memref<1x64xi32, #tpu.memory_space<vmem>>
        %dma_start3A_134 = tpu.memref_squeeze %dma_start3A_133 : memref<1x64xi32, #tpu.memory_space<vmem>> -> memref<64xi32, #tpu.memory_space<vmem>>
        %dma_start3A_135 = arith.constant 0 : i32
        %dma_start3A_136 = arith.constant 0 : i32
        %dma_start3A_137 = tpu.memref_slice %arg13[%dma_start3A_135, %dma_start3A_136] : memref<10240x128xf32, #tpu.memory_space<vmem_shared>> -> memref<10240x128xf32, #tpu.memory_space<vmem_shared>>
        tpu.enqueue_indirect_dma source(%arg9 : memref<64x128xf32, #tpu.memory_space<vmem>>) target(%dma_start3A_137 : memref<10240x128xf32, #tpu.memory_space<vmem_shared>>) offsets(%dma_start3A_134 : memref<64xi32, #tpu.memory_space<vmem>>) semaphore(%arg18 : memref<!tpu.dma_semaphore, #tpu.memory_space<semaphore_mem>>) {add = true}
        %lt3A = arith.constant 7 : i32
        %lt3A_138 = arith.cmpi slt, %scan3A_121, %lt3A : i32
        %convert_element_type3A_139 = arith.extui %lt3A_138 : i1 to i32
        %cond3A_140 = arith.constant 0 : i32
        %cond3A_141 = arith.cmpi ne, %convert_element_type3A_139, %cond3A_140 : i32
        scf.if %cond3A_141 {
          %dma_wait3A_205 = arith.constant 0 : i32
          %dma_wait3A_206 = tpu.memref_slice %arg8[%add3A_125, %dma_wait3A_205] : memref<32x64xi32, #tpu.memory_space<vmem>> -> memref<1x64xi32, #tpu.memory_space<vmem>>
          %dma_wait3A_207 = tpu.memref_squeeze %dma_wait3A_206 : memref<1x64xi32, #tpu.memory_space<vmem>> -> memref<64xi32, #tpu.memory_space<vmem>>
          %dma_wait3A_208 = arith.constant 0 : i32
          %dma_wait3A_209 = arith.constant 0 : i32
          %dma_wait3A_210 = tpu.memref_slice %arg13[%dma_wait3A_208, %dma_wait3A_209] : memref<10240x128xf32, #tpu.memory_space<vmem_shared>> -> memref<10240x128xf32, #tpu.memory_space<vmem_shared>>
          tpu.wait_indirect_dma semaphore(%arg18 : memref<!tpu.dma_semaphore, #tpu.memory_space<semaphore_mem>>) src(%arg9 : memref<64x128xf32, #tpu.memory_space<vmem>>) dst(%dma_wait3A_210 : memref<10240x128xf32, #tpu.memory_space<vmem_shared>>)
          %add3A_211 = arith.constant 4 : i32
          %add3A_212 = arith.addi %add3A_125, %add3A_211 : i32
          %dma_start3A_213 = arith.constant 0 : i32
          %dma_start3A_214 = tpu.memref_slice %arg7[%add3A_212, %dma_start3A_213] : memref<32x64xi32, #tpu.memory_space<vmem>> -> memref<1x64xi32, #tpu.memory_space<vmem>>
          %dma_start3A_215 = tpu.memref_squeeze %dma_start3A_214 : memref<1x64xi32, #tpu.memory_space<vmem>> -> memref<64xi32, #tpu.memory_space<vmem>>
          %dma_start3A_216 = arith.constant 0 : i32
          %dma_start3A_217 = arith.constant 0 : i32
          %dma_start3A_218 = tpu.memref_slice %arg2[%dma_start3A_216, %dma_start3A_217] : memref<10000x128xf32, #tpu.memory_space<hbm>> -> memref<10000x128xf32, #tpu.memory_space<hbm>>
          tpu.enqueue_indirect_dma source(%dma_start3A_218 : memref<10000x128xf32, #tpu.memory_space<hbm>>) target(%arg9 : memref<64x128xf32, #tpu.memory_space<vmem>>) offsets(%dma_start3A_215 : memref<64xi32, #tpu.memory_space<vmem>>) semaphore(%arg14 : memref<!tpu.dma_semaphore, #tpu.memory_space<semaphore_mem>>)
        } else {
        }
        %mul3A_142 = arith.constant 4 : i32
        %mul3A_143 = arith.muli %scan3A_121, %mul3A_142 : i32
        %add3A_144 = arith.constant 1 : i32
        %add3A_145 = arith.addi %mul3A_143, %add3A_144 : i32
        %dma_wait3A_146 = arith.constant 0 : i32
        %dma_wait3A_147 = tpu.memref_slice %arg7[%add3A_145, %dma_wait3A_146] : memref<32x64xi32, #tpu.memory_space<vmem>> -> memref<1x64xi32, #tpu.memory_space<vmem>>
        %dma_wait3A_148 = tpu.memref_squeeze %dma_wait3A_147 : memref<1x64xi32, #tpu.memory_space<vmem>> -> memref<64xi32, #tpu.memory_space<vmem>>
        %dma_wait3A_149 = arith.constant 0 : i32
        %dma_wait3A_150 = arith.constant 0 : i32
        %dma_wait3A_151 = tpu.memref_slice %arg2[%dma_wait3A_149, %dma_wait3A_150] : memref<10000x128xf32, #tpu.memory_space<hbm>> -> memref<10000x128xf32, #tpu.memory_space<hbm>>
        tpu.wait_indirect_dma semaphore(%arg15 : memref<!tpu.dma_semaphore, #tpu.memory_space<semaphore_mem>>) src(%dma_wait3A_151 : memref<10000x128xf32, #tpu.memory_space<hbm>>) dst(%arg10 : memref<64x128xf32, #tpu.memory_space<vmem>>)
        %dma_start3A_152 = arith.constant 0 : i32
        %dma_start3A_153 = tpu.memref_slice %arg8[%add3A_145, %dma_start3A_152] : memref<32x64xi32, #tpu.memory_space<vmem>> -> memref<1x64xi32, #tpu.memory_space<vmem>>
        %dma_start3A_154 = tpu.memref_squeeze %dma_start3A_153 : memref<1x64xi32, #tpu.memory_space<vmem>> -> memref<64xi32, #tpu.memory_space<vmem>>
        %dma_start3A_155 = arith.constant 0 : i32
        %dma_start3A_156 = arith.constant 0 : i32
        %dma_start3A_157 = tpu.memref_slice %arg13[%dma_start3A_155, %dma_start3A_156] : memref<10240x128xf32, #tpu.memory_space<vmem_shared>> -> memref<10240x128xf32, #tpu.memory_space<vmem_shared>>
        tpu.enqueue_indirect_dma source(%arg10 : memref<64x128xf32, #tpu.memory_space<vmem>>) target(%dma_start3A_157 : memref<10240x128xf32, #tpu.memory_space<vmem_shared>>) offsets(%dma_start3A_154 : memref<64xi32, #tpu.memory_space<vmem>>) semaphore(%arg19 : memref<!tpu.dma_semaphore, #tpu.memory_space<semaphore_mem>>) {add = true}
        %lt3A_158 = arith.constant 7 : i32
        %lt3A_159 = arith.cmpi slt, %scan3A_121, %lt3A_158 : i32
        %convert_element_type3A_160 = arith.extui %lt3A_159 : i1 to i32
        %cond3A_161 = arith.constant 0 : i32
        %cond3A_162 = arith.cmpi ne, %convert_element_type3A_160, %cond3A_161 : i32
        scf.if %cond3A_162 {
          %dma_wait3A_205 = arith.constant 0 : i32
          %dma_wait3A_206 = tpu.memref_slice %arg8[%add3A_145, %dma_wait3A_205] : memref<32x64xi32, #tpu.memory_space<vmem>> -> memref<1x64xi32, #tpu.memory_space<vmem>>
          %dma_wait3A_207 = tpu.memref_squeeze %dma_wait3A_206 : memref<1x64xi32, #tpu.memory_space<vmem>> -> memref<64xi32, #tpu.memory_space<vmem>>
          %dma_wait3A_208 = arith.constant 0 : i32
          %dma_wait3A_209 = arith.constant 0 : i32
          %dma_wait3A_210 = tpu.memref_slice %arg13[%dma_wait3A_208, %dma_wait3A_209] : memref<10240x128xf32, #tpu.memory_space<vmem_shared>> -> memref<10240x128xf32, #tpu.memory_space<vmem_shared>>
          tpu.wait_indirect_dma semaphore(%arg19 : memref<!tpu.dma_semaphore, #tpu.memory_space<semaphore_mem>>) src(%arg10 : memref<64x128xf32, #tpu.memory_space<vmem>>) dst(%dma_wait3A_210 : memref<10240x128xf32, #tpu.memory_space<vmem_shared>>)
          %add3A_211 = arith.constant 4 : i32
          %add3A_212 = arith.addi %add3A_145, %add3A_211 : i32
          %dma_start3A_213 = arith.constant 0 : i32
          %dma_start3A_214 = tpu.memref_slice %arg7[%add3A_212, %dma_start3A_213] : memref<32x64xi32, #tpu.memory_space<vmem>> -> memref<1x64xi32, #tpu.memory_space<vmem>>
          %dma_start3A_215 = tpu.memref_squeeze %dma_start3A_214 : memref<1x64xi32, #tpu.memory_space<vmem>> -> memref<64xi32, #tpu.memory_space<vmem>>
          %dma_start3A_216 = arith.constant 0 : i32
          %dma_start3A_217 = arith.constant 0 : i32
          %dma_start3A_218 = tpu.memref_slice %arg2[%dma_start3A_216, %dma_start3A_217] : memref<10000x128xf32, #tpu.memory_space<hbm>> -> memref<10000x128xf32, #tpu.memory_space<hbm>>
          tpu.enqueue_indirect_dma source(%dma_start3A_218 : memref<10000x128xf32, #tpu.memory_space<hbm>>) target(%arg10 : memref<64x128xf32, #tpu.memory_space<vmem>>) offsets(%dma_start3A_215 : memref<64xi32, #tpu.memory_space<vmem>>) semaphore(%arg15 : memref<!tpu.dma_semaphore, #tpu.memory_space<semaphore_mem>>)
        } else {
        }
        %mul3A_163 = arith.constant 4 : i32
        %mul3A_164 = arith.muli %scan3A_121, %mul3A_163 : i32
        %add3A_165 = arith.constant 2 : i32
        %add3A_166 = arith.addi %mul3A_164, %add3A_165 : i32
        %dma_wait3A_167 = arith.constant 0 : i32
        %dma_wait3A_168 = tpu.memref_slice %arg7[%add3A_166, %dma_wait3A_167] : memref<32x64xi32, #tpu.memory_space<vmem>> -> memref<1x64xi32, #tpu.memory_space<vmem>>
        %dma_wait3A_169 = tpu.memref_squeeze %dma_wait3A_168 : memref<1x64xi32, #tpu.memory_space<vmem>> -> memref<64xi32, #tpu.memory_space<vmem>>
        %dma_wait3A_170 = arith.constant 0 : i32
        %dma_wait3A_171 = arith.constant 0 : i32
        %dma_wait3A_172 = tpu.memref_slice %arg2[%dma_wait3A_170, %dma_wait3A_171] : memref<10000x128xf32, #tpu.memory_space<hbm>> -> memref<10000x128xf32, #tpu.memory_space<hbm>>
        tpu.wait_indirect_dma semaphore(%arg16 : memref<!tpu.dma_semaphore, #tpu.memory_space<semaphore_mem>>) src(%dma_wait3A_172 : memref<10000x128xf32, #tpu.memory_space<hbm>>) dst(%arg11 : memref<64x128xf32, #tpu.memory_space<vmem>>)
        %dma_start3A_173 = arith.constant 0 : i32
        %dma_start3A_174 = tpu.memref_slice %arg8[%add3A_166, %dma_start3A_173] : memref<32x64xi32, #tpu.memory_space<vmem>> -> memref<1x64xi32, #tpu.memory_space<vmem>>
        %dma_start3A_175 = tpu.memref_squeeze %dma_start3A_174 : memref<1x64xi32, #tpu.memory_space<vmem>> -> memref<64xi32, #tpu.memory_space<vmem>>
        %dma_start3A_176 = arith.constant 0 : i32
        %dma_start3A_177 = arith.constant 0 : i32
        %dma_start3A_178 = tpu.memref_slice %arg13[%dma_start3A_176, %dma_start3A_177] : memref<10240x128xf32, #tpu.memory_space<vmem_shared>> -> memref<10240x128xf32, #tpu.memory_space<vmem_shared>>
        tpu.enqueue_indirect_dma source(%arg11 : memref<64x128xf32, #tpu.memory_space<vmem>>) target(%dma_start3A_178 : memref<10240x128xf32, #tpu.memory_space<vmem_shared>>) offsets(%dma_start3A_175 : memref<64xi32, #tpu.memory_space<vmem>>) semaphore(%arg20 : memref<!tpu.dma_semaphore, #tpu.memory_space<semaphore_mem>>) {add = true}
        %lt3A_179 = arith.constant 7 : i32
        %lt3A_180 = arith.cmpi slt, %scan3A_121, %lt3A_179 : i32
        %convert_element_type3A_181 = arith.extui %lt3A_180 : i1 to i32
        %cond3A_182 = arith.constant 0 : i32
        %cond3A_183 = arith.cmpi ne, %convert_element_type3A_181, %cond3A_182 : i32
        scf.if %cond3A_183 {
          %dma_wait3A_205 = arith.constant 0 : i32
          %dma_wait3A_206 = tpu.memref_slice %arg8[%add3A_166, %dma_wait3A_205] : memref<32x64xi32, #tpu.memory_space<vmem>> -> memref<1x64xi32, #tpu.memory_space<vmem>>
          %dma_wait3A_207 = tpu.memref_squeeze %dma_wait3A_206 : memref<1x64xi32, #tpu.memory_space<vmem>> -> memref<64xi32, #tpu.memory_space<vmem>>
          %dma_wait3A_208 = arith.constant 0 : i32
          %dma_wait3A_209 = arith.constant 0 : i32
          %dma_wait3A_210 = tpu.memref_slice %arg13[%dma_wait3A_208, %dma_wait3A_209] : memref<10240x128xf32, #tpu.memory_space<vmem_shared>> -> memref<10240x128xf32, #tpu.memory_space<vmem_shared>>
          tpu.wait_indirect_dma semaphore(%arg20 : memref<!tpu.dma_semaphore, #tpu.memory_space<semaphore_mem>>) src(%arg11 : memref<64x128xf32, #tpu.memory_space<vmem>>) dst(%dma_wait3A_210 : memref<10240x128xf32, #tpu.memory_space<vmem_shared>>)
          %add3A_211 = arith.constant 4 : i32
          %add3A_212 = arith.addi %add3A_166, %add3A_211 : i32
          %dma_start3A_213 = arith.constant 0 : i32
          %dma_start3A_214 = tpu.memref_slice %arg7[%add3A_212, %dma_start3A_213] : memref<32x64xi32, #tpu.memory_space<vmem>> -> memref<1x64xi32, #tpu.memory_space<vmem>>
          %dma_start3A_215 = tpu.memref_squeeze %dma_start3A_214 : memref<1x64xi32, #tpu.memory_space<vmem>> -> memref<64xi32, #tpu.memory_space<vmem>>
          %dma_start3A_216 = arith.constant 0 : i32
          %dma_start3A_217 = arith.constant 0 : i32
          %dma_start3A_218 = tpu.memref_slice %arg2[%dma_start3A_216, %dma_start3A_217] : memref<10000x128xf32, #tpu.memory_space<hbm>> -> memref<10000x128xf32, #tpu.memory_space<hbm>>
          tpu.enqueue_indirect_dma source(%dma_start3A_218 : memref<10000x128xf32, #tpu.memory_space<hbm>>) target(%arg11 : memref<64x128xf32, #tpu.memory_space<vmem>>) offsets(%dma_start3A_215 : memref<64xi32, #tpu.memory_space<vmem>>) semaphore(%arg16 : memref<!tpu.dma_semaphore, #tpu.memory_space<semaphore_mem>>)
        } else {
        }
        %mul3A_184 = arith.constant 4 : i32
        %mul3A_185 = arith.muli %scan3A_121, %mul3A_184 : i32
        %add3A_186 = arith.constant 3 : i32
        %add3A_187 = arith.addi %mul3A_185, %add3A_186 : i32
        %dma_wait3A_188 = arith.constant 0 : i32
        %dma_wait3A_189 = tpu.memref_slice %arg7[%add3A_187, %dma_wait3A_188] : memref<32x64xi32, #tpu.memory_space<vmem>> -> memref<1x64xi32, #tpu.memory_space<vmem>>
        %dma_wait3A_190 = tpu.memref_squeeze %dma_wait3A_189 : memref<1x64xi32, #tpu.memory_space<vmem>> -> memref<64xi32, #tpu.memory_space<vmem>>
        %dma_wait3A_191 = arith.constant 0 : i32
        %dma_wait3A_192 = arith.constant 0 : i32
        %dma_wait3A_193 = tpu.memref_slice %arg2[%dma_wait3A_191, %dma_wait3A_192] : memref<10000x128xf32, #tpu.memory_space<hbm>> -> memref<10000x128xf32, #tpu.memory_space<hbm>>
        tpu.wait_indirect_dma semaphore(%arg17 : memref<!tpu.dma_semaphore, #tpu.memory_space<semaphore_mem>>) src(%dma_wait3A_193 : memref<10000x128xf32, #tpu.memory_space<hbm>>) dst(%arg12 : memref<64x128xf32, #tpu.memory_space<vmem>>)
        %dma_start3A_194 = arith.constant 0 : i32
        %dma_start3A_195 = tpu.memref_slice %arg8[%add3A_187, %dma_start3A_194] : memref<32x64xi32, #tpu.memory_space<vmem>> -> memref<1x64xi32, #tpu.memory_space<vmem>>
        %dma_start3A_196 = tpu.memref_squeeze %dma_start3A_195 : memref<1x64xi32, #tpu.memory_space<vmem>> -> memref<64xi32, #tpu.memory_space<vmem>>
        %dma_start3A_197 = arith.constant 0 : i32
        %dma_start3A_198 = arith.constant 0 : i32
        %dma_start3A_199 = tpu.memref_slice %arg13[%dma_start3A_197, %dma_start3A_198] : memref<10240x128xf32, #tpu.memory_space<vmem_shared>> -> memref<10240x128xf32, #tpu.memory_space<vmem_shared>>
        tpu.enqueue_indirect_dma source(%arg12 : memref<64x128xf32, #tpu.memory_space<vmem>>) target(%dma_start3A_199 : memref<10240x128xf32, #tpu.memory_space<vmem_shared>>) offsets(%dma_start3A_196 : memref<64xi32, #tpu.memory_space<vmem>>) semaphore(%arg21 : memref<!tpu.dma_semaphore, #tpu.memory_space<semaphore_mem>>) {add = true}
        %lt3A_200 = arith.constant 7 : i32
        %lt3A_201 = arith.cmpi slt, %scan3A_121, %lt3A_200 : i32
        %convert_element_type3A_202 = arith.extui %lt3A_201 : i1 to i32
        %cond3A_203 = arith.constant 0 : i32
        %cond3A_204 = arith.cmpi ne, %convert_element_type3A_202, %cond3A_203 : i32
        scf.if %cond3A_204 {
          %dma_wait3A_205 = arith.constant 0 : i32
          %dma_wait3A_206 = tpu.memref_slice %arg8[%add3A_187, %dma_wait3A_205] : memref<32x64xi32, #tpu.memory_space<vmem>> -> memref<1x64xi32, #tpu.memory_space<vmem>>
          %dma_wait3A_207 = tpu.memref_squeeze %dma_wait3A_206 : memref<1x64xi32, #tpu.memory_space<vmem>> -> memref<64xi32, #tpu.memory_space<vmem>>
          %dma_wait3A_208 = arith.constant 0 : i32
          %dma_wait3A_209 = arith.constant 0 : i32
          %dma_wait3A_210 = tpu.memref_slice %arg13[%dma_wait3A_208, %dma_wait3A_209] : memref<10240x128xf32, #tpu.memory_space<vmem_shared>> -> memref<10240x128xf32, #tpu.memory_space<vmem_shared>>
          tpu.wait_indirect_dma semaphore(%arg21 : memref<!tpu.dma_semaphore, #tpu.memory_space<semaphore_mem>>) src(%arg12 : memref<64x128xf32, #tpu.memory_space<vmem>>) dst(%dma_wait3A_210 : memref<10240x128xf32, #tpu.memory_space<vmem_shared>>)
          %add3A_211 = arith.constant 4 : i32
          %add3A_212 = arith.addi %add3A_187, %add3A_211 : i32
          %dma_start3A_213 = arith.constant 0 : i32
          %dma_start3A_214 = tpu.memref_slice %arg7[%add3A_212, %dma_start3A_213] : memref<32x64xi32, #tpu.memory_space<vmem>> -> memref<1x64xi32, #tpu.memory_space<vmem>>
          %dma_start3A_215 = tpu.memref_squeeze %dma_start3A_214 : memref<1x64xi32, #tpu.memory_space<vmem>> -> memref<64xi32, #tpu.memory_space<vmem>>
          %dma_start3A_216 = arith.constant 0 : i32
          %dma_start3A_217 = arith.constant 0 : i32
          %dma_start3A_218 = tpu.memref_slice %arg2[%dma_start3A_216, %dma_start3A_217] : memref<10000x128xf32, #tpu.memory_space<hbm>> -> memref<10000x128xf32, #tpu.memory_space<hbm>>
          tpu.enqueue_indirect_dma source(%dma_start3A_218 : memref<10000x128xf32, #tpu.memory_space<hbm>>) target(%arg12 : memref<64x128xf32, #tpu.memory_space<vmem>>) offsets(%dma_start3A_215 : memref<64xi32, #tpu.memory_space<vmem>>) semaphore(%arg17 : memref<!tpu.dma_semaphore, #tpu.memory_space<semaphore_mem>>)
        } else {
        }
      }
      %scan3A_93 = arith.constant 8 : i32
      %dma_wait3A = arith.constant 28 : i32
      %dma_wait3A_94 = arith.constant 0 : i32
      %dma_wait3A_95 = tpu.memref_slice %arg8[%dma_wait3A, %dma_wait3A_94] : memref<32x64xi32, #tpu.memory_space<vmem>> -> memref<1x64xi32, #tpu.memory_space<vmem>>
      %dma_wait3A_96 = tpu.memref_squeeze %dma_wait3A_95 : memref<1x64xi32, #tpu.memory_space<vmem>> -> memref<64xi32, #tpu.memory_space<vmem>>
      %dma_wait3A_97 = arith.constant 0 : i32
      %dma_wait3A_98 = arith.constant 0 : i32
      %dma_wait3A_99 = tpu.memref_slice %arg13[%dma_wait3A_97, %dma_wait3A_98] : memref<10240x128xf32, #tpu.memory_space<vmem_shared>> -> memref<10240x128xf32, #tpu.memory_space<vmem_shared>>
      tpu.wait_indirect_dma semaphore(%arg18 : memref<!tpu.dma_semaphore, #tpu.memory_space<semaphore_mem>>) src(%arg9 : memref<64x128xf32, #tpu.memory_space<vmem>>) dst(%dma_wait3A_99 : memref<10240x128xf32, #tpu.memory_space<vmem_shared>>)
      %dma_wait3A_100 = arith.constant 29 : i32
      %dma_wait3A_101 = arith.constant 0 : i32
      %dma_wait3A_102 = tpu.memref_slice %arg8[%dma_wait3A_100, %dma_wait3A_101] : memref<32x64xi32, #tpu.memory_space<vmem>> -> memref<1x64xi32, #tpu.memory_space<vmem>>
      %dma_wait3A_103 = tpu.memref_squeeze %dma_wait3A_102 : memref<1x64xi32, #tpu.memory_space<vmem>> -> memref<64xi32, #tpu.memory_space<vmem>>
      %dma_wait3A_104 = arith.constant 0 : i32
      %dma_wait3A_105 = arith.constant 0 : i32
      %dma_wait3A_106 = tpu.memref_slice %arg13[%dma_wait3A_104, %dma_wait3A_105] : memref<10240x128xf32, #tpu.memory_space<vmem_shared>> -> memref<10240x128xf32, #tpu.memory_space<vmem_shared>>
      tpu.wait_indirect_dma semaphore(%arg19 : memref<!tpu.dma_semaphore, #tpu.memory_space<semaphore_mem>>) src(%arg10 : memref<64x128xf32, #tpu.memory_space<vmem>>) dst(%dma_wait3A_106 : memref<10240x128xf32, #tpu.memory_space<vmem_shared>>)
      %dma_wait3A_107 = arith.constant 30 : i32
      %dma_wait3A_108 = arith.constant 0 : i32
      %dma_wait3A_109 = tpu.memref_slice %arg8[%dma_wait3A_107, %dma_wait3A_108] : memref<32x64xi32, #tpu.memory_space<vmem>> -> memref<1x64xi32, #tpu.memory_space<vmem>>
      %dma_wait3A_110 = tpu.memref_squeeze %dma_wait3A_109 : memref<1x64xi32, #tpu.memory_space<vmem>> -> memref<64xi32, #tpu.memory_space<vmem>>
      %dma_wait3A_111 = arith.constant 0 : i32
      %dma_wait3A_112 = arith.constant 0 : i32
      %dma_wait3A_113 = tpu.memref_slice %arg13[%dma_wait3A_111, %dma_wait3A_112] : memref<10240x128xf32, #tpu.memory_space<vmem_shared>> -> memref<10240x128xf32, #tpu.memory_space<vmem_shared>>
      tpu.wait_indirect_dma semaphore(%arg20 : memref<!tpu.dma_semaphore, #tpu.memory_space<semaphore_mem>>) src(%arg11 : memref<64x128xf32, #tpu.memory_space<vmem>>) dst(%dma_wait3A_113 : memref<10240x128xf32, #tpu.memory_space<vmem_shared>>)
      %dma_wait3A_114 = arith.constant 31 : i32
      %dma_wait3A_115 = arith.constant 0 : i32
      %dma_wait3A_116 = tpu.memref_slice %arg8[%dma_wait3A_114, %dma_wait3A_115] : memref<32x64xi32, #tpu.memory_space<vmem>> -> memref<1x64xi32, #tpu.memory_space<vmem>>
      %dma_wait3A_117 = tpu.memref_squeeze %dma_wait3A_116 : memref<1x64xi32, #tpu.memory_space<vmem>> -> memref<64xi32, #tpu.memory_space<vmem>>
      %dma_wait3A_118 = arith.constant 0 : i32
      %dma_wait3A_119 = arith.constant 0 : i32
      %dma_wait3A_120 = tpu.memref_slice %arg13[%dma_wait3A_118, %dma_wait3A_119] : memref<10240x128xf32, #tpu.memory_space<vmem_shared>> -> memref<10240x128xf32, #tpu.memory_space<vmem_shared>>
      tpu.wait_indirect_dma semaphore(%arg21 : memref<!tpu.dma_semaphore, #tpu.memory_space<semaphore_mem>>) src(%arg12 : memref<64x128xf32, #tpu.memory_space<vmem>>) dst(%dma_wait3A_120 : memref<10240x128xf32, #tpu.memory_space<vmem_shared>>)
    }
    %scan3A_49 = arith.constant 5 : i32
    %barrier3A_50 = arith.constant 0 : index
    tpu.barrier barrier_id(%barrier3A_50)
    %eq3A = arith.constant 0 : i32
    %eq3A_51 = arith.cmpi eq, %arg0, %eq3A : i32
    %convert_element_type3A = arith.extui %eq3A_51 : i1 to i32
    %cond3A = arith.constant 0 : i32
    %cond3A_52 = arith.cmpi ne, %convert_element_type3A, %cond3A : i32
    scf.if %cond3A_52 {
      %mul3A_57 = arith.constant 640 : i32
      %mul3A_58 = arith.muli %arg1, %mul3A_57 : i32
      %mul3A_59 = arith.constant 640 : i32
      %mul3A_60 = arith.muli %arg1, %mul3A_59 : i32
      "tpu.region"() ({
        %run_scoped3A = tpu.sem_alloc : memref<!tpu.dma_semaphore, #tpu.memory_space<semaphore_mem>>
        %dma_start3A = arith.constant 0 : i32
        %dma_start3A_61 = tpu.memref_slice %arg5[%mul3A_60, %dma_start3A] : memref<10240x128xf32, #tpu.memory_space<hbm>> -> memref<640x128xf32, #tpu.memory_space<hbm>>
        %dma_start3A_62 = arith.constant 0 : i32
        %dma_start3A_63 = tpu.memref_slice %arg13[%mul3A_58, %dma_start3A_62] : memref<10240x128xf32, #tpu.memory_space<vmem_shared>> -> memref<640x128xf32, #tpu.memory_space<vmem_shared>>
        tpu.enqueue_dma source(%dma_start3A_63 : memref<640x128xf32, #tpu.memory_space<vmem_shared>>) target(%dma_start3A_61 : memref<640x128xf32, #tpu.memory_space<hbm>>) target_semaphore(%run_scoped3A : memref<!tpu.dma_semaphore, #tpu.memory_space<semaphore_mem>>)
        %dma_wait3A = arith.constant 0 : i32
        %dma_wait3A_64 = tpu.memref_slice %arg5[%mul3A_60, %dma_wait3A] : memref<10240x128xf32, #tpu.memory_space<hbm>> -> memref<640x128xf32, #tpu.memory_space<hbm>>
        %dma_wait3A_65 = arith.constant 0 : i32
        %dma_wait3A_66 = tpu.memref_slice %arg13[%mul3A_58, %dma_wait3A_65] : memref<10240x128xf32, #tpu.memory_space<vmem_shared>> -> memref<640x128xf32, #tpu.memory_space<vmem_shared>>
        tpu.wait_dma2 semaphore(%run_scoped3A : memref<!tpu.dma_semaphore, #tpu.memory_space<semaphore_mem>>) src(%dma_wait3A_66 : memref<640x128xf32, #tpu.memory_space<vmem_shared>>) dst(%dma_wait3A_64 : memref<640x128xf32, #tpu.memory_space<hbm>>)
        tpu.yield
      }) : () -> ()
    } else {
    }
    %ne3A = arith.constant 0 : i32
    %ne3A_53 = arith.cmpi ne, %arg0, %ne3A : i32
    %convert_element_type3A_54 = arith.extui %ne3A_53 : i1 to i32
    %cond3A_55 = arith.constant 0 : i32
    %cond3A_56 = arith.cmpi ne, %convert_element_type3A_54, %cond3A_55 : i32
    scf.if %cond3A_56 {
      %mul3A_57 = arith.constant 640 : i32
      %mul3A_58 = arith.muli %arg1, %mul3A_57 : i32
      %mul3A_59 = arith.constant 640 : i32
      %mul3A_60 = arith.muli %arg1, %mul3A_59 : i32
      "tpu.region"() ({
        %run_scoped3A = tpu.sem_alloc : memref<!tpu.dma_semaphore, #tpu.memory_space<semaphore_mem>>
        %dma_start3A = arith.constant 0 : i32
        %dma_start3A_61 = tpu.memref_slice %arg6[%mul3A_60, %dma_start3A] : memref<10240x128xf32, #tpu.memory_space<hbm>> -> memref<640x128xf32, #tpu.memory_space<hbm>>
        %dma_start3A_62 = arith.constant 0 : i32
        %dma_start3A_63 = tpu.memref_slice %arg13[%mul3A_58, %dma_start3A_62] : memref<10240x128xf32, #tpu.memory_space<vmem_shared>> -> memref<640x128xf32, #tpu.memory_space<vmem_shared>>
        tpu.enqueue_dma source(%dma_start3A_63 : memref<640x128xf32, #tpu.memory_space<vmem_shared>>) target(%dma_start3A_61 : memref<640x128xf32, #tpu.memory_space<hbm>>) target_semaphore(%run_scoped3A : memref<!tpu.dma_semaphore, #tpu.memory_space<semaphore_mem>>)
        %dma_wait3A = arith.constant 0 : i32
        %dma_wait3A_64 = tpu.memref_slice %arg6[%mul3A_60, %dma_wait3A] : memref<10240x128xf32, #tpu.memory_space<hbm>> -> memref<640x128xf32, #tpu.memory_space<hbm>>
        %dma_wait3A_65 = arith.constant 0 : i32
        %dma_wait3A_66 = tpu.memref_slice %arg13[%mul3A_58, %dma_wait3A_65] : memref<10240x128xf32, #tpu.memory_space<vmem_shared>> -> memref<640x128xf32, #tpu.memory_space<vmem_shared>>
        tpu.wait_dma2 semaphore(%run_scoped3A : memref<!tpu.dma_semaphore, #tpu.memory_space<semaphore_mem>>) src(%dma_wait3A_66 : memref<640x128xf32, #tpu.memory_space<vmem_shared>>) dst(%dma_wait3A_64 : memref<640x128xf32, #tpu.memory_space<hbm>>)
        tpu.yield
      }) : () -> ()
    } else {
    }
    return
  }
}

module attributes {stable_mosaic.version = 14 : i64} {
  func.func @_stage_a_body(%arg0: i32, %arg1: memref<400x256xf32, #tpu.memory_space<vmem>>, %arg2: memref<400x1xi32, #tpu.memory_space<vmem>>, %arg3: memref<3x256xf32, #tpu.memory_space<vmem>>, %arg4: memref<400x256xf32, #tpu.memory_space<vmem>>) attributes {dimension_semantics = [#tpu.dimension_semantics<arbitrary>], iteration_bounds = array<i64: 25>, scalar_prefetch = 0 : i64, scratch_operands = 0 : i64, tpu.core_type = #tpu.core_type<tc>, window_params = [{transform_indices = @transform_0, window_bounds = array<i64: 400, 256>}, {transform_indices = @transform_1, window_bounds = array<i64: 400, 1>}, {pipeline_mode = #tpu.pipeline_mode<synchronous>, transform_indices = @transform_2, window_bounds = array<i64: 3, 256>}, {transform_indices = @transform_3, window_bounds = array<i64: 400, 256>}]} {
    %get3A = arith.constant 0 : index
    %get3A_0 = arith.constant 0 : index
    %get3A_1 = vector.load %arg2[%get3A, %get3A_0] : memref<400x1xi32, #tpu.memory_space<vmem>>, vector<400x1xi32>
    %get3A_2 = arith.constant 0 : index
    %get3A_3 = arith.constant 0 : index
    %get3A_4 = vector.load %arg3[%get3A_2, %get3A_3] : memref<3x256xf32, #tpu.memory_space<vmem>>, vector<1x256xf32>
    %get3A_5 = arith.constant 1 : index
    %get3A_6 = arith.constant 0 : index
    %get3A_7 = vector.load %arg3[%get3A_5, %get3A_6] : memref<3x256xf32, #tpu.memory_space<vmem>>, vector<1x256xf32>
    %eq3A = arith.constant 0 : i32
    %eq3A_8 = vector.broadcast %eq3A : i32 to vector<400x1xi32>
    %eq3A_9 = arith.cmpi eq, %get3A_1, %eq3A_8 : vector<400x1xi32>
    %jit3A = arith.constant 1.000000e+00 : f32
    %jit3A_10 = arith.constant 0.000000e+00 : f32
    %broadcast_in_dim3A = vector.broadcast %jit3A : f32 to vector<400x1xf32>
    %broadcast_in_dim3A_11 = vector.broadcast %jit3A_10 : f32 to vector<400x1xf32>
    %select_n3A = arith.select %eq3A_9, %broadcast_in_dim3A, %broadcast_in_dim3A_11 : vector<400x1xi1>, vector<400x1xf32>
    %eq3A_12 = arith.constant 1 : i32
    %eq3A_13 = vector.broadcast %eq3A_12 : i32 to vector<400x1xi32>
    %eq3A_14 = arith.cmpi eq, %get3A_1, %eq3A_13 : vector<400x1xi32>
    %jit3A_15 = arith.constant 1.000000e+00 : f32
    %jit3A_16 = arith.constant 0.000000e+00 : f32
    %broadcast_in_dim3A_17 = vector.broadcast %jit3A_15 : f32 to vector<400x1xf32>
    %broadcast_in_dim3A_18 = vector.broadcast %jit3A_16 : f32 to vector<400x1xf32>
    %select_n3A_19 = arith.select %eq3A_14, %broadcast_in_dim3A_17, %broadcast_in_dim3A_18 : vector<400x1xi1>, vector<400x1xf32>
    %get3A_20 = arith.constant 0 : index
    %get3A_21 = arith.constant 0 : index
    %get3A_22 = vector.load %arg1[%get3A_20, %get3A_21] : memref<400x256xf32, #tpu.memory_space<vmem>>, vector<400x256xf32>
    %mul3A = vector.broadcast %select_n3A : vector<400x1xf32> to vector<400x256xf32>
    %mul3A_23 = vector.broadcast %get3A_4 : vector<1x256xf32> to vector<400x256xf32>
    %mul3A_24 = arith.mulf %mul3A, %mul3A_23 : vector<400x256xf32>
    %add3A = arith.addf %get3A_22, %mul3A_24 : vector<400x256xf32>
    %mul3A_25 = vector.broadcast %select_n3A_19 : vector<400x1xf32> to vector<400x256xf32>
    %mul3A_26 = vector.broadcast %get3A_7 : vector<1x256xf32> to vector<400x256xf32>
    %mul3A_27 = arith.mulf %mul3A_25, %mul3A_26 : vector<400x256xf32>
    %add3A_28 = arith.addf %add3A, %mul3A_27 : vector<400x256xf32>
    %swap3A = arith.constant 0 : index
    %swap3A_29 = arith.constant 0 : index
    %swap3A_30 = vector.load %arg4[%swap3A, %swap3A_29] : memref<400x256xf32, #tpu.memory_space<vmem>>, vector<400x256xf32>
    tpu.vector_store %arg4[%swap3A, %swap3A_29], %add3A_28 {strides = array<i32>} : memref<400x256xf32, #tpu.memory_space<vmem>>, vector<400x256xf32>,
    return
  }
  func.func @transform_0(%arg0: i32) -> (i32, i32) {
    %c0_i32 = arith.constant 0 : i32
    %c0_i32_0 = arith.constant 0 : i32
    return %arg0, %c0_i32 : i32, i32
  }
  func.func @transform_1(%arg0: i32) -> (i32, i32) {
    %c0_i32 = arith.constant 0 : i32
    %c0_i32_0 = arith.constant 0 : i32
    return %arg0, %c0_i32 : i32, i32
  }
  func.func @transform_2(%arg0: i32) -> (i32, i32) {
    %c0_i32 = arith.constant 0 : i32
    %c0_i32_0 = arith.constant 0 : i32
    %c0_i32_1 = arith.constant 0 : i32
    return %c0_i32, %c0_i32_0 : i32, i32
  }
  func.func @transform_3(%arg0: i32) -> (i32, i32) {
    %c0_i32 = arith.constant 0 : i32
    %c0_i32_0 = arith.constant 0 : i32
    return %arg0, %c0_i32 : i32, i32
  }
}

module attributes {stable_mosaic.version = 14 : i64} {
  func.func @_stage_b_body(%arg0: i32, %arg1: memref<400x128xf32, #tpu.memory_space<vmem>>, %arg2: memref<400x128xf32, #tpu.memory_space<vmem>>, %arg3: memref<400x128xf32, #tpu.memory_space<vmem>>, %arg4: memref<400x128xf32, #tpu.memory_space<vmem>>, %arg5: memref<400x256xf32, #tpu.memory_space<vmem>>, %arg6: memref<400x256xf32, #tpu.memory_space<vmem>>, %arg7: memref<128x128xf32, #tpu.memory_space<vmem>>, %arg8: memref<128x128xf32, #tpu.memory_space<vmem>>, %arg9: memref<128x128xf32, #tpu.memory_space<vmem>>, %arg10: memref<128x128xf32, #tpu.memory_space<vmem>>, %arg11: memref<256x128xf32, #tpu.memory_space<vmem>>, %arg12: memref<256x128xf32, #tpu.memory_space<vmem>>, %arg13: memref<1x128xf32, #tpu.memory_space<vmem>>, %arg14: memref<1x128xf32, #tpu.memory_space<vmem>>, %arg15: memref<1x128xf32, #tpu.memory_space<vmem>>, %arg16: memref<1x128xf32, #tpu.memory_space<vmem>>, %arg17: memref<1x128xf32, #tpu.memory_space<vmem>>, %arg18: memref<1x128xf32, #tpu.memory_space<vmem>>, %arg19: memref<400x128xf32, #tpu.memory_space<vmem>>, %arg20: memref<400x128xf32, #tpu.memory_space<vmem>>) attributes {dimension_semantics = [#tpu.dimension_semantics<arbitrary>], iteration_bounds = array<i64: 25>, scalar_prefetch = 0 : i64, scratch_operands = 0 : i64, tpu.core_type = #tpu.core_type<tc>, window_params = [{transform_indices = @transform_0, window_bounds = array<i64: 400, 128>}, {transform_indices = @transform_1, window_bounds = array<i64: 400, 128>}, {transform_indices = @transform_2, window_bounds = array<i64: 400, 128>}, {transform_indices = @transform_3, window_bounds = array<i64: 400, 128>}, {transform_indices = @transform_4, window_bounds = array<i64: 400, 256>}, {transform_indices = @transform_5, window_bounds = array<i64: 400, 256>}, {pipeline_mode = #tpu.pipeline_mode<synchronous>, transform_indices = @transform_6, window_bounds = array<i64: 128, 128>}, {pipeline_mode = #tpu.pipeline_mode<synchronous>, transform_indices = @transform_7, window_bounds = array<i64: 128, 128>}, {pipeline_mode = #tpu.pipeline_mode<synchronous>, transform_indices = @transform_8, window_bounds = array<i64: 128, 128>}, {pipeline_mode = #tpu.pipeline_mode<synchronous>, transform_indices = @transform_9, window_bounds = array<i64: 128, 128>}, {pipeline_mode = #tpu.pipeline_mode<synchronous>, transform_indices = @transform_10, window_bounds = array<i64: 256, 128>}, {pipeline_mode = #tpu.pipeline_mode<synchronous>, transform_indices = @transform_11, window_bounds = array<i64: 256, 128>}, {pipeline_mode = #tpu.pipeline_mode<synchronous>, transform_indices = @transform_12, window_bounds = array<i64: 1, 128>}, {pipeline_mode = #tpu.pipeline_mode<synchronous>, transform_indices = @transform_13, window_bounds = array<i64: 1, 128>}, {pipeline_mode = #tpu.pipeline_mode<synchronous>, transform_indices = @transform_14, window_bounds = array<i64: 1, 128>}, {pipeline_mode = #tpu.pipeline_mode<synchronous>, transform_indices = @transform_15, window_bounds = array<i64: 1, 128>}, {pipeline_mode = #tpu.pipeline_mode<synchronous>, transform_indices = @transform_16, window_bounds = array<i64: 1, 128>}, {pipeline_mode = #tpu.pipeline_mode<synchronous>, transform_indices = @transform_17, window_bounds = array<i64: 1, 128>}, {transform_indices = @transform_18, window_bounds = array<i64: 400, 128>}, {transform_indices = @transform_19, window_bounds = array<i64: 400, 128>}]} {
    %get3A = arith.constant 0 : index
    %get3A_0 = arith.constant 0 : index
    %get3A_1 = vector.load %arg1[%get3A, %get3A_0] : memref<400x128xf32, #tpu.memory_space<vmem>>, vector<400x128xf32>
    %get3A_2 = arith.constant 0 : index
    %get3A_3 = arith.constant 0 : index
    %get3A_4 = vector.load %arg7[%get3A_2, %get3A_3] : memref<128x128xf32, #tpu.memory_space<vmem>>, vector<128x128xf32>
    %dot_general3A = arith.constant dense<0.000000e+00> : vector<400x128xf32>
    %dot_general3A_5 = tpu.matmul %get3A_1, %get3A_4, %dot_general3A {dimension_numbers = #tpu.dot_dimension_numbers<[1], [0], [0], [1], [0, 0, 1, 1], [], []>, transpose_lhs_hint = false} : vector<400x128xf32>, vector<128x128xf32>, vector<400x128xf32> -> vector<400x128xf32>
    %get3A_6 = arith.constant 0 : index
    %get3A_7 = arith.constant 0 : index
    %get3A_8 = vector.load %arg2[%get3A_6, %get3A_7] : memref<400x128xf32, #tpu.memory_space<vmem>>, vector<400x128xf32>
    %get3A_9 = arith.constant 0 : index
    %get3A_10 = arith.constant 0 : index
    %get3A_11 = vector.load %arg8[%get3A_9, %get3A_10] : memref<128x128xf32, #tpu.memory_space<vmem>>, vector<128x128xf32>
    %dot_general3A_12 = arith.constant dense<0.000000e+00> : vector<400x128xf32>
    %dot_general3A_13 = tpu.matmul %get3A_8, %get3A_11, %dot_general3A_12 {dimension_numbers = #tpu.dot_dimension_numbers<[1], [0], [0], [1], [0, 0, 1, 1], [], []>, transpose_lhs_hint = false} : vector<400x128xf32>, vector<128x128xf32>, vector<400x128xf32> -> vector<400x128xf32>
    %add3A = arith.addf %dot_general3A_5, %dot_general3A_13 : vector<400x128xf32>
    %get3A_14 = arith.constant 0 : index
    %get3A_15 = arith.constant 0 : index
    %get3A_16 = vector.load %arg13[%get3A_14, %get3A_15] : memref<1x128xf32, #tpu.memory_space<vmem>>, vector<1x128xf32>
    %add3A_17 = vector.broadcast %get3A_16 : vector<1x128xf32> to vector<400x128xf32>
    %add3A_18 = arith.addf %add3A, %add3A_17 : vector<400x128xf32>
    %get3A_19 = arith.constant 0 : index
    %get3A_20 = arith.constant 0 : index
    %get3A_21 = vector.load %arg5[%get3A_19, %get3A_20] : memref<400x256xf32, #tpu.memory_space<vmem>>, vector<400x256xf32>
    %get3A_22 = arith.constant 0 : index
    %get3A_23 = arith.constant 0 : index
    %get3A_24 = vector.load %arg11[%get3A_22, %get3A_23] : memref<256x128xf32, #tpu.memory_space<vmem>>, vector<256x128xf32>
    %dot_general3A_25 = arith.constant dense<0.000000e+00> : vector<400x128xf32>
    %dot_general3A_26 = tpu.matmul %get3A_21, %get3A_24, %dot_general3A_25 {dimension_numbers = #tpu.dot_dimension_numbers<[1], [0], [0], [1], [0, 0, 1, 1], [], []>, transpose_lhs_hint = false} : vector<400x256xf32>, vector<256x128xf32>, vector<400x128xf32> -> vector<400x128xf32>
    %add3A_27 = arith.addf %add3A_18, %dot_general3A_26 : vector<400x128xf32>
    %get3A_28 = arith.constant 0 : index
    %get3A_29 = arith.constant 0 : index
    %get3A_30 = vector.load %arg15[%get3A_28, %get3A_29] : memref<1x128xf32, #tpu.memory_space<vmem>>, vector<1x128xf32>
    %mul3A = arith.constant 0.999994993 : f32
    %mul3A_31 = vector.broadcast %mul3A : f32 to vector<400x128xf32>
    %mul3A_32 = arith.mulf %add3A_27, %mul3A_31 : vector<400x128xf32>
    %mul3A_33 = vector.broadcast %get3A_30 : vector<1x128xf32> to vector<400x128xf32>
    %mul3A_34 = arith.mulf %mul3A_33, %mul3A_32 : vector<400x128xf32>
    %get3A_35 = arith.constant 0 : index
    %get3A_36 = arith.constant 0 : index
    %get3A_37 = vector.load %arg16[%get3A_35, %get3A_36] : memref<1x128xf32, #tpu.memory_space<vmem>>, vector<1x128xf32>
    %add3A_38 = vector.broadcast %get3A_37 : vector<1x128xf32> to vector<400x128xf32>
    %add3A_39 = arith.addf %mul3A_34, %add3A_38 : vector<400x128xf32>
    %max3A = arith.constant 0.000000e+00 : f32
    %max3A_40 = vector.broadcast %max3A : f32 to vector<400x128xf32>
    %max3A_41 = arith.maximumf %add3A_39, %max3A_40 : vector<400x128xf32>
    %swap3A = arith.constant 0 : index
    %swap3A_42 = arith.constant 0 : index
    %swap3A_43 = vector.load %arg19[%swap3A, %swap3A_42] : memref<400x128xf32, #tpu.memory_space<vmem>>, vector<400x128xf32>
    tpu.vector_store %arg19[%swap3A, %swap3A_42], %max3A_41 {strides = array<i32>} : memref<400x128xf32, #tpu.memory_space<vmem>>, vector<400x128xf32>,
    %get3A_44 = arith.constant 0 : index
    %get3A_45 = arith.constant 0 : index
    %get3A_46 = vector.load %arg3[%get3A_44, %get3A_45] : memref<400x128xf32, #tpu.memory_space<vmem>>, vector<400x128xf32>
    %get3A_47 = arith.constant 0 : index
    %get3A_48 = arith.constant 0 : index
    %get3A_49 = vector.load %arg9[%get3A_47, %get3A_48] : memref<128x128xf32, #tpu.memory_space<vmem>>, vector<128x128xf32>
    %dot_general3A_50 = arith.constant dense<0.000000e+00> : vector<400x128xf32>
    %dot_general3A_51 = tpu.matmul %get3A_46, %get3A_49, %dot_general3A_50 {dimension_numbers = #tpu.dot_dimension_numbers<[1], [0], [0], [1], [0, 0, 1, 1], [], []>, transpose_lhs_hint = false} : vector<400x128xf32>, vector<128x128xf32>, vector<400x128xf32> -> vector<400x128xf32>
    %get3A_52 = arith.constant 0 : index
    %get3A_53 = arith.constant 0 : index
    %get3A_54 = vector.load %arg4[%get3A_52, %get3A_53] : memref<400x128xf32, #tpu.memory_space<vmem>>, vector<400x128xf32>
    %get3A_55 = arith.constant 0 : index
    %get3A_56 = arith.constant 0 : index
    %get3A_57 = vector.load %arg10[%get3A_55, %get3A_56] : memref<128x128xf32, #tpu.memory_space<vmem>>, vector<128x128xf32>
    %dot_general3A_58 = arith.constant dense<0.000000e+00> : vector<400x128xf32>
    %dot_general3A_59 = tpu.matmul %get3A_54, %get3A_57, %dot_general3A_58 {dimension_numbers = #tpu.dot_dimension_numbers<[1], [0], [0], [1], [0, 0, 1, 1], [], []>, transpose_lhs_hint = false} : vector<400x128xf32>, vector<128x128xf32>, vector<400x128xf32> -> vector<400x128xf32>
    %add3A_60 = arith.addf %dot_general3A_51, %dot_general3A_59 : vector<400x128xf32>
    %get3A_61 = arith.constant 0 : index
    %get3A_62 = arith.constant 0 : index
    %get3A_63 = vector.load %arg14[%get3A_61, %get3A_62] : memref<1x128xf32, #tpu.memory_space<vmem>>, vector<1x128xf32>
    %add3A_64 = vector.broadcast %get3A_63 : vector<1x128xf32> to vector<400x128xf32>
    %add3A_65 = arith.addf %add3A_60, %add3A_64 : vector<400x128xf32>
    %get3A_66 = arith.constant 0 : index
    %get3A_67 = arith.constant 0 : index
    %get3A_68 = vector.load %arg6[%get3A_66, %get3A_67] : memref<400x256xf32, #tpu.memory_space<vmem>>, vector<400x256xf32>
    %get3A_69 = arith.constant 0 : index
    %get3A_70 = arith.constant 0 : index
    %get3A_71 = vector.load %arg12[%get3A_69, %get3A_70] : memref<256x128xf32, #tpu.memory_space<vmem>>, vector<256x128xf32>
    %dot_general3A_72 = arith.constant dense<0.000000e+00> : vector<400x128xf32>
    %dot_general3A_73 = tpu.matmul %get3A_68, %get3A_71, %dot_general3A_72 {dimension_numbers = #tpu.dot_dimension_numbers<[1], [0], [0], [1], [0, 0, 1, 1], [], []>, transpose_lhs_hint = false} : vector<400x256xf32>, vector<256x128xf32>, vector<400x128xf32> -> vector<400x128xf32>
    %add3A_74 = arith.addf %add3A_65, %dot_general3A_73 : vector<400x128xf32>
    %get3A_75 = arith.constant 0 : index
    %get3A_76 = arith.constant 0 : index
    %get3A_77 = vector.load %arg17[%get3A_75, %get3A_76] : memref<1x128xf32, #tpu.memory_space<vmem>>, vector<1x128xf32>
    %mul3A_78 = arith.constant 0.999994993 : f32
    %mul3A_79 = vector.broadcast %mul3A_78 : f32 to vector<400x128xf32>
    %mul3A_80 = arith.mulf %add3A_74, %mul3A_79 : vector<400x128xf32>
    %mul3A_81 = vector.broadcast %get3A_77 : vector<1x128xf32> to vector<400x128xf32>
    %mul3A_82 = arith.mulf %mul3A_81, %mul3A_80 : vector<400x128xf32>
    %get3A_83 = arith.constant 0 : index
    %get3A_84 = arith.constant 0 : index
    %get3A_85 = vector.load %arg18[%get3A_83, %get3A_84] : memref<1x128xf32, #tpu.memory_space<vmem>>, vector<1x128xf32>
    %add3A_86 = vector.broadcast %get3A_85 : vector<1x128xf32> to vector<400x128xf32>
    %add3A_87 = arith.addf %mul3A_82, %add3A_86 : vector<400x128xf32>
    %max3A_88 = arith.constant 0.000000e+00 : f32
    %max3A_89 = vector.broadcast %max3A_88 : f32 to vector<400x128xf32>
    %max3A_90 = arith.maximumf %add3A_87, %max3A_89 : vector<400x128xf32>
    %swap3A_91 = arith.constant 0 : index
    %swap3A_92 = arith.constant 0 : index
    %swap3A_93 = vector.load %arg20[%swap3A_91, %swap3A_92] : memref<400x128xf32, #tpu.memory_space<vmem>>, vector<400x128xf32>
    tpu.vector_store %arg20[%swap3A_91, %swap3A_92], %max3A_90 {strides = array<i32>} : memref<400x128xf32, #tpu.memory_space<vmem>>, vector<400x128xf32>,
    return
  }
  func.func @transform_0(%arg0: i32) -> (i32, i32) {
    %c0_i32 = arith.constant 0 : i32
    %c0_i32_0 = arith.constant 0 : i32
    return %arg0, %c0_i32 : i32, i32
  }
  func.func @transform_1(%arg0: i32) -> (i32, i32) {
    %c0_i32 = arith.constant 0 : i32
    %c0_i32_0 = arith.constant 0 : i32
    return %arg0, %c0_i32 : i32, i32
  }
  func.func @transform_2(%arg0: i32) -> (i32, i32) {
    %c0_i32 = arith.constant 0 : i32
    %c0_i32_0 = arith.constant 0 : i32
    return %arg0, %c0_i32 : i32, i32
  }
  func.func @transform_3(%arg0: i32) -> (i32, i32) {
    %c0_i32 = arith.constant 0 : i32
    %c0_i32_0 = arith.constant 0 : i32
    return %arg0, %c0_i32 : i32, i32
  }
  func.func @transform_4(%arg0: i32) -> (i32, i32) {
    %c0_i32 = arith.constant 0 : i32
    %c0_i32_0 = arith.constant 0 : i32
    return %arg0, %c0_i32 : i32, i32
  }
  func.func @transform_5(%arg0: i32) -> (i32, i32) {
    %c0_i32 = arith.constant 0 : i32
    %c0_i32_0 = arith.constant 0 : i32
    return %arg0, %c0_i32 : i32, i32
  }
  func.func @transform_6(%arg0: i32) -> (i32, i32) {
    %c0_i32 = arith.constant 0 : i32
    %c0_i32_0 = arith.constant 0 : i32
    %c0_i32_1 = arith.constant 0 : i32
    return %c0_i32, %c0_i32_0 : i32, i32
  }
  func.func @transform_7(%arg0: i32) -> (i32, i32) {
    %c0_i32 = arith.constant 0 : i32
    %c0_i32_0 = arith.constant 0 : i32
    %c0_i32_1 = arith.constant 0 : i32
    return %c0_i32, %c0_i32_0 : i32, i32
  }
  func.func @transform_8(%arg0: i32) -> (i32, i32) {
    %c0_i32 = arith.constant 0 : i32
    %c0_i32_0 = arith.constant 0 : i32
    %c0_i32_1 = arith.constant 0 : i32
    return %c0_i32, %c0_i32_0 : i32, i32
  }
  func.func @transform_9(%arg0: i32) -> (i32, i32) {
    %c0_i32 = arith.constant 0 : i32
    %c0_i32_0 = arith.constant 0 : i32
    %c0_i32_1 = arith.constant 0 : i32
    return %c0_i32, %c0_i32_0 : i32, i32
  }
  func.func @transform_10(%arg0: i32) -> (i32, i32) {
    %c0_i32 = arith.constant 0 : i32
    %c0_i32_0 = arith.constant 0 : i32
    %c0_i32_1 = arith.constant 0 : i32
    return %c0_i32, %c0_i32_0 : i32, i32
  }
  func.func @transform_11(%arg0: i32) -> (i32, i32) {
    %c0_i32 = arith.constant 0 : i32
    %c0_i32_0 = arith.constant 0 : i32
    %c0_i32_1 = arith.constant 0 : i32
    return %c0_i32, %c0_i32_0 : i32, i32
  }
  func.func @transform_12(%arg0: i32) -> (i32, i32) {
    %c0_i32 = arith.constant 0 : i32
    %c0_i32_0 = arith.constant 0 : i32
    %c0_i32_1 = arith.constant 0 : i32
    return %c0_i32, %c0_i32_0 : i32, i32
  }
  func.func @transform_13(%arg0: i32) -> (i32, i32) {
    %c0_i32 = arith.constant 0 : i32
    %c0_i32_0 = arith.constant 0 : i32
    %c0_i32_1 = arith.constant 0 : i32
    return %c0_i32, %c0_i32_0 : i32, i32
  }
  func.func @transform_14(%arg0: i32) -> (i32, i32) {
    %c0_i32 = arith.constant 0 : i32
    %c0_i32_0 = arith.constant 0 : i32
    %c0_i32_1 = arith.constant 0 : i32
    return %c0_i32, %c0_i32_0 : i32, i32
  }
  func.func @transform_15(%arg0: i32) -> (i32, i32) {
    %c0_i32 = arith.constant 0 : i32
    %c0_i32_0 = arith.constant 0 : i32
    %c0_i32_1 = arith.constant 0 : i32
    return %c0_i32, %c0_i32_0 : i32, i32
  }
  func.func @transform_16(%arg0: i32) -> (i32, i32) {
    %c0_i32 = arith.constant 0 : i32
    %c0_i32_0 = arith.constant 0 : i32
    %c0_i32_1 = arith.constant 0 : i32
    return %c0_i32, %c0_i32_0 : i32, i32
  }
  func.func @transform_17(%arg0: i32) -> (i32, i32) {
    %c0_i32 = arith.constant 0 : i32
    %c0_i32_0 = arith.constant 0 : i32
    %c0_i32_1 = arith.constant 0 : i32
    return %c0_i32, %c0_i32_0 : i32, i32
  }
  func.func @transform_18(%arg0: i32) -> (i32, i32) {
    %c0_i32 = arith.constant 0 : i32
    %c0_i32_0 = arith.constant 0 : i32
    return %arg0, %c0_i32 : i32, i32
  }
  func.func @transform_19(%arg0: i32) -> (i32, i32) {
    %c0_i32 = arith.constant 0 : i32
    %c0_i32_0 = arith.constant 0 : i32
    return %arg0, %c0_i32 : i32, i32
  }
}

module attributes {stable_mosaic.version = 14 : i64} {
  func.func @_stage_c_body(%arg0: i32, %arg1: memref<400x128xf32, #tpu.memory_space<vmem>>, %arg2: memref<400x128xf32, #tpu.memory_space<vmem>>, %arg3: memref<400x128xf32, #tpu.memory_space<vmem>>, %arg4: memref<400x256xf32, #tpu.memory_space<vmem>>, %arg5: memref<128x128xf32, #tpu.memory_space<vmem>>, %arg6: memref<128x128xf32, #tpu.memory_space<vmem>>, %arg7: memref<1x128xf32, #tpu.memory_space<vmem>>, %arg8: memref<1x128xf32, #tpu.memory_space<vmem>>, %arg9: memref<1x128xf32, #tpu.memory_space<vmem>>, %arg10: memref<256x128xf32, #tpu.memory_space<vmem>>, %arg11: memref<128x128xf32, #tpu.memory_space<vmem>>, %arg12: memref<128x128xf32, #tpu.memory_space<vmem>>, %arg13: memref<1x128xf32, #tpu.memory_space<vmem>>, %arg14: memref<1x128xf32, #tpu.memory_space<vmem>>, %arg15: memref<1x128xf32, #tpu.memory_space<vmem>>, %arg16: memref<128x8xf32, #tpu.memory_space<vmem>>, %arg17: memref<1x8xf32, #tpu.memory_space<vmem>>, %arg18: memref<400x8xf32, #tpu.memory_space<vmem>>) attributes {dimension_semantics = [#tpu.dimension_semantics<arbitrary>], iteration_bounds = array<i64: 25>, scalar_prefetch = 0 : i64, scratch_operands = 0 : i64, tpu.core_type = #tpu.core_type<tc>, window_params = [{transform_indices = @transform_0, window_bounds = array<i64: 400, 128>}, {transform_indices = @transform_1, window_bounds = array<i64: 400, 128>}, {transform_indices = @transform_2, window_bounds = array<i64: 400, 128>}, {transform_indices = @transform_3, window_bounds = array<i64: 400, 256>}, {pipeline_mode = #tpu.pipeline_mode<synchronous>, transform_indices = @transform_4, window_bounds = array<i64: 128, 128>}, {pipeline_mode = #tpu.pipeline_mode<synchronous>, transform_indices = @transform_5, window_bounds = array<i64: 128, 128>}, {pipeline_mode = #tpu.pipeline_mode<synchronous>, transform_indices = @transform_6, window_bounds = array<i64: 1, 128>}, {pipeline_mode = #tpu.pipeline_mode<synchronous>, transform_indices = @transform_7, window_bounds = array<i64: 1, 128>}, {pipeline_mode = #tpu.pipeline_mode<synchronous>, transform_indices = @transform_8, window_bounds = array<i64: 1, 128>}, {pipeline_mode = #tpu.pipeline_mode<synchronous>, transform_indices = @transform_9, window_bounds = array<i64: 256, 128>}, {pipeline_mode = #tpu.pipeline_mode<synchronous>, transform_indices = @transform_10, window_bounds = array<i64: 128, 128>}, {pipeline_mode = #tpu.pipeline_mode<synchronous>, transform_indices = @transform_11, window_bounds = array<i64: 128, 128>}, {pipeline_mode = #tpu.pipeline_mode<synchronous>, transform_indices = @transform_12, window_bounds = array<i64: 1, 128>}, {pipeline_mode = #tpu.pipeline_mode<synchronous>, transform_indices = @transform_13, window_bounds = array<i64: 1, 128>}, {pipeline_mode = #tpu.pipeline_mode<synchronous>, transform_indices = @transform_14, window_bounds = array<i64: 1, 128>}, {pipeline_mode = #tpu.pipeline_mode<synchronous>, transform_indices = @transform_15, window_bounds = array<i64: 128, 8>}, {pipeline_mode = #tpu.pipeline_mode<synchronous>, transform_indices = @transform_16, window_bounds = array<i64: 1, 8>}, {transform_indices = @transform_17, window_bounds = array<i64: 400, 8>}]} {
    %get3A = arith.constant 0 : index
    %get3A_0 = arith.constant 0 : index
    %get3A_1 = vector.load %arg1[%get3A, %get3A_0] : memref<400x128xf32, #tpu.memory_space<vmem>>, vector<400x128xf32>
    %get3A_2 = arith.constant 0 : index
    %get3A_3 = arith.constant 0 : index
    %get3A_4 = vector.load %arg2[%get3A_2, %get3A_3] : memref<400x128xf32, #tpu.memory_space<vmem>>, vector<400x128xf32>
    %add3A = arith.addf %get3A_1, %get3A_4 : vector<400x128xf32>
    %get3A_5 = arith.constant 0 : index
    %get3A_6 = arith.constant 0 : index
    %get3A_7 = vector.load %arg5[%get3A_5, %get3A_6] : memref<128x128xf32, #tpu.memory_space<vmem>>, vector<128x128xf32>
    %dot_general3A = arith.constant dense<0.000000e+00> : vector<400x128xf32>
    %dot_general3A_8 = tpu.matmul %add3A, %get3A_7, %dot_general3A {dimension_numbers = #tpu.dot_dimension_numbers<[1], [0], [0], [1], [0, 0, 1, 1], [], []>, transpose_lhs_hint = false} : vector<400x128xf32>, vector<128x128xf32>, vector<400x128xf32> -> vector<400x128xf32>
    %get3A_9 = arith.constant 0 : index
    %get3A_10 = arith.constant 0 : index
    %get3A_11 = vector.load %arg7[%get3A_9, %get3A_10] : memref<1x128xf32, #tpu.memory_space<vmem>>, vector<1x128xf32>
    %add3A_12 = vector.broadcast %get3A_11 : vector<1x128xf32> to vector<400x128xf32>
    %add3A_13 = arith.addf %dot_general3A_8, %add3A_12 : vector<400x128xf32>
    %get3A_14 = arith.constant 0 : index
    %get3A_15 = arith.constant 0 : index
    %get3A_16 = vector.load %arg3[%get3A_14, %get3A_15] : memref<400x128xf32, #tpu.memory_space<vmem>>, vector<400x128xf32>
    %get3A_17 = arith.constant 0 : index
    %get3A_18 = arith.constant 0 : index
    %get3A_19 = vector.load %arg6[%get3A_17, %get3A_18] : memref<128x128xf32, #tpu.memory_space<vmem>>, vector<128x128xf32>
    %dot_general3A_20 = arith.constant dense<0.000000e+00> : vector<400x128xf32>
    %dot_general3A_21 = tpu.matmul %get3A_16, %get3A_19, %dot_general3A_20 {dimension_numbers = #tpu.dot_dimension_numbers<[1], [0], [0], [1], [0, 0, 1, 1], [], []>, transpose_lhs_hint = false} : vector<400x128xf32>, vector<128x128xf32>, vector<400x128xf32> -> vector<400x128xf32>
    %add3A_22 = arith.addf %add3A_13, %dot_general3A_21 : vector<400x128xf32>
    %get3A_23 = arith.constant 0 : index
    %get3A_24 = arith.constant 0 : index
    %get3A_25 = vector.load %arg8[%get3A_23, %get3A_24] : memref<1x128xf32, #tpu.memory_space<vmem>>, vector<1x128xf32>
    %mul3A = arith.constant 0.999994993 : f32
    %mul3A_26 = vector.broadcast %mul3A : f32 to vector<400x128xf32>
    %mul3A_27 = arith.mulf %add3A_22, %mul3A_26 : vector<400x128xf32>
    %mul3A_28 = vector.broadcast %get3A_25 : vector<1x128xf32> to vector<400x128xf32>
    %mul3A_29 = arith.mulf %mul3A_28, %mul3A_27 : vector<400x128xf32>
    %get3A_30 = arith.constant 0 : index
    %get3A_31 = arith.constant 0 : index
    %get3A_32 = vector.load %arg9[%get3A_30, %get3A_31] : memref<1x128xf32, #tpu.memory_space<vmem>>, vector<1x128xf32>
    %add3A_33 = vector.broadcast %get3A_32 : vector<1x128xf32> to vector<400x128xf32>
    %add3A_34 = arith.addf %mul3A_29, %add3A_33 : vector<400x128xf32>
    %max3A = arith.constant 0.000000e+00 : f32
    %max3A_35 = vector.broadcast %max3A : f32 to vector<400x128xf32>
    %max3A_36 = arith.maximumf %add3A_34, %max3A_35 : vector<400x128xf32>
    %get3A_37 = arith.constant 0 : index
    %get3A_38 = arith.constant 0 : index
    %get3A_39 = vector.load %arg4[%get3A_37, %get3A_38] : memref<400x256xf32, #tpu.memory_space<vmem>>, vector<400x256xf32>
    %get3A_40 = arith.constant 0 : index
    %get3A_41 = arith.constant 0 : index
    %get3A_42 = vector.load %arg10[%get3A_40, %get3A_41] : memref<256x128xf32, #tpu.memory_space<vmem>>, vector<256x128xf32>
    %dot_general3A_43 = arith.constant dense<0.000000e+00> : vector<400x128xf32>
    %dot_general3A_44 = tpu.matmul %get3A_39, %get3A_42, %dot_general3A_43 {dimension_numbers = #tpu.dot_dimension_numbers<[1], [0], [0], [1], [0, 0, 1, 1], [], []>, transpose_lhs_hint = false} : vector<400x256xf32>, vector<256x128xf32>, vector<400x128xf32> -> vector<400x128xf32>
    %get3A_45 = arith.constant 0 : index
    %get3A_46 = arith.constant 0 : index
    %get3A_47 = vector.load %arg3[%get3A_45, %get3A_46] : memref<400x128xf32, #tpu.memory_space<vmem>>, vector<400x128xf32>
    %get3A_48 = arith.constant 0 : index
    %get3A_49 = arith.constant 0 : index
    %get3A_50 = vector.load %arg11[%get3A_48, %get3A_49] : memref<128x128xf32, #tpu.memory_space<vmem>>, vector<128x128xf32>
    %dot_general3A_51 = arith.constant dense<0.000000e+00> : vector<400x128xf32>
    %dot_general3A_52 = tpu.matmul %get3A_47, %get3A_50, %dot_general3A_51 {dimension_numbers = #tpu.dot_dimension_numbers<[1], [0], [0], [1], [0, 0, 1, 1], [], []>, transpose_lhs_hint = false} : vector<400x128xf32>, vector<128x128xf32>, vector<400x128xf32> -> vector<400x128xf32>
    %add3A_53 = arith.addf %dot_general3A_44, %dot_general3A_52 : vector<400x128xf32>
    %get3A_54 = arith.constant 0 : index
    %get3A_55 = arith.constant 0 : index
    %get3A_56 = vector.load %arg12[%get3A_54, %get3A_55] : memref<128x128xf32, #tpu.memory_space<vmem>>, vector<128x128xf32>
    %dot_general3A_57 = arith.constant dense<0.000000e+00> : vector<400x128xf32>
    %dot_general3A_58 = tpu.matmul %max3A_36, %get3A_56, %dot_general3A_57 {dimension_numbers = #tpu.dot_dimension_numbers<[1], [0], [0], [1], [0, 0, 1, 1], [], []>, transpose_lhs_hint = false} : vector<400x128xf32>, vector<128x128xf32>, vector<400x128xf32> -> vector<400x128xf32>
    %add3A_59 = arith.addf %add3A_53, %dot_general3A_58 : vector<400x128xf32>
    %get3A_60 = arith.constant 0 : index
    %get3A_61 = arith.constant 0 : index
    %get3A_62 = vector.load %arg13[%get3A_60, %get3A_61] : memref<1x128xf32, #tpu.memory_space<vmem>>, vector<1x128xf32>
    %add3A_63 = vector.broadcast %get3A_62 : vector<1x128xf32> to vector<400x128xf32>
    %add3A_64 = arith.addf %add3A_59, %add3A_63 : vector<400x128xf32>
    %get3A_65 = arith.constant 0 : index
    %get3A_66 = arith.constant 0 : index
    %get3A_67 = vector.load %arg14[%get3A_65, %get3A_66] : memref<1x128xf32, #tpu.memory_space<vmem>>, vector<1x128xf32>
    %mul3A_68 = arith.constant 0.999994993 : f32
    %mul3A_69 = vector.broadcast %mul3A_68 : f32 to vector<400x128xf32>
    %mul3A_70 = arith.mulf %add3A_64, %mul3A_69 : vector<400x128xf32>
    %mul3A_71 = vector.broadcast %get3A_67 : vector<1x128xf32> to vector<400x128xf32>
    %mul3A_72 = arith.mulf %mul3A_71, %mul3A_70 : vector<400x128xf32>
    %get3A_73 = arith.constant 0 : index
    %get3A_74 = arith.constant 0 : index
    %get3A_75 = vector.load %arg15[%get3A_73, %get3A_74] : memref<1x128xf32, #tpu.memory_space<vmem>>, vector<1x128xf32>
    %add3A_76 = vector.broadcast %get3A_75 : vector<1x128xf32> to vector<400x128xf32>
    %add3A_77 = arith.addf %mul3A_72, %add3A_76 : vector<400x128xf32>
    %max3A_78 = arith.constant 0.000000e+00 : f32
    %max3A_79 = vector.broadcast %max3A_78 : f32 to vector<400x128xf32>
    %max3A_80 = arith.maximumf %add3A_77, %max3A_79 : vector<400x128xf32>
    %get3A_81 = arith.constant 0 : index
    %get3A_82 = arith.constant 0 : index
    %get3A_83 = vector.load %arg16[%get3A_81, %get3A_82] : memref<128x8xf32, #tpu.memory_space<vmem>>, vector<128x8xf32>
    %dot_general3A_84 = arith.constant dense<0.000000e+00> : vector<400x8xf32>
    %dot_general3A_85 = tpu.matmul %max3A_80, %get3A_83, %dot_general3A_84 {dimension_numbers = #tpu.dot_dimension_numbers<[1], [0], [0], [1], [0, 0, 1, 1], [], []>, transpose_lhs_hint = false} : vector<400x128xf32>, vector<128x8xf32>, vector<400x8xf32> -> vector<400x8xf32>
    %get3A_86 = arith.constant 0 : index
    %get3A_87 = arith.constant 0 : index
    %get3A_88 = vector.load %arg17[%get3A_86, %get3A_87] : memref<1x8xf32, #tpu.memory_space<vmem>>, vector<1x8xf32>
    %add3A_89 = vector.broadcast %get3A_88 : vector<1x8xf32> to vector<400x8xf32>
    %add3A_90 = arith.addf %dot_general3A_85, %add3A_89 : vector<400x8xf32>
    %swap3A = arith.constant 0 : index
    %swap3A_91 = arith.constant 0 : index
    %swap3A_92 = vector.load %arg18[%swap3A, %swap3A_91] : memref<400x8xf32, #tpu.memory_space<vmem>>, vector<400x8xf32>
    tpu.vector_store %arg18[%swap3A, %swap3A_91], %add3A_90 {strides = array<i32>} : memref<400x8xf32, #tpu.memory_space<vmem>>, vector<400x8xf32>,
    return
  }
  func.func @transform_0(%arg0: i32) -> (i32, i32) {
    %c0_i32 = arith.constant 0 : i32
    %c0_i32_0 = arith.constant 0 : i32
    return %arg0, %c0_i32 : i32, i32
  }
  func.func @transform_1(%arg0: i32) -> (i32, i32) {
    %c0_i32 = arith.constant 0 : i32
    %c0_i32_0 = arith.constant 0 : i32
    return %arg0, %c0_i32 : i32, i32
  }
  func.func @transform_2(%arg0: i32) -> (i32, i32) {
    %c0_i32 = arith.constant 0 : i32
    %c0_i32_0 = arith.constant 0 : i32
    return %arg0, %c0_i32 : i32, i32
  }
  func.func @transform_3(%arg0: i32) -> (i32, i32) {
    %c0_i32 = arith.constant 0 : i32
    %c0_i32_0 = arith.constant 0 : i32
    return %arg0, %c0_i32 : i32, i32
  }
  func.func @transform_4(%arg0: i32) -> (i32, i32) {
    %c0_i32 = arith.constant 0 : i32
    %c0_i32_0 = arith.constant 0 : i32
    %c0_i32_1 = arith.constant 0 : i32
    return %c0_i32, %c0_i32_0 : i32, i32
  }
  func.func @transform_5(%arg0: i32) -> (i32, i32) {
    %c0_i32 = arith.constant 0 : i32
    %c0_i32_0 = arith.constant 0 : i32
    %c0_i32_1 = arith.constant 0 : i32
    return %c0_i32, %c0_i32_0 : i32, i32
  }
  func.func @transform_6(%arg0: i32) -> (i32, i32) {
    %c0_i32 = arith.constant 0 : i32
    %c0_i32_0 = arith.constant 0 : i32
    %c0_i32_1 = arith.constant 0 : i32
    return %c0_i32, %c0_i32_0 : i32, i32
  }
  func.func @transform_7(%arg0: i32) -> (i32, i32) {
    %c0_i32 = arith.constant 0 : i32
    %c0_i32_0 = arith.constant 0 : i32
    %c0_i32_1 = arith.constant 0 : i32
    return %c0_i32, %c0_i32_0 : i32, i32
  }
  func.func @transform_8(%arg0: i32) -> (i32, i32) {
    %c0_i32 = arith.constant 0 : i32
    %c0_i32_0 = arith.constant 0 : i32
    %c0_i32_1 = arith.constant 0 : i32
    return %c0_i32, %c0_i32_0 : i32, i32
  }
  func.func @transform_9(%arg0: i32) -> (i32, i32) {
    %c0_i32 = arith.constant 0 : i32
    %c0_i32_0 = arith.constant 0 : i32
    %c0_i32_1 = arith.constant 0 : i32
    return %c0_i32, %c0_i32_0 : i32, i32
  }
  func.func @transform_10(%arg0: i32) -> (i32, i32) {
    %c0_i32 = arith.constant 0 : i32
    %c0_i32_0 = arith.constant 0 : i32
    %c0_i32_1 = arith.constant 0 : i32
    return %c0_i32, %c0_i32_0 : i32, i32
  }
  func.func @transform_11(%arg0: i32) -> (i32, i32) {
    %c0_i32 = arith.constant 0 : i32
    %c0_i32_0 = arith.constant 0 : i32
    %c0_i32_1 = arith.constant 0 : i32
    return %c0_i32, %c0_i32_0 : i32, i32
  }
  func.func @transform_12(%arg0: i32) -> (i32, i32) {
    %c0_i32 = arith.constant 0 : i32
    %c0_i32_0 = arith.constant 0 : i32
    %c0_i32_1 = arith.constant 0 : i32
    return %c0_i32, %c0_i32_0 : i32, i32
  }
  func.func @transform_13(%arg0: i32) -> (i32, i32) {
    %c0_i32 = arith.constant 0 : i32
    %c0_i32_0 = arith.constant 0 : i32
    %c0_i32_1 = arith.constant 0 : i32
    return %c0_i32, %c0_i32_0 : i32, i32
  }
  func.func @transform_14(%arg0: i32) -> (i32, i32) {
    %c0_i32 = arith.constant 0 : i32
    %c0_i32_0 = arith.constant 0 : i32
    %c0_i32_1 = arith.constant 0 : i32
    return %c0_i32, %c0_i32_0 : i32, i32
  }
  func.func @transform_15(%arg0: i32) -> (i32, i32) {
    %c0_i32 = arith.constant 0 : i32
    %c0_i32_0 = arith.constant 0 : i32
    %c0_i32_1 = arith.constant 0 : i32
    return %c0_i32, %c0_i32_0 : i32, i32
  }
  func.func @transform_16(%arg0: i32) -> (i32, i32) {
    %c0_i32 = arith.constant 0 : i32
    %c0_i32_0 = arith.constant 0 : i32
    %c0_i32_1 = arith.constant 0 : i32
    return %c0_i32, %c0_i32_0 : i32, i32
  }
  func.func @transform_17(%arg0: i32) -> (i32, i32) {
    %c0_i32 = arith.constant 0 : i32
    %c0_i32_0 = arith.constant 0 : i32
    return %arg0, %c0_i32 : i32, i32
  }
}

</mosaic_0001>

<sc_bundles>
// kernel: kernel.10.cloned.1.call-start
scs
__scs_entry_jumppad:
0x0: {  	(pc) =	sbr.rel $0x88, $3  }
0x1: {  	(tag) =	ssettag $0x0;
	lr =	simm.s32 $0x1  }
0x2: {  	[smem:$0x3F86] =	sst lr;
	_ =	strace $0xD0000000  }
0x3: {  	_ = 	snop  }
0x4: {  	_ = 	snop  }
0x5: {  	_ = 	snop  }
0x6: {  	_ = 	snop  }
0x7: {  	_ = 	snop  }
__scs_overlays_trampoline_lowered:
0x8: {  	[smem:$0x3F95] =	sst s0  }
0x9: {  	[smem:$0x3F96] =	sst s1  }
0xa: {  	[smem:$0x3F97] =	sst s2  }
0xb: {  	[smem:$0x3F98] =	sst s3  }
0xc: {  	[smem:$0x3F99] =	sst s4  }
0xd: {  	[smem:$0x3F9A] =	sst s5  }
0xe: {  	[smem:$0x3F9B] =	sst s6  }
0xf: {  	[smem:$0x3F9C] =	sst s7  }
0x10: {  	[smem:$0x3F9D] =	sst s8  }
0x11: {  	[smem:$0x3F9E] =	sst s9;
	s0 =	simm.s32 @!p0 $0x0  }
0x12: {  	s1 =	sld [smem:$0x3F84];
	s0 =	simm.s32 @p0 $0x1  }
0x13: {  	[smem:$0x3F9F] =	sst s0;
	s0 =	simm.s32 @!p1 $0x0  }
0x14: {  	s2 =	sld [smem:$0x3F83];
	s0 =	simm.s32 @p1 $0x1  }
0x15: {  	[smem:$0x3FA0] =	sst s0;
	s0 =	simm.s32 @!p2 $0x0  }
0x16: {  	s3 =	sld [smem:$0x3FDB];
	s0 =	simm.s32 @p2 $0x1  }
0x17: {  	s4 =	simm.s32 $0x1BF5;
	[smem:$0x3FA2] =	sst s0  }
0x18: {  	s0 =	sld [smem:$0x3F85];
	_ =	swait.ge [sflag:s4], $0x0  }
0x19: {  	s7 =	sld [smem:$0x3F86]  }
0x1a: {  	s8 =	sadd.s32 $0xFFFFE003, lr  }
0x1b: {  	s9 =	sadd.s32 $0xFFFFFEF7, lr;
	s5 =	simm.s32 $0xFFFFFFFF;
	p2 =	slt.u32 s8, $0xFFFFF086  }
0x1c: {  	p1 =	slt.u32 s9, $0xF7A;
	s5 =	simm.s32 @!p2 $0x0  }
0x1d: {  	s5 =	simm.s32 @p1 $0x1;
	p0 =	seq.s32 s7, s2  }
0x1e: {  	s7 =	smul.u32 @!p0 $0xF7A, s2;
	p2 =	seq.s32 @!p0 s5, $0x0  }
0x1f: {  	s9 =	smul.u32 $0xF7A, s1;
	s8 =	simm.s32 @!p0 $0x1BF5;
	p2 =	por !p2, p0  }
0x20: {  	[sflag:s8] =	ssyncset.s32 @!p0 $0xFFFFF086;
	s6 =	sadd.s32 @!p0 s3, s7;
	s7 =	simm.s32 @!p0 $0x108  }
0x21: {  	s3 =	sadd.s32 s3, s9;
	s6 =	sadd.s32 @!p0 $0x88, s6;
	s7 =	simm.s32 @p2 $0x1082  }
0x22: {  	[simem:s7], [sflag:s8] =	dma.local @!p0 [hbm:s6], $0xF7A  }
0x23: {  	s9 =	sor.u32 $0xD0000000, s2;
	s6 =	simm.s32 $0x108;
	_ =	swait.ge @!p0 [sflag:s8], $0x0  }
0x24: {  	s3 =	sadd.s32 $0x88, s3;
	s6 =	simm.s32 @!p1 $0x1082;
	[sflag:s4] =	ssyncset.s32 $0xFFFFF086  }
0x25: {  	[simem:s6], [sflag:s4] =	dma.local [hbm:s3], $0xF7A  }
0x26: {  	[smem:$0x3F86] =	sst s1;
	(tag) =	ssettag s2;
	_ =	strace s9  }
0x27: {  	s1 =	sld [smem:$0x3F96]  }
0x28: {  	s2 =	sld [smem:$0x3F97]  }
0x29: {  	s4 =	sld [smem:$0x3F99]  }
0x2a: {  	p0 =	seq.s32 s5, $0x0;
	s5 =	sld [smem:$0x3F9A]  }
0x2b: {  	s6 =	sld [smem:$0x3F9B]  }
0x2c: {  	s7 =	sld [smem:$0x3F9C]  }
0x2d: {  	s3 =	simm.s32 $0x108;
	s8 =	sld [smem:$0x3F9D]  }
0x2e: {  	s3 =	simm.s32 @!p0 $0x1082;
	s9 =	sld [smem:$0x3F9E]  }
0x2f: {  	lr =	sadd.s32 s0, s3;
	s0 =	sld [smem:$0x3F95]  }
0x30: {  	s3 =	sld [smem:$0x3F98]  }
0x31: {  	[smem:$0x3FA1] =	sst s10  }
0x32: {  	s10 =	sld [smem:$0x3F9F];
	_ =	sdelay $0x3  }
0x33: {  	p0 =	seq.s32 s10, $0x1;
	s10 =	sld [smem:$0x3FA1];
	_ =	sdelay $0x3  }
0x34: {  	[smem:$0x3FA1] =	sst s10  }
0x35: {  	s10 =	sld [smem:$0x3FA0];
	_ =	sdelay $0x3  }
0x36: {  	p1 =	seq.s32 s10, $0x1;
	s10 =	sld [smem:$0x3FA1];
	_ =	sdelay $0x3  }
0x37: {  	[smem:$0x3FA1] =	sst s10  }
0x38: {  	s10 =	sld [smem:$0x3FA2]  }
0x39: {  	_ = 	snop;
	(pc) =	sbr.ind lr, $3  }
0x3a: {  	_ = 	snop  }
0x3b: {  	_ = 	snop  }
0x3c: {  	p2 =	seq.s32 s10, $0x1;
	s10 =	sld [smem:$0x3FA1]  }
0x3d: {  	_ =	shalt  }
0x3e: {  	_ =	shalt  }
0x3f: {  	_ =	shalt  }
0x40: {  	_ =	shalt  }
0x41: {  	_ =	shalt  }
0x42: {  	_ =	shalt  }
0x43: {  	_ =	shalt  }
0x44: {  	_ =	shalt  }
0x45: {  	_ =	shalt  }
0x46: {  	_ =	shalt  }
0x47: {  	_ =	shalt  }
0x48: {  	_ =	shalt  }
0x49: {  	_ =	shalt  }
0x4a: {  	_ =	shalt  }
0x4b: {  	_ =	shalt  }
0x4c: {  	_ =	shalt  }
0x4d: {  	_ =	shalt  }
0x4e: {  	_ =	shalt  }
0x4f: {  	_ =	shalt  }
0x50: {  	_ =	shalt  }
0x51: {  	_ =	shalt  }
0x52: {  	_ =	shalt  }
0x53: {  	_ =	shalt  }
0x54: {  	_ =	shalt  }
0x55: {  	_ =	shalt  }
0x56: {  	_ =	shalt  }
0x57: {  	_ =	shalt  }
0x58: {  	_ =	shalt  }
0x59: {  	_ =	shalt  }
0x5a: {  	_ =	shalt  }
0x5b: {  	_ =	shalt  }
0x5c: {  	_ =	shalt  }
0x5d: {  	_ =	shalt  }
0x5e: {  	_ =	shalt  }
0x5f: {  	_ =	shalt  }
0x60: {  	_ =	shalt  }
0x61: {  	_ =	shalt  }
0x62: {  	_ =	shalt  }
0x63: {  	_ =	shalt  }
0x64: {  	_ =	shalt  }
0x65: {  	_ =	shalt  }
0x66: {  	_ =	shalt  }
0x67: {  	_ =	shalt  }
0x68: {  	_ =	shalt  }
0x69: {  	_ =	shalt  }
0x6a: {  	_ =	shalt  }
0x6b: {  	_ =	shalt  }
0x6c: {  	_ =	shalt  }
0x6d: {  	_ =	shalt  }
0x6e: {  	_ =	shalt  }
0x6f: {  	_ =	shalt  }
0x70: {  	_ =	shalt  }
0x71: {  	_ =	shalt  }
0x72: {  	_ =	shalt  }
0x73: {  	_ =	shalt  }
0x74: {  	_ =	shalt  }
0x75: {  	_ =	shalt  }
0x76: {  	_ =	shalt  }
0x77: {  	_ =	shalt  }
0x78: {  	_ =	shalt  }
0x79: {  	_ =	shalt  }
0x7a: {  	_ =	shalt  }
0x7b: {  	_ =	shalt  }
0x7c: {  	_ =	shalt  }
0x7d: {  	_ =	shalt  }
0x7e: {  	_ =	shalt  }
0x7f: {  	_ =	shalt  }
0x80: {  	_ =	shalt  }
0x81: {  	_ =	shalt  }
0x82: {  	_ =	shalt  }
0x83: {  	_ =	shalt  }
0x84: {  	_ =	shalt  }
0x85: {  	_ =	shalt  }
0x86: {  	_ =	shalt  }
0x87: {  	_ =	shalt  }
.Lfunc_end0:
.L_simem_size_0:
called_computation.1_lowered:
.L_overlay_start_0:
0x88: {  	s2 =	sld [smem:$0x3FD9]  }
0x89: {  	s3 =	sld [smem:$0x3FFE];
	_ =	sdelay $0x1  }
0x8a: {  	s1 =	srdreg.scid  }
0x8b: {  	s0 =	sand.u32 $0x1, s1  }
0x8c: {  	s16 =	sshll.u32 s0, $0xA;
	s2 =	sadd.s32 s3, s2  }
0x8d: {  	s2 =	sadd.s32 s2, s16  }
0x8e: {  	[smem:$0x3FAD] =	sst s2  }
0x8f: {  	_ = 	snop  }
0x90: {  	(tm) =	ssettm $0x1  }
0x91: {  	s17 =	sld [smem:$0x3FFB];
	_ =	sdelay $0x3  }
0x92: {  	_ =	strace s17  }
0x93: {  	s2 =	sld [smem:$0x3FFC];
	_ =	sdelay $0x3  }
0x94: {  	_ =	strace s2  }
0x95: {  	s2 =	sld [smem:$0x3FFD];
	_ =	sdelay $0x3  }
0x96: {  	_ =	strace s2  }
0x97: {  	_ =	strace $0x8FFFFFFF  }
0x98: {  	s18 =	sld [smem:$0x3FDB];
	_ =	sdelay $0x1  }
0x99: {  	s19 =	simm.s32 $_scs_section_size  }
0x9a: {  	s4 =	simm.s32 $_size__tile_overlayer_lowered;
	s5 =	simm.s32 $_tile_overlayer_lowered  }
0x9b: {  	s22 =	simm.s32 $0x1BFF;
	s21 =	sshll.u32 s5, $0x1;
	s2 =	sadd.s32 s19, s18  }
0x9c: {  	s6 =	simm.s32 $0x0;
	s20 =	sshll.u32 s4, $0x1;
	s4 =	sadd.s32 s21, s2  }
0x9d: {  	[timem:s6], [sflag:s22] =	dma.local [hbm:s4], s20  }
0x9e: {  	_ =	swait.ge [sflag:s22], s20  }
0x9f: {  	s3 =	ssub.s32 $0x0, s20;
	[sflag:s22] =	ssyncset.done $0x0  }
0xa0: {  	[sflag:s22] =	ssyncadd.s32 s3;
	_ =	sdelay $0x1  }
0xa1: {  	s23 =	simm.s32 $0x1B8B  }
0xa2: {  	_ =	swait.ge [sflag:s23], $0x1  }
0xa3: {  	[sflag:s23] =	ssyncset.done $0x0  }
0xa4: {  	s25 =	simm.s32 $0x1B8E;
	s24 =	sld [smem:$0x3FFE];
	[sflag:s23] =	ssyncadd.s32 $0xFFFFFFFF  }
0xa5: {  	s26 =	simm.s32 $execute0_lowered;
	[smem:$0x3FD2] =	sst s25  }
0xa6: {  	s4 =	sshll.u32 s26, $0x1;
	_ =	strace $0x80000049;
	[dreg:$0x1] =	wrdreg $0xFFFFFFFF  }
0xa7: {  	s28 =	simm.s32 $_size_execute0_lowered;
	s2 =	sadd.s32 s2, s4;
	[dreg:$0x0] =	wrdreg $0x0  }
0xa8: {  	s4 =	sshll.u32 s28, $0x1;
	[dreg:$0x2] =	wrdreg s2  }
0xa9: {  	[dreg:$0x3] =	wrdreg s4  }
0xaa: {  	[dreg:$0x4] =	wrdreg $0xC0  }
0xab: {  	_ =	task [dreg:s6], $0x5FFFF  }
0xac: {  	[dreg:$0x1] =	wrdreg $0xFFFFFFFF  }
0xad: {  	[dreg:$0x0] =	wrdreg $0x60  }
0xae: {  	[dreg:$0x2] =	wrdreg s24  }
0xaf: {  	[dreg:$0x3] =	wrdreg $0xA0000  }
0xb0: {  	[dreg:$0x4] =	wrdreg $0x9  }
0xb1: {  	_ =	task.clear_ibuf [dreg:s6], $0x5FFFF;
	_ =	strace $0x90000049  }
0xb2: {  	s29 =	simm.s32 $0x9;
	_ =	strace $0x8000004B  }
0xb3: {  	_ =	swait.ge [sflag:s29], $0x1  }
0xb4: {  	[sflag:s29] =	ssyncadd.s32 $0xFFFFFFFF  }
0xb5: {  	_ =	strace $0x9000004B  }
0xb6: {  	_ =	sfence  }
0xb7: {  	s30 =	sld [smem:$0x0];
	_ =	sdelay $0x2  }
0xb8: {  	s31 =	sshll.u32 s1, $0xD;
	s1 =	sshrl.u32 s1, $0x2  }
0xb9: {  	s3 =	sand.u32 $0x4000, s31;
	s1 =	sadd.s32 s1, s30  }
0xba: {  	s0 =	sor.u32 s3, s0;
	s1 =	sshll.u32 s1, $0x11  }
0xbb: {  	s0 =	sor.u32 s1, s0  }
0xbc: {  	s0 =	sadd.s32 $0x8F2B, s0  }
0xbd: {  	[sflag:s0] =	ssyncadd.remote.s32 $0x1  }
0xbe: {  	_ =	sfence.sel $0xFFFF  }
0xbf: {  	[dreg:$0x0] =	wrdreg $0xFFFFFFFF;
	(pc) =	sbr.abs _section_cstart, $3  }
0xc0: {  	[dreg:$0x1] =	wrdreg $0xFFFFFFFF  }
0xc1: {  	_ =	task.clear_ibuf [dreg:s6], $0x2FFFF;
	_ =	strace $0x9FFFFFFF  }
0xc2: {  	(tm) =	ssettm $0x7FFFFFFF  }
0xc3: {  	_ =	shalt  }
tec
execute0_lowered:
.L_overlay_start_1:
0x0: {  	(tag) =	ssettag $0x1  }
0x1: {  	s0 =	rddreg [dreg:$0x0]  }
0x2: {  	s1 =	srdreg.scid;
	s2 =	rddreg [dreg:$0x1]  }
0x3: {  	s3 =	stileid.u32;
	s14 =	simm.s32 $0x0;
	s28 =	simm.s32 $0x180  }
0x4: {  	s29 =	simm.s32 $0x8000;
	s30 =	simm.s32 $0x1;
	s31 =	simm.s32 $0x5  }
0x5: {  	s9 =	simm.s32 $0x8;
	s10 =	simm.s32 $0x1E00;
	s11 =	simm.s32 $0x1E80  }
0x6: {  	s12 =	simm.s32 $0x1F00;
	s13 =	simm.s32 $0x1F80;
	s7 =	smul.u32 $0x50000, s3  }
0x7: {  	s1 =	sand.u32 $0x1, s1;
	s6 =	smul.u32 $0x5000, s3;
	[smem:$0x7FF] =	sst s14  }
0x8: {  	s4 =	sadd.s32 $0x5000, s0;
	s25 =	smul.u32 $0x2800, s3;
	s7 =	sshrl.u32 s7, $0x2  }
0x9: {  	s5 =	smul.u32 $0x50000, s1;
	_ =	strace $0x8000004A;
	s17 =	sadd.s32 s7, s2  }
0xa: {  	s15 =	ssub.s32 $0x2, s1;
	s7 =	sadd.s32 $0x2000, s17;
	[dreg:$0x4] =	wrdreg s17  }
0xb: {  	p0 =	seq.s32 s1, $0x0;
	s16 =	sadd.s32 $0x4000, s17;
	[dreg:$0x5] =	wrdreg s7  }
0xc: {  	s1 =	simm.s32 $0x2C200;
	s18 =	sadd.s32 $0x6000, s17;
	[dreg:$0x6] =	wrdreg s16  }
0xd: {  	s8 =	sshrl.u32 s15, $0x1;
	s19 =	sadd.s32 $0x8000, s17;
	[dreg:$0x7] =	wrdreg s18  }
0xe: {  	s1 =	simm.s32 @!p0 $0xA3200;
	s20 =	sadd.s32 $0xA000, s17;
	[dreg:$0x8] =	wrdreg s19  }
0xf: {  	s5 =	sadd.s32 s6, s5;
	s21 =	sadd.s32 $0xC000, s17;
	[dreg:$0x9] =	wrdreg s20  }
0x10: {  	s6 =	ssub.s32 s15, s8;
	s22 =	sadd.s32 $0xE000, s17;
	[dreg:$0xa] =	wrdreg s21  }
0x11: {  	s8 =	simm.s32 $0x4;
	s23 =	sadd.s32 $0x10000, s17;
	[dreg:$0xb] =	wrdreg s22  }
0x12: {  	s5 =	sshrl.u32 s5, $0x3;
	s24 =	sadd.s32 $0x12000, s17;
	[dreg:$0xc] =	wrdreg s23  }
0x13: {  	s26 =	smax.u32 s6, $0x1;
	s6 =	simm.s32 $0x3;
	[dreg:$0xd] =	wrdreg s24  }
0x14: {  	s5 =	sadd.s32 s5, s0;
	s0 =	sadd.s32 s1, s0;
	[dreg:$0xe] =	wrdreg s26  }
0x15: {  	s19 =	simm.s32 $0x2000;
	s20 =	simm.s32 $0x9;
	s21 =	simm.s32 $0x1000  }
0x16: {  	s22 =	simm.s32 $0x40;
	s23 =	simm.s32 $0x80;
	s24 =	simm.s32 $0x4000  }
0x17: {  	s26 =	simm.s32 $0x6000;
	s1 =	simm.s32 $0x6;
	s7 =	simm.s32 $0x7  }
0x18: {  	s15 =	sadd.s32 $0x1DFA00, s5;
	s16 =	sadd.s32 $0x1F3A00, s5;
	s0 =	sadd.s32 s0, s25  }
0x19: {  	v0 =	vimm.f32 $0.0e+00;
	s25 =	simm.s32 $0x100;
	[dreg:$0xf] =	wrdreg s0;
	s0 =	simm.s32 $0x2  }
.LBB2_1:
0x1a: {  	[dreg:$0x3] =	wrdreg s14;
	s5 =	simm.s32 $0x0;
	s14 =	simm.s32 $0x200  }
.LBB2_2:
0x1b: {  	p0 =	sne.s32 s14, $0x7E00;
	[tilespmem:s5+$0x2070] =	vst v0  }
0x1c: {  	[tilespmem:s5+$0x2000] =	vst v0  }
0x1d: {  	[tilespmem:s5+$0x2010] =	vst v0  }
.Ltmp0:
0x1e: {  	[tilespmem:s5+$0x2020] =	vst v0;
	(pc) =	sbr.rel @p0 .LBB2_2-.Ltmp0, $4  }
0x1f: {  	[tilespmem:s5+$0x2030] =	vst v0  }
0x20: {  	[tilespmem:s5+$0x2040] =	vst v0  }
0x21: {  	[tilespmem:s5+$0x2050] =	vst v0  }
0x22: {  	[tilespmem:s5+$0x2060] =	vst v0;
	s5 =	sshra.s32 s14, $0x2;
	s14 =	sadd.s32 $0x200, s14  }
0x23: {  	[tilespmem:s5+$0x2070] =	vst v0  }
0x24: {  	[tilespmem:s5+$0x2000] =	vst v0  }
0x25: {  	[tilespmem:s5+$0x2010] =	vst v0  }
0x26: {  	[tilespmem:s5+$0x2020] =	vst v0  }
0x27: {  	[tilespmem:s5+$0x2030] =	vst v0  }
0x28: {  	[tilespmem:s5+$0x2040] =	vst v0  }
0x29: {  	[tilespmem:s5+$0x2050] =	vst v0  }
0x2a: {  	[tilespmem:s5+$0x2060] =	vst v0  }
0x2b: {  	[spmem:s17] =	stream.linear.scatter [tilespmem:s19], [sflag:$0x9], $0x2000, $0x38;
	[tilespmem:$0x1E000] =	vst v63  }
0x2c: {  	_ =	swait.ge [sflag:s20], $0x2000  }
0x2d: {  	[sflag:s20] =	ssyncset.done $0x0  }
0x2e: {  	s3 =	rddreg [dreg:$0x5];
	[sflag:s20] =	ssyncadd.s32 $0xFFFFE000  }
0x2f: {  	[spmem:s3] =	stream.linear.scatter [tilespmem:s19], [sflag:$0x9], $0x2000, $0x38;
	[tilespmem:$0x1E000] =	vst v63  }
0x30: {  	_ =	swait.ge [sflag:s20], $0x2000  }
0x31: {  	[sflag:s20] =	ssyncset.done $0x0  }
0x32: {  	s5 =	rddreg [dreg:$0x6];
	[sflag:s20] =	ssyncadd.s32 $0xFFFFE000  }
0x33: {  	[spmem:s5] =	stream.linear.scatter [tilespmem:s19], [sflag:$0x9], $0x2000, $0x38;
	[tilespmem:$0x1E000] =	vst v63  }
0x34: {  	_ =	swait.ge [sflag:s20], $0x2000  }
0x35: {  	[sflag:s20] =	ssyncset.done $0x0  }
0x36: {  	s14 =	rddreg [dreg:$0x7];
	[sflag:s20] =	ssyncadd.s32 $0xFFFFE000  }
0x37: {  	[spmem:s14] =	stream.linear.scatter [tilespmem:s19], [sflag:$0x9], $0x2000, $0x38;
	[tilespmem:$0x1E000] =	vst v63  }
0x38: {  	_ =	swait.ge [sflag:s20], $0x2000  }
0x39: {  	[sflag:s20] =	ssyncset.done $0x0  }
0x3a: {  	s17 =	rddreg [dreg:$0x8];
	[sflag:s20] =	ssyncadd.s32 $0xFFFFE000  }
0x3b: {  	[spmem:s17] =	stream.linear.scatter [tilespmem:s19], [sflag:$0x9], $0x2000, $0x38;
	[tilespmem:$0x1E000] =	vst v63  }
0x3c: {  	_ =	swait.ge [sflag:s20], $0x2000  }
0x3d: {  	[sflag:s20] =	ssyncset.done $0x0  }
0x3e: {  	s18 =	rddreg [dreg:$0x9];
	[sflag:s20] =	ssyncadd.s32 $0xFFFFE000  }
0x3f: {  	[spmem:s18] =	stream.linear.scatter [tilespmem:s19], [sflag:$0x9], $0x2000, $0x38;
	[tilespmem:$0x1E000] =	vst v63  }
0x40: {  	_ =	swait.ge [sflag:s20], $0x2000  }
0x41: {  	[sflag:s20] =	ssyncset.done $0x0  }
0x42: {  	s5 =	rddreg [dreg:$0xa];
	[sflag:s20] =	ssyncadd.s32 $0xFFFFE000  }
0x43: {  	[spmem:s5] =	stream.linear.scatter [tilespmem:s19], [sflag:$0x9], $0x2000, $0x38;
	[tilespmem:$0x1E000] =	vst v63  }
0x44: {  	_ =	swait.ge [sflag:s20], $0x2000  }
0x45: {  	[sflag:s20] =	ssyncset.done $0x0  }
0x46: {  	s14 =	rddreg [dreg:$0xb];
	[sflag:s20] =	ssyncadd.s32 $0xFFFFE000  }
0x47: {  	[spmem:s14] =	stream.linear.scatter [tilespmem:s19], [sflag:$0x9], $0x2000, $0x38;
	[tilespmem:$0x1E000] =	vst v63  }
0x48: {  	_ =	swait.ge [sflag:s20], $0x2000  }
0x49: {  	[sflag:s20] =	ssyncset.done $0x0  }
0x4a: {  	s17 =	rddreg [dreg:$0xc];
	[sflag:s20] =	ssyncadd.s32 $0xFFFFE000  }
0x4b: {  	[spmem:s17] =	stream.linear.scatter [tilespmem:s19], [sflag:$0x9], $0x2000, $0x38;
	[tilespmem:$0x1E000] =	vst v63  }
0x4c: {  	_ =	swait.ge [sflag:s20], $0x2000  }
0x4d: {  	[sflag:s20] =	ssyncset.done $0x0  }
0x4e: {  	s18 =	rddreg [dreg:$0xd];
	[sflag:s20] =	ssyncadd.s32 $0xFFFFE000  }
0x4f: {  	[spmem:s18] =	stream.linear.scatter [tilespmem:s19], [sflag:$0x9], $0x2000, $0x38;
	[tilespmem:$0x1E000] =	vst v63  }
0x50: {  	_ =	swait.ge [sflag:s20], $0x2000  }
0x51: {  	[sflag:s20] =	ssyncset.done $0x0  }
0x52: {  	[sflag:s20] =	ssyncadd.s32 $0xFFFFE000  }
0x53: {  	s14 =	simm.s32 $0x0;
	s17 =	simm.s32 $0x0;
	[bflag:$0x0] =	sbarrier.arrive $0xFFFF  }
.LBB2_4:
0x54: {  	s5 =	sshll.u32 s17, $0x9  }
0x55: {  	s18 =	sadd.s32 s5, s15  }
0x56: {  	[tilespmem:s14], [sflag:$0x9] =	stream.linear.gather [hbm4b:s18+s14], $0x1000, $0x38;
	[tilespmem:$0x1E000] =	vst v63  }
0x57: {  	_ =	swait.ge [sflag:s20], $0x1000  }
0x58: {  	[sflag:s20] =	ssyncset.done $0x0  }
0x59: {  	s5 =	sadd.s32 s5, s16;
	[sflag:s20] =	ssyncadd.s32 $0xFFFFF000  }
0x5a: {  	[tilespmem:s21], [sflag:$0x9] =	stream.linear.gather [hbm4b:s5+s14], $0x1000, $0x38;
	[tilespmem:$0x1E000] =	vst v63  }
0x5b: {  	_ =	swait.ge [sflag:s20], $0x1000  }
0x5c: {  	[sflag:s20] =	ssyncset.done $0x0  }
0x5d: {  	[sflag:s20] =	ssyncadd.s32 $0xFFFFF000  }
0x5e: {  	[tilespmem:s19], [sflag:$0x1] =	stream.indirect.gather [hbm4b:s4+s22], $0x80, s14, s22, $0xb8;
	[tilespmem:$0x1E000] =	vst v63  }
0x5f: {  	_ = 	snop  }
0x60: {  	[tilespmem:s24], [sflag:$0x2] =	stream.indirect.gather [hbm4b:s4+s22], $0x80, s23, s22, $0xb8;
	[tilespmem:$0x1E000] =	vst v63  }
0x61: {  	_ = 	snop  }
0x62: {  	[tilespmem:s26], [sflag:$0x3] =	stream.indirect.gather [hbm4b:s4+s22], $0x80, s25, s22, $0xb8;
	[tilespmem:$0x1E000] =	vst v63  }
0x63: {  	_ = 	snop  }
0x64: {  	[tilespmem:s29], [sflag:$0x4] =	stream.indirect.gather [hbm4b:s4+s22], $0x80, s28, s22, $0xb8;
	[tilespmem:$0x1E000] =	vst v63  }
0x65: {  	_ =	swait.ge [sflag:s30], $0x2000  }
0x66: {  	[sflag:s30] =	ssyncset.done $0x0  }
0x67: {  	s18 =	simm.s32 $0x1000;
	[sflag:s30] =	ssyncadd.s32 $0xFFFFE000  }
0x68: {  	[spmem:s2] =	stream.indirect.scatter.add.f32 [tilespmem:s19], [sflag:$0x5], $0x80, s18, s22, $0xb8;
	[tilespmem:$0x1E000] =	vst v63  }
0x69: {  	_ =	swait.ge [sflag:s31], $0x2000  }
0x6a: {  	[sflag:s31] =	ssyncset.done $0x0  }
0x6b: {  	s3 =	simm.s32 $0x200;
	[sflag:s31] =	ssyncadd.s32 $0xFFFFE000  }
0x6c: {  	[tilespmem:s19], [sflag:$0x1] =	stream.indirect.gather [hbm4b:s4+s22], $0x80, s3, s22, $0xb8;
	[tilespmem:$0x1E000] =	vst v63  }
0x6d: {  	_ =	swait.ge [sflag:s0], $0x2000  }
0x6e: {  	[sflag:s0] =	ssyncset.done $0x0  }
0x6f: {  	s18 =	simm.s32 $0x1080;
	[sflag:s0] =	ssyncadd.s32 $0xFFFFE000  }
0x70: {  	[spmem:s2] =	stream.indirect.scatter.add.f32 [tilespmem:s24], [sflag:$0x6], $0x80, s18, s22, $0xb8;
	[tilespmem:$0x1E000] =	vst v63  }
0x71: {  	_ =	swait.ge [sflag:s1], $0x2000  }
0x72: {  	[sflag:s1] =	ssyncset.done $0x0  }
0x73: {  	s3 =	simm.s32 $0x280;
	[sflag:s1] =	ssyncadd.s32 $0xFFFFE000  }
0x74: {  	[tilespmem:s24], [sflag:$0x2] =	stream.indirect.gather [hbm4b:s4+s22], $0x80, s3, s22, $0xb8;
	[tilespmem:$0x1E000] =	vst v63  }
0x75: {  	_ =	swait.ge [sflag:s6], $0x2000  }
0x76: {  	[sflag:s6] =	ssyncset.done $0x0  }
0x77: {  	s18 =	simm.s32 $0x1100;
	[sflag:s6] =	ssyncadd.s32 $0xFFFFE000  }
0x78: {  	[spmem:s2] =	stream.indirect.scatter.add.f32 [tilespmem:s26], [sflag:$0x7], $0x80, s18, s22, $0xb8;
	[tilespmem:$0x1E000] =	vst v63  }
0x79: {  	_ =	swait.ge [sflag:s7], $0x2000  }
0x7a: {  	[sflag:s7] =	ssyncset.done $0x0  }
0x7b: {  	s3 =	simm.s32 $0x300;
	[sflag:s7] =	ssyncadd.s32 $0xFFFFE000  }
0x7c: {  	[tilespmem:s26], [sflag:$0x3] =	stream.indirect.gather [hbm4b:s4+s22], $0x80, s3, s22, $0xb8;
	[tilespmem:$0x1E000] =	vst v63  }
0x7d: {  	_ =	swait.ge [sflag:s8], $0x2000  }
0x7e: {  	[sflag:s8] =	ssyncset.done $0x0  }
0x7f: {  	s18 =	simm.s32 $0x1180;
	[sflag:s8] =	ssyncadd.s32 $0xFFFFE000  }
0x80: {  	[spmem:s2] =	stream.indirect.scatter.add.f32 [tilespmem:s29], [sflag:$0x8], $0x80, s18, s22, $0xb8;
	[tilespmem:$0x1E000] =	vst v63  }
0x81: {  	_ =	swait.ge [sflag:s9], $0x2000  }
0x82: {  	[sflag:s9] =	ssyncset.done $0x0  }
0x83: {  	s5 =	simm.s32 $0x380;
	s18 =	simm.s32 $0x800;
	[sflag:s9] =	ssyncadd.s32 $0xFFFFE000  }
.LBB2_5:
0x84: {  	[tilespmem:s29], [sflag:$0x4] =	stream.indirect.gather [hbm4b:s4+s22], $0x80, s5, s22, $0xb8;
	[tilespmem:$0x1E000] =	vst v63  }
0x85: {  	s5 =	smov.u32 s18  }
0x86: {  	p0 =	sne.s32 s18, $0x3000;
	s18 =	sadd.s32 $0x800, s18;
	_ =	swait.ge [sflag:s30], $0x2000  }
0x87: {  	s5 =	sshra.s32 s5, $0x2;
	[sflag:s30] =	ssyncset.done $0x0  }
0x88: {  	s3 =	sadd.s32 $0x1000, s5;
	[sflag:s30] =	ssyncadd.s32 $0xFFFFE000  }
0x89: {  	[spmem:s2] =	stream.indirect.scatter.add.f32 [tilespmem:s19], [sflag:$0x5], $0x80, s3, s22, $0xb8;
	[tilespmem:$0x1E000] =	vst v63  }
0x8a: {  	_ =	swait.ge [sflag:s31], $0x2000  }
0x8b: {  	[sflag:s31] =	ssyncset.done $0x0  }
0x8c: {  	s3 =	sadd.s32 $0x200, s5;
	[sflag:s31] =	ssyncadd.s32 $0xFFFFE000  }
0x8d: {  	[tilespmem:s19], [sflag:$0x1] =	stream.indirect.gather [hbm4b:s4+s22], $0x80, s3, s22, $0xb8;
	[tilespmem:$0x1E000] =	vst v63  }
0x8e: {  	_ =	swait.ge [sflag:s0], $0x2000  }
0x8f: {  	[sflag:s0] =	ssyncset.done $0x0  }
0x90: {  	s3 =	sadd.s32 $0x1080, s5;
	[sflag:s0] =	ssyncadd.s32 $0xFFFFE000  }
0x91: {  	[spmem:s2] =	stream.indirect.scatter.add.f32 [tilespmem:s24], [sflag:$0x6], $0x80, s3, s22, $0xb8;
	[tilespmem:$0x1E000] =	vst v63  }
0x92: {  	_ =	swait.ge [sflag:s1], $0x2000  }
0x93: {  	[sflag:s1] =	ssyncset.done $0x0  }
0x94: {  	s3 =	sadd.s32 $0x280, s5;
	[sflag:s1] =	ssyncadd.s32 $0xFFFFE000  }
0x95: {  	[tilespmem:s24], [sflag:$0x2] =	stream.indirect.gather [hbm4b:s4+s22], $0x80, s3, s22, $0xb8;
	[tilespmem:$0x1E000] =	vst v63  }
0x96: {  	_ =	swait.ge [sflag:s6], $0x2000  }
0x97: {  	[sflag:s6] =	ssyncset.done $0x0  }
0x98: {  	s3 =	sadd.s32 $0x1100, s5;
	[sflag:s6] =	ssyncadd.s32 $0xFFFFE000  }
0x99: {  	[spmem:s2] =	stream.indirect.scatter.add.f32 [tilespmem:s26], [sflag:$0x7], $0x80, s3, s22, $0xb8;
	[tilespmem:$0x1E000] =	vst v63  }
0x9a: {  	_ =	swait.ge [sflag:s7], $0x2000  }
0x9b: {  	[sflag:s7] =	ssyncset.done $0x0  }
0x9c: {  	s3 =	sadd.s32 $0x300, s5;
	[sflag:s7] =	ssyncadd.s32 $0xFFFFE000  }
0x9d: {  	[tilespmem:s26], [sflag:$0x3] =	stream.indirect.gather [hbm4b:s4+s22], $0x80, s3, s22, $0xb8;
	[tilespmem:$0x1E000] =	vst v63  }
0x9e: {  	_ =	swait.ge [sflag:s8], $0x2000  }
0x9f: {  	[sflag:s8] =	ssyncset.done $0x0  }
.Ltmp1:
0xa0: {  	s3 =	sadd.s32 $0x1180, s5;
	[sflag:s8] =	ssyncadd.s32 $0xFFFFE000;
	(pc) =	sbr.rel @p0 .LBB2_5-.Ltmp1, $4  }
0xa1: {  	[spmem:s2] =	stream.indirect.scatter.add.f32 [tilespmem:s29], [sflag:$0x8], $0x80, s3, s22, $0xb8;
	[tilespmem:$0x1E000] =	vst v63  }
0xa2: {  	_ =	swait.ge [sflag:s9], $0x2000  }
0xa3: {  	[sflag:s9] =	ssyncset.done $0x0  }
0xa4: {  	s5 =	sadd.s32 $0x380, s5;
	[sflag:s9] =	ssyncadd.s32 $0xFFFFE000  }
0xa5: {  	[tilespmem:s29], [sflag:$0x4] =	stream.indirect.gather [hbm4b:s4+s22], $0x80, s5, s22, $0xb8;
	[tilespmem:$0x1E000] =	vst v63  }
0xa6: {  	_ =	swait.ge [sflag:s30], $0x2000  }
0xa7: {  	[sflag:s30] =	ssyncset.done $0x0  }
0xa8: {  	[sflag:s30] =	ssyncadd.s32 $0xFFFFE000  }
0xa9: {  	[spmem:s2] =	stream.indirect.scatter.add.f32 [tilespmem:s19], [sflag:$0x5], $0x80, s10, s22, $0xb8;
	[tilespmem:$0x1E000] =	vst v63  }
0xaa: {  	_ =	swait.ge [sflag:s0], $0x2000  }
0xab: {  	[sflag:s0] =	ssyncset.done $0x0  }
0xac: {  	[sflag:s0] =	ssyncadd.s32 $0xFFFFE000  }
0xad: {  	[spmem:s2] =	stream.indirect.scatter.add.f32 [tilespmem:s24], [sflag:$0x6], $0x80, s11, s22, $0xb8;
	[tilespmem:$0x1E000] =	vst v63  }
0xae: {  	_ =	swait.ge [sflag:s6], $0x2000  }
0xaf: {  	[sflag:s6] =	ssyncset.done $0x0  }
0xb0: {  	[sflag:s6] =	ssyncadd.s32 $0xFFFFE000  }
0xb1: {  	[spmem:s2] =	stream.indirect.scatter.add.f32 [tilespmem:s26], [sflag:$0x7], $0x80, s12, s22, $0xb8;
	[tilespmem:$0x1E000] =	vst v63  }
0xb2: {  	_ =	swait.ge [sflag:s8], $0x2000  }
0xb3: {  	[sflag:s8] =	ssyncset.done $0x0  }
0xb4: {  	[sflag:s8] =	ssyncadd.s32 $0xFFFFE000  }
0xb5: {  	[spmem:s2] =	stream.indirect.scatter.add.f32 [tilespmem:s29], [sflag:$0x8], $0x80, s13, s22, $0xb8;
	[tilespmem:$0x1E000] =	vst v63  }
0xb6: {  	_ =	swait.ge [sflag:s31], $0x2000  }
0xb7: {  	[sflag:s31] =	ssyncset.done $0x0  }
0xb8: {  	[sflag:s31] =	ssyncadd.s32 $0xFFFFE000  }
0xb9: {  	_ =	swait.ge [sflag:s1], $0x2000  }
0xba: {  	[sflag:s1] =	ssyncset.done $0x0  }
0xbb: {  	s17 =	sadd.s32 $0x1, s17;
	[sflag:s1] =	ssyncadd.s32 $0xFFFFE000  }
0xbc: {  	p0 =	sne.s32 s17, $0x5;
	_ =	swait.ge [sflag:s7], $0x2000  }
.Ltmp2:
0xbd: {  	[sflag:s7] =	ssyncset.done $0x0;
	(pc) =	sbr.rel @p0 .LBB2_4-.Ltmp2, $4  }
0xbe: {  	[sflag:s7] =	ssyncadd.s32 $0xFFFFE000  }
0xbf: {  	_ =	swait.ge [sflag:s9], $0x2000  }
0xc0: {  	[sflag:s9] =	ssyncset.done $0x0  }
0xc1: {  	[sflag:s9] =	ssyncadd.s32 $0xFFFFE000  }
0xc2: {  	s3 =	stileid.u32;
	[bflag:$0x0] =	sbarrier.arrive $0xFFFF  }
0xc3: {  	s3 =	sshll.u32 s3, $0x6;
	s17 =	rddreg [dreg:$0x4]  }
0xc4: {  	s14 =	rddreg [dreg:$0xf];
	s3 =	sor.u32 $0x1C09, s3;
	s5 =	sshrl.u32 s17, $0x3  }
0xc5: {  	[hbm:s14], [sflag:s3] =	dma.local [spmem:s5], $0x2800  }
0xc6: {  	_ =	swait.ge [sflag:s20], $0x2800  }
0xc7: {  	s5 =	rddreg [dreg:$0x3]  }
0xc8: {  	s18 =	rddreg [dreg:$0xe];
	s14 =	sadd.s32 $0x1, s5  }
0xc9: {  	p0 =	sne.s32 s14, s18  }
.Ltmp3:
0xca: {  	_ = 	snop;
	(pc) =	sbr.rel @p0 .LBB2_1-.Ltmp3, $3  }
0xcb: {  	_ =	sdelay $0x1  }
0xcc: {  	[sflag:s20] =	ssyncset.done $0x0  }
0xcd: {  	[sflag:s20] =	ssyncadd.s32 $0xFFFFD800  }
0xce: {  	_ =	sfence.sel $0x180000  }
0xcf: {  	[bflag:$0x0] =	sbarrier.arrive $0xFFFF  }
0xd0: {  	_ =	strace $0x9000004A  }
0xd1: {  	s0 =	stileid.u32;
	[bflag:$0x2] =	sbarrier.arrive $0xFFFF  }
0xd2: {  	p0 =	sne.s32 s0, $0x0;
	s0 =	rddreg [dreg:$0x2]  }
0xd3: {  	s0 =	sadd.s32 @!p0 $0x100000, s0  }
0xd4: {  	[sflag:s0] =	ssyncadd.tile.s32 @!p0 $0x1;
	_ =	shalt  }
.Lfunc_end2:
_tile_overlayer_lowered:
.L_overlay_start_2:
0xd5: {  	(tag) =	ssettag $0x2  }
0xd6: {  	s0 =	rddreg [dreg:$0x0];
	s2 =	stileid.u32  }
0xd7: {  	s1 =	rddreg [dreg:$0x1];
	p0 =	sne.s32 s2, $0x0  }
0xd8: {  	s3 =	rddreg [dreg:$0x2];
	[bflag:$0x3] =	sbarrier.arrive $0xFFFF;
	s2 =	simm.s32 @!p0 $0x1C09  }
0xd9: {  	[timem:s3], [sflag:s2] =	dma.local @!p0 [hbm:s0], s1  }
0xda: {  	s0 =	simm.s32 @!p0 $0x9  }
0xdb: {  	_ =	swait.ge @!p0 [sflag:s0], s1  }
0xdc: {  	s1 =	ssub.s32 @!p0 $0x0, s1;
	[sflag:s0] =	ssyncset.done @!p0 $0x0  }
0xdd: {  	[sflag:s0] =	ssyncadd.s32 @!p0 s1  }
0xde: {  	[bflag:$0x3] =	sbarrier.arrive $0xFFFF  }
0xdf: {  	_ =	shalt  }

// kernel: kernel.7.cloned.1.call-start
scs
__scs_entry_jumppad:
0x0: {  	(pc) =	sbr.rel $0x88, $3  }
0x1: {  	(tag) =	ssettag $0x0;
	lr =	simm.s32 $0x1  }
0x2: {  	[smem:$0x3F86] =	sst lr;
	_ =	strace $0xD0000000  }
0x3: {  	_ = 	snop  }
0x4: {  	_ = 	snop  }
0x5: {  	_ = 	snop  }
0x6: {  	_ = 	snop  }
0x7: {  	_ = 	snop  }
__scs_overlays_trampoline_lowered:
0x8: {  	[smem:$0x3F95] =	sst s0  }
0x9: {  	[smem:$0x3F96] =	sst s1  }
0xa: {  	[smem:$0x3F97] =	sst s2  }
0xb: {  	[smem:$0x3F98] =	sst s3  }
0xc: {  	[smem:$0x3F99] =	sst s4  }
0xd: {  	[smem:$0x3F9A] =	sst s5  }
0xe: {  	[smem:$0x3F9B] =	sst s6  }
0xf: {  	[smem:$0x3F9C] =	sst s7  }
0x10: {  	[smem:$0x3F9D] =	sst s8  }
0x11: {  	[smem:$0x3F9E] =	sst s9;
	s0 =	simm.s32 @!p0 $0x0  }
0x12: {  	s1 =	sld [smem:$0x3F84];
	s0 =	simm.s32 @p0 $0x1  }
0x13: {  	[smem:$0x3F9F] =	sst s0;
	s0 =	simm.s32 @!p1 $0x0  }
0x14: {  	s2 =	sld [smem:$0x3F83];
	s0 =	simm.s32 @p1 $0x1  }
0x15: {  	[smem:$0x3FA0] =	sst s0;
	s0 =	simm.s32 @!p2 $0x0  }
0x16: {  	s3 =	sld [smem:$0x3FDB];
	s0 =	simm.s32 @p2 $0x1  }
0x17: {  	s4 =	simm.s32 $0x1BF5;
	[smem:$0x3FA2] =	sst s0  }
0x18: {  	s0 =	sld [smem:$0x3F85];
	_ =	swait.ge [sflag:s4], $0x0  }
0x19: {  	s7 =	sld [smem:$0x3F86]  }
0x1a: {  	s8 =	sadd.s32 $0xFFFFE003, lr  }
0x1b: {  	s9 =	sadd.s32 $0xFFFFFEF7, lr;
	s5 =	simm.s32 $0xFFFFFFFF;
	p2 =	slt.u32 s8, $0xFFFFF086  }
0x1c: {  	p1 =	slt.u32 s9, $0xF7A;
	s5 =	simm.s32 @!p2 $0x0  }
0x1d: {  	s5 =	simm.s32 @p1 $0x1;
	p0 =	seq.s32 s7, s2  }
0x1e: {  	s7 =	smul.u32 @!p0 $0xF7A, s2;
	p2 =	seq.s32 @!p0 s5, $0x0  }
0x1f: {  	s9 =	smul.u32 $0xF7A, s1;
	s8 =	simm.s32 @!p0 $0x1BF5;
	p2 =	por !p2, p0  }
0x20: {  	[sflag:s8] =	ssyncset.s32 @!p0 $0xFFFFF086;
	s6 =	sadd.s32 @!p0 s3, s7;
	s7 =	simm.s32 @!p0 $0x108  }
0x21: {  	s3 =	sadd.s32 s3, s9;
	s6 =	sadd.s32 @!p0 $0x88, s6;
	s7 =	simm.s32 @p2 $0x1082  }
0x22: {  	[simem:s7], [sflag:s8] =	dma.local @!p0 [hbm:s6], $0xF7A  }
0x23: {  	s9 =	sor.u32 $0xD0000000, s2;
	s6 =	simm.s32 $0x108;
	_ =	swait.ge @!p0 [sflag:s8], $0x0  }
0x24: {  	s3 =	sadd.s32 $0x88, s3;
	s6 =	simm.s32 @!p1 $0x1082;
	[sflag:s4] =	ssyncset.s32 $0xFFFFF086  }
0x25: {  	[simem:s6], [sflag:s4] =	dma.local [hbm:s3], $0xF7A  }
0x26: {  	[smem:$0x3F86] =	sst s1;
	(tag) =	ssettag s2;
	_ =	strace s9  }
0x27: {  	s1 =	sld [smem:$0x3F96]  }
0x28: {  	s2 =	sld [smem:$0x3F97]  }
0x29: {  	s4 =	sld [smem:$0x3F99]  }
0x2a: {  	p0 =	seq.s32 s5, $0x0;
	s5 =	sld [smem:$0x3F9A]  }
0x2b: {  	s6 =	sld [smem:$0x3F9B]  }
0x2c: {  	s7 =	sld [smem:$0x3F9C]  }
0x2d: {  	s3 =	simm.s32 $0x108;
	s8 =	sld [smem:$0x3F9D]  }
0x2e: {  	s3 =	simm.s32 @!p0 $0x1082;
	s9 =	sld [smem:$0x3F9E]  }
0x2f: {  	lr =	sadd.s32 s0, s3;
	s0 =	sld [smem:$0x3F95]  }
0x30: {  	s3 =	sld [smem:$0x3F98]  }
0x31: {  	[smem:$0x3FA1] =	sst s10  }
0x32: {  	s10 =	sld [smem:$0x3F9F];
	_ =	sdelay $0x3  }
0x33: {  	p0 =	seq.s32 s10, $0x1;
	s10 =	sld [smem:$0x3FA1];
	_ =	sdelay $0x3  }
0x34: {  	[smem:$0x3FA1] =	sst s10  }
0x35: {  	s10 =	sld [smem:$0x3FA0];
	_ =	sdelay $0x3  }
0x36: {  	p1 =	seq.s32 s10, $0x1;
	s10 =	sld [smem:$0x3FA1];
	_ =	sdelay $0x3  }
0x37: {  	[smem:$0x3FA1] =	sst s10  }
0x38: {  	s10 =	sld [smem:$0x3FA2]  }
0x39: {  	_ = 	snop;
	(pc) =	sbr.ind lr, $3  }
0x3a: {  	_ = 	snop  }
0x3b: {  	_ = 	snop  }
0x3c: {  	p2 =	seq.s32 s10, $0x1;
	s10 =	sld [smem:$0x3FA1]  }
0x3d: {  	_ =	shalt  }
0x3e: {  	_ =	shalt  }
0x3f: {  	_ =	shalt  }
0x40: {  	_ =	shalt  }
0x41: {  	_ =	shalt  }
0x42: {  	_ =	shalt  }
0x43: {  	_ =	shalt  }
0x44: {  	_ =	shalt  }
0x45: {  	_ =	shalt  }
0x46: {  	_ =	shalt  }
0x47: {  	_ =	shalt  }
0x48: {  	_ =	shalt  }
0x49: {  	_ =	shalt  }
0x4a: {  	_ =	shalt  }
0x4b: {  	_ =	shalt  }
0x4c: {  	_ =	shalt  }
0x4d: {  	_ =	shalt  }
0x4e: {  	_ =	shalt  }
0x4f: {  	_ =	shalt  }
0x50: {  	_ =	shalt  }
0x51: {  	_ =	shalt  }
0x52: {  	_ =	shalt  }
0x53: {  	_ =	shalt  }
0x54: {  	_ =	shalt  }
0x55: {  	_ =	shalt  }
0x56: {  	_ =	shalt  }
0x57: {  	_ =	shalt  }
0x58: {  	_ =	shalt  }
0x59: {  	_ =	shalt  }
0x5a: {  	_ =	shalt  }
0x5b: {  	_ =	shalt  }
0x5c: {  	_ =	shalt  }
0x5d: {  	_ =	shalt  }
0x5e: {  	_ =	shalt  }
0x5f: {  	_ =	shalt  }
0x60: {  	_ =	shalt  }
0x61: {  	_ =	shalt  }
0x62: {  	_ =	shalt  }
0x63: {  	_ =	shalt  }
0x64: {  	_ =	shalt  }
0x65: {  	_ =	shalt  }
0x66: {  	_ =	shalt  }
0x67: {  	_ =	shalt  }
0x68: {  	_ =	shalt  }
0x69: {  	_ =	shalt  }
0x6a: {  	_ =	shalt  }
0x6b: {  	_ =	shalt  }
0x6c: {  	_ =	shalt  }
0x6d: {  	_ =	shalt  }
0x6e: {  	_ =	shalt  }
0x6f: {  	_ =	shalt  }
0x70: {  	_ =	shalt  }
0x71: {  	_ =	shalt  }
0x72: {  	_ =	shalt  }
0x73: {  	_ =	shalt  }
0x74: {  	_ =	shalt  }
0x75: {  	_ =	shalt  }
0x76: {  	_ =	shalt  }
0x77: {  	_ =	shalt  }
0x78: {  	_ =	shalt  }
0x79: {  	_ =	shalt  }
0x7a: {  	_ =	shalt  }
0x7b: {  	_ =	shalt  }
0x7c: {  	_ =	shalt  }
0x7d: {  	_ =	shalt  }
0x7e: {  	_ =	shalt  }
0x7f: {  	_ =	shalt  }
0x80: {  	_ =	shalt  }
0x81: {  	_ =	shalt  }
0x82: {  	_ =	shalt  }
0x83: {  	_ =	shalt  }
0x84: {  	_ =	shalt  }
0x85: {  	_ =	shalt  }
0x86: {  	_ =	shalt  }
0x87: {  	_ =	shalt  }
.Lfunc_end0:
.L_simem_size_0:
called_computation_lowered:
.L_overlay_start_0:
0x88: {  	s2 =	sld [smem:$0x3FD9]  }
0x89: {  	s3 =	sld [smem:$0x3FFE];
	_ =	sdelay $0x1  }
0x8a: {  	s1 =	srdreg.scid  }
0x8b: {  	s0 =	sand.u32 $0x1, s1  }
0x8c: {  	s16 =	sshll.u32 s0, $0xA;
	s2 =	sadd.s32 s3, s2  }
0x8d: {  	s2 =	sadd.s32 s2, s16  }
0x8e: {  	[smem:$0x3FAD] =	sst s2  }
0x8f: {  	_ = 	snop  }
0x90: {  	(tm) =	ssettm $0x1  }
0x91: {  	s17 =	sld [smem:$0x3FFB];
	_ =	sdelay $0x3  }
0x92: {  	_ =	strace s17  }
0x93: {  	s2 =	sld [smem:$0x3FFC];
	_ =	sdelay $0x3  }
0x94: {  	_ =	strace s2  }
0x95: {  	s2 =	sld [smem:$0x3FFD];
	_ =	sdelay $0x3  }
0x96: {  	_ =	strace s2  }
0x97: {  	_ =	strace $0x8FFFFFFF  }
0x98: {  	s18 =	sld [smem:$0x3FDB];
	_ =	sdelay $0x1  }
0x99: {  	s19 =	simm.s32 $_scs_section_size  }
0x9a: {  	s4 =	simm.s32 $_size__tile_overlayer_lowered;
	s5 =	simm.s32 $_tile_overlayer_lowered  }
0x9b: {  	s22 =	simm.s32 $0x1BFF;
	s21 =	sshll.u32 s5, $0x1;
	s2 =	sadd.s32 s19, s18  }
0x9c: {  	s6 =	simm.s32 $0x0;
	s20 =	sshll.u32 s4, $0x1;
	s4 =	sadd.s32 s21, s2  }
0x9d: {  	[timem:s6], [sflag:s22] =	dma.local [hbm:s4], s20  }
0x9e: {  	_ =	swait.ge [sflag:s22], s20  }
0x9f: {  	s3 =	ssub.s32 $0x0, s20;
	[sflag:s22] =	ssyncset.done $0x0  }
0xa0: {  	[sflag:s22] =	ssyncadd.s32 s3;
	_ =	sdelay $0x1  }
0xa1: {  	s23 =	simm.s32 $0x1B8B  }
0xa2: {  	_ =	swait.ge [sflag:s23], $0x1  }
0xa3: {  	[sflag:s23] =	ssyncset.done $0x0  }
0xa4: {  	s25 =	simm.s32 $0x1B8E;
	s24 =	sld [smem:$0x3FFE];
	[sflag:s23] =	ssyncadd.s32 $0xFFFFFFFF  }
0xa5: {  	s26 =	simm.s32 $execute0_lowered;
	[smem:$0x3FD2] =	sst s25  }
0xa6: {  	s4 =	sshll.u32 s26, $0x1;
	_ =	strace $0x80000046;
	[dreg:$0x1] =	wrdreg $0xFFFFFFFF  }
0xa7: {  	s28 =	simm.s32 $_size_execute0_lowered;
	s2 =	sadd.s32 s2, s4;
	[dreg:$0x0] =	wrdreg $0x0  }
0xa8: {  	s4 =	sshll.u32 s28, $0x1;
	[dreg:$0x2] =	wrdreg s2  }
0xa9: {  	[dreg:$0x3] =	wrdreg s4  }
0xaa: {  	[dreg:$0x4] =	wrdreg $0xC0  }
0xab: {  	_ =	task [dreg:s6], $0x5FFFF  }
0xac: {  	[dreg:$0x1] =	wrdreg $0xFFFFFFFF  }
0xad: {  	[dreg:$0x0] =	wrdreg $0x60  }
0xae: {  	[dreg:$0x2] =	wrdreg s24  }
0xaf: {  	[dreg:$0x3] =	wrdreg $0xA0000  }
0xb0: {  	[dreg:$0x4] =	wrdreg $0x9  }
0xb1: {  	_ =	task.clear_ibuf [dreg:s6], $0x5FFFF;
	_ =	strace $0x90000046  }
0xb2: {  	s29 =	simm.s32 $0x9;
	_ =	strace $0x80000048  }
0xb3: {  	_ =	swait.ge [sflag:s29], $0x1  }
0xb4: {  	[sflag:s29] =	ssyncadd.s32 $0xFFFFFFFF  }
0xb5: {  	_ =	strace $0x90000048  }
0xb6: {  	_ =	sfence  }
0xb7: {  	s30 =	sld [smem:$0x0];
	_ =	sdelay $0x2  }
0xb8: {  	s31 =	sshll.u32 s1, $0xD;
	s1 =	sshrl.u32 s1, $0x2  }
0xb9: {  	s3 =	sand.u32 $0x4000, s31;
	s1 =	sadd.s32 s1, s30  }
0xba: {  	s0 =	sor.u32 s3, s0;
	s1 =	sshll.u32 s1, $0x11  }
0xbb: {  	s0 =	sor.u32 s1, s0  }
0xbc: {  	s0 =	sadd.s32 $0x8F2B, s0  }
0xbd: {  	[sflag:s0] =	ssyncadd.remote.s32 $0x1  }
0xbe: {  	_ =	sfence.sel $0xFFFF  }
0xbf: {  	[dreg:$0x0] =	wrdreg $0xFFFFFFFF;
	(pc) =	sbr.abs _section_cstart, $3  }
0xc0: {  	[dreg:$0x1] =	wrdreg $0xFFFFFFFF  }
0xc1: {  	_ =	task.clear_ibuf [dreg:s6], $0x2FFFF;
	_ =	strace $0x9FFFFFFF  }
0xc2: {  	(tm) =	ssettm $0x7FFFFFFF  }
0xc3: {  	_ =	shalt  }
tec
execute0_lowered:
.L_overlay_start_1:
0x0: {  	(tag) =	ssettag $0x1  }
0x1: {  	s0 =	rddreg [dreg:$0x0]  }
0x2: {  	s2 =	rddreg [dreg:$0x1];
	s21 =	simm.s32 $0x0;
	s10 =	stileid.u32  }
0x3: {  	s3 =	srdreg.scid;
	s29 =	simm.s32 $0x2000;
	[smem:$0x7FF] =	sst s21  }
0x4: {  	s4 =	sadd.s32 $0xF1600, s0;
	s1 =	smul.u32 $0x1400, s10;
	s9 =	sadd.s32 $0x13FA00, s0  }
0x5: {  	s31 =	sadd.s32 $0x167A00, s0;
	_ =	strace $0x80000047;
	[dreg:$0x4] =	wrdreg s9  }
0x6: {  	s5 =	sadd.s32 $0x118800, s0;
	s11 =	sadd.s32 $0x18FA00, s0;
	[dreg:$0x5] =	wrdreg s31  }
0x7: {  	s6 =	sadd.s32 $0xCA400, s0;
	s7 =	sadd.s32 $0xA3200, s0;
	[dreg:$0x6] =	wrdreg s11  }
0x8: {  	s31 =	smul.u32 $0x2800, s10;
	s1 =	sadd.s32 s1, s0;
	s0 =	sadd.s32 $0x1B7A00, s0  }
0x9: {  	s30 =	simm.s32 $0x9;
	s28 =	simm.s32 $0x1E80;
	[dreg:$0x7] =	wrdreg s0  }
0xa: {  	s8 =	smul.u32 $0x50000, s10;
	s23 =	sadd.s32 $0x5000, s1;
	[dreg:$0x17] =	wrdreg s31  }
0xb: {  	s3 =	sand.u32 $0x1, s3;
	s24 =	sadd.s32 $0x19000, s1;
	[dreg:$0x11] =	wrdreg s23  }
0xc: {  	s12 =	ssub.s32 $0x2, s3;
	s25 =	sadd.s32 $0x2D000, s1;
	[dreg:$0x12] =	wrdreg s24  }
0xd: {  	s8 =	sshrl.u32 s8, $0x2;
	s1 =	sadd.s32 $0x41000, s1;
	[dreg:$0x13] =	wrdreg s25  }
0xe: {  	p0 =	sne.s32 s3, $0x0;
	s8 =	sadd.s32 s8, s2;
	[dreg:$0x14] =	wrdreg s1  }
0xf: {  	s9 =	simm.s32 $0x4000;
	s14 =	sadd.s32 $0x2000, s8;
	[dreg:$0x8] =	wrdreg s8  }
0x10: {  	s10 =	simm.s32 $0x100;
	s15 =	sadd.s32 $0x4000, s8;
	[dreg:$0x9] =	wrdreg s14  }
0x11: {  	s11 =	simm.s32 $0x6000;
	s16 =	sadd.s32 $0x6000, s8;
	[dreg:$0xa] =	wrdreg s15  }
0x12: {  	s3 =	simm.s32 $0x1F80;
	s17 =	sadd.s32 $0x8000, s8;
	[dreg:$0xb] =	wrdreg s16  }
0x13: {  	s13 =	sshrl.u32 s12, $0x1;
	s18 =	sadd.s32 $0xA000, s8;
	[dreg:$0xc] =	wrdreg s17  }
0x14: {  	s0 =	ssub.s32 s12, s13;
	s19 =	sadd.s32 $0xC000, s8;
	[dreg:$0xd] =	wrdreg s18  }
0x15: {  	s13 =	simm.s32 $0x1;
	s20 =	sadd.s32 $0xE000, s8;
	[dreg:$0xe] =	wrdreg s19  }
0x16: {  	s12 =	simm.s32 $0x1F00;
	s22 =	sadd.s32 $0x10000, s8;
	[dreg:$0xf] =	wrdreg s20  }
0x17: {  	s0 =	smax.u32 s0, $0x1;
	s26 =	sadd.s32 $0x12000, s8;
	[dreg:$0x10] =	wrdreg s22  }
.Ltmp0:
0x18: {  	s8 =	simm.s32 $0x80;
	[dreg:$0x15] =	wrdreg s0;
	(pc) =	sbr.rel .LBB2_1-.Ltmp0, $4  }
0x19: {  	s1 =	simm.s32 $0x180;
	s25 =	simm.s32 $0x8000;
	[dreg:$0x16] =	wrdreg s26  }
0x1a: {  	s0 =	simm.s32 $0x40;
	s14 =	simm.s32 $0x5;
	s15 =	simm.s32 $0x2  }
0x1b: {  	s16 =	simm.s32 $0x6;
	s17 =	simm.s32 $0x3;
	s18 =	simm.s32 $0x7  }
0x1c: {  	v0 =	vimm.f32 $0.0e+00;
	s19 =	simm.s32 $0x4;
	s20 =	simm.s32 $0x8;
	s26 =	simm.s32 $0x1E00  }
.LBB2_23:
0x1d: {  	s23 =	rddreg [dreg:$0x17];
	[bflag:$0x0] =	sbarrier.arrive $0xFFFF  }
0x1e: {  	s31 =	rddreg [dreg:$0x18]  }
0x1f: {  	s21 =	sadd.s32 s21, s23;
	s24 =	rddreg [dreg:$0x19]  }
0x20: {  	[hbm:s21], [sflag:s31] =	dma.local [spmem:s24], $0x2800  }
0x21: {  	_ =	swait.ge [sflag:s30], $0x2800  }
0x22: {  	s22 =	sadd.s32 $0x1, s22;
	s31 =	rddreg [dreg:$0x15]  }
0x23: {  	p1 =	sne.s32 s22, s31  }
.Ltmp1:
0x24: {  	_ = 	snop;
	(pc) =	sbr.rel @!p1 .LBB2_24-.Ltmp1, $4  }
0x25: {  	[sflag:s30] =	ssyncset.done $0x0  }
0x26: {  	[sflag:s30] =	ssyncadd.s32 $0xFFFFD800  }
0x27: {  	[bflag:$0x0] =	sbarrier.arrive $0xFFFF  }
0x28: {  	s21 =	smov.u32 s22  }
.LBB2_1:
0x29: {  	[dreg:$0x3] =	wrdreg s21;
	s21 =	simm.s32 $0x0;
	s22 =	simm.s32 $0x200  }
.LBB2_2:
0x2a: {  	p1 =	sne.s32 s22, $0x7E00;
	[tilespmem:s21+$0x2070] =	vst v0  }
0x2b: {  	[tilespmem:s21+$0x2000] =	vst v0  }
0x2c: {  	[tilespmem:s21+$0x2010] =	vst v0  }
.Ltmp2:
0x2d: {  	[tilespmem:s21+$0x2020] =	vst v0;
	(pc) =	sbr.rel @p1 .LBB2_2-.Ltmp2, $4  }
0x2e: {  	[tilespmem:s21+$0x2030] =	vst v0  }
0x2f: {  	[tilespmem:s21+$0x2040] =	vst v0  }
0x30: {  	[tilespmem:s21+$0x2050] =	vst v0  }
0x31: {  	[tilespmem:s21+$0x2060] =	vst v0;
	s21 =	sshra.s32 s22, $0x2;
	s22 =	sadd.s32 $0x200, s22  }
0x32: {  	[tilespmem:s21+$0x2070] =	vst v0  }
0x33: {  	[tilespmem:s21+$0x2000] =	vst v0  }
0x34: {  	[tilespmem:s21+$0x2010] =	vst v0  }
0x35: {  	[tilespmem:s21+$0x2020] =	vst v0  }
0x36: {  	[tilespmem:s21+$0x2030] =	vst v0  }
0x37: {  	[tilespmem:s21+$0x2040] =	vst v0  }
0x38: {  	[tilespmem:s21+$0x2050] =	vst v0  }
0x39: {  	[tilespmem:s21+$0x2060] =	vst v0;
	s24 =	rddreg [dreg:$0x8]  }
0x3a: {  	[spmem:s24] =	stream.linear.scatter [tilespmem:s29], [sflag:$0x9], $0x2000, $0x38;
	[tilespmem:$0x1E000] =	vst v63  }
0x3b: {  	_ =	swait.ge [sflag:s30], $0x2000  }
0x3c: {  	[sflag:s30] =	ssyncset.done $0x0  }
0x3d: {  	s31 =	rddreg [dreg:$0x9];
	[sflag:s30] =	ssyncadd.s32 $0xFFFFE000  }
0x3e: {  	[spmem:s31] =	stream.linear.scatter [tilespmem:s29], [sflag:$0x9], $0x2000, $0x38;
	[tilespmem:$0x1E000] =	vst v63  }
0x3f: {  	_ =	swait.ge [sflag:s30], $0x2000  }
0x40: {  	[sflag:s30] =	ssyncset.done $0x0  }
0x41: {  	s22 =	rddreg [dreg:$0xa];
	[sflag:s30] =	ssyncadd.s32 $0xFFFFE000  }
0x42: {  	[spmem:s22] =	stream.linear.scatter [tilespmem:s29], [sflag:$0x9], $0x2000, $0x38;
	[tilespmem:$0x1E000] =	vst v63  }
0x43: {  	_ =	swait.ge [sflag:s30], $0x2000  }
0x44: {  	[sflag:s30] =	ssyncset.done $0x0  }
0x45: {  	s23 =	rddreg [dreg:$0xb];
	[sflag:s30] =	ssyncadd.s32 $0xFFFFE000  }
0x46: {  	[spmem:s23] =	stream.linear.scatter [tilespmem:s29], [sflag:$0x9], $0x2000, $0x38;
	[tilespmem:$0x1E000] =	vst v63  }
0x47: {  	_ =	swait.ge [sflag:s30], $0x2000  }
0x48: {  	[sflag:s30] =	ssyncset.done $0x0  }
0x49: {  	s24 =	rddreg [dreg:$0xc];
	[sflag:s30] =	ssyncadd.s32 $0xFFFFE000  }
0x4a: {  	[spmem:s24] =	stream.linear.scatter [tilespmem:s29], [sflag:$0x9], $0x2000, $0x38;
	[tilespmem:$0x1E000] =	vst v63  }
0x4b: {  	_ =	swait.ge [sflag:s30], $0x2000  }
0x4c: {  	[sflag:s30] =	ssyncset.done $0x0  }
0x4d: {  	s31 =	rddreg [dreg:$0xd];
	[sflag:s30] =	ssyncadd.s32 $0xFFFFE000  }
0x4e: {  	[spmem:s31] =	stream.linear.scatter [tilespmem:s29], [sflag:$0x9], $0x2000, $0x38;
	[tilespmem:$0x1E000] =	vst v63  }
0x4f: {  	_ =	swait.ge [sflag:s30], $0x2000  }
0x50: {  	[sflag:s30] =	ssyncset.done $0x0  }
0x51: {  	s22 =	rddreg [dreg:$0xe];
	[sflag:s30] =	ssyncadd.s32 $0xFFFFE000  }
0x52: {  	[spmem:s22] =	stream.linear.scatter [tilespmem:s29], [sflag:$0x9], $0x2000, $0x38;
	[tilespmem:$0x1E000] =	vst v63  }
0x53: {  	_ =	swait.ge [sflag:s30], $0x2000  }
0x54: {  	[sflag:s30] =	ssyncset.done $0x0  }
0x55: {  	s23 =	rddreg [dreg:$0xf];
	[sflag:s30] =	ssyncadd.s32 $0xFFFFE000  }
0x56: {  	[spmem:s23] =	stream.linear.scatter [tilespmem:s29], [sflag:$0x9], $0x2000, $0x38;
	[tilespmem:$0x1E000] =	vst v63  }
0x57: {  	_ =	swait.ge [sflag:s30], $0x2000  }
0x58: {  	[sflag:s30] =	ssyncset.done $0x0  }
0x59: {  	s24 =	rddreg [dreg:$0x10];
	[sflag:s30] =	ssyncadd.s32 $0xFFFFE000  }
0x5a: {  	[spmem:s24] =	stream.linear.scatter [tilespmem:s29], [sflag:$0x9], $0x2000, $0x38;
	[tilespmem:$0x1E000] =	vst v63  }
0x5b: {  	_ =	swait.ge [sflag:s30], $0x2000  }
0x5c: {  	[sflag:s30] =	ssyncset.done $0x0  }
0x5d: {  	s31 =	rddreg [dreg:$0x16];
	[sflag:s30] =	ssyncadd.s32 $0xFFFFE000  }
0x5e: {  	[spmem:s31] =	stream.linear.scatter [tilespmem:s29], [sflag:$0x9], $0x2000, $0x38;
	[tilespmem:$0x1E000] =	vst v63  }
.Ltmp3:
0x5f: {  	_ =	swait.ge [sflag:s30], $0x2000;
	(pc) =	sbr.rel @p0 .LBB2_8-.Ltmp3, $4  }
0x60: {  	[sflag:s30] =	ssyncset.done $0x0  }
0x61: {  	[sflag:s30] =	ssyncadd.s32 $0xFFFFE000  }
0x62: {  	[bflag:$0x0] =	sbarrier.arrive $0xFFFF  }
0x63: {  	s21 =	simm.s32 $0x0;
	s22 =	simm.s32 $0x0;
	s23 =	simm.s32 $0x0  }
.LBB2_4:
0x64: {  	s23 =	sshll.u32 s22, $0x9;
	s24 =	rddreg [dreg:$0x11]  }
0x65: {  	s24 =	sadd.s32 s23, s24  }
0x66: {  	[tilespmem:s21], [sflag:$0x9] =	stream.linear.gather [hbm4b:s24+s21], $0x1000, $0x38;
	[tilespmem:$0x1E000] =	vst v63  }
0x67: {  	_ =	swait.ge [sflag:s30], $0x1000  }
0x68: {  	[sflag:s30] =	ssyncset.done $0x0;
	s31 =	rddreg [dreg:$0x12]  }
0x69: {  	[sflag:s30] =	ssyncadd.s32 $0xFFFFF000;
	s23 =	sadd.s32 s23, s31;
	s31 =	simm.s32 $0x1000  }
0x6a: {  	[tilespmem:s31], [sflag:$0x9] =	stream.linear.gather [hbm4b:s23+s21], $0x1000, $0x38;
	[tilespmem:$0x1E000] =	vst v63  }
0x6b: {  	_ =	swait.ge [sflag:s30], $0x1000  }
0x6c: {  	[sflag:s30] =	ssyncset.done $0x0  }
0x6d: {  	[sflag:s30] =	ssyncadd.s32 $0xFFFFF000  }
0x6e: {  	[tilespmem:s29], [sflag:$0x1] =	stream.indirect.gather [hbm4b:s4+s0], $0x80, s21, s0, $0xb8;
	[tilespmem:$0x1E000] =	vst v63  }
0x6f: {  	_ = 	snop  }
0x70: {  	[tilespmem:s9], [sflag:$0x2] =	stream.indirect.gather [hbm4b:s4+s0], $0x80, s8, s0, $0xb8;
	[tilespmem:$0x1E000] =	vst v63  }
0x71: {  	_ = 	snop  }
0x72: {  	[tilespmem:s11], [sflag:$0x3] =	stream.indirect.gather [hbm4b:s4+s0], $0x80, s10, s0, $0xb8;
	[tilespmem:$0x1E000] =	vst v63  }
0x73: {  	_ = 	snop  }
0x74: {  	[tilespmem:s25], [sflag:$0x4] =	stream.indirect.gather [hbm4b:s4+s0], $0x80, s1, s0, $0xb8;
	[tilespmem:$0x1E000] =	vst v63  }
0x75: {  	_ =	swait.ge [sflag:s13], $0x2000  }
0x76: {  	[sflag:s13] =	ssyncset.done $0x0  }
0x77: {  	s31 =	simm.s32 $0x1000;
	[sflag:s13] =	ssyncadd.s32 $0xFFFFE000  }
0x78: {  	[spmem:s2] =	stream.indirect.scatter.add.f32 [tilespmem:s29], [sflag:$0x5], $0x80, s31, s0, $0xb8;
	[tilespmem:$0x1E000] =	vst v63  }
0x79: {  	_ =	swait.ge [sflag:s14], $0x2000  }
0x7a: {  	[sflag:s14] =	ssyncset.done $0x0  }
0x7b: {  	s24 =	simm.s32 $0x200;
	[sflag:s14] =	ssyncadd.s32 $0xFFFFE000  }
0x7c: {  	[tilespmem:s29], [sflag:$0x1] =	stream.indirect.gather [hbm4b:s4+s0], $0x80, s24, s0, $0xb8;
	[tilespmem:$0x1E000] =	vst v63  }
0x7d: {  	_ =	swait.ge [sflag:s15], $0x2000  }
0x7e: {  	[sflag:s15] =	ssyncset.done $0x0  }
0x7f: {  	s31 =	simm.s32 $0x1080;
	[sflag:s15] =	ssyncadd.s32 $0xFFFFE000  }
0x80: {  	[spmem:s2] =	stream.indirect.scatter.add.f32 [tilespmem:s9], [sflag:$0x6], $0x80, s31, s0, $0xb8;
	[tilespmem:$0x1E000] =	vst v63  }
0x81: {  	_ =	swait.ge [sflag:s16], $0x2000  }
0x82: {  	[sflag:s16] =	ssyncset.done $0x0  }
0x83: {  	s24 =	simm.s32 $0x280;
	[sflag:s16] =	ssyncadd.s32 $0xFFFFE000  }
0x84: {  	[tilespmem:s9], [sflag:$0x2] =	stream.indirect.gather [hbm4b:s4+s0], $0x80, s24, s0, $0xb8;
	[tilespmem:$0x1E000] =	vst v63  }
0x85: {  	_ =	swait.ge [sflag:s17], $0x2000  }
0x86: {  	[sflag:s17] =	ssyncset.done $0x0  }
0x87: {  	s31 =	simm.s32 $0x1100;
	[sflag:s17] =	ssyncadd.s32 $0xFFFFE000  }
0x88: {  	[spmem:s2] =	stream.indirect.scatter.add.f32 [tilespmem:s11], [sflag:$0x7], $0x80, s31, s0, $0xb8;
	[tilespmem:$0x1E000] =	vst v63  }
0x89: {  	_ =	swait.ge [sflag:s18], $0x2000  }
0x8a: {  	[sflag:s18] =	ssyncset.done $0x0  }
0x8b: {  	s24 =	simm.s32 $0x300;
	[sflag:s18] =	ssyncadd.s32 $0xFFFFE000  }
0x8c: {  	[tilespmem:s11], [sflag:$0x3] =	stream.indirect.gather [hbm4b:s4+s0], $0x80, s24, s0, $0xb8;
	[tilespmem:$0x1E000] =	vst v63  }
0x8d: {  	_ =	swait.ge [sflag:s19], $0x2000  }
0x8e: {  	[sflag:s19] =	ssyncset.done $0x0  }
0x8f: {  	s31 =	simm.s32 $0x1180;
	[sflag:s19] =	ssyncadd.s32 $0xFFFFE000  }
0x90: {  	[spmem:s2] =	stream.indirect.scatter.add.f32 [tilespmem:s25], [sflag:$0x8], $0x80, s31, s0, $0xb8;
	[tilespmem:$0x1E000] =	vst v63  }
0x91: {  	_ =	swait.ge [sflag:s20], $0x2000  }
0x92: {  	[sflag:s20] =	ssyncset.done $0x0  }
0x93: {  	s23 =	simm.s32 $0x800;
	s24 =	simm.s32 $0x380;
	[sflag:s20] =	ssyncadd.s32 $0xFFFFE000  }
.LBB2_5:
0x94: {  	[tilespmem:s25], [sflag:$0x4] =	stream.indirect.gather [hbm4b:s4+s0], $0x80, s24, s0, $0xb8;
	[tilespmem:$0x1E000] =	vst v63  }
0x95: {  	s24 =	smov.u32 s23  }
0x96: {  	p1 =	sne.s32 s23, $0x3000;
	s23 =	sadd.s32 $0x800, s23;
	_ =	swait.ge [sflag:s13], $0x2000  }
0x97: {  	s24 =	sshra.s32 s24, $0x2;
	[sflag:s13] =	ssyncset.done $0x0  }
0x98: {  	s31 =	sadd.s32 $0x1000, s24;
	[sflag:s13] =	ssyncadd.s32 $0xFFFFE000  }
0x99: {  	[spmem:s2] =	stream.indirect.scatter.add.f32 [tilespmem:s29], [sflag:$0x5], $0x80, s31, s0, $0xb8;
	[tilespmem:$0x1E000] =	vst v63  }
0x9a: {  	_ =	swait.ge [sflag:s14], $0x2000  }
0x9b: {  	[sflag:s14] =	ssyncset.done $0x0  }
0x9c: {  	s31 =	sadd.s32 $0x200, s24;
	[sflag:s14] =	ssyncadd.s32 $0xFFFFE000  }
0x9d: {  	[tilespmem:s29], [sflag:$0x1] =	stream.indirect.gather [hbm4b:s4+s0], $0x80, s31, s0, $0xb8;
	[tilespmem:$0x1E000] =	vst v63  }
0x9e: {  	_ =	swait.ge [sflag:s15], $0x2000  }
0x9f: {  	[sflag:s15] =	ssyncset.done $0x0  }
0xa0: {  	s31 =	sadd.s32 $0x1080, s24;
	[sflag:s15] =	ssyncadd.s32 $0xFFFFE000  }
0xa1: {  	[spmem:s2] =	stream.indirect.scatter.add.f32 [tilespmem:s9], [sflag:$0x6], $0x80, s31, s0, $0xb8;
	[tilespmem:$0x1E000] =	vst v63  }
0xa2: {  	_ =	swait.ge [sflag:s16], $0x2000  }
0xa3: {  	[sflag:s16] =	ssyncset.done $0x0  }
0xa4: {  	s31 =	sadd.s32 $0x280, s24;
	[sflag:s16] =	ssyncadd.s32 $0xFFFFE000  }
0xa5: {  	[tilespmem:s9], [sflag:$0x2] =	stream.indirect.gather [hbm4b:s4+s0], $0x80, s31, s0, $0xb8;
	[tilespmem:$0x1E000] =	vst v63  }
0xa6: {  	_ =	swait.ge [sflag:s17], $0x2000  }
0xa7: {  	[sflag:s17] =	ssyncset.done $0x0  }
0xa8: {  	s31 =	sadd.s32 $0x1100, s24;
	[sflag:s17] =	ssyncadd.s32 $0xFFFFE000  }
0xa9: {  	[spmem:s2] =	stream.indirect.scatter.add.f32 [tilespmem:s11], [sflag:$0x7], $0x80, s31, s0, $0xb8;
	[tilespmem:$0x1E000] =	vst v63  }
0xaa: {  	_ =	swait.ge [sflag:s18], $0x2000  }
0xab: {  	[sflag:s18] =	ssyncset.done $0x0  }
0xac: {  	s31 =	sadd.s32 $0x300, s24;
	[sflag:s18] =	ssyncadd.s32 $0xFFFFE000  }
0xad: {  	[tilespmem:s11], [sflag:$0x3] =	stream.indirect.gather [hbm4b:s4+s0], $0x80, s31, s0, $0xb8;
	[tilespmem:$0x1E000] =	vst v63  }
0xae: {  	_ =	swait.ge [sflag:s19], $0x2000  }
0xaf: {  	[sflag:s19] =	ssyncset.done $0x0  }
.Ltmp4:
0xb0: {  	s31 =	sadd.s32 $0x1180, s24;
	[sflag:s19] =	ssyncadd.s32 $0xFFFFE000;
	(pc) =	sbr.rel @p1 .LBB2_5-.Ltmp4, $4  }
0xb1: {  	[spmem:s2] =	stream.indirect.scatter.add.f32 [tilespmem:s25], [sflag:$0x8], $0x80, s31, s0, $0xb8;
	[tilespmem:$0x1E000] =	vst v63  }
0xb2: {  	_ =	swait.ge [sflag:s20], $0x2000  }
0xb3: {  	[sflag:s20] =	ssyncset.done $0x0  }
0xb4: {  	s24 =	sadd.s32 $0x380, s24;
	[sflag:s20] =	ssyncadd.s32 $0xFFFFE000  }
0xb5: {  	[tilespmem:s25], [sflag:$0x4] =	stream.indirect.gather [hbm4b:s4+s0], $0x80, s24, s0, $0xb8;
	[tilespmem:$0x1E000] =	vst v63  }
0xb6: {  	_ =	swait.ge [sflag:s13], $0x2000  }
0xb7: {  	[sflag:s13] =	ssyncset.done $0x0  }
0xb8: {  	[sflag:s13] =	ssyncadd.s32 $0xFFFFE000  }
0xb9: {  	[spmem:s2] =	stream.indirect.scatter.add.f32 [tilespmem:s29], [sflag:$0x5], $0x80, s26, s0, $0xb8;
	[tilespmem:$0x1E000] =	vst v63  }
0xba: {  	_ =	swait.ge [sflag:s15], $0x2000  }
0xbb: {  	[sflag:s15] =	ssyncset.done $0x0  }
0xbc: {  	[sflag:s15] =	ssyncadd.s32 $0xFFFFE000  }
0xbd: {  	[spmem:s2] =	stream.indirect.scatter.add.f32 [tilespmem:s9], [sflag:$0x6], $0x80, s28, s0, $0xb8;
	[tilespmem:$0x1E000] =	vst v63  }
0xbe: {  	_ =	swait.ge [sflag:s17], $0x2000  }
0xbf: {  	[sflag:s17] =	ssyncset.done $0x0  }
0xc0: {  	[sflag:s17] =	ssyncadd.s32 $0xFFFFE000  }
0xc1: {  	[spmem:s2] =	stream.indirect.scatter.add.f32 [tilespmem:s11], [sflag:$0x7], $0x80, s12, s0, $0xb8;
	[tilespmem:$0x1E000] =	vst v63  }
0xc2: {  	_ =	swait.ge [sflag:s19], $0x2000  }
0xc3: {  	[sflag:s19] =	ssyncset.done $0x0  }
0xc4: {  	[sflag:s19] =	ssyncadd.s32 $0xFFFFE000  }
0xc5: {  	[spmem:s2] =	stream.indirect.scatter.add.f32 [tilespmem:s25], [sflag:$0x8], $0x80, s3, s0, $0xb8;
	[tilespmem:$0x1E000] =	vst v63  }
0xc6: {  	_ =	swait.ge [sflag:s14], $0x2000  }
0xc7: {  	[sflag:s14] =	ssyncset.done $0x0  }
0xc8: {  	[sflag:s14] =	ssyncadd.s32 $0xFFFFE000  }
0xc9: {  	_ =	swait.ge [sflag:s16], $0x2000  }
0xca: {  	[sflag:s16] =	ssyncset.done $0x0  }
0xcb: {  	s22 =	sadd.s32 $0x1, s22;
	[sflag:s16] =	ssyncadd.s32 $0xFFFFE000  }
0xcc: {  	p1 =	seq.s32 s22, $0xA;
	_ =	swait.ge [sflag:s18], $0x2000  }
.Ltmp5:
0xcd: {  	[sflag:s18] =	ssyncset.done $0x0;
	(pc) =	sbr.rel @!p1 .LBB2_4-.Ltmp5, $4  }
0xce: {  	[sflag:s18] =	ssyncadd.s32 $0xFFFFE000  }
0xcf: {  	_ =	swait.ge [sflag:s20], $0x2000  }
0xd0: {  	[sflag:s20] =	ssyncset.done $0x0  }
0xd1: {  	[sflag:s20] =	ssyncadd.s32 $0xFFFFE000  }
.Ltmp6:
0xd2: {  	(pc) =	sbr.rel .LBB2_12-.Ltmp6, $2  }
0xd3: {  	_ =	sdelay $0x2  }
0xd4: {  	s21 =	rddreg [dreg:$0x4]  }
.LBB2_8:
0xd5: {  	s22 =	sshll.u32 s23, $0x9;
	s24 =	rddreg [dreg:$0x11]  }
0xd6: {  	s24 =	sadd.s32 s22, s24  }
0xd7: {  	[tilespmem:s21], [sflag:$0x9] =	stream.linear.gather [hbm4b:s24+s21], $0x1000, $0x38;
	[tilespmem:$0x1E000] =	vst v63  }
0xd8: {  	_ =	swait.ge [sflag:s30], $0x1000  }
0xd9: {  	[sflag:s30] =	ssyncset.done $0x0;
	s31 =	rddreg [dreg:$0x12]  }
0xda: {  	[sflag:s30] =	ssyncadd.s32 $0xFFFFF000;
	s22 =	sadd.s32 s22, s31;
	s31 =	simm.s32 $0x1000  }
0xdb: {  	[tilespmem:s31], [sflag:$0x9] =	stream.linear.gather [hbm4b:s22+s21], $0x1000, $0x38;
	[tilespmem:$0x1E000] =	vst v63  }
0xdc: {  	_ =	swait.ge [sflag:s30], $0x1000  }
0xdd: {  	[sflag:s30] =	ssyncset.done $0x0  }
0xde: {  	[sflag:s30] =	ssyncadd.s32 $0xFFFFF000  }
0xdf: {  	[tilespmem:s29], [sflag:$0x1] =	stream.indirect.gather [hbm4b:s5+s0], $0x80, s21, s0, $0xb8;
	[tilespmem:$0x1E000] =	vst v63  }
0xe0: {  	_ = 	snop  }
0xe1: {  	[tilespmem:s9], [sflag:$0x2] =	stream.indirect.gather [hbm4b:s5+s0], $0x80, s8, s0, $0xb8;
	[tilespmem:$0x1E000] =	vst v63  }
0xe2: {  	_ = 	snop  }
0xe3: {  	[tilespmem:s11], [sflag:$0x3] =	stream.indirect.gather [hbm4b:s5+s0], $0x80, s10, s0, $0xb8;
	[tilespmem:$0x1E000] =	vst v63  }
0xe4: {  	_ = 	snop  }
0xe5: {  	[tilespmem:s25], [sflag:$0x4] =	stream.indirect.gather [hbm4b:s5+s0], $0x80, s1, s0, $0xb8;
	[tilespmem:$0x1E000] =	vst v63  }
0xe6: {  	_ =	swait.ge [sflag:s13], $0x2000  }
0xe7: {  	[sflag:s13] =	ssyncset.done $0x0  }
0xe8: {  	s31 =	simm.s32 $0x1000;
	[sflag:s13] =	ssyncadd.s32 $0xFFFFE000  }
0xe9: {  	[spmem:s2] =	stream.indirect.scatter.add.f32 [tilespmem:s29], [sflag:$0x5], $0x80, s31, s0, $0xb8;
	[tilespmem:$0x1E000] =	vst v63  }
0xea: {  	_ =	swait.ge [sflag:s14], $0x2000  }
0xeb: {  	[sflag:s14] =	ssyncset.done $0x0  }
0xec: {  	s24 =	simm.s32 $0x200;
	[sflag:s14] =	ssyncadd.s32 $0xFFFFE000  }
0xed: {  	[tilespmem:s29], [sflag:$0x1] =	stream.indirect.gather [hbm4b:s5+s0], $0x80, s24, s0, $0xb8;
	[tilespmem:$0x1E000] =	vst v63  }
0xee: {  	_ =	swait.ge [sflag:s15], $0x2000  }
0xef: {  	[sflag:s15] =	ssyncset.done $0x0  }
0xf0: {  	s31 =	simm.s32 $0x1080;
	[sflag:s15] =	ssyncadd.s32 $0xFFFFE000  }
0xf1: {  	[spmem:s2] =	stream.indirect.scatter.add.f32 [tilespmem:s9], [sflag:$0x6], $0x80, s31, s0, $0xb8;
	[tilespmem:$0x1E000] =	vst v63  }
0xf2: {  	_ =	swait.ge [sflag:s16], $0x2000  }
0xf3: {  	[sflag:s16] =	ssyncset.done $0x0  }
0xf4: {  	s24 =	simm.s32 $0x280;
	[sflag:s16] =	ssyncadd.s32 $0xFFFFE000  }
0xf5: {  	[tilespmem:s9], [sflag:$0x2] =	stream.indirect.gather [hbm4b:s5+s0], $0x80, s24, s0, $0xb8;
	[tilespmem:$0x1E000] =	vst v63  }
0xf6: {  	_ =	swait.ge [sflag:s17], $0x2000  }
0xf7: {  	[sflag:s17] =	ssyncset.done $0x0  }
0xf8: {  	s31 =	simm.s32 $0x1100;
	[sflag:s17] =	ssyncadd.s32 $0xFFFFE000  }
0xf9: {  	[spmem:s2] =	stream.indirect.scatter.add.f32 [tilespmem:s11], [sflag:$0x7], $0x80, s31, s0, $0xb8;
	[tilespmem:$0x1E000] =	vst v63  }
0xfa: {  	_ =	swait.ge [sflag:s18], $0x2000  }
0xfb: {  	[sflag:s18] =	ssyncset.done $0x0  }
0xfc: {  	s24 =	simm.s32 $0x300;
	[sflag:s18] =	ssyncadd.s32 $0xFFFFE000  }
0xfd: {  	[tilespmem:s11], [sflag:$0x3] =	stream.indirect.gather [hbm4b:s5+s0], $0x80, s24, s0, $0xb8;
	[tilespmem:$0x1E000] =	vst v63  }
0xfe: {  	_ =	swait.ge [sflag:s19], $0x2000  }
0xff: {  	[sflag:s19] =	ssyncset.done $0x0  }
0x100: {  	s31 =	simm.s32 $0x1180;
	[sflag:s19] =	ssyncadd.s32 $0xFFFFE000  }
0x101: {  	[spmem:s2] =	stream.indirect.scatter.add.f32 [tilespmem:s25], [sflag:$0x8], $0x80, s31, s0, $0xb8;
	[tilespmem:$0x1E000] =	vst v63  }
0x102: {  	_ =	swait.ge [sflag:s20], $0x2000  }
0x103: {  	[sflag:s20] =	ssyncset.done $0x0  }
0x104: {  	s22 =	simm.s32 $0x800;
	s24 =	simm.s32 $0x380;
	[sflag:s20] =	ssyncadd.s32 $0xFFFFE000  }
.LBB2_9:
0x105: {  	[tilespmem:s25], [sflag:$0x4] =	stream.indirect.gather [hbm4b:s5+s0], $0x80, s24, s0, $0xb8;
	[tilespmem:$0x1E000] =	vst v63  }
0x106: {  	s24 =	smov.u32 s22  }
0x107: {  	p1 =	sne.s32 s22, $0x3000;
	s22 =	sadd.s32 $0x800, s22;
	_ =	swait.ge [sflag:s13], $0x2000  }
0x108: {  	s24 =	sshra.s32 s24, $0x2;
	[sflag:s13] =	ssyncset.done $0x0  }
0x109: {  	s31 =	sadd.s32 $0x1000, s24;
	[sflag:s13] =	ssyncadd.s32 $0xFFFFE000  }
0x10a: {  	[spmem:s2] =	stream.indirect.scatter.add.f32 [tilespmem:s29], [sflag:$0x5], $0x80, s31, s0, $0xb8;
	[tilespmem:$0x1E000] =	vst v63  }
0x10b: {  	_ =	swait.ge [sflag:s14], $0x2000  }
0x10c: {  	[sflag:s14] =	ssyncset.done $0x0  }
0x10d: {  	s31 =	sadd.s32 $0x200, s24;
	[sflag:s14] =	ssyncadd.s32 $0xFFFFE000  }
0x10e: {  	[tilespmem:s29], [sflag:$0x1] =	stream.indirect.gather [hbm4b:s5+s0], $0x80, s31, s0, $0xb8;
	[tilespmem:$0x1E000] =	vst v63  }
0x10f: {  	_ =	swait.ge [sflag:s15], $0x2000  }
0x110: {  	[sflag:s15] =	ssyncset.done $0x0  }
0x111: {  	s31 =	sadd.s32 $0x1080, s24;
	[sflag:s15] =	ssyncadd.s32 $0xFFFFE000  }
0x112: {  	[spmem:s2] =	stream.indirect.scatter.add.f32 [tilespmem:s9], [sflag:$0x6], $0x80, s31, s0, $0xb8;
	[tilespmem:$0x1E000] =	vst v63  }
0x113: {  	_ =	swait.ge [sflag:s16], $0x2000  }
0x114: {  	[sflag:s16] =	ssyncset.done $0x0  }
0x115: {  	s31 =	sadd.s32 $0x280, s24;
	[sflag:s16] =	ssyncadd.s32 $0xFFFFE000  }
0x116: {  	[tilespmem:s9], [sflag:$0x2] =	stream.indirect.gather [hbm4b:s5+s0], $0x80, s31, s0, $0xb8;
	[tilespmem:$0x1E000] =	vst v63  }
0x117: {  	_ =	swait.ge [sflag:s17], $0x2000  }
0x118: {  	[sflag:s17] =	ssyncset.done $0x0  }
0x119: {  	s31 =	sadd.s32 $0x1100, s24;
	[sflag:s17] =	ssyncadd.s32 $0xFFFFE000  }
0x11a: {  	[spmem:s2] =	stream.indirect.scatter.add.f32 [tilespmem:s11], [sflag:$0x7], $0x80, s31, s0, $0xb8;
	[tilespmem:$0x1E000] =	vst v63  }
0x11b: {  	_ =	swait.ge [sflag:s18], $0x2000  }
0x11c: {  	[sflag:s18] =	ssyncset.done $0x0  }
0x11d: {  	s31 =	sadd.s32 $0x300, s24;
	[sflag:s18] =	ssyncadd.s32 $0xFFFFE000  }
0x11e: {  	[tilespmem:s11], [sflag:$0x3] =	stream.indirect.gather [hbm4b:s5+s0], $0x80, s31, s0, $0xb8;
	[tilespmem:$0x1E000] =	vst v63  }
0x11f: {  	_ =	swait.ge [sflag:s19], $0x2000  }
0x120: {  	[sflag:s19] =	ssyncset.done $0x0  }
.Ltmp7:
0x121: {  	s31 =	sadd.s32 $0x1180, s24;
	[sflag:s19] =	ssyncadd.s32 $0xFFFFE000;
	(pc) =	sbr.rel @p1 .LBB2_9-.Ltmp7, $4  }
0x122: {  	[spmem:s2] =	stream.indirect.scatter.add.f32 [tilespmem:s25], [sflag:$0x8], $0x80, s31, s0, $0xb8;
	[tilespmem:$0x1E000] =	vst v63  }
0x123: {  	_ =	swait.ge [sflag:s20], $0x2000  }
0x124: {  	[sflag:s20] =	ssyncset.done $0x0  }
0x125: {  	s24 =	sadd.s32 $0x380, s24;
	[sflag:s20] =	ssyncadd.s32 $0xFFFFE000  }
0x126: {  	[tilespmem:s25], [sflag:$0x4] =	stream.indirect.gather [hbm4b:s5+s0], $0x80, s24, s0, $0xb8;
	[tilespmem:$0x1E000] =	vst v63  }
0x127: {  	_ =	swait.ge [sflag:s13], $0x2000  }
0x128: {  	[sflag:s13] =	ssyncset.done $0x0  }
0x129: {  	[sflag:s13] =	ssyncadd.s32 $0xFFFFE000  }
0x12a: {  	[spmem:s2] =	stream.indirect.scatter.add.f32 [tilespmem:s29], [sflag:$0x5], $0x80, s26, s0, $0xb8;
	[tilespmem:$0x1E000] =	vst v63  }
0x12b: {  	_ =	swait.ge [sflag:s15], $0x2000  }
0x12c: {  	[sflag:s15] =	ssyncset.done $0x0  }
0x12d: {  	[sflag:s15] =	ssyncadd.s32 $0xFFFFE000  }
0x12e: {  	[spmem:s2] =	stream.indirect.scatter.add.f32 [tilespmem:s9], [sflag:$0x6], $0x80, s28, s0, $0xb8;
	[tilespmem:$0x1E000] =	vst v63  }
0x12f: {  	_ =	swait.ge [sflag:s17], $0x2000  }
0x130: {  	[sflag:s17] =	ssyncset.done $0x0  }
0x131: {  	[sflag:s17] =	ssyncadd.s32 $0xFFFFE000  }
0x132: {  	[spmem:s2] =	stream.indirect.scatter.add.f32 [tilespmem:s11], [sflag:$0x7], $0x80, s12, s0, $0xb8;
	[tilespmem:$0x1E000] =	vst v63  }
0x133: {  	_ =	swait.ge [sflag:s19], $0x2000  }
0x134: {  	[sflag:s19] =	ssyncset.done $0x0  }
0x135: {  	[sflag:s19] =	ssyncadd.s32 $0xFFFFE000  }
0x136: {  	[spmem:s2] =	stream.indirect.scatter.add.f32 [tilespmem:s25], [sflag:$0x8], $0x80, s3, s0, $0xb8;
	[tilespmem:$0x1E000] =	vst v63  }
0x137: {  	_ =	swait.ge [sflag:s14], $0x2000  }
0x138: {  	[sflag:s14] =	ssyncset.done $0x0  }
0x139: {  	[sflag:s14] =	ssyncadd.s32 $0xFFFFE000  }
0x13a: {  	_ =	swait.ge [sflag:s16], $0x2000  }
0x13b: {  	[sflag:s16] =	ssyncset.done $0x0  }
0x13c: {  	s23 =	sadd.s32 $0x1, s23;
	[sflag:s16] =	ssyncadd.s32 $0xFFFFE000  }
0x13d: {  	p1 =	sne.s32 s23, $0xA;
	_ =	swait.ge [sflag:s18], $0x2000  }
.Ltmp8:
0x13e: {  	[sflag:s18] =	ssyncset.done $0x0;
	(pc) =	sbr.rel @p1 .LBB2_8-.Ltmp8, $4  }
0x13f: {  	[sflag:s18] =	ssyncadd.s32 $0xFFFFE000  }
0x140: {  	_ =	swait.ge [sflag:s20], $0x2000  }
0x141: {  	[sflag:s20] =	ssyncset.done $0x0  }
0x142: {  	[sflag:s20] =	ssyncadd.s32 $0xFFFFE000  }
0x143: {  	s21 =	rddreg [dreg:$0x5]  }
.LBB2_12:
0x144: {  	s22 =	rddreg [dreg:$0x17];
	s24 =	stileid.u32  }
0x145: {  	[bflag:$0x0] =	sbarrier.arrive $0xFFFF;
	s21 =	sadd.s32 s21, s22;
	s22 =	sshll.u32 s24, $0x6  }
0x146: {  	s31 =	rddreg [dreg:$0x8];
	s23 =	sor.u32 $0x1C09, s22  }
0x147: {  	s22 =	sshrl.u32 s31, $0x3;
	[dreg:$0x18] =	wrdreg s23  }
0x148: {  	[dreg:$0x19] =	wrdreg s22  }
0x149: {  	[hbm:s21], [sflag:s23] =	dma.local [spmem:s22], $0x2800  }
0x14a: {  	_ =	swait.ge [sflag:s30], $0x2800  }
0x14b: {  	[sflag:s30] =	ssyncset.done $0x0  }
0x14c: {  	[sflag:s30] =	ssyncadd.s32 $0xFFFFD800  }
0x14d: {  	s21 =	simm.s32 $0x0;
	s22 =	simm.s32 $0x200;
	[bflag:$0x0] =	sbarrier.arrive $0xFFFF  }
.LBB2_13:
0x14e: {  	p1 =	sne.s32 s22, $0x7E00;
	[tilespmem:s21+$0x2070] =	vst v0  }
0x14f: {  	[tilespmem:s21+$0x2000] =	vst v0  }
0x150: {  	[tilespmem:s21+$0x2010] =	vst v0  }
.Ltmp9:
0x151: {  	[tilespmem:s21+$0x2020] =	vst v0;
	(pc) =	sbr.rel @p1 .LBB2_13-.Ltmp9, $4  }
0x152: {  	[tilespmem:s21+$0x2030] =	vst v0  }
0x153: {  	[tilespmem:s21+$0x2040] =	vst v0  }
0x154: {  	[tilespmem:s21+$0x2050] =	vst v0  }
0x155: {  	[tilespmem:s21+$0x2060] =	vst v0;
	s21 =	sshra.s32 s22, $0x2;
	s22 =	sadd.s32 $0x200, s22  }
0x156: {  	[tilespmem:s21+$0x2070] =	vst v0  }
0x157: {  	[tilespmem:s21+$0x2000] =	vst v0  }
0x158: {  	[tilespmem:s21+$0x2010] =	vst v0  }
0x159: {  	[tilespmem:s21+$0x2020] =	vst v0  }
0x15a: {  	[tilespmem:s21+$0x2030] =	vst v0  }
0x15b: {  	[tilespmem:s21+$0x2040] =	vst v0  }
0x15c: {  	[tilespmem:s21+$0x2050] =	vst v0  }
0x15d: {  	[tilespmem:s21+$0x2060] =	vst v0;
	s24 =	rddreg [dreg:$0x8]  }
0x15e: {  	[spmem:s24] =	stream.linear.scatter [tilespmem:s29], [sflag:$0x9], $0x2000, $0x38;
	[tilespmem:$0x1E000] =	vst v63  }
0x15f: {  	_ =	swait.ge [sflag:s30], $0x2000  }
0x160: {  	[sflag:s30] =	ssyncset.done $0x0  }
0x161: {  	s31 =	rddreg [dreg:$0x9];
	[sflag:s30] =	ssyncadd.s32 $0xFFFFE000  }
0x162: {  	[spmem:s31] =	stream.linear.scatter [tilespmem:s29], [sflag:$0x9], $0x2000, $0x38;
	[tilespmem:$0x1E000] =	vst v63  }
0x163: {  	_ =	swait.ge [sflag:s30], $0x2000  }
0x164: {  	[sflag:s30] =	ssyncset.done $0x0  }
0x165: {  	s22 =	rddreg [dreg:$0xa];
	[sflag:s30] =	ssyncadd.s32 $0xFFFFE000  }
0x166: {  	[spmem:s22] =	stream.linear.scatter [tilespmem:s29], [sflag:$0x9], $0x2000, $0x38;
	[tilespmem:$0x1E000] =	vst v63  }
0x167: {  	_ =	swait.ge [sflag:s30], $0x2000  }
0x168: {  	[sflag:s30] =	ssyncset.done $0x0  }
0x169: {  	s23 =	rddreg [dreg:$0xb];
	[sflag:s30] =	ssyncadd.s32 $0xFFFFE000  }
0x16a: {  	[spmem:s23] =	stream.linear.scatter [tilespmem:s29], [sflag:$0x9], $0x2000, $0x38;
	[tilespmem:$0x1E000] =	vst v63  }
0x16b: {  	_ =	swait.ge [sflag:s30], $0x2000  }
0x16c: {  	[sflag:s30] =	ssyncset.done $0x0  }
0x16d: {  	s24 =	rddreg [dreg:$0xc];
	[sflag:s30] =	ssyncadd.s32 $0xFFFFE000  }
0x16e: {  	[spmem:s24] =	stream.linear.scatter [tilespmem:s29], [sflag:$0x9], $0x2000, $0x38;
	[tilespmem:$0x1E000] =	vst v63  }
0x16f: {  	_ =	swait.ge [sflag:s30], $0x2000  }
0x170: {  	[sflag:s30] =	ssyncset.done $0x0  }
0x171: {  	s31 =	rddreg [dreg:$0xd];
	[sflag:s30] =	ssyncadd.s32 $0xFFFFE000  }
0x172: {  	[spmem:s31] =	stream.linear.scatter [tilespmem:s29], [sflag:$0x9], $0x2000, $0x38;
	[tilespmem:$0x1E000] =	vst v63  }
0x173: {  	_ =	swait.ge [sflag:s30], $0x2000  }
0x174: {  	[sflag:s30] =	ssyncset.done $0x0  }
0x175: {  	s22 =	rddreg [dreg:$0xe];
	[sflag:s30] =	ssyncadd.s32 $0xFFFFE000  }
0x176: {  	[spmem:s22] =	stream.linear.scatter [tilespmem:s29], [sflag:$0x9], $0x2000, $0x38;
	[tilespmem:$0x1E000] =	vst v63  }
0x177: {  	_ =	swait.ge [sflag:s30], $0x2000  }
0x178: {  	[sflag:s30] =	ssyncset.done $0x0  }
0x179: {  	s23 =	rddreg [dreg:$0xf];
	[sflag:s30] =	ssyncadd.s32 $0xFFFFE000  }
0x17a: {  	[spmem:s23] =	stream.linear.scatter [tilespmem:s29], [sflag:$0x9], $0x2000, $0x38;
	[tilespmem:$0x1E000] =	vst v63  }
0x17b: {  	_ =	swait.ge [sflag:s30], $0x2000  }
0x17c: {  	[sflag:s30] =	ssyncset.done $0x0  }
0x17d: {  	s24 =	rddreg [dreg:$0x10];
	[sflag:s30] =	ssyncadd.s32 $0xFFFFE000  }
0x17e: {  	[spmem:s24] =	stream.linear.scatter [tilespmem:s29], [sflag:$0x9], $0x2000, $0x38;
	[tilespmem:$0x1E000] =	vst v63  }
0x17f: {  	_ =	swait.ge [sflag:s30], $0x2000  }
0x180: {  	[sflag:s30] =	ssyncset.done $0x0  }
0x181: {  	s31 =	rddreg [dreg:$0x16];
	[sflag:s30] =	ssyncadd.s32 $0xFFFFE000  }
0x182: {  	[spmem:s31] =	stream.linear.scatter [tilespmem:s29], [sflag:$0x9], $0x2000, $0x38;
	[tilespmem:$0x1E000] =	vst v63  }
.Ltmp10:
0x183: {  	_ =	swait.ge [sflag:s30], $0x2000;
	(pc) =	sbr.rel @p0 .LBB2_19-.Ltmp10, $4  }
0x184: {  	[sflag:s30] =	ssyncset.done $0x0  }
0x185: {  	[sflag:s30] =	ssyncadd.s32 $0xFFFFE000  }
0x186: {  	[bflag:$0x0] =	sbarrier.arrive $0xFFFF  }
0x187: {  	s21 =	simm.s32 $0x0;
	s22 =	simm.s32 $0x0;
	s23 =	simm.s32 $0x0  }
.LBB2_15:
0x188: {  	s23 =	sshll.u32 s22, $0x9;
	s24 =	rddreg [dreg:$0x13]  }
0x189: {  	s24 =	sadd.s32 s23, s24  }
0x18a: {  	[tilespmem:s21], [sflag:$0x9] =	stream.linear.gather [hbm4b:s24+s21], $0x1000, $0x38;
	[tilespmem:$0x1E000] =	vst v63  }
0x18b: {  	_ =	swait.ge [sflag:s30], $0x1000  }
0x18c: {  	[sflag:s30] =	ssyncset.done $0x0;
	s31 =	rddreg [dreg:$0x14]  }
0x18d: {  	[sflag:s30] =	ssyncadd.s32 $0xFFFFF000;
	s23 =	sadd.s32 s23, s31;
	s31 =	simm.s32 $0x1000  }
0x18e: {  	[tilespmem:s31], [sflag:$0x9] =	stream.linear.gather [hbm4b:s23+s21], $0x1000, $0x38;
	[tilespmem:$0x1E000] =	vst v63  }
0x18f: {  	_ =	swait.ge [sflag:s30], $0x1000  }
0x190: {  	[sflag:s30] =	ssyncset.done $0x0  }
0x191: {  	[sflag:s30] =	ssyncadd.s32 $0xFFFFF000  }
0x192: {  	[tilespmem:s29], [sflag:$0x1] =	stream.indirect.gather [hbm4b:s6+s0], $0x80, s21, s0, $0xb8;
	[tilespmem:$0x1E000] =	vst v63  }
0x193: {  	_ = 	snop  }
0x194: {  	[tilespmem:s9], [sflag:$0x2] =	stream.indirect.gather [hbm4b:s6+s0], $0x80, s8, s0, $0xb8;
	[tilespmem:$0x1E000] =	vst v63  }
0x195: {  	_ = 	snop  }
0x196: {  	[tilespmem:s11], [sflag:$0x3] =	stream.indirect.gather [hbm4b:s6+s0], $0x80, s10, s0, $0xb8;
	[tilespmem:$0x1E000] =	vst v63  }
0x197: {  	_ = 	snop  }
0x198: {  	[tilespmem:s25], [sflag:$0x4] =	stream.indirect.gather [hbm4b:s6+s0], $0x80, s1, s0, $0xb8;
	[tilespmem:$0x1E000] =	vst v63  }
0x199: {  	_ =	swait.ge [sflag:s13], $0x2000  }
0x19a: {  	[sflag:s13] =	ssyncset.done $0x0  }
0x19b: {  	s31 =	simm.s32 $0x1000;
	[sflag:s13] =	ssyncadd.s32 $0xFFFFE000  }
0x19c: {  	[spmem:s2] =	stream.indirect.scatter.add.f32 [tilespmem:s29], [sflag:$0x5], $0x80, s31, s0, $0xb8;
	[tilespmem:$0x1E000] =	vst v63  }
0x19d: {  	_ =	swait.ge [sflag:s14], $0x2000  }
0x19e: {  	[sflag:s14] =	ssyncset.done $0x0  }
0x19f: {  	s24 =	simm.s32 $0x200;
	[sflag:s14] =	ssyncadd.s32 $0xFFFFE000  }
0x1a0: {  	[tilespmem:s29], [sflag:$0x1] =	stream.indirect.gather [hbm4b:s6+s0], $0x80, s24, s0, $0xb8;
	[tilespmem:$0x1E000] =	vst v63  }
0x1a1: {  	_ =	swait.ge [sflag:s15], $0x2000  }
0x1a2: {  	[sflag:s15] =	ssyncset.done $0x0  }
0x1a3: {  	s31 =	simm.s32 $0x1080;
	[sflag:s15] =	ssyncadd.s32 $0xFFFFE000  }
0x1a4: {  	[spmem:s2] =	stream.indirect.scatter.add.f32 [tilespmem:s9], [sflag:$0x6], $0x80, s31, s0, $0xb8;
	[tilespmem:$0x1E000] =	vst v63  }
0x1a5: {  	_ =	swait.ge [sflag:s16], $0x2000  }
0x1a6: {  	[sflag:s16] =	ssyncset.done $0x0  }
0x1a7: {  	s24 =	simm.s32 $0x280;
	[sflag:s16] =	ssyncadd.s32 $0xFFFFE000  }
0x1a8: {  	[tilespmem:s9], [sflag:$0x2] =	stream.indirect.gather [hbm4b:s6+s0], $0x80, s24, s0, $0xb8;
	[tilespmem:$0x1E000] =	vst v63  }
0x1a9: {  	_ =	swait.ge [sflag:s17], $0x2000  }
0x1aa: {  	[sflag:s17] =	ssyncset.done $0x0  }
0x1ab: {  	s31 =	simm.s32 $0x1100;
	[sflag:s17] =	ssyncadd.s32 $0xFFFFE000  }
0x1ac: {  	[spmem:s2] =	stream.indirect.scatter.add.f32 [tilespmem:s11], [sflag:$0x7], $0x80, s31, s0, $0xb8;
	[tilespmem:$0x1E000] =	vst v63  }
0x1ad: {  	_ =	swait.ge [sflag:s18], $0x2000  }
0x1ae: {  	[sflag:s18] =	ssyncset.done $0x0  }
0x1af: {  	s24 =	simm.s32 $0x300;
	[sflag:s18] =	ssyncadd.s32 $0xFFFFE000  }
0x1b0: {  	[tilespmem:s11], [sflag:$0x3] =	stream.indirect.gather [hbm4b:s6+s0], $0x80, s24, s0, $0xb8;
	[tilespmem:$0x1E000] =	vst v63  }
0x1b1: {  	_ =	swait.ge [sflag:s19], $0x2000  }
0x1b2: {  	[sflag:s19] =	ssyncset.done $0x0  }
0x1b3: {  	s31 =	simm.s32 $0x1180;
	[sflag:s19] =	ssyncadd.s32 $0xFFFFE000  }
0x1b4: {  	[spmem:s2] =	stream.indirect.scatter.add.f32 [tilespmem:s25], [sflag:$0x8], $0x80, s31, s0, $0xb8;
	[tilespmem:$0x1E000] =	vst v63  }
0x1b5: {  	_ =	swait.ge [sflag:s20], $0x2000  }
0x1b6: {  	[sflag:s20] =	ssyncset.done $0x0  }
0x1b7: {  	s23 =	simm.s32 $0x800;
	s24 =	simm.s32 $0x380;
	[sflag:s20] =	ssyncadd.s32 $0xFFFFE000  }
.LBB2_16:
0x1b8: {  	[tilespmem:s25], [sflag:$0x4] =	stream.indirect.gather [hbm4b:s6+s0], $0x80, s24, s0, $0xb8;
	[tilespmem:$0x1E000] =	vst v63  }
0x1b9: {  	s24 =	smov.u32 s23  }
0x1ba: {  	p1 =	sne.s32 s23, $0x3000;
	s23 =	sadd.s32 $0x800, s23;
	_ =	swait.ge [sflag:s13], $0x2000  }
0x1bb: {  	s24 =	sshra.s32 s24, $0x2;
	[sflag:s13] =	ssyncset.done $0x0  }
0x1bc: {  	s31 =	sadd.s32 $0x1000, s24;
	[sflag:s13] =	ssyncadd.s32 $0xFFFFE000  }
0x1bd: {  	[spmem:s2] =	stream.indirect.scatter.add.f32 [tilespmem:s29], [sflag:$0x5], $0x80, s31, s0, $0xb8;
	[tilespmem:$0x1E000] =	vst v63  }
0x1be: {  	_ =	swait.ge [sflag:s14], $0x2000  }
0x1bf: {  	[sflag:s14] =	ssyncset.done $0x0  }
0x1c0: {  	s31 =	sadd.s32 $0x200, s24;
	[sflag:s14] =	ssyncadd.s32 $0xFFFFE000  }
0x1c1: {  	[tilespmem:s29], [sflag:$0x1] =	stream.indirect.gather [hbm4b:s6+s0], $0x80, s31, s0, $0xb8;
	[tilespmem:$0x1E000] =	vst v63  }
0x1c2: {  	_ =	swait.ge [sflag:s15], $0x2000  }
0x1c3: {  	[sflag:s15] =	ssyncset.done $0x0  }
0x1c4: {  	s31 =	sadd.s32 $0x1080, s24;
	[sflag:s15] =	ssyncadd.s32 $0xFFFFE000  }
0x1c5: {  	[spmem:s2] =	stream.indirect.scatter.add.f32 [tilespmem:s9], [sflag:$0x6], $0x80, s31, s0, $0xb8;
	[tilespmem:$0x1E000] =	vst v63  }
0x1c6: {  	_ =	swait.ge [sflag:s16], $0x2000  }
0x1c7: {  	[sflag:s16] =	ssyncset.done $0x0  }
0x1c8: {  	s31 =	sadd.s32 $0x280, s24;
	[sflag:s16] =	ssyncadd.s32 $0xFFFFE000  }
0x1c9: {  	[tilespmem:s9], [sflag:$0x2] =	stream.indirect.gather [hbm4b:s6+s0], $0x80, s31, s0, $0xb8;
	[tilespmem:$0x1E000] =	vst v63  }
0x1ca: {  	_ =	swait.ge [sflag:s17], $0x2000  }
0x1cb: {  	[sflag:s17] =	ssyncset.done $0x0  }
0x1cc: {  	s31 =	sadd.s32 $0x1100, s24;
	[sflag:s17] =	ssyncadd.s32 $0xFFFFE000  }
0x1cd: {  	[spmem:s2] =	stream.indirect.scatter.add.f32 [tilespmem:s11], [sflag:$0x7], $0x80, s31, s0, $0xb8;
	[tilespmem:$0x1E000] =	vst v63  }
0x1ce: {  	_ =	swait.ge [sflag:s18], $0x2000  }
0x1cf: {  	[sflag:s18] =	ssyncset.done $0x0  }
0x1d0: {  	s31 =	sadd.s32 $0x300, s24;
	[sflag:s18] =	ssyncadd.s32 $0xFFFFE000  }
0x1d1: {  	[tilespmem:s11], [sflag:$0x3] =	stream.indirect.gather [hbm4b:s6+s0], $0x80, s31, s0, $0xb8;
	[tilespmem:$0x1E000] =	vst v63  }
0x1d2: {  	_ =	swait.ge [sflag:s19], $0x2000  }
0x1d3: {  	[sflag:s19] =	ssyncset.done $0x0  }
.Ltmp11:
0x1d4: {  	s31 =	sadd.s32 $0x1180, s24;
	[sflag:s19] =	ssyncadd.s32 $0xFFFFE000;
	(pc) =	sbr.rel @p1 .LBB2_16-.Ltmp11, $4  }
0x1d5: {  	[spmem:s2] =	stream.indirect.scatter.add.f32 [tilespmem:s25], [sflag:$0x8], $0x80, s31, s0, $0xb8;
	[tilespmem:$0x1E000] =	vst v63  }
0x1d6: {  	_ =	swait.ge [sflag:s20], $0x2000  }
0x1d7: {  	[sflag:s20] =	ssyncset.done $0x0  }
0x1d8: {  	s24 =	sadd.s32 $0x380, s24;
	[sflag:s20] =	ssyncadd.s32 $0xFFFFE000  }
0x1d9: {  	[tilespmem:s25], [sflag:$0x4] =	stream.indirect.gather [hbm4b:s6+s0], $0x80, s24, s0, $0xb8;
	[tilespmem:$0x1E000] =	vst v63  }
0x1da: {  	_ =	swait.ge [sflag:s13], $0x2000  }
0x1db: {  	[sflag:s13] =	ssyncset.done $0x0  }
0x1dc: {  	[sflag:s13] =	ssyncadd.s32 $0xFFFFE000  }
0x1dd: {  	[spmem:s2] =	stream.indirect.scatter.add.f32 [tilespmem:s29], [sflag:$0x5], $0x80, s26, s0, $0xb8;
	[tilespmem:$0x1E000] =	vst v63  }
0x1de: {  	_ =	swait.ge [sflag:s15], $0x2000  }
0x1df: {  	[sflag:s15] =	ssyncset.done $0x0  }
0x1e0: {  	[sflag:s15] =	ssyncadd.s32 $0xFFFFE000  }
0x1e1: {  	[spmem:s2] =	stream.indirect.scatter.add.f32 [tilespmem:s9], [sflag:$0x6], $0x80, s28, s0, $0xb8;
	[tilespmem:$0x1E000] =	vst v63  }
0x1e2: {  	_ =	swait.ge [sflag:s17], $0x2000  }
0x1e3: {  	[sflag:s17] =	ssyncset.done $0x0  }
0x1e4: {  	[sflag:s17] =	ssyncadd.s32 $0xFFFFE000  }
0x1e5: {  	[spmem:s2] =	stream.indirect.scatter.add.f32 [tilespmem:s11], [sflag:$0x7], $0x80, s12, s0, $0xb8;
	[tilespmem:$0x1E000] =	vst v63  }
0x1e6: {  	_ =	swait.ge [sflag:s19], $0x2000  }
0x1e7: {  	[sflag:s19] =	ssyncset.done $0x0  }
0x1e8: {  	[sflag:s19] =	ssyncadd.s32 $0xFFFFE000  }
0x1e9: {  	[spmem:s2] =	stream.indirect.scatter.add.f32 [tilespmem:s25], [sflag:$0x8], $0x80, s3, s0, $0xb8;
	[tilespmem:$0x1E000] =	vst v63  }
0x1ea: {  	_ =	swait.ge [sflag:s14], $0x2000  }
0x1eb: {  	[sflag:s14] =	ssyncset.done $0x0  }
0x1ec: {  	[sflag:s14] =	ssyncadd.s32 $0xFFFFE000  }
0x1ed: {  	_ =	swait.ge [sflag:s16], $0x2000  }
0x1ee: {  	[sflag:s16] =	ssyncset.done $0x0  }
0x1ef: {  	s22 =	sadd.s32 $0x1, s22;
	[sflag:s16] =	ssyncadd.s32 $0xFFFFE000  }
0x1f0: {  	p1 =	seq.s32 s22, $0xA;
	_ =	swait.ge [sflag:s18], $0x2000  }
.Ltmp12:
0x1f1: {  	[sflag:s18] =	ssyncset.done $0x0;
	(pc) =	sbr.rel @!p1 .LBB2_15-.Ltmp12, $4  }
0x1f2: {  	[sflag:s18] =	ssyncadd.s32 $0xFFFFE000  }
0x1f3: {  	_ =	swait.ge [sflag:s20], $0x2000  }
0x1f4: {  	[sflag:s20] =	ssyncset.done $0x0  }
0x1f5: {  	[sflag:s20] =	ssyncadd.s32 $0xFFFFE000  }
.Ltmp13:
0x1f6: {  	(pc) =	sbr.rel .LBB2_23-.Ltmp13, $3  }
0x1f7: {  	_ =	sdelay $0x1  }
0x1f8: {  	s21 =	rddreg [dreg:$0x6]  }
0x1f9: {  	s22 =	rddreg [dreg:$0x3]  }
.LBB2_19:
0x1fa: {  	s22 =	sshll.u32 s23, $0x9;
	s24 =	rddreg [dreg:$0x13]  }
0x1fb: {  	s24 =	sadd.s32 s22, s24  }
0x1fc: {  	[tilespmem:s21], [sflag:$0x9] =	stream.linear.gather [hbm4b:s24+s21], $0x1000, $0x38;
	[tilespmem:$0x1E000] =	vst v63  }
0x1fd: {  	_ =	swait.ge [sflag:s30], $0x1000  }
0x1fe: {  	[sflag:s30] =	ssyncset.done $0x0;
	s31 =	rddreg [dreg:$0x14]  }
0x1ff: {  	[sflag:s30] =	ssyncadd.s32 $0xFFFFF000;
	s22 =	sadd.s32 s22, s31;
	s31 =	simm.s32 $0x1000  }
0x200: {  	[tilespmem:s31], [sflag:$0x9] =	stream.linear.gather [hbm4b:s22+s21], $0x1000, $0x38;
	[tilespmem:$0x1E000] =	vst v63  }
0x201: {  	_ =	swait.ge [sflag:s30], $0x1000  }
0x202: {  	[sflag:s30] =	ssyncset.done $0x0  }
0x203: {  	[sflag:s30] =	ssyncadd.s32 $0xFFFFF000  }
0x204: {  	[tilespmem:s29], [sflag:$0x1] =	stream.indirect.gather [hbm4b:s7+s0], $0x80, s21, s0, $0xb8;
	[tilespmem:$0x1E000] =	vst v63  }
0x205: {  	_ = 	snop  }
0x206: {  	[tilespmem:s9], [sflag:$0x2] =	stream.indirect.gather [hbm4b:s7+s0], $0x80, s8, s0, $0xb8;
	[tilespmem:$0x1E000] =	vst v63  }
0x207: {  	_ = 	snop  }
0x208: {  	[tilespmem:s11], [sflag:$0x3] =	stream.indirect.gather [hbm4b:s7+s0], $0x80, s10, s0, $0xb8;
	[tilespmem:$0x1E000] =	vst v63  }
0x209: {  	_ = 	snop  }
0x20a: {  	[tilespmem:s25], [sflag:$0x4] =	stream.indirect.gather [hbm4b:s7+s0], $0x80, s1, s0, $0xb8;
	[tilespmem:$0x1E000] =	vst v63  }
0x20b: {  	_ =	swait.ge [sflag:s13], $0x2000  }
0x20c: {  	[sflag:s13] =	ssyncset.done $0x0  }
0x20d: {  	s31 =	simm.s32 $0x1000;
	[sflag:s13] =	ssyncadd.s32 $0xFFFFE000  }
0x20e: {  	[spmem:s2] =	stream.indirect.scatter.add.f32 [tilespmem:s29], [sflag:$0x5], $0x80, s31, s0, $0xb8;
	[tilespmem:$0x1E000] =	vst v63  }
0x20f: {  	_ =	swait.ge [sflag:s14], $0x2000  }
0x210: {  	[sflag:s14] =	ssyncset.done $0x0  }
0x211: {  	s24 =	simm.s32 $0x200;
	[sflag:s14] =	ssyncadd.s32 $0xFFFFE000  }
0x212: {  	[tilespmem:s29], [sflag:$0x1] =	stream.indirect.gather [hbm4b:s7+s0], $0x80, s24, s0, $0xb8;
	[tilespmem:$0x1E000] =	vst v63  }
0x213: {  	_ =	swait.ge [sflag:s15], $0x2000  }
0x214: {  	[sflag:s15] =	ssyncset.done $0x0  }
0x215: {  	s31 =	simm.s32 $0x1080;
	[sflag:s15] =	ssyncadd.s32 $0xFFFFE000  }
0x216: {  	[spmem:s2] =	stream.indirect.scatter.add.f32 [tilespmem:s9], [sflag:$0x6], $0x80, s31, s0, $0xb8;
	[tilespmem:$0x1E000] =	vst v63  }
0x217: {  	_ =	swait.ge [sflag:s16], $0x2000  }
0x218: {  	[sflag:s16] =	ssyncset.done $0x0  }
0x219: {  	s24 =	simm.s32 $0x280;
	[sflag:s16] =	ssyncadd.s32 $0xFFFFE000  }
0x21a: {  	[tilespmem:s9], [sflag:$0x2] =	stream.indirect.gather [hbm4b:s7+s0], $0x80, s24, s0, $0xb8;
	[tilespmem:$0x1E000] =	vst v63  }
0x21b: {  	_ =	swait.ge [sflag:s17], $0x2000  }
0x21c: {  	[sflag:s17] =	ssyncset.done $0x0  }
0x21d: {  	s31 =	simm.s32 $0x1100;
	[sflag:s17] =	ssyncadd.s32 $0xFFFFE000  }
0x21e: {  	[spmem:s2] =	stream.indirect.scatter.add.f32 [tilespmem:s11], [sflag:$0x7], $0x80, s31, s0, $0xb8;
	[tilespmem:$0x1E000] =	vst v63  }
0x21f: {  	_ =	swait.ge [sflag:s18], $0x2000  }
0x220: {  	[sflag:s18] =	ssyncset.done $0x0  }
0x221: {  	s24 =	simm.s32 $0x300;
	[sflag:s18] =	ssyncadd.s32 $0xFFFFE000  }
0x222: {  	[tilespmem:s11], [sflag:$0x3] =	stream.indirect.gather [hbm4b:s7+s0], $0x80, s24, s0, $0xb8;
	[tilespmem:$0x1E000] =	vst v63  }
0x223: {  	_ =	swait.ge [sflag:s19], $0x2000  }
0x224: {  	[sflag:s19] =	ssyncset.done $0x0  }
0x225: {  	s31 =	simm.s32 $0x1180;
	[sflag:s19] =	ssyncadd.s32 $0xFFFFE000  }
0x226: {  	[spmem:s2] =	stream.indirect.scatter.add.f32 [tilespmem:s25], [sflag:$0x8], $0x80, s31, s0, $0xb8;
	[tilespmem:$0x1E000] =	vst v63  }
0x227: {  	_ =	swait.ge [sflag:s20], $0x2000  }
0x228: {  	[sflag:s20] =	ssyncset.done $0x0  }
0x229: {  	s22 =	simm.s32 $0x800;
	s24 =	simm.s32 $0x380;
	[sflag:s20] =	ssyncadd.s32 $0xFFFFE000  }
.LBB2_20:
0x22a: {  	[tilespmem:s25], [sflag:$0x4] =	stream.indirect.gather [hbm4b:s7+s0], $0x80, s24, s0, $0xb8;
	[tilespmem:$0x1E000] =	vst v63  }
0x22b: {  	s24 =	smov.u32 s22  }
0x22c: {  	p1 =	sne.s32 s22, $0x3000;
	s22 =	sadd.s32 $0x800, s22;
	_ =	swait.ge [sflag:s13], $0x2000  }
0x22d: {  	s24 =	sshra.s32 s24, $0x2;
	[sflag:s13] =	ssyncset.done $0x0  }
0x22e: {  	s31 =	sadd.s32 $0x1000, s24;
	[sflag:s13] =	ssyncadd.s32 $0xFFFFE000  }
0x22f: {  	[spmem:s2] =	stream.indirect.scatter.add.f32 [tilespmem:s29], [sflag:$0x5], $0x80, s31, s0, $0xb8;
	[tilespmem:$0x1E000] =	vst v63  }
0x230: {  	_ =	swait.ge [sflag:s14], $0x2000  }
0x231: {  	[sflag:s14] =	ssyncset.done $0x0  }
0x232: {  	s31 =	sadd.s32 $0x200, s24;
	[sflag:s14] =	ssyncadd.s32 $0xFFFFE000  }
0x233: {  	[tilespmem:s29], [sflag:$0x1] =	stream.indirect.gather [hbm4b:s7+s0], $0x80, s31, s0, $0xb8;
	[tilespmem:$0x1E000] =	vst v63  }
0x234: {  	_ =	swait.ge [sflag:s15], $0x2000  }
0x235: {  	[sflag:s15] =	ssyncset.done $0x0  }
0x236: {  	s31 =	sadd.s32 $0x1080, s24;
	[sflag:s15] =	ssyncadd.s32 $0xFFFFE000  }
0x237: {  	[spmem:s2] =	stream.indirect.scatter.add.f32 [tilespmem:s9], [sflag:$0x6], $0x80, s31, s0, $0xb8;
	[tilespmem:$0x1E000] =	vst v63  }
0x238: {  	_ =	swait.ge [sflag:s16], $0x2000  }
0x239: {  	[sflag:s16] =	ssyncset.done $0x0  }
0x23a: {  	s31 =	sadd.s32 $0x280, s24;
	[sflag:s16] =	ssyncadd.s32 $0xFFFFE000  }
0x23b: {  	[tilespmem:s9], [sflag:$0x2] =	stream.indirect.gather [hbm4b:s7+s0], $0x80, s31, s0, $0xb8;
	[tilespmem:$0x1E000] =	vst v63  }
0x23c: {  	_ =	swait.ge [sflag:s17], $0x2000  }
0x23d: {  	[sflag:s17] =	ssyncset.done $0x0  }
0x23e: {  	s31 =	sadd.s32 $0x1100, s24;
	[sflag:s17] =	ssyncadd.s32 $0xFFFFE000  }
0x23f: {  	[spmem:s2] =	stream.indirect.scatter.add.f32 [tilespmem:s11], [sflag:$0x7], $0x80, s31, s0, $0xb8;
	[tilespmem:$0x1E000] =	vst v63  }
0x240: {  	_ =	swait.ge [sflag:s18], $0x2000  }
0x241: {  	[sflag:s18] =	ssyncset.done $0x0  }
0x242: {  	s31 =	sadd.s32 $0x300, s24;
	[sflag:s18] =	ssyncadd.s32 $0xFFFFE000  }
0x243: {  	[tilespmem:s11], [sflag:$0x3] =	stream.indirect.gather [hbm4b:s7+s0], $0x80, s31, s0, $0xb8;
	[tilespmem:$0x1E000] =	vst v63  }
0x244: {  	_ =	swait.ge [sflag:s19], $0x2000  }
0x245: {  	[sflag:s19] =	ssyncset.done $0x0  }
.Ltmp14:
0x246: {  	s31 =	sadd.s32 $0x1180, s24;
	[sflag:s19] =	ssyncadd.s32 $0xFFFFE000;
	(pc) =	sbr.rel @p1 .LBB2_20-.Ltmp14, $4  }
0x247: {  	[spmem:s2] =	stream.indirect.scatter.add.f32 [tilespmem:s25], [sflag:$0x8], $0x80, s31, s0, $0xb8;
	[tilespmem:$0x1E000] =	vst v63  }
0x248: {  	_ =	swait.ge [sflag:s20], $0x2000  }
0x249: {  	[sflag:s20] =	ssyncset.done $0x0  }
0x24a: {  	s24 =	sadd.s32 $0x380, s24;
	[sflag:s20] =	ssyncadd.s32 $0xFFFFE000  }
0x24b: {  	[tilespmem:s25], [sflag:$0x4] =	stream.indirect.gather [hbm4b:s7+s0], $0x80, s24, s0, $0xb8;
	[tilespmem:$0x1E000] =	vst v63  }
0x24c: {  	_ =	swait.ge [sflag:s13], $0x2000  }
0x24d: {  	[sflag:s13] =	ssyncset.done $0x0  }
0x24e: {  	[sflag:s13] =	ssyncadd.s32 $0xFFFFE000  }
0x24f: {  	[spmem:s2] =	stream.indirect.scatter.add.f32 [tilespmem:s29], [sflag:$0x5], $0x80, s26, s0, $0xb8;
	[tilespmem:$0x1E000] =	vst v63  }
0x250: {  	_ =	swait.ge [sflag:s15], $0x2000  }
0x251: {  	[sflag:s15] =	ssyncset.done $0x0  }
0x252: {  	[sflag:s15] =	ssyncadd.s32 $0xFFFFE000  }
0x253: {  	[spmem:s2] =	stream.indirect.scatter.add.f32 [tilespmem:s9], [sflag:$0x6], $0x80, s28, s0, $0xb8;
	[tilespmem:$0x1E000] =	vst v63  }
0x254: {  	_ =	swait.ge [sflag:s17], $0x2000  }
0x255: {  	[sflag:s17] =	ssyncset.done $0x0  }
0x256: {  	[sflag:s17] =	ssyncadd.s32 $0xFFFFE000  }
0x257: {  	[spmem:s2] =	stream.indirect.scatter.add.f32 [tilespmem:s11], [sflag:$0x7], $0x80, s12, s0, $0xb8;
	[tilespmem:$0x1E000] =	vst v63  }
0x258: {  	_ =	swait.ge [sflag:s19], $0x2000  }
0x259: {  	[sflag:s19] =	ssyncset.done $0x0  }
0x25a: {  	[sflag:s19] =	ssyncadd.s32 $0xFFFFE000  }
0x25b: {  	[spmem:s2] =	stream.indirect.scatter.add.f32 [tilespmem:s25], [sflag:$0x8], $0x80, s3, s0, $0xb8;
	[tilespmem:$0x1E000] =	vst v63  }
0x25c: {  	_ =	swait.ge [sflag:s14], $0x2000  }
0x25d: {  	[sflag:s14] =	ssyncset.done $0x0  }
0x25e: {  	[sflag:s14] =	ssyncadd.s32 $0xFFFFE000  }
0x25f: {  	_ =	swait.ge [sflag:s16], $0x2000  }
0x260: {  	[sflag:s16] =	ssyncset.done $0x0  }
0x261: {  	s23 =	sadd.s32 $0x1, s23;
	[sflag:s16] =	ssyncadd.s32 $0xFFFFE000  }
0x262: {  	p1 =	sne.s32 s23, $0xA;
	_ =	swait.ge [sflag:s18], $0x2000  }
.Ltmp15:
0x263: {  	[sflag:s18] =	ssyncset.done $0x0;
	(pc) =	sbr.rel @p1 .LBB2_19-.Ltmp15, $4  }
0x264: {  	[sflag:s18] =	ssyncadd.s32 $0xFFFFE000  }
0x265: {  	_ =	swait.ge [sflag:s20], $0x2000  }
0x266: {  	[sflag:s20] =	ssyncset.done $0x0  }
0x267: {  	[sflag:s20] =	ssyncadd.s32 $0xFFFFE000  }
.Ltmp16:
0x268: {  	(pc) =	sbr.rel .LBB2_23-.Ltmp16, $3  }
0x269: {  	_ =	sdelay $0x1  }
0x26a: {  	s21 =	rddreg [dreg:$0x7]  }
0x26b: {  	s22 =	rddreg [dreg:$0x3]  }
.LBB2_24:
0x26c: {  	_ =	sfence.sel $0x180000  }
0x26d: {  	[bflag:$0x0] =	sbarrier.arrive $0xFFFF  }
0x26e: {  	_ =	strace $0x90000047  }
0x26f: {  	s0 =	stileid.u32;
	[bflag:$0x2] =	sbarrier.arrive $0xFFFF  }
0x270: {  	p0 =	sne.s32 s0, $0x0;
	s0 =	rddreg [dreg:$0x2]  }
0x271: {  	s0 =	sadd.s32 @!p0 $0x100000, s0  }
0x272: {  	[sflag:s0] =	ssyncadd.tile.s32 @!p0 $0x1;
	_ =	shalt  }
.Lfunc_end2:
_tile_overlayer_lowered:
.L_overlay_start_2:
0x273: {  	(tag) =	ssettag $0x2  }
0x274: {  	s0 =	rddreg [dreg:$0x0];
	s2 =	stileid.u32  }
0x275: {  	s1 =	rddreg [dreg:$0x1];
	p0 =	sne.s32 s2, $0x0  }
0x276: {  	s3 =	rddreg [dreg:$0x2];
	[bflag:$0x3] =	sbarrier.arrive $0xFFFF;
	s2 =	simm.s32 @!p0 $0x1C09  }
0x277: {  	[timem:s3], [sflag:s2] =	dma.local @!p0 [hbm:s0], s1  }
0x278: {  	s0 =	simm.s32 @!p0 $0x9  }
0x279: {  	_ =	swait.ge @!p0 [sflag:s0], s1  }
0x27a: {  	s1 =	ssub.s32 @!p0 $0x0, s1;
	[sflag:s0] =	ssyncset.done @!p0 $0x0  }
0x27b: {  	[sflag:s0] =	ssyncadd.s32 @!p0 s1  }
0x27c: {  	[bflag:$0x3] =	sbarrier.arrive $0xFFFF  }
0x27d: {  	_ =	shalt  }

</sc_bundles>
